<compile_context>
chip_gen: v7x
topology: tpu7x:2x2x1
jax: 0.10.2.dev20260603
libtpu: 0.0.44.dev20260713+nightly
codegen_flags: <defaults>
</compile_context>

<pallas_src>
import functools

import jax
import jax.numpy as jnp
from jax import lax
from jax.experimental import pallas as pl
from jax.experimental.pallas import tpu as pltpu
from jax.experimental.pallas import tpu_sc as plsc

N = 10000
D = 128
H = 1024
C = 64
B = 4096
E = 320000
EPS = 1e-10

NPAD = 10240
HALF = NPAD // 2
RPT = HALF // 16
NCORES = 2
NSUB = 16
NW = NCORES * NSUB
CHUNK = 128
CHT = 2560
E_PAD = CHT * CHUNK
CH_HIST = CHT // NW
CH_AGG = CHT // NSUB
UV_CH = (2 * B) // (NW * CHUNK)
TRASH = HALF
ACC_ROWS = HALF + 8
CAP = CH_HIST * CHUNK
CAP16 = CAP + 16

F32 = jnp.float32
I32 = jnp.int32

_MESH = plsc.VectorSubcoreMesh(core_axis_name="c", subcore_axis_name="s")


@functools.partial(
    pl.kernel,
    out_type=(
        jax.ShapeDtypeStruct((NW, 1, NPAD), F32),
        jax.ShapeDtypeStruct((2 * B, 128), F32),
        jax.ShapeDtypeStruct((2, NW, CH_HIST, CHUNK), I32),
        jax.ShapeDtypeStruct((2, NW, CH_HIST, CHUNK), I32),
        jax.ShapeDtypeStruct((2, NW, 1, 16), I32),
    ),
    mesh=_MESH,
    compiler_params=pltpu.CompilerParams(needs_layout_passes=False),
    scratch_types=[
        pltpu.VMEM((CH_HIST, CHUNK), I32),
        pltpu.VMEM((CH_HIST, CHUNK), I32),
        pltpu.VMEM((NPAD + 16,), F32),
        pltpu.VMEM((CAP16,), I32),
        pltpu.VMEM((CAP16,), I32),
        pltpu.VMEM((CAP16,), I32),
        pltpu.VMEM((CAP16,), I32),
        pltpu.VMEM((CH_HIST, CHUNK), I32),
        pltpu.VMEM((16,), I32),
        pltpu.VMEM((UV_CH, CHUNK), I32),
        pltpu.VMEM((CHUNK, 128), F32),
        pltpu.SemaphoreType.DMA,
    ],
)
def _sc_hist_gather(dst_hbm, src_hbm, uv_hbm, tab_hbm, zeros_hbm,
                    sfill_hbm, dfill_hbm,
                    hist_out, uvrows_out, srcp_out, dstp_out, cnt_out,
                    didx_v, sidx_v, hist_v, la_s, la_d, lb_s, lb_d,
                    stage_v, cnt_v, uvidx_v, bufa, sem0):
    cid = lax.axis_index("c")
    sid = lax.axis_index("s")
    wid = cid * NSUB + sid
    KPC = CHUNK // 16

    pltpu.sync_copy(zeros_hbm, hist_v)
    pltpu.sync_copy(dst_hbm.at[pl.ds(wid * CH_HIST, CH_HIST)], didx_v)
    pltpu.sync_copy(src_hbm.at[pl.ds(wid * CH_HIST, CH_HIST)], sidx_v)
    pltpu.sync_copy(sfill_hbm, la_s)
    pltpu.sync_copy(dfill_hbm, la_d)
    pltpu.sync_copy(sfill_hbm, lb_s)
    pltpu.sync_copy(dfill_hbm, lb_d)

    pltpu.sync_copy(uv_hbm.at[wid], uvidx_v)
    cp0 = pltpu.async_copy(tab_hbm.at[uvidx_v.at[0]], bufa, sem0)

    ones = jnp.ones((16,), F32)

    def hist_body(i, carry):
        pA, pB = carry
        j = i // KPC
        k = i % KPC
        dv = didx_v[j, pl.ds(k * 16, 16)]
        sv = sidx_v[j, pl.ds(k * 16, 16)]
        plsc.addupdate_scatter(hist_v, [dv], ones)
        mA = dv < HALF
        plsc.store_compressed(la_s.at[pl.ds(pA, 16)], sv, mask=mA)
        plsc.store_compressed(la_d.at[pl.ds(pA, 16)], dv, mask=mA)
        nA = plsc.all_reduce_population_count(mA)[0]
        mB = jnp.logical_and(dv >= HALF, dv < NPAD)
        plsc.store_compressed(lb_s.at[pl.ds(pB, 16)], sv, mask=mB)
        plsc.store_compressed(lb_d.at[pl.ds(pB, 16)], dv - HALF, mask=mB)
        nB = plsc.all_reduce_population_count(mB)[0]
        return (pA + nA, pB + nB)

    pA, pB = lax.fori_loop(0, CH_HIST * KPC, hist_body, (0, 0))
    pltpu.sync_copy(hist_v.at[pl.ds(0, NPAD)], hist_out.at[wid, 0])

    npA = jnp.maximum((pA + 2 * CHUNK - 1) // (2 * CHUNK), 1)
    npB = jnp.maximum((pB + 2 * CHUNK - 1) // (2 * CHUNK), 1)
    cnt_v[...] = jnp.full((16,), npA, I32)
    pltpu.sync_copy(cnt_v, cnt_out.at[0, wid, 0])
    cnt_v[...] = jnp.full((16,), npB, I32)
    pltpu.sync_copy(cnt_v, cnt_out.at[1, wid, 0])

    for l1d, out_ref, k in ((la_s, srcp_out, 0), (la_d, dstp_out, 0),
                            (lb_s, srcp_out, 1), (lb_d, dstp_out, 1)):
        def stage_body(i, carry, l1d=l1d):
            stage_v[i // KPC, pl.ds((i % KPC) * 16, 16)] = l1d[pl.ds(i * 16, 16)]
            return carry
        lax.fori_loop(0, CH_HIST * KPC, stage_body, 0)
        pltpu.sync_copy(stage_v, out_ref.at[k, wid])

    cp0.wait()
    pltpu.sync_copy(bufa, uvrows_out.at[pl.ds(wid * UV_CH * CHUNK, CHUNK)])
    for t in range(1, UV_CH):
        pltpu.async_copy(tab_hbm.at[uvidx_v.at[t]], bufa, sem0).wait()
        pltpu.sync_copy(
            bufa, uvrows_out.at[pl.ds((wid * UV_CH + t) * CHUNK, CHUNK)])


@functools.partial(
    pl.kernel,
    out_type=jax.ShapeDtypeStruct((NCORES, HALF, 128), F32),
    mesh=_MESH,
    scratch_types=[
        pltpu.VMEM((CH_HIST, CHUNK), I32),
        pltpu.VMEM((CH_HIST, CHUNK), I32),
        pltpu.VMEM((16,), I32),
        pltpu.VMEM((CHUNK, 128), F32),
        pltpu.VMEM((CHUNK, 128), F32),
        pltpu.VMEM_SHARED((ACC_ROWS, 128), F32),
        pltpu.SemaphoreType.DMA,
        pltpu.SemaphoreType.DMA,
        pltpu.SemaphoreType.DMA,
        pltpu.SemaphoreType.DMA,
    ],
)
def _sc_agg(srcp_hbm, dstp_hbm, cnt_hbm, tab_hbm,
            out_hbm,
            sidx_v, didx_v, cnt_v, bufa, bufb, acc, gsa, gsb, ssa, ssb):
    cid = lax.axis_index("c")
    sid = lax.axis_index("s")

    pltpu.sync_copy(tab_hbm.at[pl.ds(cid * HALF + sid * RPT, RPT)],
                    acc.at[pl.ds(sid * RPT, RPT)])
    plsc.subcore_barrier()

    def gather(j, buf, sem):
        pltpu.async_copy(tab_hbm.at[sidx_v.at[j]], buf, sem)

    def gather_wait(j, buf, sem):
        pltpu.make_async_copy(tab_hbm.at[sidx_v.at[j]], buf, sem).wait()

    def scatter(j, buf, sem):
        pltpu.async_copy(buf, acc.at[didx_v.at[j]], sem, add=True)

    def scatter_wait(j, buf, sem):
        pltpu.make_async_copy(buf, acc.at[didx_v.at[j]], sem).wait()

    for r in range(NCORES):
        p = r * NSUB + sid
        pltpu.sync_copy(srcp_hbm.at[cid, p], sidx_v)
        pltpu.sync_copy(dstp_hbm.at[cid, p], didx_v)
        pltpu.sync_copy(cnt_hbm.at[cid, p, 0], cnt_v)
        npairs = cnt_v[...][0]

        gather(0, bufa, gsa)
        gather(1, bufb, gsb)

        def body(t, carry):
            j0 = t * 2
            gather_wait(j0, bufa, gsa)
            scatter(j0, bufa, ssa)
            gather_wait(j0 + 1, bufb, gsb)
            scatter(j0 + 1, bufb, ssb)
            scatter_wait(j0, bufa, ssa)
            gather(j0 + 2, bufa, gsa)
            scatter_wait(j0 + 1, bufb, ssb)
            gather(j0 + 3, bufb, gsb)
            return carry

        lax.fori_loop(0, npairs - 1, body, 0)

        jl = (npairs - 1) * 2
        gather_wait(jl, bufa, gsa)
        scatter(jl, bufa, ssa)
        gather_wait(jl + 1, bufb, gsb)
        scatter(jl + 1, bufb, ssb)
        scatter_wait(jl, bufa, ssa)
        scatter_wait(jl + 1, bufb, ssb)

    plsc.subcore_barrier()
    pltpu.sync_copy(acc.at[pl.ds(sid * RPT, RPT)],
                    out_hbm.at[cid, pl.ds(sid * RPT, RPT)])


@functools.partial(
    pl.kernel,
    out_type=jax.ShapeDtypeStruct((2 * B, 128), F32),
    mesh=_MESH,
    scratch_types=[
        pltpu.VMEM((UV_CH, CHUNK), I32),
        pltpu.VMEM((CHUNK, 128), F32),
        pltpu.SemaphoreType.DMA,
    ],
)
def _sc_gather_uv(uv_hbm, tab_hbm, out_hbm, uvidx_v, bufa, sem0):
    cid = lax.axis_index("c")
    sid = lax.axis_index("s")
    wid = cid * NSUB + sid
    pltpu.sync_copy(uv_hbm.at[wid], uvidx_v)
    for t in range(UV_CH):
        pltpu.async_copy(tab_hbm.at[uvidx_v.at[t]], bufa, sem0).wait()
        pltpu.sync_copy(
            bufa, out_hbm.at[pl.ds((wid * UV_CH + t) * CHUNK, CHUNK)])


def _tc1_body(h_ref, x_ref, dinv_ref, xs_ref):
    deg = jnp.sum(h_ref[...], axis=1, keepdims=True) + 1.0
    dinv = lax.rsqrt(deg)
    dinv_ref[...] = dinv
    xs_ref[...] = x_ref[...] * dinv


def _tc1(hists, xpad):
    blk = 512
    return pl.pallas_call(
        _tc1_body,
        grid=(NPAD // blk,),
        in_specs=[
            pl.BlockSpec((blk, NW), lambda i: (i, 0)),
            pl.BlockSpec((blk, 128), lambda i: (i, 0)),
        ],
        out_specs=[
            pl.BlockSpec((blk, 1), lambda i: (i, 0)),
            pl.BlockSpec((blk, 128), lambda i: (i, 0)),
        ],
        out_shape=[
            jax.ShapeDtypeStruct((NPAD, 1), F32),
            jax.ShapeDtypeStruct((NPAD, 128), F32),
        ],
    )(hists, xpad)


def _tc2_body(a_ref, dinv_ref,
              Wt1_ref, bt1_ref, Wp1_ref, bp1_ref, Wt2_ref, Wp2_ref, zs_ref):
    agg1 = a_ref[...] * dinv_ref[...]
    t = jnp.maximum(
        jnp.dot(agg1, Wt1_ref[...], preferred_element_type=F32) + bt1_ref[...], 0.0)
    p = jnp.maximum(
        jnp.dot(agg1, Wp1_ref[...], preferred_element_type=F32) + bp1_ref[...], 0.0)
    zt = jnp.dot(t, Wt2_ref[...], preferred_element_type=F32)
    zp = jnp.dot(p, Wp2_ref[...], preferred_element_type=F32)
    zs_ref[...] = jnp.concatenate([zt, zp], axis=1) * dinv_ref[...]


def _tc2(agg, dinv, Wt1, bt1, Wp1, bp1, Wt2, Wp2):
    blk = 512
    grid = (NPAD // blk,)
    row = lambda i: (i, 0)
    full2 = lambda i: (0, 0)
    full1 = lambda i: (0,)
    return pl.pallas_call(
        _tc2_body,
        grid=grid,
        in_specs=[
            pl.BlockSpec((blk, 128), row),
            pl.BlockSpec((blk, 1), row),
            pl.BlockSpec((D, H), full2),
            pl.BlockSpec((H,), full1),
            pl.BlockSpec((D, H), full2),
            pl.BlockSpec((H,), full1),
            pl.BlockSpec((H, C), full2),
            pl.BlockSpec((H, C), full2),
        ],
        out_specs=pl.BlockSpec((blk, 128), row),
        out_shape=jax.ShapeDtypeStruct((NPAD, 128), F32),
    )(agg, dinv, Wt1, bt1, Wp1, bp1, Wt2, Wp2)


def _tc3_body(a_ref, dinv_ref, bt2_ref, bp2_ref, T_ref):
    a2 = a_ref[...] * dinv_ref[...]
    lt = a2[:, :C] + bt2_ref[...]
    lt = lt - jnp.max(lt, axis=1, keepdims=True)
    et = jnp.exp(lt)
    th = et / jnp.sum(et, axis=1, keepdims=True)
    ph = jax.nn.sigmoid(a2[:, C:] + bp2_ref[...])
    T_ref[...] = jnp.concatenate([th, ph], axis=1)


def _tc3(agg, dinv, bt2, bp2):
    blk = 512
    grid = (NPAD // blk,)
    return pl.pallas_call(
        _tc3_body,
        grid=grid,
        in_specs=[
            pl.BlockSpec((blk, 128), lambda i: (i, 0)),
            pl.BlockSpec((blk, 1), lambda i: (i, 0)),
            pl.BlockSpec((C,), lambda i: (0,)),
            pl.BlockSpec((C,), lambda i: (0,)),
        ],
        out_specs=pl.BlockSpec((blk, 128), lambda i: (i, 0)),
        out_shape=jax.ShapeDtypeStruct((NPAD, 128), F32),
    )(agg, dinv, bt2, bp2)


def _tc4_body(xu_ref, xv_ref, Tu_ref, Tv_ref,
              W1a_ref, W1b_ref, b1_ref, W2_ref, b2_ref, W3_ref, b3_ref,
              etaP_ref, q_ref, p_ref, eta_ref):
    h1 = jnp.dot(xu_ref[...], W1a_ref[...], preferred_element_type=F32)
    h1 = h1 + jnp.dot(xv_ref[...], W1b_ref[...], preferred_element_type=F32)
    h1 = jnp.maximum(h1 + b1_ref[...], 0.0)
    h2 = jnp.maximum(
        jnp.dot(h1, W2_ref[...], preferred_element_type=F32) + b2_ref[...], 0.0)
    l3 = jnp.dot(h2, W3_ref[...], preferred_element_type=F32) + b3_ref[...]
    l3 = l3 - jnp.max(l3, axis=1, keepdims=True)
    e3 = jnp.exp(l3)
    q_ref[...] = e3 / jnp.sum(e3, axis=1, keepdims=True) + EPS

    eta = jnp.tanh(etaP_ref[...])
    ae = jnp.abs(eta)
    p_ref[...] = (ae * Tu_ref[:, :C] * Tv_ref[:, :C]
                  + (1.0 - ae) * Tu_ref[:, C:] * Tv_ref[:, C:] + EPS)
    eta_ref[...] = eta


def _tc4(xu, xv, Tu, Tv, W1a, W1b, b1, W2, b2, W3, b3, etaP):
    blk = 512
    grid = (B // blk,)
    row = lambda i: (i, 0)
    full2 = lambda i: (0, 0)
    full1 = lambda i: (0,)
    return pl.pallas_call(
        _tc4_body,
        grid=grid,
        in_specs=[
            pl.BlockSpec((blk, 128), row),
            pl.BlockSpec((blk, 128), row),
            pl.BlockSpec((blk, 128), row),
            pl.BlockSpec((blk, 128), row),
            pl.BlockSpec((128, 1024), full2),
            pl.BlockSpec((128, 1024), full2),
            pl.BlockSpec((1024,), full1),
            pl.BlockSpec((1024, 256), full2),
            pl.BlockSpec((256,), full1),
            pl.BlockSpec((256, C), full2),
            pl.BlockSpec((C,), full1),
            pl.BlockSpec((C,), full1),
        ],
        out_specs=[
            pl.BlockSpec((blk, C), row),
            pl.BlockSpec((blk, C), row),
            pl.BlockSpec((C,), full1),
        ],
        out_shape=[
            jax.ShapeDtypeStruct((B, C), F32),
            jax.ShapeDtypeStruct((B, C), F32),
            jax.ShapeDtypeStruct((C,), F32),
        ],
    )(xu, xv, Tu, Tv, W1a, W1b, b1, W2, b2, W3, b3, etaP)


def kernel(u, v, edge_index, node_features, link_neighbors, eta_param,
           Wt1, bt1, Wt2, bt2, Wp1, bp1, Wp2, bp2,
           Wq1, bq1, Wq2, bq2, Wq3, bq3):
    src = edge_index[0].astype(I32)
    dst = edge_index[1].astype(I32)
    pad = jnp.full((E_PAD - E,), N, I32)
    dpad = jnp.full((E_PAD - E,), NPAD, I32)
    src2d = jnp.concatenate([src, pad]).reshape(CHT, CHUNK)
    dst2d = jnp.concatenate([dst, dpad]).reshape(CHT, CHUNK)
    uv2d = jnp.concatenate([u.astype(I32), v.astype(I32)]).reshape(
        NW, UV_CH, CHUNK)
    xpad = jnp.pad(node_features, ((0, NPAD - N), (0, 0)))
    zerosN = jnp.zeros((NPAD + 16,), F32)
    sfill = jnp.full((CAP16,), N, I32)
    dfill = TRASH + (jnp.arange(CAP16, dtype=I32) % 8)

    hists, uvrows, srcp, dstp, cnts = _sc_hist_gather(
        dst2d, src2d, uv2d, link_neighbors, zerosN, sfill, dfill)
    histsT = hists.reshape(NW, NPAD).T

    dinv, xs = _tc1(histsT, xpad)

    agg1 = _sc_agg(srcp, dstp, cnts, xs).reshape(NPAD, 128)
    zs = _tc2(agg1, dinv, Wt1, bt1, Wp1, bp1, Wt2, Wp2)

    agg2 = _sc_agg(srcp, dstp, cnts, zs).reshape(NPAD, 128)
    T = _tc3(agg2, dinv, bt2, bp2)

    TuTv = _sc_gather_uv(uv2d, T)

    W1p = jnp.pad(Wq1, ((0, 0), (0, 1024 - Wq1.shape[1])))
    b1p = jnp.pad(bq1, (0, 1024 - bq1.shape[0]))
    W2p = jnp.pad(Wq2, ((0, 1024 - Wq2.shape[0]), (0, 256 - Wq2.shape[1])))
    b2p = jnp.pad(bq2, (0, 256 - bq2.shape[0]))
    W3p = jnp.pad(Wq3, ((0, 256 - Wq3.shape[0]), (0, 0)))

    q_probs, p_probs, eta = _tc4(
        uvrows[:B], uvrows[B:], TuTv[:B], TuTv[B:],
        W1p[:128], W1p[128:], b1p, W2p, b2p, W3p, bq3, eta_param)

    return (q_probs, p_probs, eta)

# --- scband reference (transcript-rebuilt; emitter-appended) ---
"""Pipeline reference for scband-gcn-ecd-67594195304514 (READ-ONLY COPY).

The authoritative reference and input builder live on the scoring server;
editing this copy changes nothing except your own understanding.
"""

import jax, jax.numpy as jnp
import numpy as np

N = 10000
E = 320000
D = 128
H = 1024
C = 64
B = 4096
EPS = 1e-10


def gcn_conv(x, src, dst, W, b):
    # PyG-style GCNConv: add self-loops, symmetric normalization D^-1/2 (A+I) D^-1/2 X W + b
    loop = jnp.arange(N)
    s = jnp.concatenate([src, loop])
    d = jnp.concatenate([dst, loop])
    deg = jnp.zeros((N,), x.dtype).at[d].add(1.0)
    dinv = jnp.where(deg > 0, jax.lax.rsqrt(deg), 0.0)
    norm = dinv[s] * dinv[d]
    h = x @ W
    msg = h[s] * norm[:, None]
    out = jnp.zeros((N, W.shape[1]), x.dtype).at[d].add(msg)
    return out + b


def setup_inputs(seed: int = 0):
    key = jax.random.key(seed)
    ks = jax.random.split(key, 20)

    def glorot(k, shape):
        lim = float(np.sqrt(6.0 / (shape[0] + shape[1])))
        return jax.random.uniform(k, shape, jnp.float32, -lim, lim)

    inp = {
        'u': jax.random.randint(ks[0], (B,), 0, N),
        'v': jax.random.randint(ks[1], (B,), 0, N),
        'edge_index': jax.random.randint(ks[2], (2, E), 0, N),
        'node_features': jax.random.normal(ks[3], (N, D), jnp.float32),
        'link_neighbors': jax.random.normal(ks[4], (N, D), jnp.float32),
        'eta_param': jax.random.uniform(ks[5], (C,), jnp.float32, -1.0, 1.0),
        'Wt1': glorot(ks[6], (D, H)), 'bt1': jnp.zeros((H,), jnp.float32),
        'Wt2': glorot(ks[7], (H, C)), 'bt2': jnp.zeros((C,), jnp.float32),
        'Wp1': glorot(ks[8], (D, H)), 'bp1': jnp.zeros((H,), jnp.float32),
        'Wp2': glorot(ks[9], (H, C)), 'bp2': jnp.zeros((C,), jnp.float32),
        'Wq1': glorot(ks[10], (2 * D, 1000)), 'bq1': jnp.zeros((1000,), jnp.float32),
        'Wq2': glorot(ks[11], (1000, 200)), 'bq2': jnp.zeros((200,), jnp.float32),
        'Wq3': glorot(ks[12], (200, C)), 'bq3': jnp.zeros((C,), jnp.float32),
    }
    return inp


def reference(u, v, edge_index, node_features, link_neighbors, eta_param,
              Wt1, bt1, Wt2, bt2, Wp1, bp1, Wp2, bp2,
              Wq1, bq1, Wq2, bq2, Wq3, bq3):
    # forward_link path of GCN_ECD (eval mode: dropout = identity)
    src, dst = edge_index[0], edge_index[1]

    # q_net_l on concatenated neighbor features of (u, v)
    x = jnp.concatenate([link_neighbors[u], link_neighbors[v]], axis=-1)
    h = jax.nn.relu(x @ Wq1 + bq1)
    h = jax.nn.relu(h @ Wq2 + bq2)
    q_probs = jax.nn.softmax(h @ Wq3 + bq3, axis=1) + EPS

    # theta = GCN (softmax head)
    t = jax.nn.relu(gcn_conv(node_features, src, dst, Wt1, bt1))
    theta = jax.nn.softmax(gcn_conv(t, src, dst, Wt2, bt2), axis=1)

    # phi = PhiGCN (sigmoid head)
    p = jax.nn.relu(gcn_conv(node_features, src, dst, Wp1, bp1))
    phi = jax.nn.sigmoid(gcn_conv(p, src, dst, Wp2, bp2))

    eta = jnp.tanh(eta_param)
    ae = jnp.abs(eta)
    p_probs = ae * theta[u] * theta[v] + (1.0 - ae) * phi[u] * phi[v] + EPS
    return (q_probs, p_probs, eta)

if __name__ == "__main__":
    import jax
    _d = setup_inputs()
    print(jax.jit(kernel)(*tuple(_d.values())))

</pallas_src>

<mosaic_0001>
#map = affine_map<(d0, d1) -> (0, 0)>
#map1 = affine_map<(d0, d1) -> (0, 0, 0)>
#map2 = affine_map<(d0, d1) -> (0)>
#map3 = affine_map<(d0, d1) -> (0, 0, 0, 0)>
module attributes {stable_mosaic.version = 14 : i64} {
  func.func @_sc_hist_gather(%arg0: i32, %arg1: i32, %arg2: memref<2560x128xi32, #tpu.memory_space<hbm>>, %arg3: memref<2560x128xi32, #tpu.memory_space<hbm>>, %arg4: memref<32x2x128xi32, #tpu.memory_space<hbm>>, %arg5: memref<10000x128xf32, #tpu.memory_space<hbm>>, %arg6: memref<10256xf32, #tpu.memory_space<hbm>>, %arg7: memref<10256xi32, #tpu.memory_space<hbm>>, %arg8: memref<10256xi32, #tpu.memory_space<hbm>>, %arg9: memref<32x1x10240xf32, #tpu.memory_space<hbm>>, %arg10: memref<8192x128xf32, #tpu.memory_space<hbm>>, %arg11: memref<2x32x80x128xi32, #tpu.memory_space<hbm>>, %arg12: memref<2x32x80x128xi32, #tpu.memory_space<hbm>>, %arg13: memref<2x32x1x16xi32, #tpu.memory_space<hbm>>, %arg14: memref<80x128xi32, #tpu.memory_space<vmem>>, %arg15: memref<80x128xi32, #tpu.memory_space<vmem>>, %arg16: memref<10256xf32, #tpu.memory_space<vmem>>, %arg17: memref<10256xi32, #tpu.memory_space<vmem>>, %arg18: memref<10256xi32, #tpu.memory_space<vmem>>, %arg19: memref<10256xi32, #tpu.memory_space<vmem>>, %arg20: memref<10256xi32, #tpu.memory_space<vmem>>, %arg21: memref<80x128xi32, #tpu.memory_space<vmem>>, %arg22: memref<16xi32, #tpu.memory_space<vmem>>, %arg23: memref<2x128xi32, #tpu.memory_space<vmem>>, %arg24: memref<128x128xf32, #tpu.memory_space<vmem>>, %arg25: memref<!tpu.dma_semaphore, #tpu.memory_space<semaphore_mem>>) attributes {dimension_semantics = [#tpu.dimension_semantics<core_parallel>, #tpu.dimension_semantics<subcore_parallel>], iteration_bounds = array<i64: 2, 16>, scalar_prefetch = 0 : i64, scratch_operands = 12 : i64, tpu.core_type = #tpu.core_type<sc_vector_subcore>, window_params = [{transform_indices = #map}, {transform_indices = #map}, {transform_indices = #map1}, {transform_indices = #map}, {transform_indices = #map2}, {transform_indices = #map2}, {transform_indices = #map2}, {transform_indices = #map1}, {transform_indices = #map}, {transform_indices = #map3}, {transform_indices = #map3}, {transform_indices = #map3}]} {
    %mul3A = arith.constant 16 : i32
    %mul3A_0 = arith.muli %arg0, %mul3A : i32
    %add3A = arith.addi %mul3A_0, %arg1 : i32
    "tpu.region"() ({
      %run_scoped3A_137 = tpu.sem_alloc : memref<!tpu.dma_semaphore, #tpu.memory_space<semaphore_mem>>
      tpu.enqueue_dma source(%arg6 : memref<10256xf32, #tpu.memory_space<hbm>>) target(%arg16 : memref<10256xf32, #tpu.memory_space<vmem>>) target_semaphore(%run_scoped3A_137 : memref<!tpu.dma_semaphore, #tpu.memory_space<semaphore_mem>>)
      tpu.wait_dma2 semaphore(%run_scoped3A_137 : memref<!tpu.dma_semaphore, #tpu.memory_space<semaphore_mem>>) src(%arg6 : memref<10256xf32, #tpu.memory_space<hbm>>) dst(%arg16 : memref<10256xf32, #tpu.memory_space<vmem>>)
      tpu.yield
    }) : () -> ()
    %mul3A_1 = arith.constant 80 : i32
    %mul3A_2 = arith.muli %add3A, %mul3A_1 : i32
    "tpu.region"() ({
      %run_scoped3A_137 = tpu.sem_alloc : memref<!tpu.dma_semaphore, #tpu.memory_space<semaphore_mem>>
      %dma_start3A_138 = arith.constant 0 : i32
      %dma_start3A_139 = tpu.memref_slice %arg2[%mul3A_2, %dma_start3A_138] : memref<2560x128xi32, #tpu.memory_space<hbm>> -> memref<80x128xi32, #tpu.memory_space<hbm>>
      %dma_start3A_140 = arith.constant 0 : i32
      %dma_start3A_141 = tpu.memref_slice %arg2[%mul3A_2, %dma_start3A_140] : memref<2560x128xi32, #tpu.memory_space<hbm>> -> memref<80x128xi32, #tpu.memory_space<hbm>>
      tpu.enqueue_dma source(%dma_start3A_141 : memref<80x128xi32, #tpu.memory_space<hbm>>) target(%arg14 : memref<80x128xi32, #tpu.memory_space<vmem>>) target_semaphore(%run_scoped3A_137 : memref<!tpu.dma_semaphore, #tpu.memory_space<semaphore_mem>>)
      %dma_wait3A_142 = arith.constant 0 : i32
      %dma_wait3A_143 = tpu.memref_slice %arg2[%mul3A_2, %dma_wait3A_142] : memref<2560x128xi32, #tpu.memory_space<hbm>> -> memref<80x128xi32, #tpu.memory_space<hbm>>
      %dma_wait3A_144 = arith.constant 0 : i32
      %dma_wait3A_145 = tpu.memref_slice %arg2[%mul3A_2, %dma_wait3A_144] : memref<2560x128xi32, #tpu.memory_space<hbm>> -> memref<80x128xi32, #tpu.memory_space<hbm>>
      tpu.wait_dma2 semaphore(%run_scoped3A_137 : memref<!tpu.dma_semaphore, #tpu.memory_space<semaphore_mem>>) src(%dma_wait3A_145 : memref<80x128xi32, #tpu.memory_space<hbm>>) dst(%arg14 : memref<80x128xi32, #tpu.memory_space<vmem>>)
      tpu.yield
    }) : () -> ()
    %mul3A_3 = arith.constant 80 : i32
    %mul3A_4 = arith.muli %add3A, %mul3A_3 : i32
    "tpu.region"() ({
      %run_scoped3A_137 = tpu.sem_alloc : memref<!tpu.dma_semaphore, #tpu.memory_space<semaphore_mem>>
      %dma_start3A_138 = arith.constant 0 : i32
      %dma_start3A_139 = tpu.memref_slice %arg3[%mul3A_4, %dma_start3A_138] : memref<2560x128xi32, #tpu.memory_space<hbm>> -> memref<80x128xi32, #tpu.memory_space<hbm>>
      %dma_start3A_140 = arith.constant 0 : i32
      %dma_start3A_141 = tpu.memref_slice %arg3[%mul3A_4, %dma_start3A_140] : memref<2560x128xi32, #tpu.memory_space<hbm>> -> memref<80x128xi32, #tpu.memory_space<hbm>>
      tpu.enqueue_dma source(%dma_start3A_141 : memref<80x128xi32, #tpu.memory_space<hbm>>) target(%arg15 : memref<80x128xi32, #tpu.memory_space<vmem>>) target_semaphore(%run_scoped3A_137 : memref<!tpu.dma_semaphore, #tpu.memory_space<semaphore_mem>>)
      %dma_wait3A_142 = arith.constant 0 : i32
      %dma_wait3A_143 = tpu.memref_slice %arg3[%mul3A_4, %dma_wait3A_142] : memref<2560x128xi32, #tpu.memory_space<hbm>> -> memref<80x128xi32, #tpu.memory_space<hbm>>
      %dma_wait3A_144 = arith.constant 0 : i32
      %dma_wait3A_145 = tpu.memref_slice %arg3[%mul3A_4, %dma_wait3A_144] : memref<2560x128xi32, #tpu.memory_space<hbm>> -> memref<80x128xi32, #tpu.memory_space<hbm>>
      tpu.wait_dma2 semaphore(%run_scoped3A_137 : memref<!tpu.dma_semaphore, #tpu.memory_space<semaphore_mem>>) src(%dma_wait3A_145 : memref<80x128xi32, #tpu.memory_space<hbm>>) dst(%arg15 : memref<80x128xi32, #tpu.memory_space<vmem>>)
      tpu.yield
    }) : () -> ()
    "tpu.region"() ({
      %run_scoped3A_137 = tpu.sem_alloc : memref<!tpu.dma_semaphore, #tpu.memory_space<semaphore_mem>>
      tpu.enqueue_dma source(%arg7 : memref<10256xi32, #tpu.memory_space<hbm>>) target(%arg17 : memref<10256xi32, #tpu.memory_space<vmem>>) target_semaphore(%run_scoped3A_137 : memref<!tpu.dma_semaphore, #tpu.memory_space<semaphore_mem>>)
      tpu.wait_dma2 semaphore(%run_scoped3A_137 : memref<!tpu.dma_semaphore, #tpu.memory_space<semaphore_mem>>) src(%arg7 : memref<10256xi32, #tpu.memory_space<hbm>>) dst(%arg17 : memref<10256xi32, #tpu.memory_space<vmem>>)
      tpu.yield
    }) : () -> ()
    "tpu.region"() ({
      %run_scoped3A_137 = tpu.sem_alloc : memref<!tpu.dma_semaphore, #tpu.memory_space<semaphore_mem>>
      tpu.enqueue_dma source(%arg8 : memref<10256xi32, #tpu.memory_space<hbm>>) target(%arg18 : memref<10256xi32, #tpu.memory_space<vmem>>) target_semaphore(%run_scoped3A_137 : memref<!tpu.dma_semaphore, #tpu.memory_space<semaphore_mem>>)
      tpu.wait_dma2 semaphore(%run_scoped3A_137 : memref<!tpu.dma_semaphore, #tpu.memory_space<semaphore_mem>>) src(%arg8 : memref<10256xi32, #tpu.memory_space<hbm>>) dst(%arg18 : memref<10256xi32, #tpu.memory_space<vmem>>)
      tpu.yield
    }) : () -> ()
    "tpu.region"() ({
      %run_scoped3A_137 = tpu.sem_alloc : memref<!tpu.dma_semaphore, #tpu.memory_space<semaphore_mem>>
      tpu.enqueue_dma source(%arg7 : memref<10256xi32, #tpu.memory_space<hbm>>) target(%arg19 : memref<10256xi32, #tpu.memory_space<vmem>>) target_semaphore(%run_scoped3A_137 : memref<!tpu.dma_semaphore, #tpu.memory_space<semaphore_mem>>)
      tpu.wait_dma2 semaphore(%run_scoped3A_137 : memref<!tpu.dma_semaphore, #tpu.memory_space<semaphore_mem>>) src(%arg7 : memref<10256xi32, #tpu.memory_space<hbm>>) dst(%arg19 : memref<10256xi32, #tpu.memory_space<vmem>>)
      tpu.yield
    }) : () -> ()
    "tpu.region"() ({
      %run_scoped3A_137 = tpu.sem_alloc : memref<!tpu.dma_semaphore, #tpu.memory_space<semaphore_mem>>
      tpu.enqueue_dma source(%arg8 : memref<10256xi32, #tpu.memory_space<hbm>>) target(%arg20 : memref<10256xi32, #tpu.memory_space<vmem>>) target_semaphore(%run_scoped3A_137 : memref<!tpu.dma_semaphore, #tpu.memory_space<semaphore_mem>>)
      tpu.wait_dma2 semaphore(%run_scoped3A_137 : memref<!tpu.dma_semaphore, #tpu.memory_space<semaphore_mem>>) src(%arg8 : memref<10256xi32, #tpu.memory_space<hbm>>) dst(%arg20 : memref<10256xi32, #tpu.memory_space<vmem>>)
      tpu.yield
    }) : () -> ()
    "tpu.region"() ({
      %run_scoped3A_137 = tpu.sem_alloc : memref<!tpu.dma_semaphore, #tpu.memory_space<semaphore_mem>>
      %dma_start3A_138 = arith.constant 0 : i32
      %dma_start3A_139 = arith.constant 0 : i32
      %dma_start3A_140 = tpu.memref_slice %arg4[%add3A, %dma_start3A_138, %dma_start3A_139] : memref<32x2x128xi32, #tpu.memory_space<hbm>> -> memref<1x2x128xi32, #tpu.memory_space<hbm>>
      %dma_start3A_141 = tpu.memref_squeeze %dma_start3A_140 : memref<1x2x128xi32, #tpu.memory_space<hbm>> -> memref<2x128xi32, #tpu.memory_space<hbm>>
      %dma_start3A_142 = arith.constant 0 : i32
      %dma_start3A_143 = arith.constant 0 : i32
      %dma_start3A_144 = tpu.memref_slice %arg4[%add3A, %dma_start3A_142, %dma_start3A_143] : memref<32x2x128xi32, #tpu.memory_space<hbm>> -> memref<1x2x128xi32, #tpu.memory_space<hbm>>
      %dma_start3A_145 = tpu.memref_squeeze %dma_start3A_144 : memref<1x2x128xi32, #tpu.memory_space<hbm>> -> memref<2x128xi32, #tpu.memory_space<hbm>>
      tpu.enqueue_dma source(%dma_start3A_145 : memref<2x128xi32, #tpu.memory_space<hbm>>) target(%arg23 : memref<2x128xi32, #tpu.memory_space<vmem>>) target_semaphore(%run_scoped3A_137 : memref<!tpu.dma_semaphore, #tpu.memory_space<semaphore_mem>>)
      %dma_wait3A_146 = arith.constant 0 : i32
      %dma_wait3A_147 = arith.constant 0 : i32
      %dma_wait3A_148 = tpu.memref_slice %arg4[%add3A, %dma_wait3A_146, %dma_wait3A_147] : memref<32x2x128xi32, #tpu.memory_space<hbm>> -> memref<1x2x128xi32, #tpu.memory_space<hbm>>
      %dma_wait3A_149 = tpu.memref_squeeze %dma_wait3A_148 : memref<1x2x128xi32, #tpu.memory_space<hbm>> -> memref<2x128xi32, #tpu.memory_space<hbm>>
      %dma_wait3A_150 = arith.constant 0 : i32
      %dma_wait3A_151 = arith.constant 0 : i32
      %dma_wait3A_152 = tpu.memref_slice %arg4[%add3A, %dma_wait3A_150, %dma_wait3A_151] : memref<32x2x128xi32, #tpu.memory_space<hbm>> -> memref<1x2x128xi32, #tpu.memory_space<hbm>>
      %dma_wait3A_153 = tpu.memref_squeeze %dma_wait3A_152 : memref<1x2x128xi32, #tpu.memory_space<hbm>> -> memref<2x128xi32, #tpu.memory_space<hbm>>
      tpu.wait_dma2 semaphore(%run_scoped3A_137 : memref<!tpu.dma_semaphore, #tpu.memory_space<semaphore_mem>>) src(%dma_wait3A_153 : memref<2x128xi32, #tpu.memory_space<hbm>>) dst(%arg23 : memref<2x128xi32, #tpu.memory_space<vmem>>)
      tpu.yield
    }) : () -> ()
    %dma_start3A = arith.constant 0 : i32
    %dma_start3A_5 = arith.constant 0 : i32
    %dma_start3A_6 = tpu.memref_slice %arg23[%dma_start3A, %dma_start3A_5] : memref<2x128xi32, #tpu.memory_space<vmem>> -> memref<1x128xi32, #tpu.memory_space<vmem>>
    %dma_start3A_7 = tpu.memref_squeeze %dma_start3A_6 : memref<1x128xi32, #tpu.memory_space<vmem>> -> memref<128xi32, #tpu.memory_space<vmem>>
    %dma_start3A_8 = arith.constant 0 : i32
    %dma_start3A_9 = arith.constant 0 : i32
    %dma_start3A_10 = tpu.memref_slice %arg5[%dma_start3A_8, %dma_start3A_9] : memref<10000x128xf32, #tpu.memory_space<hbm>> -> memref<10000x128xf32, #tpu.memory_space<hbm>>
    tpu.enqueue_indirect_dma source(%dma_start3A_10 : memref<10000x128xf32, #tpu.memory_space<hbm>>) target(%arg24 : memref<128x128xf32, #tpu.memory_space<vmem>>) offsets(%dma_start3A_7 : memref<128xi32, #tpu.memory_space<vmem>>) semaphore(%arg25 : memref<!tpu.dma_semaphore, #tpu.memory_space<semaphore_mem>>)
    %broadcast_in_dim3A = arith.constant 1.000000e+00 : f32
    %broadcast_in_dim3A_11 = vector.broadcast %broadcast_in_dim3A : f32 to vector<16xf32>
    %scan3A = arith.constant 0 : i32
    %scan3A_12 = arith.constant 0 : i32
    %scan3A_13 = arith.constant 0 : i32
    %scan3A_14 = arith.constant 640 : i32
    %scan3A_15 = arith.addi %scan3A_13, %scan3A_14 : i32
    %scan3A_16 = arith.constant 1 : i32
    %scan3A_17:2 = scf.for %scan3A_137 = %scan3A_13 to %scan3A_15 step %scan3A_16 iter_args(%scan3A_138 = %scan3A, %scan3A_139 = %scan3A_12) -> (i32, i32)  : i32 {
      %jit3A_140 = arith.constant 8 : i32
      %div3A_141 = arith.divsi %scan3A_137, %jit3A_140 : i32
      %sign3A_142 = arith.constant 0 : i32
      %sign3A_143 = arith.cmpi sgt, %scan3A_137, %sign3A_142 : i32
      %sign3A_144 = arith.extui %sign3A_143 : i1 to i32
      %sign3A_145 = arith.constant 0 : i32
      %sign3A_146 = arith.cmpi slt, %scan3A_137, %sign3A_145 : i32
      %sign3A_147 = arith.extui %sign3A_146 : i1 to i32
      %sign3A_148 = arith.subi %sign3A_144, %sign3A_147 : i32
      %sign3A_149 = arith.constant 0 : i32
      %sign3A_150 = arith.cmpi sgt, %jit3A_140, %sign3A_149 : i32
      %sign3A_151 = arith.extui %sign3A_150 : i1 to i32
      %sign3A_152 = arith.constant 0 : i32
      %sign3A_153 = arith.cmpi slt, %jit3A_140, %sign3A_152 : i32
      %sign3A_154 = arith.extui %sign3A_153 : i1 to i32
      %sign3A_155 = arith.subi %sign3A_151, %sign3A_154 : i32
      %ne3A_156 = arith.cmpi ne, %sign3A_148, %sign3A_155 : i32
      %rem3A_157 = arith.remsi %scan3A_137, %jit3A_140 : i32
      %ne3A_158 = arith.constant 0 : i32
      %ne3A_159 = arith.cmpi ne, %rem3A_157, %ne3A_158 : i32
      %and3A_160 = arith.andi %ne3A_156, %ne3A_159 : i1
      %sub3A_161 = arith.constant 1 : i32
      %sub3A_162 = arith.subi %div3A_141, %sub3A_161 : i32
      %select_n3A_163 = arith.select %and3A_160, %sub3A_162, %div3A_141 : i32
      %jit3A_164 = arith.constant 8 : i32
      %eq3A = arith.constant 0 : i32
      %eq3A_165 = arith.cmpi eq, %jit3A_164, %eq3A : i32
      %jit3A_166 = arith.constant 1 : i32
      %select_n3A_167 = arith.select %eq3A_165, %jit3A_166, %jit3A_164 : i32
      %rem3A_168 = arith.remsi %scan3A_137, %select_n3A_167 : i32
      %ne3A_169 = arith.constant 0 : i32
      %ne3A_170 = arith.cmpi ne, %rem3A_168, %ne3A_169 : i32
      %lt3A = arith.constant 0 : i32
      %lt3A_171 = arith.cmpi slt, %rem3A_168, %lt3A : i32
      %lt3A_172 = arith.constant 0 : i32
      %lt3A_173 = arith.cmpi slt, %select_n3A_167, %lt3A_172 : i32
      %ne3A_174 = arith.xori %lt3A_171, %lt3A_173 : i1
      %and3A_175 = arith.andi %ne3A_174, %ne3A_170 : i1
      %add3A_176 = arith.addi %rem3A_168, %select_n3A_167 : i32
      %select_n3A_177 = arith.select %and3A_175, %add3A_176, %rem3A_168 : i32
      %mul3A_178 = arith.constant 16 : i32
      %mul3A_179 = arith.muli %select_n3A_177, %mul3A_178 : i32
      %get3A = arith.index_cast %select_n3A_163 : i32 to index
      %get3A_180 = arith.index_cast %mul3A_179 : i32 to index
      %get3A_181 = tpu.vector_load %arg14[%get3A, %get3A_180] {strides = array<i32>} : memref<80x128xi32, #tpu.memory_space<vmem>>, vector<16xi32>,
      %mul3A_182 = arith.constant 16 : i32
      %mul3A_183 = arith.muli %select_n3A_177, %mul3A_182 : i32
      %get3A_184 = arith.index_cast %select_n3A_163 : i32 to index
      %get3A_185 = arith.index_cast %mul3A_183 : i32 to index
      %get3A_186 = tpu.vector_load %arg15[%get3A_184, %get3A_185] {strides = array<i32>} : memref<80x128xi32, #tpu.memory_space<vmem>>, vector<16xi32>,
      tpu.vector_store_idx %arg16[%get3A_181], %broadcast_in_dim3A_11 {add = true} : memref<10256xf32, #tpu.memory_space<vmem>>[vector<16xi32>], vector<16xf32>,
      %lt3A_187 = arith.constant 5120 : i32
      %lt3A_188 = vector.broadcast %lt3A_187 : i32 to vector<16xi32>
      %lt3A_189 = arith.cmpi slt, %get3A_181, %lt3A_188 : vector<16xi32>
      %swap3A_190 = arith.index_cast %scan3A_138 : i32 to index
      %swap3A_191 = tpu.vector_load %arg17[%swap3A_190] masked %lt3A_189 {strides = array<i32>} : memref<10256xi32, #tpu.memory_space<vmem>>, vector<16xi32>, vector<16xi1>
      tpu.vector_store %arg17[%swap3A_190], %get3A_186 masked %lt3A_189 {strides = array<i32>} : memref<10256xi32, #tpu.memory_space<vmem>>, vector<16xi32>, vector<16xi1>
      %swap3A_192 = arith.index_cast %scan3A_138 : i32 to index
      %swap3A_193 = tpu.vector_load %arg18[%swap3A_192] masked %lt3A_189 {strides = array<i32>} : memref<10256xi32, #tpu.memory_space<vmem>>, vector<16xi32>, vector<16xi1>
      tpu.vector_store %arg18[%swap3A_192], %get3A_181 masked %lt3A_189 {strides = array<i32>} : memref<10256xi32, #tpu.memory_space<vmem>>, vector<16xi32>, vector<16xi1>
      %all_reduce_population_count3A = tpu.all_reduce %lt3A_189 {dim = 0 : i64, kind = #tpu.reduction_kind<sum>} : vector<16xi1> -> vector<16xi32>
      %slice3A = vector.extract_strided_slice %all_reduce_population_count3A {offsets = [0], sizes = [1], strides = [1]} : vector<16xi32> to vector<1xi32>
      %squeeze3A = vector.extract %slice3A[0] : i32 from vector<1xi32>
      %ge3A = arith.constant 5120 : i32
      %ge3A_194 = vector.broadcast %ge3A : i32 to vector<16xi32>
      %ge3A_195 = arith.cmpi sge, %get3A_181, %ge3A_194 : vector<16xi32>
      %lt3A_196 = arith.constant 10240 : i32
      %lt3A_197 = vector.broadcast %lt3A_196 : i32 to vector<16xi32>
      %lt3A_198 = arith.cmpi slt, %get3A_181, %lt3A_197 : vector<16xi32>
      %and3A_199 = arith.andi %ge3A_195, %lt3A_198 : vector<16xi1>
      %swap3A_200 = arith.index_cast %scan3A_139 : i32 to index
      %swap3A_201 = tpu.vector_load %arg19[%swap3A_200] masked %and3A_199 {strides = array<i32>} : memref<10256xi32, #tpu.memory_space<vmem>>, vector<16xi32>, vector<16xi1>
      tpu.vector_store %arg19[%swap3A_200], %get3A_186 masked %and3A_199 {strides = array<i32>} : memref<10256xi32, #tpu.memory_space<vmem>>, vector<16xi32>, vector<16xi1>
      %sub3A_202 = arith.constant 5120 : i32
      %sub3A_203 = vector.broadcast %sub3A_202 : i32 to vector<16xi32>
      %sub3A_204 = arith.subi %get3A_181, %sub3A_203 : vector<16xi32>
      %swap3A_205 = arith.index_cast %scan3A_139 : i32 to index
      %swap3A_206 = tpu.vector_load %arg20[%swap3A_205] masked %and3A_199 {strides = array<i32>} : memref<10256xi32, #tpu.memory_space<vmem>>, vector<16xi32>, vector<16xi1>
      tpu.vector_store %arg20[%swap3A_205], %sub3A_204 masked %and3A_199 {strides = array<i32>} : memref<10256xi32, #tpu.memory_space<vmem>>, vector<16xi32>, vector<16xi1>
      %all_reduce_population_count3A_207 = tpu.all_reduce %and3A_199 {dim = 0 : i64, kind = #tpu.reduction_kind<sum>} : vector<16xi1> -> vector<16xi32>
      %slice3A_208 = vector.extract_strided_slice %all_reduce_population_count3A_207 {offsets = [0], sizes = [1], strides = [1]} : vector<16xi32> to vector<1xi32>
      %squeeze3A_209 = vector.extract %slice3A_208[0] : i32 from vector<1xi32>
      %add3A_210 = arith.addi %scan3A_138, %squeeze3A : i32
      %add3A_211 = arith.addi %scan3A_139, %squeeze3A_209 : i32
      scf.yield %add3A_210, %add3A_211 : i32, i32
    }
    %scan3A_18 = arith.constant 640 : i32
    %run_scoped3A = arith.constant 0 : i32
    "tpu.region"() ({
      %run_scoped3A_137 = tpu.sem_alloc : memref<!tpu.dma_semaphore, #tpu.memory_space<semaphore_mem>>
      %dma_start3A_138 = arith.constant 0 : i32
      %dma_start3A_139 = tpu.memref_slice %arg16[%dma_start3A_138] : memref<10256xf32, #tpu.memory_space<vmem>> -> memref<10240xf32, #tpu.memory_space<vmem>>
      %dma_start3A_140 = arith.constant 0 : i32
      %dma_start3A_141 = tpu.memref_slice %arg9[%add3A, %run_scoped3A, %dma_start3A_140] : memref<32x1x10240xf32, #tpu.memory_space<hbm>> -> memref<1x1x10240xf32, #tpu.memory_space<hbm>>
      %dma_start3A_142 = tpu.memref_squeeze %dma_start3A_141 : memref<1x1x10240xf32, #tpu.memory_space<hbm>> -> memref<10240xf32, #tpu.memory_space<hbm>>
      %dma_start3A_143 = arith.constant 0 : i32
      %dma_start3A_144 = tpu.memref_slice %arg9[%add3A, %run_scoped3A, %dma_start3A_143] : memref<32x1x10240xf32, #tpu.memory_space<hbm>> -> memref<1x1x10240xf32, #tpu.memory_space<hbm>>
      %dma_start3A_145 = tpu.memref_squeeze %dma_start3A_144 : memref<1x1x10240xf32, #tpu.memory_space<hbm>> -> memref<10240xf32, #tpu.memory_space<hbm>>
      %dma_start3A_146 = arith.constant 0 : i32
      %dma_start3A_147 = tpu.memref_slice %arg16[%dma_start3A_146] : memref<10256xf32, #tpu.memory_space<vmem>> -> memref<10240xf32, #tpu.memory_space<vmem>>
      tpu.enqueue_dma source(%dma_start3A_147 : memref<10240xf32, #tpu.memory_space<vmem>>) target(%dma_start3A_145 : memref<10240xf32, #tpu.memory_space<hbm>>) target_semaphore(%run_scoped3A_137 : memref<!tpu.dma_semaphore, #tpu.memory_space<semaphore_mem>>)
      %dma_wait3A_148 = arith.constant 0 : i32
      %dma_wait3A_149 = tpu.memref_slice %arg16[%dma_wait3A_148] : memref<10256xf32, #tpu.memory_space<vmem>> -> memref<10240xf32, #tpu.memory_space<vmem>>
      %dma_wait3A_150 = arith.constant 0 : i32
      %dma_wait3A_151 = tpu.memref_slice %arg9[%add3A, %run_scoped3A, %dma_wait3A_150] : memref<32x1x10240xf32, #tpu.memory_space<hbm>> -> memref<1x1x10240xf32, #tpu.memory_space<hbm>>
      %dma_wait3A_152 = tpu.memref_squeeze %dma_wait3A_151 : memref<1x1x10240xf32, #tpu.memory_space<hbm>> -> memref<10240xf32, #tpu.memory_space<hbm>>
      %dma_wait3A_153 = arith.constant 0 : i32
      %dma_wait3A_154 = tpu.memref_slice %arg9[%add3A, %run_scoped3A, %dma_wait3A_153] : memref<32x1x10240xf32, #tpu.memory_space<hbm>> -> memref<1x1x10240xf32, #tpu.memory_space<hbm>>
      %dma_wait3A_155 = tpu.memref_squeeze %dma_wait3A_154 : memref<1x1x10240xf32, #tpu.memory_space<hbm>> -> memref<10240xf32, #tpu.memory_space<hbm>>
      %dma_wait3A_156 = arith.constant 0 : i32
      %dma_wait3A_157 = tpu.memref_slice %arg16[%dma_wait3A_156] : memref<10256xf32, #tpu.memory_space<vmem>> -> memref<10240xf32, #tpu.memory_space<vmem>>
      tpu.wait_dma2 semaphore(%run_scoped3A_137 : memref<!tpu.dma_semaphore, #tpu.memory_space<semaphore_mem>>) src(%dma_wait3A_157 : memref<10240xf32, #tpu.memory_space<vmem>>) dst(%dma_wait3A_155 : memref<10240xf32, #tpu.memory_space<hbm>>)
      tpu.yield
    }) : () -> ()
    %add3A_19 = arith.constant 256 : i32
    %add3A_20 = arith.addi %scan3A_17#0, %add3A_19 : i32
    %sub3A = arith.constant 1 : i32
    %sub3A_21 = arith.subi %add3A_20, %sub3A : i32
    %jit3A = arith.constant 256 : i32
    %div3A = arith.divsi %sub3A_21, %jit3A : i32
    %sign3A = arith.constant 0 : i32
    %sign3A_22 = arith.cmpi sgt, %sub3A_21, %sign3A : i32
    %sign3A_23 = arith.extui %sign3A_22 : i1 to i32
    %sign3A_24 = arith.constant 0 : i32
    %sign3A_25 = arith.cmpi slt, %sub3A_21, %sign3A_24 : i32
    %sign3A_26 = arith.extui %sign3A_25 : i1 to i32
    %sign3A_27 = arith.subi %sign3A_23, %sign3A_26 : i32
    %sign3A_28 = arith.constant 0 : i32
    %sign3A_29 = arith.cmpi sgt, %jit3A, %sign3A_28 : i32
    %sign3A_30 = arith.extui %sign3A_29 : i1 to i32
    %sign3A_31 = arith.constant 0 : i32
    %sign3A_32 = arith.cmpi slt, %jit3A, %sign3A_31 : i32
    %sign3A_33 = arith.extui %sign3A_32 : i1 to i32
    %sign3A_34 = arith.subi %sign3A_30, %sign3A_33 : i32
    %ne3A = arith.cmpi ne, %sign3A_27, %sign3A_34 : i32
    %rem3A = arith.remsi %sub3A_21, %jit3A : i32
    %ne3A_35 = arith.constant 0 : i32
    %ne3A_36 = arith.cmpi ne, %rem3A, %ne3A_35 : i32
    %and3A = arith.andi %ne3A, %ne3A_36 : i1
    %sub3A_37 = arith.constant 1 : i32
    %sub3A_38 = arith.subi %div3A, %sub3A_37 : i32
    %select_n3A = arith.select %and3A, %sub3A_38, %div3A : i32
    %max3A = arith.constant 1 : i32
    %max3A_39 = arith.maxsi %select_n3A, %max3A : i32
    %add3A_40 = arith.constant 256 : i32
    %add3A_41 = arith.addi %scan3A_17#1, %add3A_40 : i32
    %sub3A_42 = arith.constant 1 : i32
    %sub3A_43 = arith.subi %add3A_41, %sub3A_42 : i32
    %jit3A_44 = arith.constant 256 : i32
    %div3A_45 = arith.divsi %sub3A_43, %jit3A_44 : i32
    %sign3A_46 = arith.constant 0 : i32
    %sign3A_47 = arith.cmpi sgt, %sub3A_43, %sign3A_46 : i32
    %sign3A_48 = arith.extui %sign3A_47 : i1 to i32
    %sign3A_49 = arith.constant 0 : i32
    %sign3A_50 = arith.cmpi slt, %sub3A_43, %sign3A_49 : i32
    %sign3A_51 = arith.extui %sign3A_50 : i1 to i32
    %sign3A_52 = arith.subi %sign3A_48, %sign3A_51 : i32
    %sign3A_53 = arith.constant 0 : i32
    %sign3A_54 = arith.cmpi sgt, %jit3A_44, %sign3A_53 : i32
    %sign3A_55 = arith.extui %sign3A_54 : i1 to i32
    %sign3A_56 = arith.constant 0 : i32
    %sign3A_57 = arith.cmpi slt, %jit3A_44, %sign3A_56 : i32
    %sign3A_58 = arith.extui %sign3A_57 : i1 to i32
    %sign3A_59 = arith.subi %sign3A_55, %sign3A_58 : i32
    %ne3A_60 = arith.cmpi ne, %sign3A_52, %sign3A_59 : i32
    %rem3A_61 = arith.remsi %sub3A_43, %jit3A_44 : i32
    %ne3A_62 = arith.constant 0 : i32
    %ne3A_63 = arith.cmpi ne, %rem3A_61, %ne3A_62 : i32
    %and3A_64 = arith.andi %ne3A_60, %ne3A_63 : i1
    %sub3A_65 = arith.constant 1 : i32
    %sub3A_66 = arith.subi %div3A_45, %sub3A_65 : i32
    %select_n3A_67 = arith.select %and3A_64, %sub3A_66, %div3A_45 : i32
    %max3A_68 = arith.constant 1 : i32
    %max3A_69 = arith.maxsi %select_n3A_67, %max3A_68 : i32
    %broadcast_in_dim3A_70 = vector.broadcast %max3A_39 : i32 to vector<16xi32>
    %swap3A = arith.constant 0 : index
    %swap3A_71 = tpu.vector_load %arg22[%swap3A] {strides = array<i32>} : memref<16xi32, #tpu.memory_space<vmem>>, vector<16xi32>,
    tpu.vector_store %arg22[%swap3A], %broadcast_in_dim3A_70 {strides = array<i32>} : memref<16xi32, #tpu.memory_space<vmem>>, vector<16xi32>,
    %run_scoped3A_72 = arith.constant 0 : i32
    %run_scoped3A_73 = arith.constant 0 : i32
    "tpu.region"() ({
      %run_scoped3A_137 = tpu.sem_alloc : memref<!tpu.dma_semaphore, #tpu.memory_space<semaphore_mem>>
      %dma_start3A_138 = arith.constant 0 : i32
      %dma_start3A_139 = tpu.memref_slice %arg13[%run_scoped3A_72, %add3A, %run_scoped3A_73, %dma_start3A_138] : memref<2x32x1x16xi32, #tpu.memory_space<hbm>> -> memref<1x1x1x16xi32, #tpu.memory_space<hbm>>
      %dma_start3A_140 = tpu.memref_squeeze %dma_start3A_139 : memref<1x1x1x16xi32, #tpu.memory_space<hbm>> -> memref<16xi32, #tpu.memory_space<hbm>>
      %dma_start3A_141 = arith.constant 0 : i32
      %dma_start3A_142 = tpu.memref_slice %arg13[%run_scoped3A_72, %add3A, %run_scoped3A_73, %dma_start3A_141] : memref<2x32x1x16xi32, #tpu.memory_space<hbm>> -> memref<1x1x1x16xi32, #tpu.memory_space<hbm>>
      %dma_start3A_143 = tpu.memref_squeeze %dma_start3A_142 : memref<1x1x1x16xi32, #tpu.memory_space<hbm>> -> memref<16xi32, #tpu.memory_space<hbm>>
      tpu.enqueue_dma source(%arg22 : memref<16xi32, #tpu.memory_space<vmem>>) target(%dma_start3A_143 : memref<16xi32, #tpu.memory_space<hbm>>) target_semaphore(%run_scoped3A_137 : memref<!tpu.dma_semaphore, #tpu.memory_space<semaphore_mem>>)
      %dma_wait3A_144 = arith.constant 0 : i32
      %dma_wait3A_145 = tpu.memref_slice %arg13[%run_scoped3A_72, %add3A, %run_scoped3A_73, %dma_wait3A_144] : memref<2x32x1x16xi32, #tpu.memory_space<hbm>> -> memref<1x1x1x16xi32, #tpu.memory_space<hbm>>
      %dma_wait3A_146 = tpu.memref_squeeze %dma_wait3A_145 : memref<1x1x1x16xi32, #tpu.memory_space<hbm>> -> memref<16xi32, #tpu.memory_space<hbm>>
      %dma_wait3A_147 = arith.constant 0 : i32
      %dma_wait3A_148 = tpu.memref_slice %arg13[%run_scoped3A_72, %add3A, %run_scoped3A_73, %dma_wait3A_147] : memref<2x32x1x16xi32, #tpu.memory_space<hbm>> -> memref<1x1x1x16xi32, #tpu.memory_space<hbm>>
      %dma_wait3A_149 = tpu.memref_squeeze %dma_wait3A_148 : memref<1x1x1x16xi32, #tpu.memory_space<hbm>> -> memref<16xi32, #tpu.memory_space<hbm>>
      tpu.wait_dma2 semaphore(%run_scoped3A_137 : memref<!tpu.dma_semaphore, #tpu.memory_space<semaphore_mem>>) src(%arg22 : memref<16xi32, #tpu.memory_space<vmem>>) dst(%dma_wait3A_149 : memref<16xi32, #tpu.memory_space<hbm>>)
      tpu.yield
    }) : () -> ()
    %broadcast_in_dim3A_74 = vector.broadcast %max3A_69 : i32 to vector<16xi32>
    %swap3A_75 = arith.constant 0 : index
    %swap3A_76 = tpu.vector_load %arg22[%swap3A_75] {strides = array<i32>} : memref<16xi32, #tpu.memory_space<vmem>>, vector<16xi32>,
    tpu.vector_store %arg22[%swap3A_75], %broadcast_in_dim3A_74 {strides = array<i32>} : memref<16xi32, #tpu.memory_space<vmem>>, vector<16xi32>,
    %run_scoped3A_77 = arith.constant 1 : i32
    %run_scoped3A_78 = arith.constant 0 : i32
    "tpu.region"() ({
      %run_scoped3A_137 = tpu.sem_alloc : memref<!tpu.dma_semaphore, #tpu.memory_space<semaphore_mem>>
      %dma_start3A_138 = arith.constant 0 : i32
      %dma_start3A_139 = tpu.memref_slice %arg13[%run_scoped3A_77, %add3A, %run_scoped3A_78, %dma_start3A_138] : memref<2x32x1x16xi32, #tpu.memory_space<hbm>> -> memref<1x1x1x16xi32, #tpu.memory_space<hbm>>
      %dma_start3A_140 = tpu.memref_squeeze %dma_start3A_139 : memref<1x1x1x16xi32, #tpu.memory_space<hbm>> -> memref<16xi32, #tpu.memory_space<hbm>>
      %dma_start3A_141 = arith.constant 0 : i32
      %dma_start3A_142 = tpu.memref_slice %arg13[%run_scoped3A_77, %add3A, %run_scoped3A_78, %dma_start3A_141] : memref<2x32x1x16xi32, #tpu.memory_space<hbm>> -> memref<1x1x1x16xi32, #tpu.memory_space<hbm>>
      %dma_start3A_143 = tpu.memref_squeeze %dma_start3A_142 : memref<1x1x1x16xi32, #tpu.memory_space<hbm>> -> memref<16xi32, #tpu.memory_space<hbm>>
      tpu.enqueue_dma source(%arg22 : memref<16xi32, #tpu.memory_space<vmem>>) target(%dma_start3A_143 : memref<16xi32, #tpu.memory_space<hbm>>) target_semaphore(%run_scoped3A_137 : memref<!tpu.dma_semaphore, #tpu.memory_space<semaphore_mem>>)
      %dma_wait3A_144 = arith.constant 0 : i32
      %dma_wait3A_145 = tpu.memref_slice %arg13[%run_scoped3A_77, %add3A, %run_scoped3A_78, %dma_wait3A_144] : memref<2x32x1x16xi32, #tpu.memory_space<hbm>> -> memref<1x1x1x16xi32, #tpu.memory_space<hbm>>
      %dma_wait3A_146 = tpu.memref_squeeze %dma_wait3A_145 : memref<1x1x1x16xi32, #tpu.memory_space<hbm>> -> memref<16xi32, #tpu.memory_space<hbm>>
      %dma_wait3A_147 = arith.constant 0 : i32
      %dma_wait3A_148 = tpu.memref_slice %arg13[%run_scoped3A_77, %add3A, %run_scoped3A_78, %dma_wait3A_147] : memref<2x32x1x16xi32, #tpu.memory_space<hbm>> -> memref<1x1x1x16xi32, #tpu.memory_space<hbm>>
      %dma_wait3A_149 = tpu.memref_squeeze %dma_wait3A_148 : memref<1x1x1x16xi32, #tpu.memory_space<hbm>> -> memref<16xi32, #tpu.memory_space<hbm>>
      tpu.wait_dma2 semaphore(%run_scoped3A_137 : memref<!tpu.dma_semaphore, #tpu.memory_space<semaphore_mem>>) src(%arg22 : memref<16xi32, #tpu.memory_space<vmem>>) dst(%dma_wait3A_149 : memref<16xi32, #tpu.memory_space<hbm>>)
      tpu.yield
    }) : () -> ()
    %scan3A_79 = arith.constant 0 : i32
    %scan3A_80 = arith.constant 0 : i32
    %scan3A_81 = arith.constant 640 : i32
    %scan3A_82 = arith.addi %scan3A_80, %scan3A_81 : i32
    %scan3A_83 = arith.constant 1 : i32
    scf.for %scan3A_137 = %scan3A_80 to %scan3A_82 step %scan3A_83  : i32 {
      %mul3A_138 = arith.constant 16 : i32
      %mul3A_139 = arith.muli %scan3A_137, %mul3A_138 : i32
      %get3A = arith.index_cast %mul3A_139 : i32 to index
      %get3A_140 = tpu.vector_load %arg17[%get3A] {strides = array<i32>} : memref<10256xi32, #tpu.memory_space<vmem>>, vector<16xi32>,
      %jit3A_141 = arith.constant 8 : i32
      %div3A_142 = arith.divsi %scan3A_137, %jit3A_141 : i32
      %sign3A_143 = arith.constant 0 : i32
      %sign3A_144 = arith.cmpi sgt, %scan3A_137, %sign3A_143 : i32
      %sign3A_145 = arith.extui %sign3A_144 : i1 to i32
      %sign3A_146 = arith.constant 0 : i32
      %sign3A_147 = arith.cmpi slt, %scan3A_137, %sign3A_146 : i32
      %sign3A_148 = arith.extui %sign3A_147 : i1 to i32
      %sign3A_149 = arith.subi %sign3A_145, %sign3A_148 : i32
      %sign3A_150 = arith.constant 0 : i32
      %sign3A_151 = arith.cmpi sgt, %jit3A_141, %sign3A_150 : i32
      %sign3A_152 = arith.extui %sign3A_151 : i1 to i32
      %sign3A_153 = arith.constant 0 : i32
      %sign3A_154 = arith.cmpi slt, %jit3A_141, %sign3A_153 : i32
      %sign3A_155 = arith.extui %sign3A_154 : i1 to i32
      %sign3A_156 = arith.subi %sign3A_152, %sign3A_155 : i32
      %ne3A_157 = arith.cmpi ne, %sign3A_149, %sign3A_156 : i32
      %rem3A_158 = arith.remsi %scan3A_137, %jit3A_141 : i32
      %ne3A_159 = arith.constant 0 : i32
      %ne3A_160 = arith.cmpi ne, %rem3A_158, %ne3A_159 : i32
      %and3A_161 = arith.andi %ne3A_157, %ne3A_160 : i1
      %sub3A_162 = arith.constant 1 : i32
      %sub3A_163 = arith.subi %div3A_142, %sub3A_162 : i32
      %select_n3A_164 = arith.select %and3A_161, %sub3A_163, %div3A_142 : i32
      %jit3A_165 = arith.constant 8 : i32
      %eq3A = arith.constant 0 : i32
      %eq3A_166 = arith.cmpi eq, %jit3A_165, %eq3A : i32
      %jit3A_167 = arith.constant 1 : i32
      %select_n3A_168 = arith.select %eq3A_166, %jit3A_167, %jit3A_165 : i32
      %rem3A_169 = arith.remsi %scan3A_137, %select_n3A_168 : i32
      %ne3A_170 = arith.constant 0 : i32
      %ne3A_171 = arith.cmpi ne, %rem3A_169, %ne3A_170 : i32
      %lt3A = arith.constant 0 : i32
      %lt3A_172 = arith.cmpi slt, %rem3A_169, %lt3A : i32
      %lt3A_173 = arith.constant 0 : i32
      %lt3A_174 = arith.cmpi slt, %select_n3A_168, %lt3A_173 : i32
      %ne3A_175 = arith.xori %lt3A_172, %lt3A_174 : i1
      %and3A_176 = arith.andi %ne3A_175, %ne3A_171 : i1
      %add3A_177 = arith.addi %rem3A_169, %select_n3A_168 : i32
      %select_n3A_178 = arith.select %and3A_176, %add3A_177, %rem3A_169 : i32
      %mul3A_179 = arith.constant 16 : i32
      %mul3A_180 = arith.muli %select_n3A_178, %mul3A_179 : i32
      %swap3A_181 = arith.index_cast %select_n3A_164 : i32 to index
      %swap3A_182 = arith.index_cast %mul3A_180 : i32 to index
      %swap3A_183 = tpu.vector_load %arg21[%swap3A_181, %swap3A_182] {strides = array<i32>} : memref<80x128xi32, #tpu.memory_space<vmem>>, vector<16xi32>,
      tpu.vector_store %arg21[%swap3A_181, %swap3A_182], %get3A_140 {strides = array<i32>} : memref<80x128xi32, #tpu.memory_space<vmem>>, vector<16xi32>,
    }
    %scan3A_84 = arith.constant 640 : i32
    %run_scoped3A_85 = arith.constant 0 : i32
    "tpu.region"() ({
      %run_scoped3A_137 = tpu.sem_alloc : memref<!tpu.dma_semaphore, #tpu.memory_space<semaphore_mem>>
      %dma_start3A_138 = arith.constant 0 : i32
      %dma_start3A_139 = arith.constant 0 : i32
      %dma_start3A_140 = tpu.memref_slice %arg11[%run_scoped3A_85, %add3A, %dma_start3A_138, %dma_start3A_139] : memref<2x32x80x128xi32, #tpu.memory_space<hbm>> -> memref<1x1x80x128xi32, #tpu.memory_space<hbm>>
      %dma_start3A_141 = tpu.memref_squeeze %dma_start3A_140 : memref<1x1x80x128xi32, #tpu.memory_space<hbm>> -> memref<80x128xi32, #tpu.memory_space<hbm>>
      %dma_start3A_142 = arith.constant 0 : i32
      %dma_start3A_143 = arith.constant 0 : i32
      %dma_start3A_144 = tpu.memref_slice %arg11[%run_scoped3A_85, %add3A, %dma_start3A_142, %dma_start3A_143] : memref<2x32x80x128xi32, #tpu.memory_space<hbm>> -> memref<1x1x80x128xi32, #tpu.memory_space<hbm>>
      %dma_start3A_145 = tpu.memref_squeeze %dma_start3A_144 : memref<1x1x80x128xi32, #tpu.memory_space<hbm>> -> memref<80x128xi32, #tpu.memory_space<hbm>>
      tpu.enqueue_dma source(%arg21 : memref<80x128xi32, #tpu.memory_space<vmem>>) target(%dma_start3A_145 : memref<80x128xi32, #tpu.memory_space<hbm>>) target_semaphore(%run_scoped3A_137 : memref<!tpu.dma_semaphore, #tpu.memory_space<semaphore_mem>>)
      %dma_wait3A_146 = arith.constant 0 : i32
      %dma_wait3A_147 = arith.constant 0 : i32
      %dma_wait3A_148 = tpu.memref_slice %arg11[%run_scoped3A_85, %add3A, %dma_wait3A_146, %dma_wait3A_147] : memref<2x32x80x128xi32, #tpu.memory_space<hbm>> -> memref<1x1x80x128xi32, #tpu.memory_space<hbm>>
      %dma_wait3A_149 = tpu.memref_squeeze %dma_wait3A_148 : memref<1x1x80x128xi32, #tpu.memory_space<hbm>> -> memref<80x128xi32, #tpu.memory_space<hbm>>
      %dma_wait3A_150 = arith.constant 0 : i32
      %dma_wait3A_151 = arith.constant 0 : i32
      %dma_wait3A_152 = tpu.memref_slice %arg11[%run_scoped3A_85, %add3A, %dma_wait3A_150, %dma_wait3A_151] : memref<2x32x80x128xi32, #tpu.memory_space<hbm>> -> memref<1x1x80x128xi32, #tpu.memory_space<hbm>>
      %dma_wait3A_153 = tpu.memref_squeeze %dma_wait3A_152 : memref<1x1x80x128xi32, #tpu.memory_space<hbm>> -> memref<80x128xi32, #tpu.memory_space<hbm>>
      tpu.wait_dma2 semaphore(%run_scoped3A_137 : memref<!tpu.dma_semaphore, #tpu.memory_space<semaphore_mem>>) src(%arg21 : memref<80x128xi32, #tpu.memory_space<vmem>>) dst(%dma_wait3A_153 : memref<80x128xi32, #tpu.memory_space<hbm>>)
      tpu.yield
    }) : () -> ()
    %scan3A_86 = arith.constant 0 : i32
    %scan3A_87 = arith.constant 0 : i32
    %scan3A_88 = arith.constant 640 : i32
    %scan3A_89 = arith.addi %scan3A_87, %scan3A_88 : i32
    %scan3A_90 = arith.constant 1 : i32
    scf.for %scan3A_137 = %scan3A_87 to %scan3A_89 step %scan3A_90  : i32 {
      %mul3A_138 = arith.constant 16 : i32
      %mul3A_139 = arith.muli %scan3A_137, %mul3A_138 : i32
      %get3A = arith.index_cast %mul3A_139 : i32 to index
      %get3A_140 = tpu.vector_load %arg18[%get3A] {strides = array<i32>} : memref<10256xi32, #tpu.memory_space<vmem>>, vector<16xi32>,
      %jit3A_141 = arith.constant 8 : i32
      %div3A_142 = arith.divsi %scan3A_137, %jit3A_141 : i32
      %sign3A_143 = arith.constant 0 : i32
      %sign3A_144 = arith.cmpi sgt, %scan3A_137, %sign3A_143 : i32
      %sign3A_145 = arith.extui %sign3A_144 : i1 to i32
      %sign3A_146 = arith.constant 0 : i32
      %sign3A_147 = arith.cmpi slt, %scan3A_137, %sign3A_146 : i32
      %sign3A_148 = arith.extui %sign3A_147 : i1 to i32
      %sign3A_149 = arith.subi %sign3A_145, %sign3A_148 : i32
      %sign3A_150 = arith.constant 0 : i32
      %sign3A_151 = arith.cmpi sgt, %jit3A_141, %sign3A_150 : i32
      %sign3A_152 = arith.extui %sign3A_151 : i1 to i32
      %sign3A_153 = arith.constant 0 : i32
      %sign3A_154 = arith.cmpi slt, %jit3A_141, %sign3A_153 : i32
      %sign3A_155 = arith.extui %sign3A_154 : i1 to i32
      %sign3A_156 = arith.subi %sign3A_152, %sign3A_155 : i32
      %ne3A_157 = arith.cmpi ne, %sign3A_149, %sign3A_156 : i32
      %rem3A_158 = arith.remsi %scan3A_137, %jit3A_141 : i32
      %ne3A_159 = arith.constant 0 : i32
      %ne3A_160 = arith.cmpi ne, %rem3A_158, %ne3A_159 : i32
      %and3A_161 = arith.andi %ne3A_157, %ne3A_160 : i1
      %sub3A_162 = arith.constant 1 : i32
      %sub3A_163 = arith.subi %div3A_142, %sub3A_162 : i32
      %select_n3A_164 = arith.select %and3A_161, %sub3A_163, %div3A_142 : i32
      %jit3A_165 = arith.constant 8 : i32
      %eq3A = arith.constant 0 : i32
      %eq3A_166 = arith.cmpi eq, %jit3A_165, %eq3A : i32
      %jit3A_167 = arith.constant 1 : i32
      %select_n3A_168 = arith.select %eq3A_166, %jit3A_167, %jit3A_165 : i32
      %rem3A_169 = arith.remsi %scan3A_137, %select_n3A_168 : i32
      %ne3A_170 = arith.constant 0 : i32
      %ne3A_171 = arith.cmpi ne, %rem3A_169, %ne3A_170 : i32
      %lt3A = arith.constant 0 : i32
      %lt3A_172 = arith.cmpi slt, %rem3A_169, %lt3A : i32
      %lt3A_173 = arith.constant 0 : i32
      %lt3A_174 = arith.cmpi slt, %select_n3A_168, %lt3A_173 : i32
      %ne3A_175 = arith.xori %lt3A_172, %lt3A_174 : i1
      %and3A_176 = arith.andi %ne3A_175, %ne3A_171 : i1
      %add3A_177 = arith.addi %rem3A_169, %select_n3A_168 : i32
      %select_n3A_178 = arith.select %and3A_176, %add3A_177, %rem3A_169 : i32
      %mul3A_179 = arith.constant 16 : i32
      %mul3A_180 = arith.muli %select_n3A_178, %mul3A_179 : i32
      %swap3A_181 = arith.index_cast %select_n3A_164 : i32 to index
      %swap3A_182 = arith.index_cast %mul3A_180 : i32 to index
      %swap3A_183 = tpu.vector_load %arg21[%swap3A_181, %swap3A_182] {strides = array<i32>} : memref<80x128xi32, #tpu.memory_space<vmem>>, vector<16xi32>,
      tpu.vector_store %arg21[%swap3A_181, %swap3A_182], %get3A_140 {strides = array<i32>} : memref<80x128xi32, #tpu.memory_space<vmem>>, vector<16xi32>,
    }
    %scan3A_91 = arith.constant 640 : i32
    %run_scoped3A_92 = arith.constant 0 : i32
    "tpu.region"() ({
      %run_scoped3A_137 = tpu.sem_alloc : memref<!tpu.dma_semaphore, #tpu.memory_space<semaphore_mem>>
      %dma_start3A_138 = arith.constant 0 : i32
      %dma_start3A_139 = arith.constant 0 : i32
      %dma_start3A_140 = tpu.memref_slice %arg12[%run_scoped3A_92, %add3A, %dma_start3A_138, %dma_start3A_139] : memref<2x32x80x128xi32, #tpu.memory_space<hbm>> -> memref<1x1x80x128xi32, #tpu.memory_space<hbm>>
      %dma_start3A_141 = tpu.memref_squeeze %dma_start3A_140 : memref<1x1x80x128xi32, #tpu.memory_space<hbm>> -> memref<80x128xi32, #tpu.memory_space<hbm>>
      %dma_start3A_142 = arith.constant 0 : i32
      %dma_start3A_143 = arith.constant 0 : i32
      %dma_start3A_144 = tpu.memref_slice %arg12[%run_scoped3A_92, %add3A, %dma_start3A_142, %dma_start3A_143] : memref<2x32x80x128xi32, #tpu.memory_space<hbm>> -> memref<1x1x80x128xi32, #tpu.memory_space<hbm>>
      %dma_start3A_145 = tpu.memref_squeeze %dma_start3A_144 : memref<1x1x80x128xi32, #tpu.memory_space<hbm>> -> memref<80x128xi32, #tpu.memory_space<hbm>>
      tpu.enqueue_dma source(%arg21 : memref<80x128xi32, #tpu.memory_space<vmem>>) target(%dma_start3A_145 : memref<80x128xi32, #tpu.memory_space<hbm>>) target_semaphore(%run_scoped3A_137 : memref<!tpu.dma_semaphore, #tpu.memory_space<semaphore_mem>>)
      %dma_wait3A_146 = arith.constant 0 : i32
      %dma_wait3A_147 = arith.constant 0 : i32
      %dma_wait3A_148 = tpu.memref_slice %arg12[%run_scoped3A_92, %add3A, %dma_wait3A_146, %dma_wait3A_147] : memref<2x32x80x128xi32, #tpu.memory_space<hbm>> -> memref<1x1x80x128xi32, #tpu.memory_space<hbm>>
      %dma_wait3A_149 = tpu.memref_squeeze %dma_wait3A_148 : memref<1x1x80x128xi32, #tpu.memory_space<hbm>> -> memref<80x128xi32, #tpu.memory_space<hbm>>
      %dma_wait3A_150 = arith.constant 0 : i32
      %dma_wait3A_151 = arith.constant 0 : i32
      %dma_wait3A_152 = tpu.memref_slice %arg12[%run_scoped3A_92, %add3A, %dma_wait3A_150, %dma_wait3A_151] : memref<2x32x80x128xi32, #tpu.memory_space<hbm>> -> memref<1x1x80x128xi32, #tpu.memory_space<hbm>>
      %dma_wait3A_153 = tpu.memref_squeeze %dma_wait3A_152 : memref<1x1x80x128xi32, #tpu.memory_space<hbm>> -> memref<80x128xi32, #tpu.memory_space<hbm>>
      tpu.wait_dma2 semaphore(%run_scoped3A_137 : memref<!tpu.dma_semaphore, #tpu.memory_space<semaphore_mem>>) src(%arg21 : memref<80x128xi32, #tpu.memory_space<vmem>>) dst(%dma_wait3A_153 : memref<80x128xi32, #tpu.memory_space<hbm>>)
      tpu.yield
    }) : () -> ()
    %scan3A_93 = arith.constant 0 : i32
    %scan3A_94 = arith.constant 0 : i32
    %scan3A_95 = arith.constant 640 : i32
    %scan3A_96 = arith.addi %scan3A_94, %scan3A_95 : i32
    %scan3A_97 = arith.constant 1 : i32
    scf.for %scan3A_137 = %scan3A_94 to %scan3A_96 step %scan3A_97  : i32 {
      %mul3A_138 = arith.constant 16 : i32
      %mul3A_139 = arith.muli %scan3A_137, %mul3A_138 : i32
      %get3A = arith.index_cast %mul3A_139 : i32 to index
      %get3A_140 = tpu.vector_load %arg19[%get3A] {strides = array<i32>} : memref<10256xi32, #tpu.memory_space<vmem>>, vector<16xi32>,
      %jit3A_141 = arith.constant 8 : i32
      %div3A_142 = arith.divsi %scan3A_137, %jit3A_141 : i32
      %sign3A_143 = arith.constant 0 : i32
      %sign3A_144 = arith.cmpi sgt, %scan3A_137, %sign3A_143 : i32
      %sign3A_145 = arith.extui %sign3A_144 : i1 to i32
      %sign3A_146 = arith.constant 0 : i32
      %sign3A_147 = arith.cmpi slt, %scan3A_137, %sign3A_146 : i32
      %sign3A_148 = arith.extui %sign3A_147 : i1 to i32
      %sign3A_149 = arith.subi %sign3A_145, %sign3A_148 : i32
      %sign3A_150 = arith.constant 0 : i32
      %sign3A_151 = arith.cmpi sgt, %jit3A_141, %sign3A_150 : i32
      %sign3A_152 = arith.extui %sign3A_151 : i1 to i32
      %sign3A_153 = arith.constant 0 : i32
      %sign3A_154 = arith.cmpi slt, %jit3A_141, %sign3A_153 : i32
      %sign3A_155 = arith.extui %sign3A_154 : i1 to i32
      %sign3A_156 = arith.subi %sign3A_152, %sign3A_155 : i32
      %ne3A_157 = arith.cmpi ne, %sign3A_149, %sign3A_156 : i32
      %rem3A_158 = arith.remsi %scan3A_137, %jit3A_141 : i32
      %ne3A_159 = arith.constant 0 : i32
      %ne3A_160 = arith.cmpi ne, %rem3A_158, %ne3A_159 : i32
      %and3A_161 = arith.andi %ne3A_157, %ne3A_160 : i1
      %sub3A_162 = arith.constant 1 : i32
      %sub3A_163 = arith.subi %div3A_142, %sub3A_162 : i32
      %select_n3A_164 = arith.select %and3A_161, %sub3A_163, %div3A_142 : i32
      %jit3A_165 = arith.constant 8 : i32
      %eq3A = arith.constant 0 : i32
      %eq3A_166 = arith.cmpi eq, %jit3A_165, %eq3A : i32
      %jit3A_167 = arith.constant 1 : i32
      %select_n3A_168 = arith.select %eq3A_166, %jit3A_167, %jit3A_165 : i32
      %rem3A_169 = arith.remsi %scan3A_137, %select_n3A_168 : i32
      %ne3A_170 = arith.constant 0 : i32
      %ne3A_171 = arith.cmpi ne, %rem3A_169, %ne3A_170 : i32
      %lt3A = arith.constant 0 : i32
      %lt3A_172 = arith.cmpi slt, %rem3A_169, %lt3A : i32
      %lt3A_173 = arith.constant 0 : i32
      %lt3A_174 = arith.cmpi slt, %select_n3A_168, %lt3A_173 : i32
      %ne3A_175 = arith.xori %lt3A_172, %lt3A_174 : i1
      %and3A_176 = arith.andi %ne3A_175, %ne3A_171 : i1
      %add3A_177 = arith.addi %rem3A_169, %select_n3A_168 : i32
      %select_n3A_178 = arith.select %and3A_176, %add3A_177, %rem3A_169 : i32
      %mul3A_179 = arith.constant 16 : i32
      %mul3A_180 = arith.muli %select_n3A_178, %mul3A_179 : i32
      %swap3A_181 = arith.index_cast %select_n3A_164 : i32 to index
      %swap3A_182 = arith.index_cast %mul3A_180 : i32 to index
      %swap3A_183 = tpu.vector_load %arg21[%swap3A_181, %swap3A_182] {strides = array<i32>} : memref<80x128xi32, #tpu.memory_space<vmem>>, vector<16xi32>,
      tpu.vector_store %arg21[%swap3A_181, %swap3A_182], %get3A_140 {strides = array<i32>} : memref<80x128xi32, #tpu.memory_space<vmem>>, vector<16xi32>,
    }
    %scan3A_98 = arith.constant 640 : i32
    %run_scoped3A_99 = arith.constant 1 : i32
    "tpu.region"() ({
      %run_scoped3A_137 = tpu.sem_alloc : memref<!tpu.dma_semaphore, #tpu.memory_space<semaphore_mem>>
      %dma_start3A_138 = arith.constant 0 : i32
      %dma_start3A_139 = arith.constant 0 : i32
      %dma_start3A_140 = tpu.memref_slice %arg11[%run_scoped3A_99, %add3A, %dma_start3A_138, %dma_start3A_139] : memref<2x32x80x128xi32, #tpu.memory_space<hbm>> -> memref<1x1x80x128xi32, #tpu.memory_space<hbm>>
      %dma_start3A_141 = tpu.memref_squeeze %dma_start3A_140 : memref<1x1x80x128xi32, #tpu.memory_space<hbm>> -> memref<80x128xi32, #tpu.memory_space<hbm>>
      %dma_start3A_142 = arith.constant 0 : i32
      %dma_start3A_143 = arith.constant 0 : i32
      %dma_start3A_144 = tpu.memref_slice %arg11[%run_scoped3A_99, %add3A, %dma_start3A_142, %dma_start3A_143] : memref<2x32x80x128xi32, #tpu.memory_space<hbm>> -> memref<1x1x80x128xi32, #tpu.memory_space<hbm>>
      %dma_start3A_145 = tpu.memref_squeeze %dma_start3A_144 : memref<1x1x80x128xi32, #tpu.memory_space<hbm>> -> memref<80x128xi32, #tpu.memory_space<hbm>>
      tpu.enqueue_dma source(%arg21 : memref<80x128xi32, #tpu.memory_space<vmem>>) target(%dma_start3A_145 : memref<80x128xi32, #tpu.memory_space<hbm>>) target_semaphore(%run_scoped3A_137 : memref<!tpu.dma_semaphore, #tpu.memory_space<semaphore_mem>>)
      %dma_wait3A_146 = arith.constant 0 : i32
      %dma_wait3A_147 = arith.constant 0 : i32
      %dma_wait3A_148 = tpu.memref_slice %arg11[%run_scoped3A_99, %add3A, %dma_wait3A_146, %dma_wait3A_147] : memref<2x32x80x128xi32, #tpu.memory_space<hbm>> -> memref<1x1x80x128xi32, #tpu.memory_space<hbm>>
      %dma_wait3A_149 = tpu.memref_squeeze %dma_wait3A_148 : memref<1x1x80x128xi32, #tpu.memory_space<hbm>> -> memref<80x128xi32, #tpu.memory_space<hbm>>
      %dma_wait3A_150 = arith.constant 0 : i32
      %dma_wait3A_151 = arith.constant 0 : i32
      %dma_wait3A_152 = tpu.memref_slice %arg11[%run_scoped3A_99, %add3A, %dma_wait3A_150, %dma_wait3A_151] : memref<2x32x80x128xi32, #tpu.memory_space<hbm>> -> memref<1x1x80x128xi32, #tpu.memory_space<hbm>>
      %dma_wait3A_153 = tpu.memref_squeeze %dma_wait3A_152 : memref<1x1x80x128xi32, #tpu.memory_space<hbm>> -> memref<80x128xi32, #tpu.memory_space<hbm>>
      tpu.wait_dma2 semaphore(%run_scoped3A_137 : memref<!tpu.dma_semaphore, #tpu.memory_space<semaphore_mem>>) src(%arg21 : memref<80x128xi32, #tpu.memory_space<vmem>>) dst(%dma_wait3A_153 : memref<80x128xi32, #tpu.memory_space<hbm>>)
      tpu.yield
    }) : () -> ()
    %scan3A_100 = arith.constant 0 : i32
    %scan3A_101 = arith.constant 0 : i32
    %scan3A_102 = arith.constant 640 : i32
    %scan3A_103 = arith.addi %scan3A_101, %scan3A_102 : i32
    %scan3A_104 = arith.constant 1 : i32
    scf.for %scan3A_137 = %scan3A_101 to %scan3A_103 step %scan3A_104  : i32 {
      %mul3A_138 = arith.constant 16 : i32
      %mul3A_139 = arith.muli %scan3A_137, %mul3A_138 : i32
      %get3A = arith.index_cast %mul3A_139 : i32 to index
      %get3A_140 = tpu.vector_load %arg20[%get3A] {strides = array<i32>} : memref<10256xi32, #tpu.memory_space<vmem>>, vector<16xi32>,
      %jit3A_141 = arith.constant 8 : i32
      %div3A_142 = arith.divsi %scan3A_137, %jit3A_141 : i32
      %sign3A_143 = arith.constant 0 : i32
      %sign3A_144 = arith.cmpi sgt, %scan3A_137, %sign3A_143 : i32
      %sign3A_145 = arith.extui %sign3A_144 : i1 to i32
      %sign3A_146 = arith.constant 0 : i32
      %sign3A_147 = arith.cmpi slt, %scan3A_137, %sign3A_146 : i32
      %sign3A_148 = arith.extui %sign3A_147 : i1 to i32
      %sign3A_149 = arith.subi %sign3A_145, %sign3A_148 : i32
      %sign3A_150 = arith.constant 0 : i32
      %sign3A_151 = arith.cmpi sgt, %jit3A_141, %sign3A_150 : i32
      %sign3A_152 = arith.extui %sign3A_151 : i1 to i32
      %sign3A_153 = arith.constant 0 : i32
      %sign3A_154 = arith.cmpi slt, %jit3A_141, %sign3A_153 : i32
      %sign3A_155 = arith.extui %sign3A_154 : i1 to i32
      %sign3A_156 = arith.subi %sign3A_152, %sign3A_155 : i32
      %ne3A_157 = arith.cmpi ne, %sign3A_149, %sign3A_156 : i32
      %rem3A_158 = arith.remsi %scan3A_137, %jit3A_141 : i32
      %ne3A_159 = arith.constant 0 : i32
      %ne3A_160 = arith.cmpi ne, %rem3A_158, %ne3A_159 : i32
      %and3A_161 = arith.andi %ne3A_157, %ne3A_160 : i1
      %sub3A_162 = arith.constant 1 : i32
      %sub3A_163 = arith.subi %div3A_142, %sub3A_162 : i32
      %select_n3A_164 = arith.select %and3A_161, %sub3A_163, %div3A_142 : i32
      %jit3A_165 = arith.constant 8 : i32
      %eq3A = arith.constant 0 : i32
      %eq3A_166 = arith.cmpi eq, %jit3A_165, %eq3A : i32
      %jit3A_167 = arith.constant 1 : i32
      %select_n3A_168 = arith.select %eq3A_166, %jit3A_167, %jit3A_165 : i32
      %rem3A_169 = arith.remsi %scan3A_137, %select_n3A_168 : i32
      %ne3A_170 = arith.constant 0 : i32
      %ne3A_171 = arith.cmpi ne, %rem3A_169, %ne3A_170 : i32
      %lt3A = arith.constant 0 : i32
      %lt3A_172 = arith.cmpi slt, %rem3A_169, %lt3A : i32
      %lt3A_173 = arith.constant 0 : i32
      %lt3A_174 = arith.cmpi slt, %select_n3A_168, %lt3A_173 : i32
      %ne3A_175 = arith.xori %lt3A_172, %lt3A_174 : i1
      %and3A_176 = arith.andi %ne3A_175, %ne3A_171 : i1
      %add3A_177 = arith.addi %rem3A_169, %select_n3A_168 : i32
      %select_n3A_178 = arith.select %and3A_176, %add3A_177, %rem3A_169 : i32
      %mul3A_179 = arith.constant 16 : i32
      %mul3A_180 = arith.muli %select_n3A_178, %mul3A_179 : i32
      %swap3A_181 = arith.index_cast %select_n3A_164 : i32 to index
      %swap3A_182 = arith.index_cast %mul3A_180 : i32 to index
      %swap3A_183 = tpu.vector_load %arg21[%swap3A_181, %swap3A_182] {strides = array<i32>} : memref<80x128xi32, #tpu.memory_space<vmem>>, vector<16xi32>,
      tpu.vector_store %arg21[%swap3A_181, %swap3A_182], %get3A_140 {strides = array<i32>} : memref<80x128xi32, #tpu.memory_space<vmem>>, vector<16xi32>,
    }
    %scan3A_105 = arith.constant 640 : i32
    %run_scoped3A_106 = arith.constant 1 : i32
    "tpu.region"() ({
      %run_scoped3A_137 = tpu.sem_alloc : memref<!tpu.dma_semaphore, #tpu.memory_space<semaphore_mem>>
      %dma_start3A_138 = arith.constant 0 : i32
      %dma_start3A_139 = arith.constant 0 : i32
      %dma_start3A_140 = tpu.memref_slice %arg12[%run_scoped3A_106, %add3A, %dma_start3A_138, %dma_start3A_139] : memref<2x32x80x128xi32, #tpu.memory_space<hbm>> -> memref<1x1x80x128xi32, #tpu.memory_space<hbm>>
      %dma_start3A_141 = tpu.memref_squeeze %dma_start3A_140 : memref<1x1x80x128xi32, #tpu.memory_space<hbm>> -> memref<80x128xi32, #tpu.memory_space<hbm>>
      %dma_start3A_142 = arith.constant 0 : i32
      %dma_start3A_143 = arith.constant 0 : i32
      %dma_start3A_144 = tpu.memref_slice %arg12[%run_scoped3A_106, %add3A, %dma_start3A_142, %dma_start3A_143] : memref<2x32x80x128xi32, #tpu.memory_space<hbm>> -> memref<1x1x80x128xi32, #tpu.memory_space<hbm>>
      %dma_start3A_145 = tpu.memref_squeeze %dma_start3A_144 : memref<1x1x80x128xi32, #tpu.memory_space<hbm>> -> memref<80x128xi32, #tpu.memory_space<hbm>>
      tpu.enqueue_dma source(%arg21 : memref<80x128xi32, #tpu.memory_space<vmem>>) target(%dma_start3A_145 : memref<80x128xi32, #tpu.memory_space<hbm>>) target_semaphore(%run_scoped3A_137 : memref<!tpu.dma_semaphore, #tpu.memory_space<semaphore_mem>>)
      %dma_wait3A_146 = arith.constant 0 : i32
      %dma_wait3A_147 = arith.constant 0 : i32
      %dma_wait3A_148 = tpu.memref_slice %arg12[%run_scoped3A_106, %add3A, %dma_wait3A_146, %dma_wait3A_147] : memref<2x32x80x128xi32, #tpu.memory_space<hbm>> -> memref<1x1x80x128xi32, #tpu.memory_space<hbm>>
      %dma_wait3A_149 = tpu.memref_squeeze %dma_wait3A_148 : memref<1x1x80x128xi32, #tpu.memory_space<hbm>> -> memref<80x128xi32, #tpu.memory_space<hbm>>
      %dma_wait3A_150 = arith.constant 0 : i32
      %dma_wait3A_151 = arith.constant 0 : i32
      %dma_wait3A_152 = tpu.memref_slice %arg12[%run_scoped3A_106, %add3A, %dma_wait3A_150, %dma_wait3A_151] : memref<2x32x80x128xi32, #tpu.memory_space<hbm>> -> memref<1x1x80x128xi32, #tpu.memory_space<hbm>>
      %dma_wait3A_153 = tpu.memref_squeeze %dma_wait3A_152 : memref<1x1x80x128xi32, #tpu.memory_space<hbm>> -> memref<80x128xi32, #tpu.memory_space<hbm>>
      tpu.wait_dma2 semaphore(%run_scoped3A_137 : memref<!tpu.dma_semaphore, #tpu.memory_space<semaphore_mem>>) src(%arg21 : memref<80x128xi32, #tpu.memory_space<vmem>>) dst(%dma_wait3A_153 : memref<80x128xi32, #tpu.memory_space<hbm>>)
      tpu.yield
    }) : () -> ()
    %dma_wait3A = arith.constant 0 : i32
    %dma_wait3A_107 = arith.constant 0 : i32
    %dma_wait3A_108 = tpu.memref_slice %arg23[%dma_wait3A, %dma_wait3A_107] : memref<2x128xi32, #tpu.memory_space<vmem>> -> memref<1x128xi32, #tpu.memory_space<vmem>>
    %dma_wait3A_109 = tpu.memref_squeeze %dma_wait3A_108 : memref<1x128xi32, #tpu.memory_space<vmem>> -> memref<128xi32, #tpu.memory_space<vmem>>
    %dma_wait3A_110 = arith.constant 0 : i32
    %dma_wait3A_111 = arith.constant 0 : i32
    %dma_wait3A_112 = tpu.memref_slice %arg5[%dma_wait3A_110, %dma_wait3A_111] : memref<10000x128xf32, #tpu.memory_space<hbm>> -> memref<10000x128xf32, #tpu.memory_space<hbm>>
    tpu.wait_indirect_dma semaphore(%arg25 : memref<!tpu.dma_semaphore, #tpu.memory_space<semaphore_mem>>) src(%dma_wait3A_112 : memref<10000x128xf32, #tpu.memory_space<hbm>>) dst(%arg24 : memref<128x128xf32, #tpu.memory_space<vmem>>)
    %mul3A_113 = arith.constant 2 : i32
    %mul3A_114 = arith.muli %add3A, %mul3A_113 : i32
    %mul3A_115 = arith.constant 128 : i32
    %mul3A_116 = arith.muli %mul3A_114, %mul3A_115 : i32
    "tpu.region"() ({
      %run_scoped3A_137 = tpu.sem_alloc : memref<!tpu.dma_semaphore, #tpu.memory_space<semaphore_mem>>
      %dma_start3A_138 = arith.constant 0 : i32
      %dma_start3A_139 = tpu.memref_slice %arg10[%mul3A_116, %dma_start3A_138] : memref<8192x128xf32, #tpu.memory_space<hbm>> -> memref<128x128xf32, #tpu.memory_space<hbm>>
      %dma_start3A_140 = arith.constant 0 : i32
      %dma_start3A_141 = tpu.memref_slice %arg10[%mul3A_116, %dma_start3A_140] : memref<8192x128xf32, #tpu.memory_space<hbm>> -> memref<128x128xf32, #tpu.memory_space<hbm>>
      tpu.enqueue_dma source(%arg24 : memref<128x128xf32, #tpu.memory_space<vmem>>) target(%dma_start3A_141 : memref<128x128xf32, #tpu.memory_space<hbm>>) target_semaphore(%run_scoped3A_137 : memref<!tpu.dma_semaphore, #tpu.memory_space<semaphore_mem>>)
      %dma_wait3A_142 = arith.constant 0 : i32
      %dma_wait3A_143 = tpu.memref_slice %arg10[%mul3A_116, %dma_wait3A_142] : memref<8192x128xf32, #tpu.memory_space<hbm>> -> memref<128x128xf32, #tpu.memory_space<hbm>>
      %dma_wait3A_144 = arith.constant 0 : i32
      %dma_wait3A_145 = tpu.memref_slice %arg10[%mul3A_116, %dma_wait3A_144] : memref<8192x128xf32, #tpu.memory_space<hbm>> -> memref<128x128xf32, #tpu.memory_space<hbm>>
      tpu.wait_dma2 semaphore(%run_scoped3A_137 : memref<!tpu.dma_semaphore, #tpu.memory_space<semaphore_mem>>) src(%arg24 : memref<128x128xf32, #tpu.memory_space<vmem>>) dst(%dma_wait3A_145 : memref<128x128xf32, #tpu.memory_space<hbm>>)
      tpu.yield
    }) : () -> ()
    %dma_start3A_117 = arith.constant 1 : i32
    %dma_start3A_118 = arith.constant 0 : i32
    %dma_start3A_119 = tpu.memref_slice %arg23[%dma_start3A_117, %dma_start3A_118] : memref<2x128xi32, #tpu.memory_space<vmem>> -> memref<1x128xi32, #tpu.memory_space<vmem>>
    %dma_start3A_120 = tpu.memref_squeeze %dma_start3A_119 : memref<1x128xi32, #tpu.memory_space<vmem>> -> memref<128xi32, #tpu.memory_space<vmem>>
    %dma_start3A_121 = arith.constant 0 : i32
    %dma_start3A_122 = arith.constant 0 : i32
    %dma_start3A_123 = tpu.memref_slice %arg5[%dma_start3A_121, %dma_start3A_122] : memref<10000x128xf32, #tpu.memory_space<hbm>> -> memref<10000x128xf32, #tpu.memory_space<hbm>>
    tpu.enqueue_indirect_dma source(%dma_start3A_123 : memref<10000x128xf32, #tpu.memory_space<hbm>>) target(%arg24 : memref<128x128xf32, #tpu.memory_space<vmem>>) offsets(%dma_start3A_120 : memref<128xi32, #tpu.memory_space<vmem>>) semaphore(%arg25 : memref<!tpu.dma_semaphore, #tpu.memory_space<semaphore_mem>>)
    %dma_wait3A_124 = arith.constant 1 : i32
    %dma_wait3A_125 = arith.constant 0 : i32
    %dma_wait3A_126 = tpu.memref_slice %arg23[%dma_wait3A_124, %dma_wait3A_125] : memref<2x128xi32, #tpu.memory_space<vmem>> -> memref<1x128xi32, #tpu.memory_space<vmem>>
    %dma_wait3A_127 = tpu.memref_squeeze %dma_wait3A_126 : memref<1x128xi32, #tpu.memory_space<vmem>> -> memref<128xi32, #tpu.memory_space<vmem>>
    %dma_wait3A_128 = arith.constant 0 : i32
    %dma_wait3A_129 = arith.constant 0 : i32
    %dma_wait3A_130 = tpu.memref_slice %arg5[%dma_wait3A_128, %dma_wait3A_129] : memref<10000x128xf32, #tpu.memory_space<hbm>> -> memref<10000x128xf32, #tpu.memory_space<hbm>>
    tpu.wait_indirect_dma semaphore(%arg25 : memref<!tpu.dma_semaphore, #tpu.memory_space<semaphore_mem>>) src(%dma_wait3A_130 : memref<10000x128xf32, #tpu.memory_space<hbm>>) dst(%arg24 : memref<128x128xf32, #tpu.memory_space<vmem>>)
    %mul3A_131 = arith.constant 2 : i32
    %mul3A_132 = arith.muli %add3A, %mul3A_131 : i32
    %add3A_133 = arith.constant 1 : i32
    %add3A_134 = arith.addi %mul3A_132, %add3A_133 : i32
    %mul3A_135 = arith.constant 128 : i32
    %mul3A_136 = arith.muli %add3A_134, %mul3A_135 : i32
    "tpu.region"() ({
      %run_scoped3A_137 = tpu.sem_alloc : memref<!tpu.dma_semaphore, #tpu.memory_space<semaphore_mem>>
      %dma_start3A_138 = arith.constant 0 : i32
      %dma_start3A_139 = tpu.memref_slice %arg10[%mul3A_136, %dma_start3A_138] : memref<8192x128xf32, #tpu.memory_space<hbm>> -> memref<128x128xf32, #tpu.memory_space<hbm>>
      %dma_start3A_140 = arith.constant 0 : i32
      %dma_start3A_141 = tpu.memref_slice %arg10[%mul3A_136, %dma_start3A_140] : memref<8192x128xf32, #tpu.memory_space<hbm>> -> memref<128x128xf32, #tpu.memory_space<hbm>>
      tpu.enqueue_dma source(%arg24 : memref<128x128xf32, #tpu.memory_space<vmem>>) target(%dma_start3A_141 : memref<128x128xf32, #tpu.memory_space<hbm>>) target_semaphore(%run_scoped3A_137 : memref<!tpu.dma_semaphore, #tpu.memory_space<semaphore_mem>>)
      %dma_wait3A_142 = arith.constant 0 : i32
      %dma_wait3A_143 = tpu.memref_slice %arg10[%mul3A_136, %dma_wait3A_142] : memref<8192x128xf32, #tpu.memory_space<hbm>> -> memref<128x128xf32, #tpu.memory_space<hbm>>
      %dma_wait3A_144 = arith.constant 0 : i32
      %dma_wait3A_145 = tpu.memref_slice %arg10[%mul3A_136, %dma_wait3A_144] : memref<8192x128xf32, #tpu.memory_space<hbm>> -> memref<128x128xf32, #tpu.memory_space<hbm>>
      tpu.wait_dma2 semaphore(%run_scoped3A_137 : memref<!tpu.dma_semaphore, #tpu.memory_space<semaphore_mem>>) src(%arg24 : memref<128x128xf32, #tpu.memory_space<vmem>>) dst(%dma_wait3A_145 : memref<128x128xf32, #tpu.memory_space<hbm>>)
      tpu.yield
    }) : () -> ()
    return
  }
}

#map = affine_map<(d0, d1) -> (0, 0, 0, 0)>
#map1 = affine_map<(d0, d1) -> (0, 0)>
#map2 = affine_map<(d0, d1) -> (0, 0, 0)>
module attributes {stable_mosaic.version = 14 : i64} {
  func.func @_sc_agg(%arg0: i32, %arg1: i32, %arg2: memref<2x32x80x128xi32, #tpu.memory_space<hbm>>, %arg3: memref<2x32x80x128xi32, #tpu.memory_space<hbm>>, %arg4: memref<2x32x1x16xi32, #tpu.memory_space<hbm>>, %arg5: memref<10240x128xf32, #tpu.memory_space<hbm>>, %arg6: memref<2x5120x128xf32, #tpu.memory_space<hbm>>, %arg7: memref<80x128xi32, #tpu.memory_space<vmem>>, %arg8: memref<80x128xi32, #tpu.memory_space<vmem>>, %arg9: memref<16xi32, #tpu.memory_space<vmem>>, %arg10: memref<128x128xf32, #tpu.memory_space<vmem>>, %arg11: memref<128x128xf32, #tpu.memory_space<vmem>>, %arg12: memref<5128x128xf32, #tpu.memory_space<vmem_shared>>, %arg13: memref<!tpu.dma_semaphore, #tpu.memory_space<semaphore_mem>>, %arg14: memref<!tpu.dma_semaphore, #tpu.memory_space<semaphore_mem>>, %arg15: memref<!tpu.dma_semaphore, #tpu.memory_space<semaphore_mem>>, %arg16: memref<!tpu.dma_semaphore, #tpu.memory_space<semaphore_mem>>) attributes {dimension_semantics = [#tpu.dimension_semantics<core_parallel>, #tpu.dimension_semantics<subcore_parallel>], iteration_bounds = array<i64: 2, 16>, scalar_prefetch = 0 : i64, scratch_operands = 10 : i64, tpu.core_type = #tpu.core_type<sc_vector_subcore>, window_params = [{transform_indices = #map}, {transform_indices = #map}, {transform_indices = #map}, {transform_indices = #map1}, {transform_indices = #map2}]} {
    %mul3A = arith.constant 5120 : i32
    %mul3A_0 = arith.muli %arg0, %mul3A : i32
    %mul3A_1 = arith.constant 320 : i32
    %mul3A_2 = arith.muli %arg1, %mul3A_1 : i32
    %add3A = arith.addi %mul3A_0, %mul3A_2 : i32
    %mul3A_3 = arith.constant 320 : i32
    %mul3A_4 = arith.muli %arg1, %mul3A_3 : i32
    "tpu.region"() ({
      %run_scoped3A_162 = tpu.sem_alloc : memref<!tpu.dma_semaphore, #tpu.memory_space<semaphore_mem>>
      %dma_start3A_163 = arith.constant 0 : i32
      %dma_start3A_164 = tpu.memref_slice %arg12[%mul3A_4, %dma_start3A_163] : memref<5128x128xf32, #tpu.memory_space<vmem_shared>> -> memref<320x128xf32, #tpu.memory_space<vmem_shared>>
      %dma_start3A_165 = arith.constant 0 : i32
      %dma_start3A_166 = tpu.memref_slice %arg5[%add3A, %dma_start3A_165] : memref<10240x128xf32, #tpu.memory_space<hbm>> -> memref<320x128xf32, #tpu.memory_space<hbm>>
      tpu.enqueue_dma source(%dma_start3A_166 : memref<320x128xf32, #tpu.memory_space<hbm>>) target(%dma_start3A_164 : memref<320x128xf32, #tpu.memory_space<vmem_shared>>) target_semaphore(%run_scoped3A_162 : memref<!tpu.dma_semaphore, #tpu.memory_space<semaphore_mem>>)
      %dma_wait3A_167 = arith.constant 0 : i32
      %dma_wait3A_168 = tpu.memref_slice %arg12[%mul3A_4, %dma_wait3A_167] : memref<5128x128xf32, #tpu.memory_space<vmem_shared>> -> memref<320x128xf32, #tpu.memory_space<vmem_shared>>
      %dma_wait3A_169 = arith.constant 0 : i32
      %dma_wait3A_170 = tpu.memref_slice %arg5[%add3A, %dma_wait3A_169] : memref<10240x128xf32, #tpu.memory_space<hbm>> -> memref<320x128xf32, #tpu.memory_space<hbm>>
      tpu.wait_dma2 semaphore(%run_scoped3A_162 : memref<!tpu.dma_semaphore, #tpu.memory_space<semaphore_mem>>) src(%dma_wait3A_170 : memref<320x128xf32, #tpu.memory_space<hbm>>) dst(%dma_wait3A_168 : memref<320x128xf32, #tpu.memory_space<vmem_shared>>)
      tpu.yield
    }) : () -> ()
    %barrier3A = arith.constant 0 : index
    tpu.barrier barrier_id(%barrier3A)
    %add3A_5 = arith.constant 0 : i32
    %add3A_6 = arith.addi %add3A_5, %arg1 : i32
    "tpu.region"() ({
      %run_scoped3A_162 = tpu.sem_alloc : memref<!tpu.dma_semaphore, #tpu.memory_space<semaphore_mem>>
      %dma_start3A_163 = arith.constant 0 : i32
      %dma_start3A_164 = arith.constant 0 : i32
      %dma_start3A_165 = tpu.memref_slice %arg2[%arg0, %add3A_6, %dma_start3A_163, %dma_start3A_164] : memref<2x32x80x128xi32, #tpu.memory_space<hbm>> -> memref<1x1x80x128xi32, #tpu.memory_space<hbm>>
      %dma_start3A_166 = tpu.memref_squeeze %dma_start3A_165 : memref<1x1x80x128xi32, #tpu.memory_space<hbm>> -> memref<80x128xi32, #tpu.memory_space<hbm>>
      %dma_start3A_167 = arith.constant 0 : i32
      %dma_start3A_168 = arith.constant 0 : i32
      %dma_start3A_169 = tpu.memref_slice %arg2[%arg0, %add3A_6, %dma_start3A_167, %dma_start3A_168] : memref<2x32x80x128xi32, #tpu.memory_space<hbm>> -> memref<1x1x80x128xi32, #tpu.memory_space<hbm>>
      %dma_start3A_170 = tpu.memref_squeeze %dma_start3A_169 : memref<1x1x80x128xi32, #tpu.memory_space<hbm>> -> memref<80x128xi32, #tpu.memory_space<hbm>>
      tpu.enqueue_dma source(%dma_start3A_170 : memref<80x128xi32, #tpu.memory_space<hbm>>) target(%arg7 : memref<80x128xi32, #tpu.memory_space<vmem>>) target_semaphore(%run_scoped3A_162 : memref<!tpu.dma_semaphore, #tpu.memory_space<semaphore_mem>>)
      %dma_wait3A_171 = arith.constant 0 : i32
      %dma_wait3A_172 = arith.constant 0 : i32
      %dma_wait3A_173 = tpu.memref_slice %arg2[%arg0, %add3A_6, %dma_wait3A_171, %dma_wait3A_172] : memref<2x32x80x128xi32, #tpu.memory_space<hbm>> -> memref<1x1x80x128xi32, #tpu.memory_space<hbm>>
      %dma_wait3A_174 = tpu.memref_squeeze %dma_wait3A_173 : memref<1x1x80x128xi32, #tpu.memory_space<hbm>> -> memref<80x128xi32, #tpu.memory_space<hbm>>
      %dma_wait3A_175 = arith.constant 0 : i32
      %dma_wait3A_176 = arith.constant 0 : i32
      %dma_wait3A_177 = tpu.memref_slice %arg2[%arg0, %add3A_6, %dma_wait3A_175, %dma_wait3A_176] : memref<2x32x80x128xi32, #tpu.memory_space<hbm>> -> memref<1x1x80x128xi32, #tpu.memory_space<hbm>>
      %dma_wait3A_178 = tpu.memref_squeeze %dma_wait3A_177 : memref<1x1x80x128xi32, #tpu.memory_space<hbm>> -> memref<80x128xi32, #tpu.memory_space<hbm>>
      tpu.wait_dma2 semaphore(%run_scoped3A_162 : memref<!tpu.dma_semaphore, #tpu.memory_space<semaphore_mem>>) src(%dma_wait3A_178 : memref<80x128xi32, #tpu.memory_space<hbm>>) dst(%arg7 : memref<80x128xi32, #tpu.memory_space<vmem>>)
      tpu.yield
    }) : () -> ()
    "tpu.region"() ({
      %run_scoped3A_162 = tpu.sem_alloc : memref<!tpu.dma_semaphore, #tpu.memory_space<semaphore_mem>>
      %dma_start3A_163 = arith.constant 0 : i32
      %dma_start3A_164 = arith.constant 0 : i32
      %dma_start3A_165 = tpu.memref_slice %arg3[%arg0, %add3A_6, %dma_start3A_163, %dma_start3A_164] : memref<2x32x80x128xi32, #tpu.memory_space<hbm>> -> memref<1x1x80x128xi32, #tpu.memory_space<hbm>>
      %dma_start3A_166 = tpu.memref_squeeze %dma_start3A_165 : memref<1x1x80x128xi32, #tpu.memory_space<hbm>> -> memref<80x128xi32, #tpu.memory_space<hbm>>
      %dma_start3A_167 = arith.constant 0 : i32
      %dma_start3A_168 = arith.constant 0 : i32
      %dma_start3A_169 = tpu.memref_slice %arg3[%arg0, %add3A_6, %dma_start3A_167, %dma_start3A_168] : memref<2x32x80x128xi32, #tpu.memory_space<hbm>> -> memref<1x1x80x128xi32, #tpu.memory_space<hbm>>
      %dma_start3A_170 = tpu.memref_squeeze %dma_start3A_169 : memref<1x1x80x128xi32, #tpu.memory_space<hbm>> -> memref<80x128xi32, #tpu.memory_space<hbm>>
      tpu.enqueue_dma source(%dma_start3A_170 : memref<80x128xi32, #tpu.memory_space<hbm>>) target(%arg8 : memref<80x128xi32, #tpu.memory_space<vmem>>) target_semaphore(%run_scoped3A_162 : memref<!tpu.dma_semaphore, #tpu.memory_space<semaphore_mem>>)
      %dma_wait3A_171 = arith.constant 0 : i32
      %dma_wait3A_172 = arith.constant 0 : i32
      %dma_wait3A_173 = tpu.memref_slice %arg3[%arg0, %add3A_6, %dma_wait3A_171, %dma_wait3A_172] : memref<2x32x80x128xi32, #tpu.memory_space<hbm>> -> memref<1x1x80x128xi32, #tpu.memory_space<hbm>>
      %dma_wait3A_174 = tpu.memref_squeeze %dma_wait3A_173 : memref<1x1x80x128xi32, #tpu.memory_space<hbm>> -> memref<80x128xi32, #tpu.memory_space<hbm>>
      %dma_wait3A_175 = arith.constant 0 : i32
      %dma_wait3A_176 = arith.constant 0 : i32
      %dma_wait3A_177 = tpu.memref_slice %arg3[%arg0, %add3A_6, %dma_wait3A_175, %dma_wait3A_176] : memref<2x32x80x128xi32, #tpu.memory_space<hbm>> -> memref<1x1x80x128xi32, #tpu.memory_space<hbm>>
      %dma_wait3A_178 = tpu.memref_squeeze %dma_wait3A_177 : memref<1x1x80x128xi32, #tpu.memory_space<hbm>> -> memref<80x128xi32, #tpu.memory_space<hbm>>
      tpu.wait_dma2 semaphore(%run_scoped3A_162 : memref<!tpu.dma_semaphore, #tpu.memory_space<semaphore_mem>>) src(%dma_wait3A_178 : memref<80x128xi32, #tpu.memory_space<hbm>>) dst(%arg8 : memref<80x128xi32, #tpu.memory_space<vmem>>)
      tpu.yield
    }) : () -> ()
    %run_scoped3A = arith.constant 0 : i32
    "tpu.region"() ({
      %run_scoped3A_162 = tpu.sem_alloc : memref<!tpu.dma_semaphore, #tpu.memory_space<semaphore_mem>>
      %dma_start3A_163 = arith.constant 0 : i32
      %dma_start3A_164 = tpu.memref_slice %arg4[%arg0, %add3A_6, %run_scoped3A, %dma_start3A_163] : memref<2x32x1x16xi32, #tpu.memory_space<hbm>> -> memref<1x1x1x16xi32, #tpu.memory_space<hbm>>
      %dma_start3A_165 = tpu.memref_squeeze %dma_start3A_164 : memref<1x1x1x16xi32, #tpu.memory_space<hbm>> -> memref<16xi32, #tpu.memory_space<hbm>>
      %dma_start3A_166 = arith.constant 0 : i32
      %dma_start3A_167 = tpu.memref_slice %arg4[%arg0, %add3A_6, %run_scoped3A, %dma_start3A_166] : memref<2x32x1x16xi32, #tpu.memory_space<hbm>> -> memref<1x1x1x16xi32, #tpu.memory_space<hbm>>
      %dma_start3A_168 = tpu.memref_squeeze %dma_start3A_167 : memref<1x1x1x16xi32, #tpu.memory_space<hbm>> -> memref<16xi32, #tpu.memory_space<hbm>>
      tpu.enqueue_dma source(%dma_start3A_168 : memref<16xi32, #tpu.memory_space<hbm>>) target(%arg9 : memref<16xi32, #tpu.memory_space<vmem>>) target_semaphore(%run_scoped3A_162 : memref<!tpu.dma_semaphore, #tpu.memory_space<semaphore_mem>>)
      %dma_wait3A_169 = arith.constant 0 : i32
      %dma_wait3A_170 = tpu.memref_slice %arg4[%arg0, %add3A_6, %run_scoped3A, %dma_wait3A_169] : memref<2x32x1x16xi32, #tpu.memory_space<hbm>> -> memref<1x1x1x16xi32, #tpu.memory_space<hbm>>
      %dma_wait3A_171 = tpu.memref_squeeze %dma_wait3A_170 : memref<1x1x1x16xi32, #tpu.memory_space<hbm>> -> memref<16xi32, #tpu.memory_space<hbm>>
      %dma_wait3A_172 = arith.constant 0 : i32
      %dma_wait3A_173 = tpu.memref_slice %arg4[%arg0, %add3A_6, %run_scoped3A, %dma_wait3A_172] : memref<2x32x1x16xi32, #tpu.memory_space<hbm>> -> memref<1x1x1x16xi32, #tpu.memory_space<hbm>>
      %dma_wait3A_174 = tpu.memref_squeeze %dma_wait3A_173 : memref<1x1x1x16xi32, #tpu.memory_space<hbm>> -> memref<16xi32, #tpu.memory_space<hbm>>
      tpu.wait_dma2 semaphore(%run_scoped3A_162 : memref<!tpu.dma_semaphore, #tpu.memory_space<semaphore_mem>>) src(%dma_wait3A_174 : memref<16xi32, #tpu.memory_space<hbm>>) dst(%arg9 : memref<16xi32, #tpu.memory_space<vmem>>)
      tpu.yield
    }) : () -> ()
    %get3A = arith.constant 0 : index
    %get3A_7 = tpu.vector_load %arg9[%get3A] {strides = array<i32>} : memref<16xi32, #tpu.memory_space<vmem>>, vector<16xi32>,
    %get3A_8 = vector.shape_cast %get3A_7 : vector<16xi32> to vector<16xi32>
    %slice3A = vector.extract_strided_slice %get3A_8 {offsets = [0], sizes = [1], strides = [1]} : vector<16xi32> to vector<1xi32>
    %squeeze3A = vector.extract %slice3A[0] : i32 from vector<1xi32>
    %dma_start3A = arith.constant 0 : i32
    %dma_start3A_9 = arith.constant 0 : i32
    %dma_start3A_10 = tpu.memref_slice %arg7[%dma_start3A, %dma_start3A_9] : memref<80x128xi32, #tpu.memory_space<vmem>> -> memref<1x128xi32, #tpu.memory_space<vmem>>
    %dma_start3A_11 = tpu.memref_squeeze %dma_start3A_10 : memref<1x128xi32, #tpu.memory_space<vmem>> -> memref<128xi32, #tpu.memory_space<vmem>>
    %dma_start3A_12 = arith.constant 0 : i32
    %dma_start3A_13 = arith.constant 0 : i32
    %dma_start3A_14 = tpu.memref_slice %arg5[%dma_start3A_12, %dma_start3A_13] : memref<10240x128xf32, #tpu.memory_space<hbm>> -> memref<10240x128xf32, #tpu.memory_space<hbm>>
    tpu.enqueue_indirect_dma source(%dma_start3A_14 : memref<10240x128xf32, #tpu.memory_space<hbm>>) target(%arg10 : memref<128x128xf32, #tpu.memory_space<vmem>>) offsets(%dma_start3A_11 : memref<128xi32, #tpu.memory_space<vmem>>) semaphore(%arg13 : memref<!tpu.dma_semaphore, #tpu.memory_space<semaphore_mem>>)
    %dma_start3A_15 = arith.constant 1 : i32
    %dma_start3A_16 = arith.constant 0 : i32
    %dma_start3A_17 = tpu.memref_slice %arg7[%dma_start3A_15, %dma_start3A_16] : memref<80x128xi32, #tpu.memory_space<vmem>> -> memref<1x128xi32, #tpu.memory_space<vmem>>
    %dma_start3A_18 = tpu.memref_squeeze %dma_start3A_17 : memref<1x128xi32, #tpu.memory_space<vmem>> -> memref<128xi32, #tpu.memory_space<vmem>>
    %dma_start3A_19 = arith.constant 0 : i32
    %dma_start3A_20 = arith.constant 0 : i32
    %dma_start3A_21 = tpu.memref_slice %arg5[%dma_start3A_19, %dma_start3A_20] : memref<10240x128xf32, #tpu.memory_space<hbm>> -> memref<10240x128xf32, #tpu.memory_space<hbm>>
    tpu.enqueue_indirect_dma source(%dma_start3A_21 : memref<10240x128xf32, #tpu.memory_space<hbm>>) target(%arg11 : memref<128x128xf32, #tpu.memory_space<vmem>>) offsets(%dma_start3A_18 : memref<128xi32, #tpu.memory_space<vmem>>) semaphore(%arg14 : memref<!tpu.dma_semaphore, #tpu.memory_space<semaphore_mem>>)
    %sub3A = arith.constant 1 : i32
    %sub3A_22 = arith.subi %squeeze3A, %sub3A : i32
    %while3A = arith.constant 0 : i32
    %while3A_23 = arith.constant 0 : i32
    %while3A_24 = arith.subi %sub3A_22, %while3A_23 : i32
    %while3A_25 = arith.addi %while3A_23, %while3A_24 : i32
    %while3A_26 = arith.constant 1 : i32
    %while3A_27 = arith.divsi %while3A_24, %while3A_26 : i32
    %while3A_28 = arith.muli %while3A_27, %while3A_26 : i32
    %while3A_29 = arith.addi %while3A_23, %while3A_28 : i32
    %while3A_30 = arith.constant 1 : i32
    scf.for %while3A_162 = %while3A_23 to %while3A_29 step %while3A_30  : i32 {
      %mul3A_163 = arith.constant 2 : i32
      %mul3A_164 = arith.muli %while3A_162, %mul3A_163 : i32
      %dma_wait3A_165 = arith.constant 0 : i32
      %dma_wait3A_166 = tpu.memref_slice %arg7[%mul3A_164, %dma_wait3A_165] : memref<80x128xi32, #tpu.memory_space<vmem>> -> memref<1x128xi32, #tpu.memory_space<vmem>>
      %dma_wait3A_167 = tpu.memref_squeeze %dma_wait3A_166 : memref<1x128xi32, #tpu.memory_space<vmem>> -> memref<128xi32, #tpu.memory_space<vmem>>
      %dma_wait3A_168 = arith.constant 0 : i32
      %dma_wait3A_169 = arith.constant 0 : i32
      %dma_wait3A_170 = tpu.memref_slice %arg5[%dma_wait3A_168, %dma_wait3A_169] : memref<10240x128xf32, #tpu.memory_space<hbm>> -> memref<10240x128xf32, #tpu.memory_space<hbm>>
      tpu.wait_indirect_dma semaphore(%arg13 : memref<!tpu.dma_semaphore, #tpu.memory_space<semaphore_mem>>) src(%dma_wait3A_170 : memref<10240x128xf32, #tpu.memory_space<hbm>>) dst(%arg10 : memref<128x128xf32, #tpu.memory_space<vmem>>)
      %dma_start3A_171 = arith.constant 0 : i32
      %dma_start3A_172 = tpu.memref_slice %arg8[%mul3A_164, %dma_start3A_171] : memref<80x128xi32, #tpu.memory_space<vmem>> -> memref<1x128xi32, #tpu.memory_space<vmem>>
      %dma_start3A_173 = tpu.memref_squeeze %dma_start3A_172 : memref<1x128xi32, #tpu.memory_space<vmem>> -> memref<128xi32, #tpu.memory_space<vmem>>
      %dma_start3A_174 = arith.constant 0 : i32
      %dma_start3A_175 = arith.constant 0 : i32
      %dma_start3A_176 = tpu.memref_slice %arg12[%dma_start3A_174, %dma_start3A_175] : memref<5128x128xf32, #tpu.memory_space<vmem_shared>> -> memref<5128x128xf32, #tpu.memory_space<vmem_shared>>
      tpu.enqueue_indirect_dma source(%arg10 : memref<128x128xf32, #tpu.memory_space<vmem>>) target(%dma_start3A_176 : memref<5128x128xf32, #tpu.memory_space<vmem_shared>>) offsets(%dma_start3A_173 : memref<128xi32, #tpu.memory_space<vmem>>) semaphore(%arg15 : memref<!tpu.dma_semaphore, #tpu.memory_space<semaphore_mem>>) {add = true}
      %add3A_177 = arith.constant 1 : i32
      %add3A_178 = arith.addi %mul3A_164, %add3A_177 : i32
      %dma_wait3A_179 = arith.constant 0 : i32
      %dma_wait3A_180 = tpu.memref_slice %arg7[%add3A_178, %dma_wait3A_179] : memref<80x128xi32, #tpu.memory_space<vmem>> -> memref<1x128xi32, #tpu.memory_space<vmem>>
      %dma_wait3A_181 = tpu.memref_squeeze %dma_wait3A_180 : memref<1x128xi32, #tpu.memory_space<vmem>> -> memref<128xi32, #tpu.memory_space<vmem>>
      %dma_wait3A_182 = arith.constant 0 : i32
      %dma_wait3A_183 = arith.constant 0 : i32
      %dma_wait3A_184 = tpu.memref_slice %arg5[%dma_wait3A_182, %dma_wait3A_183] : memref<10240x128xf32, #tpu.memory_space<hbm>> -> memref<10240x128xf32, #tpu.memory_space<hbm>>
      tpu.wait_indirect_dma semaphore(%arg14 : memref<!tpu.dma_semaphore, #tpu.memory_space<semaphore_mem>>) src(%dma_wait3A_184 : memref<10240x128xf32, #tpu.memory_space<hbm>>) dst(%arg11 : memref<128x128xf32, #tpu.memory_space<vmem>>)
      %add3A_185 = arith.constant 1 : i32
      %add3A_186 = arith.addi %mul3A_164, %add3A_185 : i32
      %dma_start3A_187 = arith.constant 0 : i32
      %dma_start3A_188 = tpu.memref_slice %arg8[%add3A_186, %dma_start3A_187] : memref<80x128xi32, #tpu.memory_space<vmem>> -> memref<1x128xi32, #tpu.memory_space<vmem>>
      %dma_start3A_189 = tpu.memref_squeeze %dma_start3A_188 : memref<1x128xi32, #tpu.memory_space<vmem>> -> memref<128xi32, #tpu.memory_space<vmem>>
      %dma_start3A_190 = arith.constant 0 : i32
      %dma_start3A_191 = arith.constant 0 : i32
      %dma_start3A_192 = tpu.memref_slice %arg12[%dma_start3A_190, %dma_start3A_191] : memref<5128x128xf32, #tpu.memory_space<vmem_shared>> -> memref<5128x128xf32, #tpu.memory_space<vmem_shared>>
      tpu.enqueue_indirect_dma source(%arg11 : memref<128x128xf32, #tpu.memory_space<vmem>>) target(%dma_start3A_192 : memref<5128x128xf32, #tpu.memory_space<vmem_shared>>) offsets(%dma_start3A_189 : memref<128xi32, #tpu.memory_space<vmem>>) semaphore(%arg16 : memref<!tpu.dma_semaphore, #tpu.memory_space<semaphore_mem>>) {add = true}
      %dma_wait3A_193 = arith.constant 0 : i32
      %dma_wait3A_194 = tpu.memref_slice %arg8[%mul3A_164, %dma_wait3A_193] : memref<80x128xi32, #tpu.memory_space<vmem>> -> memref<1x128xi32, #tpu.memory_space<vmem>>
      %dma_wait3A_195 = tpu.memref_squeeze %dma_wait3A_194 : memref<1x128xi32, #tpu.memory_space<vmem>> -> memref<128xi32, #tpu.memory_space<vmem>>
      %dma_wait3A_196 = arith.constant 0 : i32
      %dma_wait3A_197 = arith.constant 0 : i32
      %dma_wait3A_198 = tpu.memref_slice %arg12[%dma_wait3A_196, %dma_wait3A_197] : memref<5128x128xf32, #tpu.memory_space<vmem_shared>> -> memref<5128x128xf32, #tpu.memory_space<vmem_shared>>
      tpu.wait_indirect_dma semaphore(%arg15 : memref<!tpu.dma_semaphore, #tpu.memory_space<semaphore_mem>>) src(%arg10 : memref<128x128xf32, #tpu.memory_space<vmem>>) dst(%dma_wait3A_198 : memref<5128x128xf32, #tpu.memory_space<vmem_shared>>)
      %add3A_199 = arith.constant 2 : i32
      %add3A_200 = arith.addi %mul3A_164, %add3A_199 : i32
      %dma_start3A_201 = arith.constant 0 : i32
      %dma_start3A_202 = tpu.memref_slice %arg7[%add3A_200, %dma_start3A_201] : memref<80x128xi32, #tpu.memory_space<vmem>> -> memref<1x128xi32, #tpu.memory_space<vmem>>
      %dma_start3A_203 = tpu.memref_squeeze %dma_start3A_202 : memref<1x128xi32, #tpu.memory_space<vmem>> -> memref<128xi32, #tpu.memory_space<vmem>>
      %dma_start3A_204 = arith.constant 0 : i32
      %dma_start3A_205 = arith.constant 0 : i32
      %dma_start3A_206 = tpu.memref_slice %arg5[%dma_start3A_204, %dma_start3A_205] : memref<10240x128xf32, #tpu.memory_space<hbm>> -> memref<10240x128xf32, #tpu.memory_space<hbm>>
      tpu.enqueue_indirect_dma source(%dma_start3A_206 : memref<10240x128xf32, #tpu.memory_space<hbm>>) target(%arg10 : memref<128x128xf32, #tpu.memory_space<vmem>>) offsets(%dma_start3A_203 : memref<128xi32, #tpu.memory_space<vmem>>) semaphore(%arg13 : memref<!tpu.dma_semaphore, #tpu.memory_space<semaphore_mem>>)
      %add3A_207 = arith.constant 1 : i32
      %add3A_208 = arith.addi %mul3A_164, %add3A_207 : i32
      %dma_wait3A_209 = arith.constant 0 : i32
      %dma_wait3A_210 = tpu.memref_slice %arg8[%add3A_208, %dma_wait3A_209] : memref<80x128xi32, #tpu.memory_space<vmem>> -> memref<1x128xi32, #tpu.memory_space<vmem>>
      %dma_wait3A_211 = tpu.memref_squeeze %dma_wait3A_210 : memref<1x128xi32, #tpu.memory_space<vmem>> -> memref<128xi32, #tpu.memory_space<vmem>>
      %dma_wait3A_212 = arith.constant 0 : i32
      %dma_wait3A_213 = arith.constant 0 : i32
      %dma_wait3A_214 = tpu.memref_slice %arg12[%dma_wait3A_212, %dma_wait3A_213] : memref<5128x128xf32, #tpu.memory_space<vmem_shared>> -> memref<5128x128xf32, #tpu.memory_space<vmem_shared>>
      tpu.wait_indirect_dma semaphore(%arg16 : memref<!tpu.dma_semaphore, #tpu.memory_space<semaphore_mem>>) src(%arg11 : memref<128x128xf32, #tpu.memory_space<vmem>>) dst(%dma_wait3A_214 : memref<5128x128xf32, #tpu.memory_space<vmem_shared>>)
      %add3A_215 = arith.constant 3 : i32
      %add3A_216 = arith.addi %mul3A_164, %add3A_215 : i32
      %dma_start3A_217 = arith.constant 0 : i32
      %dma_start3A_218 = tpu.memref_slice %arg7[%add3A_216, %dma_start3A_217] : memref<80x128xi32, #tpu.memory_space<vmem>> -> memref<1x128xi32, #tpu.memory_space<vmem>>
      %dma_start3A_219 = tpu.memref_squeeze %dma_start3A_218 : memref<1x128xi32, #tpu.memory_space<vmem>> -> memref<128xi32, #tpu.memory_space<vmem>>
      %dma_start3A_220 = arith.constant 0 : i32
      %dma_start3A_221 = arith.constant 0 : i32
      %dma_start3A_222 = tpu.memref_slice %arg5[%dma_start3A_220, %dma_start3A_221] : memref<10240x128xf32, #tpu.memory_space<hbm>> -> memref<10240x128xf32, #tpu.memory_space<hbm>>
      tpu.enqueue_indirect_dma source(%dma_start3A_222 : memref<10240x128xf32, #tpu.memory_space<hbm>>) target(%arg11 : memref<128x128xf32, #tpu.memory_space<vmem>>) offsets(%dma_start3A_219 : memref<128xi32, #tpu.memory_space<vmem>>) semaphore(%arg14 : memref<!tpu.dma_semaphore, #tpu.memory_space<semaphore_mem>>)
    }
    %while3A_31 = arith.constant 1 : i32
    scf.for %while3A_162 = %while3A_29 to %while3A_25 step %while3A_31  : i32 {
      %mul3A_163 = arith.constant 2 : i32
      %mul3A_164 = arith.muli %while3A_162, %mul3A_163 : i32
      %dma_wait3A_165 = arith.constant 0 : i32
      %dma_wait3A_166 = tpu.memref_slice %arg7[%mul3A_164, %dma_wait3A_165] : memref<80x128xi32, #tpu.memory_space<vmem>> -> memref<1x128xi32, #tpu.memory_space<vmem>>
      %dma_wait3A_167 = tpu.memref_squeeze %dma_wait3A_166 : memref<1x128xi32, #tpu.memory_space<vmem>> -> memref<128xi32, #tpu.memory_space<vmem>>
      %dma_wait3A_168 = arith.constant 0 : i32
      %dma_wait3A_169 = arith.constant 0 : i32
      %dma_wait3A_170 = tpu.memref_slice %arg5[%dma_wait3A_168, %dma_wait3A_169] : memref<10240x128xf32, #tpu.memory_space<hbm>> -> memref<10240x128xf32, #tpu.memory_space<hbm>>
      tpu.wait_indirect_dma semaphore(%arg13 : memref<!tpu.dma_semaphore, #tpu.memory_space<semaphore_mem>>) src(%dma_wait3A_170 : memref<10240x128xf32, #tpu.memory_space<hbm>>) dst(%arg10 : memref<128x128xf32, #tpu.memory_space<vmem>>)
      %dma_start3A_171 = arith.constant 0 : i32
      %dma_start3A_172 = tpu.memref_slice %arg8[%mul3A_164, %dma_start3A_171] : memref<80x128xi32, #tpu.memory_space<vmem>> -> memref<1x128xi32, #tpu.memory_space<vmem>>
      %dma_start3A_173 = tpu.memref_squeeze %dma_start3A_172 : memref<1x128xi32, #tpu.memory_space<vmem>> -> memref<128xi32, #tpu.memory_space<vmem>>
      %dma_start3A_174 = arith.constant 0 : i32
      %dma_start3A_175 = arith.constant 0 : i32
      %dma_start3A_176 = tpu.memref_slice %arg12[%dma_start3A_174, %dma_start3A_175] : memref<5128x128xf32, #tpu.memory_space<vmem_shared>> -> memref<5128x128xf32, #tpu.memory_space<vmem_shared>>
      tpu.enqueue_indirect_dma source(%arg10 : memref<128x128xf32, #tpu.memory_space<vmem>>) target(%dma_start3A_176 : memref<5128x128xf32, #tpu.memory_space<vmem_shared>>) offsets(%dma_start3A_173 : memref<128xi32, #tpu.memory_space<vmem>>) semaphore(%arg15 : memref<!tpu.dma_semaphore, #tpu.memory_space<semaphore_mem>>) {add = true}
      %add3A_177 = arith.constant 1 : i32
      %add3A_178 = arith.addi %mul3A_164, %add3A_177 : i32
      %dma_wait3A_179 = arith.constant 0 : i32
      %dma_wait3A_180 = tpu.memref_slice %arg7[%add3A_178, %dma_wait3A_179] : memref<80x128xi32, #tpu.memory_space<vmem>> -> memref<1x128xi32, #tpu.memory_space<vmem>>
      %dma_wait3A_181 = tpu.memref_squeeze %dma_wait3A_180 : memref<1x128xi32, #tpu.memory_space<vmem>> -> memref<128xi32, #tpu.memory_space<vmem>>
      %dma_wait3A_182 = arith.constant 0 : i32
      %dma_wait3A_183 = arith.constant 0 : i32
      %dma_wait3A_184 = tpu.memref_slice %arg5[%dma_wait3A_182, %dma_wait3A_183] : memref<10240x128xf32, #tpu.memory_space<hbm>> -> memref<10240x128xf32, #tpu.memory_space<hbm>>
      tpu.wait_indirect_dma semaphore(%arg14 : memref<!tpu.dma_semaphore, #tpu.memory_space<semaphore_mem>>) src(%dma_wait3A_184 : memref<10240x128xf32, #tpu.memory_space<hbm>>) dst(%arg11 : memref<128x128xf32, #tpu.memory_space<vmem>>)
      %add3A_185 = arith.constant 1 : i32
      %add3A_186 = arith.addi %mul3A_164, %add3A_185 : i32
      %dma_start3A_187 = arith.constant 0 : i32
      %dma_start3A_188 = tpu.memref_slice %arg8[%add3A_186, %dma_start3A_187] : memref<80x128xi32, #tpu.memory_space<vmem>> -> memref<1x128xi32, #tpu.memory_space<vmem>>
      %dma_start3A_189 = tpu.memref_squeeze %dma_start3A_188 : memref<1x128xi32, #tpu.memory_space<vmem>> -> memref<128xi32, #tpu.memory_space<vmem>>
      %dma_start3A_190 = arith.constant 0 : i32
      %dma_start3A_191 = arith.constant 0 : i32
      %dma_start3A_192 = tpu.memref_slice %arg12[%dma_start3A_190, %dma_start3A_191] : memref<5128x128xf32, #tpu.memory_space<vmem_shared>> -> memref<5128x128xf32, #tpu.memory_space<vmem_shared>>
      tpu.enqueue_indirect_dma source(%arg11 : memref<128x128xf32, #tpu.memory_space<vmem>>) target(%dma_start3A_192 : memref<5128x128xf32, #tpu.memory_space<vmem_shared>>) offsets(%dma_start3A_189 : memref<128xi32, #tpu.memory_space<vmem>>) semaphore(%arg16 : memref<!tpu.dma_semaphore, #tpu.memory_space<semaphore_mem>>) {add = true}
      %dma_wait3A_193 = arith.constant 0 : i32
      %dma_wait3A_194 = tpu.memref_slice %arg8[%mul3A_164, %dma_wait3A_193] : memref<80x128xi32, #tpu.memory_space<vmem>> -> memref<1x128xi32, #tpu.memory_space<vmem>>
      %dma_wait3A_195 = tpu.memref_squeeze %dma_wait3A_194 : memref<1x128xi32, #tpu.memory_space<vmem>> -> memref<128xi32, #tpu.memory_space<vmem>>
      %dma_wait3A_196 = arith.constant 0 : i32
      %dma_wait3A_197 = arith.constant 0 : i32
      %dma_wait3A_198 = tpu.memref_slice %arg12[%dma_wait3A_196, %dma_wait3A_197] : memref<5128x128xf32, #tpu.memory_space<vmem_shared>> -> memref<5128x128xf32, #tpu.memory_space<vmem_shared>>
      tpu.wait_indirect_dma semaphore(%arg15 : memref<!tpu.dma_semaphore, #tpu.memory_space<semaphore_mem>>) src(%arg10 : memref<128x128xf32, #tpu.memory_space<vmem>>) dst(%dma_wait3A_198 : memref<5128x128xf32, #tpu.memory_space<vmem_shared>>)
      %add3A_199 = arith.constant 2 : i32
      %add3A_200 = arith.addi %mul3A_164, %add3A_199 : i32
      %dma_start3A_201 = arith.constant 0 : i32
      %dma_start3A_202 = tpu.memref_slice %arg7[%add3A_200, %dma_start3A_201] : memref<80x128xi32, #tpu.memory_space<vmem>> -> memref<1x128xi32, #tpu.memory_space<vmem>>
      %dma_start3A_203 = tpu.memref_squeeze %dma_start3A_202 : memref<1x128xi32, #tpu.memory_space<vmem>> -> memref<128xi32, #tpu.memory_space<vmem>>
      %dma_start3A_204 = arith.constant 0 : i32
      %dma_start3A_205 = arith.constant 0 : i32
      %dma_start3A_206 = tpu.memref_slice %arg5[%dma_start3A_204, %dma_start3A_205] : memref<10240x128xf32, #tpu.memory_space<hbm>> -> memref<10240x128xf32, #tpu.memory_space<hbm>>
      tpu.enqueue_indirect_dma source(%dma_start3A_206 : memref<10240x128xf32, #tpu.memory_space<hbm>>) target(%arg10 : memref<128x128xf32, #tpu.memory_space<vmem>>) offsets(%dma_start3A_203 : memref<128xi32, #tpu.memory_space<vmem>>) semaphore(%arg13 : memref<!tpu.dma_semaphore, #tpu.memory_space<semaphore_mem>>)
      %add3A_207 = arith.constant 1 : i32
      %add3A_208 = arith.addi %mul3A_164, %add3A_207 : i32
      %dma_wait3A_209 = arith.constant 0 : i32
      %dma_wait3A_210 = tpu.memref_slice %arg8[%add3A_208, %dma_wait3A_209] : memref<80x128xi32, #tpu.memory_space<vmem>> -> memref<1x128xi32, #tpu.memory_space<vmem>>
      %dma_wait3A_211 = tpu.memref_squeeze %dma_wait3A_210 : memref<1x128xi32, #tpu.memory_space<vmem>> -> memref<128xi32, #tpu.memory_space<vmem>>
      %dma_wait3A_212 = arith.constant 0 : i32
      %dma_wait3A_213 = arith.constant 0 : i32
      %dma_wait3A_214 = tpu.memref_slice %arg12[%dma_wait3A_212, %dma_wait3A_213] : memref<5128x128xf32, #tpu.memory_space<vmem_shared>> -> memref<5128x128xf32, #tpu.memory_space<vmem_shared>>
      tpu.wait_indirect_dma semaphore(%arg16 : memref<!tpu.dma_semaphore, #tpu.memory_space<semaphore_mem>>) src(%arg11 : memref<128x128xf32, #tpu.memory_space<vmem>>) dst(%dma_wait3A_214 : memref<5128x128xf32, #tpu.memory_space<vmem_shared>>)
      %add3A_215 = arith.constant 3 : i32
      %add3A_216 = arith.addi %mul3A_164, %add3A_215 : i32
      %dma_start3A_217 = arith.constant 0 : i32
      %dma_start3A_218 = tpu.memref_slice %arg7[%add3A_216, %dma_start3A_217] : memref<80x128xi32, #tpu.memory_space<vmem>> -> memref<1x128xi32, #tpu.memory_space<vmem>>
      %dma_start3A_219 = tpu.memref_squeeze %dma_start3A_218 : memref<1x128xi32, #tpu.memory_space<vmem>> -> memref<128xi32, #tpu.memory_space<vmem>>
      %dma_start3A_220 = arith.constant 0 : i32
      %dma_start3A_221 = arith.constant 0 : i32
      %dma_start3A_222 = tpu.memref_slice %arg5[%dma_start3A_220, %dma_start3A_221] : memref<10240x128xf32, #tpu.memory_space<hbm>> -> memref<10240x128xf32, #tpu.memory_space<hbm>>
      tpu.enqueue_indirect_dma source(%dma_start3A_222 : memref<10240x128xf32, #tpu.memory_space<hbm>>) target(%arg11 : memref<128x128xf32, #tpu.memory_space<vmem>>) offsets(%dma_start3A_219 : memref<128xi32, #tpu.memory_space<vmem>>) semaphore(%arg14 : memref<!tpu.dma_semaphore, #tpu.memory_space<semaphore_mem>>)
    }
    %sub3A_32 = arith.constant 1 : i32
    %sub3A_33 = arith.subi %squeeze3A, %sub3A_32 : i32
    %mul3A_34 = arith.constant 2 : i32
    %mul3A_35 = arith.muli %sub3A_33, %mul3A_34 : i32
    %dma_wait3A = arith.constant 0 : i32
    %dma_wait3A_36 = tpu.memref_slice %arg7[%mul3A_35, %dma_wait3A] : memref<80x128xi32, #tpu.memory_space<vmem>> -> memref<1x128xi32, #tpu.memory_space<vmem>>
    %dma_wait3A_37 = tpu.memref_squeeze %dma_wait3A_36 : memref<1x128xi32, #tpu.memory_space<vmem>> -> memref<128xi32, #tpu.memory_space<vmem>>
    %dma_wait3A_38 = arith.constant 0 : i32
    %dma_wait3A_39 = arith.constant 0 : i32
    %dma_wait3A_40 = tpu.memref_slice %arg5[%dma_wait3A_38, %dma_wait3A_39] : memref<10240x128xf32, #tpu.memory_space<hbm>> -> memref<10240x128xf32, #tpu.memory_space<hbm>>
    tpu.wait_indirect_dma semaphore(%arg13 : memref<!tpu.dma_semaphore, #tpu.memory_space<semaphore_mem>>) src(%dma_wait3A_40 : memref<10240x128xf32, #tpu.memory_space<hbm>>) dst(%arg10 : memref<128x128xf32, #tpu.memory_space<vmem>>)
    %dma_start3A_41 = arith.constant 0 : i32
    %dma_start3A_42 = tpu.memref_slice %arg8[%mul3A_35, %dma_start3A_41] : memref<80x128xi32, #tpu.memory_space<vmem>> -> memref<1x128xi32, #tpu.memory_space<vmem>>
    %dma_start3A_43 = tpu.memref_squeeze %dma_start3A_42 : memref<1x128xi32, #tpu.memory_space<vmem>> -> memref<128xi32, #tpu.memory_space<vmem>>
    %dma_start3A_44 = arith.constant 0 : i32
    %dma_start3A_45 = arith.constant 0 : i32
    %dma_start3A_46 = tpu.memref_slice %arg12[%dma_start3A_44, %dma_start3A_45] : memref<5128x128xf32, #tpu.memory_space<vmem_shared>> -> memref<5128x128xf32, #tpu.memory_space<vmem_shared>>
    tpu.enqueue_indirect_dma source(%arg10 : memref<128x128xf32, #tpu.memory_space<vmem>>) target(%dma_start3A_46 : memref<5128x128xf32, #tpu.memory_space<vmem_shared>>) offsets(%dma_start3A_43 : memref<128xi32, #tpu.memory_space<vmem>>) semaphore(%arg15 : memref<!tpu.dma_semaphore, #tpu.memory_space<semaphore_mem>>) {add = true}
    %add3A_47 = arith.constant 1 : i32
    %add3A_48 = arith.addi %mul3A_35, %add3A_47 : i32
    %dma_wait3A_49 = arith.constant 0 : i32
    %dma_wait3A_50 = tpu.memref_slice %arg7[%add3A_48, %dma_wait3A_49] : memref<80x128xi32, #tpu.memory_space<vmem>> -> memref<1x128xi32, #tpu.memory_space<vmem>>
    %dma_wait3A_51 = tpu.memref_squeeze %dma_wait3A_50 : memref<1x128xi32, #tpu.memory_space<vmem>> -> memref<128xi32, #tpu.memory_space<vmem>>
    %dma_wait3A_52 = arith.constant 0 : i32
    %dma_wait3A_53 = arith.constant 0 : i32
    %dma_wait3A_54 = tpu.memref_slice %arg5[%dma_wait3A_52, %dma_wait3A_53] : memref<10240x128xf32, #tpu.memory_space<hbm>> -> memref<10240x128xf32, #tpu.memory_space<hbm>>
    tpu.wait_indirect_dma semaphore(%arg14 : memref<!tpu.dma_semaphore, #tpu.memory_space<semaphore_mem>>) src(%dma_wait3A_54 : memref<10240x128xf32, #tpu.memory_space<hbm>>) dst(%arg11 : memref<128x128xf32, #tpu.memory_space<vmem>>)
    %add3A_55 = arith.constant 1 : i32
    %add3A_56 = arith.addi %mul3A_35, %add3A_55 : i32
    %dma_start3A_57 = arith.constant 0 : i32
    %dma_start3A_58 = tpu.memref_slice %arg8[%add3A_56, %dma_start3A_57] : memref<80x128xi32, #tpu.memory_space<vmem>> -> memref<1x128xi32, #tpu.memory_space<vmem>>
    %dma_start3A_59 = tpu.memref_squeeze %dma_start3A_58 : memref<1x128xi32, #tpu.memory_space<vmem>> -> memref<128xi32, #tpu.memory_space<vmem>>
    %dma_start3A_60 = arith.constant 0 : i32
    %dma_start3A_61 = arith.constant 0 : i32
    %dma_start3A_62 = tpu.memref_slice %arg12[%dma_start3A_60, %dma_start3A_61] : memref<5128x128xf32, #tpu.memory_space<vmem_shared>> -> memref<5128x128xf32, #tpu.memory_space<vmem_shared>>
    tpu.enqueue_indirect_dma source(%arg11 : memref<128x128xf32, #tpu.memory_space<vmem>>) target(%dma_start3A_62 : memref<5128x128xf32, #tpu.memory_space<vmem_shared>>) offsets(%dma_start3A_59 : memref<128xi32, #tpu.memory_space<vmem>>) semaphore(%arg16 : memref<!tpu.dma_semaphore, #tpu.memory_space<semaphore_mem>>) {add = true}
    %dma_wait3A_63 = arith.constant 0 : i32
    %dma_wait3A_64 = tpu.memref_slice %arg8[%mul3A_35, %dma_wait3A_63] : memref<80x128xi32, #tpu.memory_space<vmem>> -> memref<1x128xi32, #tpu.memory_space<vmem>>
    %dma_wait3A_65 = tpu.memref_squeeze %dma_wait3A_64 : memref<1x128xi32, #tpu.memory_space<vmem>> -> memref<128xi32, #tpu.memory_space<vmem>>
    %dma_wait3A_66 = arith.constant 0 : i32
    %dma_wait3A_67 = arith.constant 0 : i32
    %dma_wait3A_68 = tpu.memref_slice %arg12[%dma_wait3A_66, %dma_wait3A_67] : memref<5128x128xf32, #tpu.memory_space<vmem_shared>> -> memref<5128x128xf32, #tpu.memory_space<vmem_shared>>
    tpu.wait_indirect_dma semaphore(%arg15 : memref<!tpu.dma_semaphore, #tpu.memory_space<semaphore_mem>>) src(%arg10 : memref<128x128xf32, #tpu.memory_space<vmem>>) dst(%dma_wait3A_68 : memref<5128x128xf32, #tpu.memory_space<vmem_shared>>)
    %add3A_69 = arith.constant 1 : i32
    %add3A_70 = arith.addi %mul3A_35, %add3A_69 : i32
    %dma_wait3A_71 = arith.constant 0 : i32
    %dma_wait3A_72 = tpu.memref_slice %arg8[%add3A_70, %dma_wait3A_71] : memref<80x128xi32, #tpu.memory_space<vmem>> -> memref<1x128xi32, #tpu.memory_space<vmem>>
    %dma_wait3A_73 = tpu.memref_squeeze %dma_wait3A_72 : memref<1x128xi32, #tpu.memory_space<vmem>> -> memref<128xi32, #tpu.memory_space<vmem>>
    %dma_wait3A_74 = arith.constant 0 : i32
    %dma_wait3A_75 = arith.constant 0 : i32
    %dma_wait3A_76 = tpu.memref_slice %arg12[%dma_wait3A_74, %dma_wait3A_75] : memref<5128x128xf32, #tpu.memory_space<vmem_shared>> -> memref<5128x128xf32, #tpu.memory_space<vmem_shared>>
    tpu.wait_indirect_dma semaphore(%arg16 : memref<!tpu.dma_semaphore, #tpu.memory_space<semaphore_mem>>) src(%arg11 : memref<128x128xf32, #tpu.memory_space<vmem>>) dst(%dma_wait3A_76 : memref<5128x128xf32, #tpu.memory_space<vmem_shared>>)
    %add3A_77 = arith.constant 16 : i32
    %add3A_78 = arith.addi %add3A_77, %arg1 : i32
    "tpu.region"() ({
      %run_scoped3A_162 = tpu.sem_alloc : memref<!tpu.dma_semaphore, #tpu.memory_space<semaphore_mem>>
      %dma_start3A_163 = arith.constant 0 : i32
      %dma_start3A_164 = arith.constant 0 : i32
      %dma_start3A_165 = tpu.memref_slice %arg2[%arg0, %add3A_78, %dma_start3A_163, %dma_start3A_164] : memref<2x32x80x128xi32, #tpu.memory_space<hbm>> -> memref<1x1x80x128xi32, #tpu.memory_space<hbm>>
      %dma_start3A_166 = tpu.memref_squeeze %dma_start3A_165 : memref<1x1x80x128xi32, #tpu.memory_space<hbm>> -> memref<80x128xi32, #tpu.memory_space<hbm>>
      %dma_start3A_167 = arith.constant 0 : i32
      %dma_start3A_168 = arith.constant 0 : i32
      %dma_start3A_169 = tpu.memref_slice %arg2[%arg0, %add3A_78, %dma_start3A_167, %dma_start3A_168] : memref<2x32x80x128xi32, #tpu.memory_space<hbm>> -> memref<1x1x80x128xi32, #tpu.memory_space<hbm>>
      %dma_start3A_170 = tpu.memref_squeeze %dma_start3A_169 : memref<1x1x80x128xi32, #tpu.memory_space<hbm>> -> memref<80x128xi32, #tpu.memory_space<hbm>>
      tpu.enqueue_dma source(%dma_start3A_170 : memref<80x128xi32, #tpu.memory_space<hbm>>) target(%arg7 : memref<80x128xi32, #tpu.memory_space<vmem>>) target_semaphore(%run_scoped3A_162 : memref<!tpu.dma_semaphore, #tpu.memory_space<semaphore_mem>>)
      %dma_wait3A_171 = arith.constant 0 : i32
      %dma_wait3A_172 = arith.constant 0 : i32
      %dma_wait3A_173 = tpu.memref_slice %arg2[%arg0, %add3A_78, %dma_wait3A_171, %dma_wait3A_172] : memref<2x32x80x128xi32, #tpu.memory_space<hbm>> -> memref<1x1x80x128xi32, #tpu.memory_space<hbm>>
      %dma_wait3A_174 = tpu.memref_squeeze %dma_wait3A_173 : memref<1x1x80x128xi32, #tpu.memory_space<hbm>> -> memref<80x128xi32, #tpu.memory_space<hbm>>
      %dma_wait3A_175 = arith.constant 0 : i32
      %dma_wait3A_176 = arith.constant 0 : i32
      %dma_wait3A_177 = tpu.memref_slice %arg2[%arg0, %add3A_78, %dma_wait3A_175, %dma_wait3A_176] : memref<2x32x80x128xi32, #tpu.memory_space<hbm>> -> memref<1x1x80x128xi32, #tpu.memory_space<hbm>>
      %dma_wait3A_178 = tpu.memref_squeeze %dma_wait3A_177 : memref<1x1x80x128xi32, #tpu.memory_space<hbm>> -> memref<80x128xi32, #tpu.memory_space<hbm>>
      tpu.wait_dma2 semaphore(%run_scoped3A_162 : memref<!tpu.dma_semaphore, #tpu.memory_space<semaphore_mem>>) src(%dma_wait3A_178 : memref<80x128xi32, #tpu.memory_space<hbm>>) dst(%arg7 : memref<80x128xi32, #tpu.memory_space<vmem>>)
      tpu.yield
    }) : () -> ()
    "tpu.region"() ({
      %run_scoped3A_162 = tpu.sem_alloc : memref<!tpu.dma_semaphore, #tpu.memory_space<semaphore_mem>>
      %dma_start3A_163 = arith.constant 0 : i32
      %dma_start3A_164 = arith.constant 0 : i32
      %dma_start3A_165 = tpu.memref_slice %arg3[%arg0, %add3A_78, %dma_start3A_163, %dma_start3A_164] : memref<2x32x80x128xi32, #tpu.memory_space<hbm>> -> memref<1x1x80x128xi32, #tpu.memory_space<hbm>>
      %dma_start3A_166 = tpu.memref_squeeze %dma_start3A_165 : memref<1x1x80x128xi32, #tpu.memory_space<hbm>> -> memref<80x128xi32, #tpu.memory_space<hbm>>
      %dma_start3A_167 = arith.constant 0 : i32
      %dma_start3A_168 = arith.constant 0 : i32
      %dma_start3A_169 = tpu.memref_slice %arg3[%arg0, %add3A_78, %dma_start3A_167, %dma_start3A_168] : memref<2x32x80x128xi32, #tpu.memory_space<hbm>> -> memref<1x1x80x128xi32, #tpu.memory_space<hbm>>
      %dma_start3A_170 = tpu.memref_squeeze %dma_start3A_169 : memref<1x1x80x128xi32, #tpu.memory_space<hbm>> -> memref<80x128xi32, #tpu.memory_space<hbm>>
      tpu.enqueue_dma source(%dma_start3A_170 : memref<80x128xi32, #tpu.memory_space<hbm>>) target(%arg8 : memref<80x128xi32, #tpu.memory_space<vmem>>) target_semaphore(%run_scoped3A_162 : memref<!tpu.dma_semaphore, #tpu.memory_space<semaphore_mem>>)
      %dma_wait3A_171 = arith.constant 0 : i32
      %dma_wait3A_172 = arith.constant 0 : i32
      %dma_wait3A_173 = tpu.memref_slice %arg3[%arg0, %add3A_78, %dma_wait3A_171, %dma_wait3A_172] : memref<2x32x80x128xi32, #tpu.memory_space<hbm>> -> memref<1x1x80x128xi32, #tpu.memory_space<hbm>>
      %dma_wait3A_174 = tpu.memref_squeeze %dma_wait3A_173 : memref<1x1x80x128xi32, #tpu.memory_space<hbm>> -> memref<80x128xi32, #tpu.memory_space<hbm>>
      %dma_wait3A_175 = arith.constant 0 : i32
      %dma_wait3A_176 = arith.constant 0 : i32
      %dma_wait3A_177 = tpu.memref_slice %arg3[%arg0, %add3A_78, %dma_wait3A_175, %dma_wait3A_176] : memref<2x32x80x128xi32, #tpu.memory_space<hbm>> -> memref<1x1x80x128xi32, #tpu.memory_space<hbm>>
      %dma_wait3A_178 = tpu.memref_squeeze %dma_wait3A_177 : memref<1x1x80x128xi32, #tpu.memory_space<hbm>> -> memref<80x128xi32, #tpu.memory_space<hbm>>
      tpu.wait_dma2 semaphore(%run_scoped3A_162 : memref<!tpu.dma_semaphore, #tpu.memory_space<semaphore_mem>>) src(%dma_wait3A_178 : memref<80x128xi32, #tpu.memory_space<hbm>>) dst(%arg8 : memref<80x128xi32, #tpu.memory_space<vmem>>)
      tpu.yield
    }) : () -> ()
    %run_scoped3A_79 = arith.constant 0 : i32
    "tpu.region"() ({
      %run_scoped3A_162 = tpu.sem_alloc : memref<!tpu.dma_semaphore, #tpu.memory_space<semaphore_mem>>
      %dma_start3A_163 = arith.constant 0 : i32
      %dma_start3A_164 = tpu.memref_slice %arg4[%arg0, %add3A_78, %run_scoped3A_79, %dma_start3A_163] : memref<2x32x1x16xi32, #tpu.memory_space<hbm>> -> memref<1x1x1x16xi32, #tpu.memory_space<hbm>>
      %dma_start3A_165 = tpu.memref_squeeze %dma_start3A_164 : memref<1x1x1x16xi32, #tpu.memory_space<hbm>> -> memref<16xi32, #tpu.memory_space<hbm>>
      %dma_start3A_166 = arith.constant 0 : i32
      %dma_start3A_167 = tpu.memref_slice %arg4[%arg0, %add3A_78, %run_scoped3A_79, %dma_start3A_166] : memref<2x32x1x16xi32, #tpu.memory_space<hbm>> -> memref<1x1x1x16xi32, #tpu.memory_space<hbm>>
      %dma_start3A_168 = tpu.memref_squeeze %dma_start3A_167 : memref<1x1x1x16xi32, #tpu.memory_space<hbm>> -> memref<16xi32, #tpu.memory_space<hbm>>
      tpu.enqueue_dma source(%dma_start3A_168 : memref<16xi32, #tpu.memory_space<hbm>>) target(%arg9 : memref<16xi32, #tpu.memory_space<vmem>>) target_semaphore(%run_scoped3A_162 : memref<!tpu.dma_semaphore, #tpu.memory_space<semaphore_mem>>)
      %dma_wait3A_169 = arith.constant 0 : i32
      %dma_wait3A_170 = tpu.memref_slice %arg4[%arg0, %add3A_78, %run_scoped3A_79, %dma_wait3A_169] : memref<2x32x1x16xi32, #tpu.memory_space<hbm>> -> memref<1x1x1x16xi32, #tpu.memory_space<hbm>>
      %dma_wait3A_171 = tpu.memref_squeeze %dma_wait3A_170 : memref<1x1x1x16xi32, #tpu.memory_space<hbm>> -> memref<16xi32, #tpu.memory_space<hbm>>
      %dma_wait3A_172 = arith.constant 0 : i32
      %dma_wait3A_173 = tpu.memref_slice %arg4[%arg0, %add3A_78, %run_scoped3A_79, %dma_wait3A_172] : memref<2x32x1x16xi32, #tpu.memory_space<hbm>> -> memref<1x1x1x16xi32, #tpu.memory_space<hbm>>
      %dma_wait3A_174 = tpu.memref_squeeze %dma_wait3A_173 : memref<1x1x1x16xi32, #tpu.memory_space<hbm>> -> memref<16xi32, #tpu.memory_space<hbm>>
      tpu.wait_dma2 semaphore(%run_scoped3A_162 : memref<!tpu.dma_semaphore, #tpu.memory_space<semaphore_mem>>) src(%dma_wait3A_174 : memref<16xi32, #tpu.memory_space<hbm>>) dst(%arg9 : memref<16xi32, #tpu.memory_space<vmem>>)
      tpu.yield
    }) : () -> ()
    %get3A_80 = arith.constant 0 : index
    %get3A_81 = tpu.vector_load %arg9[%get3A_80] {strides = array<i32>} : memref<16xi32, #tpu.memory_space<vmem>>, vector<16xi32>,
    %get3A_82 = vector.shape_cast %get3A_81 : vector<16xi32> to vector<16xi32>
    %slice3A_83 = vector.extract_strided_slice %get3A_82 {offsets = [0], sizes = [1], strides = [1]} : vector<16xi32> to vector<1xi32>
    %squeeze3A_84 = vector.extract %slice3A_83[0] : i32 from vector<1xi32>
    %dma_start3A_85 = arith.constant 0 : i32
    %dma_start3A_86 = arith.constant 0 : i32
    %dma_start3A_87 = tpu.memref_slice %arg7[%dma_start3A_85, %dma_start3A_86] : memref<80x128xi32, #tpu.memory_space<vmem>> -> memref<1x128xi32, #tpu.memory_space<vmem>>
    %dma_start3A_88 = tpu.memref_squeeze %dma_start3A_87 : memref<1x128xi32, #tpu.memory_space<vmem>> -> memref<128xi32, #tpu.memory_space<vmem>>
    %dma_start3A_89 = arith.constant 0 : i32
    %dma_start3A_90 = arith.constant 0 : i32
    %dma_start3A_91 = tpu.memref_slice %arg5[%dma_start3A_89, %dma_start3A_90] : memref<10240x128xf32, #tpu.memory_space<hbm>> -> memref<10240x128xf32, #tpu.memory_space<hbm>>
    tpu.enqueue_indirect_dma source(%dma_start3A_91 : memref<10240x128xf32, #tpu.memory_space<hbm>>) target(%arg10 : memref<128x128xf32, #tpu.memory_space<vmem>>) offsets(%dma_start3A_88 : memref<128xi32, #tpu.memory_space<vmem>>) semaphore(%arg13 : memref<!tpu.dma_semaphore, #tpu.memory_space<semaphore_mem>>)
    %dma_start3A_92 = arith.constant 1 : i32
    %dma_start3A_93 = arith.constant 0 : i32
    %dma_start3A_94 = tpu.memref_slice %arg7[%dma_start3A_92, %dma_start3A_93] : memref<80x128xi32, #tpu.memory_space<vmem>> -> memref<1x128xi32, #tpu.memory_space<vmem>>
    %dma_start3A_95 = tpu.memref_squeeze %dma_start3A_94 : memref<1x128xi32, #tpu.memory_space<vmem>> -> memref<128xi32, #tpu.memory_space<vmem>>
    %dma_start3A_96 = arith.constant 0 : i32
    %dma_start3A_97 = arith.constant 0 : i32
    %dma_start3A_98 = tpu.memref_slice %arg5[%dma_start3A_96, %dma_start3A_97] : memref<10240x128xf32, #tpu.memory_space<hbm>> -> memref<10240x128xf32, #tpu.memory_space<hbm>>
    tpu.enqueue_indirect_dma source(%dma_start3A_98 : memref<10240x128xf32, #tpu.memory_space<hbm>>) target(%arg11 : memref<128x128xf32, #tpu.memory_space<vmem>>) offsets(%dma_start3A_95 : memref<128xi32, #tpu.memory_space<vmem>>) semaphore(%arg14 : memref<!tpu.dma_semaphore, #tpu.memory_space<semaphore_mem>>)
    %sub3A_99 = arith.constant 1 : i32
    %sub3A_100 = arith.subi %squeeze3A_84, %sub3A_99 : i32
    %while3A_101 = arith.constant 0 : i32
    %while3A_102 = arith.constant 0 : i32
    %while3A_103 = arith.subi %sub3A_100, %while3A_102 : i32
    %while3A_104 = arith.addi %while3A_102, %while3A_103 : i32
    %while3A_105 = arith.constant 1 : i32
    %while3A_106 = arith.divsi %while3A_103, %while3A_105 : i32
    %while3A_107 = arith.muli %while3A_106, %while3A_105 : i32
    %while3A_108 = arith.addi %while3A_102, %while3A_107 : i32
    %while3A_109 = arith.constant 1 : i32
    scf.for %while3A_162 = %while3A_102 to %while3A_108 step %while3A_109  : i32 {
      %mul3A_163 = arith.constant 2 : i32
      %mul3A_164 = arith.muli %while3A_162, %mul3A_163 : i32
      %dma_wait3A_165 = arith.constant 0 : i32
      %dma_wait3A_166 = tpu.memref_slice %arg7[%mul3A_164, %dma_wait3A_165] : memref<80x128xi32, #tpu.memory_space<vmem>> -> memref<1x128xi32, #tpu.memory_space<vmem>>
      %dma_wait3A_167 = tpu.memref_squeeze %dma_wait3A_166 : memref<1x128xi32, #tpu.memory_space<vmem>> -> memref<128xi32, #tpu.memory_space<vmem>>
      %dma_wait3A_168 = arith.constant 0 : i32
      %dma_wait3A_169 = arith.constant 0 : i32
      %dma_wait3A_170 = tpu.memref_slice %arg5[%dma_wait3A_168, %dma_wait3A_169] : memref<10240x128xf32, #tpu.memory_space<hbm>> -> memref<10240x128xf32, #tpu.memory_space<hbm>>
      tpu.wait_indirect_dma semaphore(%arg13 : memref<!tpu.dma_semaphore, #tpu.memory_space<semaphore_mem>>) src(%dma_wait3A_170 : memref<10240x128xf32, #tpu.memory_space<hbm>>) dst(%arg10 : memref<128x128xf32, #tpu.memory_space<vmem>>)
      %dma_start3A_171 = arith.constant 0 : i32
      %dma_start3A_172 = tpu.memref_slice %arg8[%mul3A_164, %dma_start3A_171] : memref<80x128xi32, #tpu.memory_space<vmem>> -> memref<1x128xi32, #tpu.memory_space<vmem>>
      %dma_start3A_173 = tpu.memref_squeeze %dma_start3A_172 : memref<1x128xi32, #tpu.memory_space<vmem>> -> memref<128xi32, #tpu.memory_space<vmem>>
      %dma_start3A_174 = arith.constant 0 : i32
      %dma_start3A_175 = arith.constant 0 : i32
      %dma_start3A_176 = tpu.memref_slice %arg12[%dma_start3A_174, %dma_start3A_175] : memref<5128x128xf32, #tpu.memory_space<vmem_shared>> -> memref<5128x128xf32, #tpu.memory_space<vmem_shared>>
      tpu.enqueue_indirect_dma source(%arg10 : memref<128x128xf32, #tpu.memory_space<vmem>>) target(%dma_start3A_176 : memref<5128x128xf32, #tpu.memory_space<vmem_shared>>) offsets(%dma_start3A_173 : memref<128xi32, #tpu.memory_space<vmem>>) semaphore(%arg15 : memref<!tpu.dma_semaphore, #tpu.memory_space<semaphore_mem>>) {add = true}
      %add3A_177 = arith.constant 1 : i32
      %add3A_178 = arith.addi %mul3A_164, %add3A_177 : i32
      %dma_wait3A_179 = arith.constant 0 : i32
      %dma_wait3A_180 = tpu.memref_slice %arg7[%add3A_178, %dma_wait3A_179] : memref<80x128xi32, #tpu.memory_space<vmem>> -> memref<1x128xi32, #tpu.memory_space<vmem>>
      %dma_wait3A_181 = tpu.memref_squeeze %dma_wait3A_180 : memref<1x128xi32, #tpu.memory_space<vmem>> -> memref<128xi32, #tpu.memory_space<vmem>>
      %dma_wait3A_182 = arith.constant 0 : i32
      %dma_wait3A_183 = arith.constant 0 : i32
      %dma_wait3A_184 = tpu.memref_slice %arg5[%dma_wait3A_182, %dma_wait3A_183] : memref<10240x128xf32, #tpu.memory_space<hbm>> -> memref<10240x128xf32, #tpu.memory_space<hbm>>
      tpu.wait_indirect_dma semaphore(%arg14 : memref<!tpu.dma_semaphore, #tpu.memory_space<semaphore_mem>>) src(%dma_wait3A_184 : memref<10240x128xf32, #tpu.memory_space<hbm>>) dst(%arg11 : memref<128x128xf32, #tpu.memory_space<vmem>>)
      %add3A_185 = arith.constant 1 : i32
      %add3A_186 = arith.addi %mul3A_164, %add3A_185 : i32
      %dma_start3A_187 = arith.constant 0 : i32
      %dma_start3A_188 = tpu.memref_slice %arg8[%add3A_186, %dma_start3A_187] : memref<80x128xi32, #tpu.memory_space<vmem>> -> memref<1x128xi32, #tpu.memory_space<vmem>>
      %dma_start3A_189 = tpu.memref_squeeze %dma_start3A_188 : memref<1x128xi32, #tpu.memory_space<vmem>> -> memref<128xi32, #tpu.memory_space<vmem>>
      %dma_start3A_190 = arith.constant 0 : i32
      %dma_start3A_191 = arith.constant 0 : i32
      %dma_start3A_192 = tpu.memref_slice %arg12[%dma_start3A_190, %dma_start3A_191] : memref<5128x128xf32, #tpu.memory_space<vmem_shared>> -> memref<5128x128xf32, #tpu.memory_space<vmem_shared>>
      tpu.enqueue_indirect_dma source(%arg11 : memref<128x128xf32, #tpu.memory_space<vmem>>) target(%dma_start3A_192 : memref<5128x128xf32, #tpu.memory_space<vmem_shared>>) offsets(%dma_start3A_189 : memref<128xi32, #tpu.memory_space<vmem>>) semaphore(%arg16 : memref<!tpu.dma_semaphore, #tpu.memory_space<semaphore_mem>>) {add = true}
      %dma_wait3A_193 = arith.constant 0 : i32
      %dma_wait3A_194 = tpu.memref_slice %arg8[%mul3A_164, %dma_wait3A_193] : memref<80x128xi32, #tpu.memory_space<vmem>> -> memref<1x128xi32, #tpu.memory_space<vmem>>
      %dma_wait3A_195 = tpu.memref_squeeze %dma_wait3A_194 : memref<1x128xi32, #tpu.memory_space<vmem>> -> memref<128xi32, #tpu.memory_space<vmem>>
      %dma_wait3A_196 = arith.constant 0 : i32
      %dma_wait3A_197 = arith.constant 0 : i32
      %dma_wait3A_198 = tpu.memref_slice %arg12[%dma_wait3A_196, %dma_wait3A_197] : memref<5128x128xf32, #tpu.memory_space<vmem_shared>> -> memref<5128x128xf32, #tpu.memory_space<vmem_shared>>
      tpu.wait_indirect_dma semaphore(%arg15 : memref<!tpu.dma_semaphore, #tpu.memory_space<semaphore_mem>>) src(%arg10 : memref<128x128xf32, #tpu.memory_space<vmem>>) dst(%dma_wait3A_198 : memref<5128x128xf32, #tpu.memory_space<vmem_shared>>)
      %add3A_199 = arith.constant 2 : i32
      %add3A_200 = arith.addi %mul3A_164, %add3A_199 : i32
      %dma_start3A_201 = arith.constant 0 : i32
      %dma_start3A_202 = tpu.memref_slice %arg7[%add3A_200, %dma_start3A_201] : memref<80x128xi32, #tpu.memory_space<vmem>> -> memref<1x128xi32, #tpu.memory_space<vmem>>
      %dma_start3A_203 = tpu.memref_squeeze %dma_start3A_202 : memref<1x128xi32, #tpu.memory_space<vmem>> -> memref<128xi32, #tpu.memory_space<vmem>>
      %dma_start3A_204 = arith.constant 0 : i32
      %dma_start3A_205 = arith.constant 0 : i32
      %dma_start3A_206 = tpu.memref_slice %arg5[%dma_start3A_204, %dma_start3A_205] : memref<10240x128xf32, #tpu.memory_space<hbm>> -> memref<10240x128xf32, #tpu.memory_space<hbm>>
      tpu.enqueue_indirect_dma source(%dma_start3A_206 : memref<10240x128xf32, #tpu.memory_space<hbm>>) target(%arg10 : memref<128x128xf32, #tpu.memory_space<vmem>>) offsets(%dma_start3A_203 : memref<128xi32, #tpu.memory_space<vmem>>) semaphore(%arg13 : memref<!tpu.dma_semaphore, #tpu.memory_space<semaphore_mem>>)
      %add3A_207 = arith.constant 1 : i32
      %add3A_208 = arith.addi %mul3A_164, %add3A_207 : i32
      %dma_wait3A_209 = arith.constant 0 : i32
      %dma_wait3A_210 = tpu.memref_slice %arg8[%add3A_208, %dma_wait3A_209] : memref<80x128xi32, #tpu.memory_space<vmem>> -> memref<1x128xi32, #tpu.memory_space<vmem>>
      %dma_wait3A_211 = tpu.memref_squeeze %dma_wait3A_210 : memref<1x128xi32, #tpu.memory_space<vmem>> -> memref<128xi32, #tpu.memory_space<vmem>>
      %dma_wait3A_212 = arith.constant 0 : i32
      %dma_wait3A_213 = arith.constant 0 : i32
      %dma_wait3A_214 = tpu.memref_slice %arg12[%dma_wait3A_212, %dma_wait3A_213] : memref<5128x128xf32, #tpu.memory_space<vmem_shared>> -> memref<5128x128xf32, #tpu.memory_space<vmem_shared>>
      tpu.wait_indirect_dma semaphore(%arg16 : memref<!tpu.dma_semaphore, #tpu.memory_space<semaphore_mem>>) src(%arg11 : memref<128x128xf32, #tpu.memory_space<vmem>>) dst(%dma_wait3A_214 : memref<5128x128xf32, #tpu.memory_space<vmem_shared>>)
      %add3A_215 = arith.constant 3 : i32
      %add3A_216 = arith.addi %mul3A_164, %add3A_215 : i32
      %dma_start3A_217 = arith.constant 0 : i32
      %dma_start3A_218 = tpu.memref_slice %arg7[%add3A_216, %dma_start3A_217] : memref<80x128xi32, #tpu.memory_space<vmem>> -> memref<1x128xi32, #tpu.memory_space<vmem>>
      %dma_start3A_219 = tpu.memref_squeeze %dma_start3A_218 : memref<1x128xi32, #tpu.memory_space<vmem>> -> memref<128xi32, #tpu.memory_space<vmem>>
      %dma_start3A_220 = arith.constant 0 : i32
      %dma_start3A_221 = arith.constant 0 : i32
      %dma_start3A_222 = tpu.memref_slice %arg5[%dma_start3A_220, %dma_start3A_221] : memref<10240x128xf32, #tpu.memory_space<hbm>> -> memref<10240x128xf32, #tpu.memory_space<hbm>>
      tpu.enqueue_indirect_dma source(%dma_start3A_222 : memref<10240x128xf32, #tpu.memory_space<hbm>>) target(%arg11 : memref<128x128xf32, #tpu.memory_space<vmem>>) offsets(%dma_start3A_219 : memref<128xi32, #tpu.memory_space<vmem>>) semaphore(%arg14 : memref<!tpu.dma_semaphore, #tpu.memory_space<semaphore_mem>>)
    }
    %while3A_110 = arith.constant 1 : i32
    scf.for %while3A_162 = %while3A_108 to %while3A_104 step %while3A_110  : i32 {
      %mul3A_163 = arith.constant 2 : i32
      %mul3A_164 = arith.muli %while3A_162, %mul3A_163 : i32
      %dma_wait3A_165 = arith.constant 0 : i32
      %dma_wait3A_166 = tpu.memref_slice %arg7[%mul3A_164, %dma_wait3A_165] : memref<80x128xi32, #tpu.memory_space<vmem>> -> memref<1x128xi32, #tpu.memory_space<vmem>>
      %dma_wait3A_167 = tpu.memref_squeeze %dma_wait3A_166 : memref<1x128xi32, #tpu.memory_space<vmem>> -> memref<128xi32, #tpu.memory_space<vmem>>
      %dma_wait3A_168 = arith.constant 0 : i32
      %dma_wait3A_169 = arith.constant 0 : i32
      %dma_wait3A_170 = tpu.memref_slice %arg5[%dma_wait3A_168, %dma_wait3A_169] : memref<10240x128xf32, #tpu.memory_space<hbm>> -> memref<10240x128xf32, #tpu.memory_space<hbm>>
      tpu.wait_indirect_dma semaphore(%arg13 : memref<!tpu.dma_semaphore, #tpu.memory_space<semaphore_mem>>) src(%dma_wait3A_170 : memref<10240x128xf32, #tpu.memory_space<hbm>>) dst(%arg10 : memref<128x128xf32, #tpu.memory_space<vmem>>)
      %dma_start3A_171 = arith.constant 0 : i32
      %dma_start3A_172 = tpu.memref_slice %arg8[%mul3A_164, %dma_start3A_171] : memref<80x128xi32, #tpu.memory_space<vmem>> -> memref<1x128xi32, #tpu.memory_space<vmem>>
      %dma_start3A_173 = tpu.memref_squeeze %dma_start3A_172 : memref<1x128xi32, #tpu.memory_space<vmem>> -> memref<128xi32, #tpu.memory_space<vmem>>
      %dma_start3A_174 = arith.constant 0 : i32
      %dma_start3A_175 = arith.constant 0 : i32
      %dma_start3A_176 = tpu.memref_slice %arg12[%dma_start3A_174, %dma_start3A_175] : memref<5128x128xf32, #tpu.memory_space<vmem_shared>> -> memref<5128x128xf32, #tpu.memory_space<vmem_shared>>
      tpu.enqueue_indirect_dma source(%arg10 : memref<128x128xf32, #tpu.memory_space<vmem>>) target(%dma_start3A_176 : memref<5128x128xf32, #tpu.memory_space<vmem_shared>>) offsets(%dma_start3A_173 : memref<128xi32, #tpu.memory_space<vmem>>) semaphore(%arg15 : memref<!tpu.dma_semaphore, #tpu.memory_space<semaphore_mem>>) {add = true}
      %add3A_177 = arith.constant 1 : i32
      %add3A_178 = arith.addi %mul3A_164, %add3A_177 : i32
      %dma_wait3A_179 = arith.constant 0 : i32
      %dma_wait3A_180 = tpu.memref_slice %arg7[%add3A_178, %dma_wait3A_179] : memref<80x128xi32, #tpu.memory_space<vmem>> -> memref<1x128xi32, #tpu.memory_space<vmem>>
      %dma_wait3A_181 = tpu.memref_squeeze %dma_wait3A_180 : memref<1x128xi32, #tpu.memory_space<vmem>> -> memref<128xi32, #tpu.memory_space<vmem>>
      %dma_wait3A_182 = arith.constant 0 : i32
      %dma_wait3A_183 = arith.constant 0 : i32
      %dma_wait3A_184 = tpu.memref_slice %arg5[%dma_wait3A_182, %dma_wait3A_183] : memref<10240x128xf32, #tpu.memory_space<hbm>> -> memref<10240x128xf32, #tpu.memory_space<hbm>>
      tpu.wait_indirect_dma semaphore(%arg14 : memref<!tpu.dma_semaphore, #tpu.memory_space<semaphore_mem>>) src(%dma_wait3A_184 : memref<10240x128xf32, #tpu.memory_space<hbm>>) dst(%arg11 : memref<128x128xf32, #tpu.memory_space<vmem>>)
      %add3A_185 = arith.constant 1 : i32
      %add3A_186 = arith.addi %mul3A_164, %add3A_185 : i32
      %dma_start3A_187 = arith.constant 0 : i32
      %dma_start3A_188 = tpu.memref_slice %arg8[%add3A_186, %dma_start3A_187] : memref<80x128xi32, #tpu.memory_space<vmem>> -> memref<1x128xi32, #tpu.memory_space<vmem>>
      %dma_start3A_189 = tpu.memref_squeeze %dma_start3A_188 : memref<1x128xi32, #tpu.memory_space<vmem>> -> memref<128xi32, #tpu.memory_space<vmem>>
      %dma_start3A_190 = arith.constant 0 : i32
      %dma_start3A_191 = arith.constant 0 : i32
      %dma_start3A_192 = tpu.memref_slice %arg12[%dma_start3A_190, %dma_start3A_191] : memref<5128x128xf32, #tpu.memory_space<vmem_shared>> -> memref<5128x128xf32, #tpu.memory_space<vmem_shared>>
      tpu.enqueue_indirect_dma source(%arg11 : memref<128x128xf32, #tpu.memory_space<vmem>>) target(%dma_start3A_192 : memref<5128x128xf32, #tpu.memory_space<vmem_shared>>) offsets(%dma_start3A_189 : memref<128xi32, #tpu.memory_space<vmem>>) semaphore(%arg16 : memref<!tpu.dma_semaphore, #tpu.memory_space<semaphore_mem>>) {add = true}
      %dma_wait3A_193 = arith.constant 0 : i32
      %dma_wait3A_194 = tpu.memref_slice %arg8[%mul3A_164, %dma_wait3A_193] : memref<80x128xi32, #tpu.memory_space<vmem>> -> memref<1x128xi32, #tpu.memory_space<vmem>>
      %dma_wait3A_195 = tpu.memref_squeeze %dma_wait3A_194 : memref<1x128xi32, #tpu.memory_space<vmem>> -> memref<128xi32, #tpu.memory_space<vmem>>
      %dma_wait3A_196 = arith.constant 0 : i32
      %dma_wait3A_197 = arith.constant 0 : i32
      %dma_wait3A_198 = tpu.memref_slice %arg12[%dma_wait3A_196, %dma_wait3A_197] : memref<5128x128xf32, #tpu.memory_space<vmem_shared>> -> memref<5128x128xf32, #tpu.memory_space<vmem_shared>>
      tpu.wait_indirect_dma semaphore(%arg15 : memref<!tpu.dma_semaphore, #tpu.memory_space<semaphore_mem>>) src(%arg10 : memref<128x128xf32, #tpu.memory_space<vmem>>) dst(%dma_wait3A_198 : memref<5128x128xf32, #tpu.memory_space<vmem_shared>>)
      %add3A_199 = arith.constant 2 : i32
      %add3A_200 = arith.addi %mul3A_164, %add3A_199 : i32
      %dma_start3A_201 = arith.constant 0 : i32
      %dma_start3A_202 = tpu.memref_slice %arg7[%add3A_200, %dma_start3A_201] : memref<80x128xi32, #tpu.memory_space<vmem>> -> memref<1x128xi32, #tpu.memory_space<vmem>>
      %dma_start3A_203 = tpu.memref_squeeze %dma_start3A_202 : memref<1x128xi32, #tpu.memory_space<vmem>> -> memref<128xi32, #tpu.memory_space<vmem>>
      %dma_start3A_204 = arith.constant 0 : i32
      %dma_start3A_205 = arith.constant 0 : i32
      %dma_start3A_206 = tpu.memref_slice %arg5[%dma_start3A_204, %dma_start3A_205] : memref<10240x128xf32, #tpu.memory_space<hbm>> -> memref<10240x128xf32, #tpu.memory_space<hbm>>
      tpu.enqueue_indirect_dma source(%dma_start3A_206 : memref<10240x128xf32, #tpu.memory_space<hbm>>) target(%arg10 : memref<128x128xf32, #tpu.memory_space<vmem>>) offsets(%dma_start3A_203 : memref<128xi32, #tpu.memory_space<vmem>>) semaphore(%arg13 : memref<!tpu.dma_semaphore, #tpu.memory_space<semaphore_mem>>)
      %add3A_207 = arith.constant 1 : i32
      %add3A_208 = arith.addi %mul3A_164, %add3A_207 : i32
      %dma_wait3A_209 = arith.constant 0 : i32
      %dma_wait3A_210 = tpu.memref_slice %arg8[%add3A_208, %dma_wait3A_209] : memref<80x128xi32, #tpu.memory_space<vmem>> -> memref<1x128xi32, #tpu.memory_space<vmem>>
      %dma_wait3A_211 = tpu.memref_squeeze %dma_wait3A_210 : memref<1x128xi32, #tpu.memory_space<vmem>> -> memref<128xi32, #tpu.memory_space<vmem>>
      %dma_wait3A_212 = arith.constant 0 : i32
      %dma_wait3A_213 = arith.constant 0 : i32
      %dma_wait3A_214 = tpu.memref_slice %arg12[%dma_wait3A_212, %dma_wait3A_213] : memref<5128x128xf32, #tpu.memory_space<vmem_shared>> -> memref<5128x128xf32, #tpu.memory_space<vmem_shared>>
      tpu.wait_indirect_dma semaphore(%arg16 : memref<!tpu.dma_semaphore, #tpu.memory_space<semaphore_mem>>) src(%arg11 : memref<128x128xf32, #tpu.memory_space<vmem>>) dst(%dma_wait3A_214 : memref<5128x128xf32, #tpu.memory_space<vmem_shared>>)
      %add3A_215 = arith.constant 3 : i32
      %add3A_216 = arith.addi %mul3A_164, %add3A_215 : i32
      %dma_start3A_217 = arith.constant 0 : i32
      %dma_start3A_218 = tpu.memref_slice %arg7[%add3A_216, %dma_start3A_217] : memref<80x128xi32, #tpu.memory_space<vmem>> -> memref<1x128xi32, #tpu.memory_space<vmem>>
      %dma_start3A_219 = tpu.memref_squeeze %dma_start3A_218 : memref<1x128xi32, #tpu.memory_space<vmem>> -> memref<128xi32, #tpu.memory_space<vmem>>
      %dma_start3A_220 = arith.constant 0 : i32
      %dma_start3A_221 = arith.constant 0 : i32
      %dma_start3A_222 = tpu.memref_slice %arg5[%dma_start3A_220, %dma_start3A_221] : memref<10240x128xf32, #tpu.memory_space<hbm>> -> memref<10240x128xf32, #tpu.memory_space<hbm>>
      tpu.enqueue_indirect_dma source(%dma_start3A_222 : memref<10240x128xf32, #tpu.memory_space<hbm>>) target(%arg11 : memref<128x128xf32, #tpu.memory_space<vmem>>) offsets(%dma_start3A_219 : memref<128xi32, #tpu.memory_space<vmem>>) semaphore(%arg14 : memref<!tpu.dma_semaphore, #tpu.memory_space<semaphore_mem>>)
    }
    %sub3A_111 = arith.constant 1 : i32
    %sub3A_112 = arith.subi %squeeze3A_84, %sub3A_111 : i32
    %mul3A_113 = arith.constant 2 : i32
    %mul3A_114 = arith.muli %sub3A_112, %mul3A_113 : i32
    %dma_wait3A_115 = arith.constant 0 : i32
    %dma_wait3A_116 = tpu.memref_slice %arg7[%mul3A_114, %dma_wait3A_115] : memref<80x128xi32, #tpu.memory_space<vmem>> -> memref<1x128xi32, #tpu.memory_space<vmem>>
    %dma_wait3A_117 = tpu.memref_squeeze %dma_wait3A_116 : memref<1x128xi32, #tpu.memory_space<vmem>> -> memref<128xi32, #tpu.memory_space<vmem>>
    %dma_wait3A_118 = arith.constant 0 : i32
    %dma_wait3A_119 = arith.constant 0 : i32
    %dma_wait3A_120 = tpu.memref_slice %arg5[%dma_wait3A_118, %dma_wait3A_119] : memref<10240x128xf32, #tpu.memory_space<hbm>> -> memref<10240x128xf32, #tpu.memory_space<hbm>>
    tpu.wait_indirect_dma semaphore(%arg13 : memref<!tpu.dma_semaphore, #tpu.memory_space<semaphore_mem>>) src(%dma_wait3A_120 : memref<10240x128xf32, #tpu.memory_space<hbm>>) dst(%arg10 : memref<128x128xf32, #tpu.memory_space<vmem>>)
    %dma_start3A_121 = arith.constant 0 : i32
    %dma_start3A_122 = tpu.memref_slice %arg8[%mul3A_114, %dma_start3A_121] : memref<80x128xi32, #tpu.memory_space<vmem>> -> memref<1x128xi32, #tpu.memory_space<vmem>>
    %dma_start3A_123 = tpu.memref_squeeze %dma_start3A_122 : memref<1x128xi32, #tpu.memory_space<vmem>> -> memref<128xi32, #tpu.memory_space<vmem>>
    %dma_start3A_124 = arith.constant 0 : i32
    %dma_start3A_125 = arith.constant 0 : i32
    %dma_start3A_126 = tpu.memref_slice %arg12[%dma_start3A_124, %dma_start3A_125] : memref<5128x128xf32, #tpu.memory_space<vmem_shared>> -> memref<5128x128xf32, #tpu.memory_space<vmem_shared>>
    tpu.enqueue_indirect_dma source(%arg10 : memref<128x128xf32, #tpu.memory_space<vmem>>) target(%dma_start3A_126 : memref<5128x128xf32, #tpu.memory_space<vmem_shared>>) offsets(%dma_start3A_123 : memref<128xi32, #tpu.memory_space<vmem>>) semaphore(%arg15 : memref<!tpu.dma_semaphore, #tpu.memory_space<semaphore_mem>>) {add = true}
    %add3A_127 = arith.constant 1 : i32
    %add3A_128 = arith.addi %mul3A_114, %add3A_127 : i32
    %dma_wait3A_129 = arith.constant 0 : i32
    %dma_wait3A_130 = tpu.memref_slice %arg7[%add3A_128, %dma_wait3A_129] : memref<80x128xi32, #tpu.memory_space<vmem>> -> memref<1x128xi32, #tpu.memory_space<vmem>>
    %dma_wait3A_131 = tpu.memref_squeeze %dma_wait3A_130 : memref<1x128xi32, #tpu.memory_space<vmem>> -> memref<128xi32, #tpu.memory_space<vmem>>
    %dma_wait3A_132 = arith.constant 0 : i32
    %dma_wait3A_133 = arith.constant 0 : i32
    %dma_wait3A_134 = tpu.memref_slice %arg5[%dma_wait3A_132, %dma_wait3A_133] : memref<10240x128xf32, #tpu.memory_space<hbm>> -> memref<10240x128xf32, #tpu.memory_space<hbm>>
    tpu.wait_indirect_dma semaphore(%arg14 : memref<!tpu.dma_semaphore, #tpu.memory_space<semaphore_mem>>) src(%dma_wait3A_134 : memref<10240x128xf32, #tpu.memory_space<hbm>>) dst(%arg11 : memref<128x128xf32, #tpu.memory_space<vmem>>)
    %add3A_135 = arith.constant 1 : i32
    %add3A_136 = arith.addi %mul3A_114, %add3A_135 : i32
    %dma_start3A_137 = arith.constant 0 : i32
    %dma_start3A_138 = tpu.memref_slice %arg8[%add3A_136, %dma_start3A_137] : memref<80x128xi32, #tpu.memory_space<vmem>> -> memref<1x128xi32, #tpu.memory_space<vmem>>
    %dma_start3A_139 = tpu.memref_squeeze %dma_start3A_138 : memref<1x128xi32, #tpu.memory_space<vmem>> -> memref<128xi32, #tpu.memory_space<vmem>>
    %dma_start3A_140 = arith.constant 0 : i32
    %dma_start3A_141 = arith.constant 0 : i32
    %dma_start3A_142 = tpu.memref_slice %arg12[%dma_start3A_140, %dma_start3A_141] : memref<5128x128xf32, #tpu.memory_space<vmem_shared>> -> memref<5128x128xf32, #tpu.memory_space<vmem_shared>>
    tpu.enqueue_indirect_dma source(%arg11 : memref<128x128xf32, #tpu.memory_space<vmem>>) target(%dma_start3A_142 : memref<5128x128xf32, #tpu.memory_space<vmem_shared>>) offsets(%dma_start3A_139 : memref<128xi32, #tpu.memory_space<vmem>>) semaphore(%arg16 : memref<!tpu.dma_semaphore, #tpu.memory_space<semaphore_mem>>) {add = true}
    %dma_wait3A_143 = arith.constant 0 : i32
    %dma_wait3A_144 = tpu.memref_slice %arg8[%mul3A_114, %dma_wait3A_143] : memref<80x128xi32, #tpu.memory_space<vmem>> -> memref<1x128xi32, #tpu.memory_space<vmem>>
    %dma_wait3A_145 = tpu.memref_squeeze %dma_wait3A_144 : memref<1x128xi32, #tpu.memory_space<vmem>> -> memref<128xi32, #tpu.memory_space<vmem>>
    %dma_wait3A_146 = arith.constant 0 : i32
    %dma_wait3A_147 = arith.constant 0 : i32
    %dma_wait3A_148 = tpu.memref_slice %arg12[%dma_wait3A_146, %dma_wait3A_147] : memref<5128x128xf32, #tpu.memory_space<vmem_shared>> -> memref<5128x128xf32, #tpu.memory_space<vmem_shared>>
    tpu.wait_indirect_dma semaphore(%arg15 : memref<!tpu.dma_semaphore, #tpu.memory_space<semaphore_mem>>) src(%arg10 : memref<128x128xf32, #tpu.memory_space<vmem>>) dst(%dma_wait3A_148 : memref<5128x128xf32, #tpu.memory_space<vmem_shared>>)
    %add3A_149 = arith.constant 1 : i32
    %add3A_150 = arith.addi %mul3A_114, %add3A_149 : i32
    %dma_wait3A_151 = arith.constant 0 : i32
    %dma_wait3A_152 = tpu.memref_slice %arg8[%add3A_150, %dma_wait3A_151] : memref<80x128xi32, #tpu.memory_space<vmem>> -> memref<1x128xi32, #tpu.memory_space<vmem>>
    %dma_wait3A_153 = tpu.memref_squeeze %dma_wait3A_152 : memref<1x128xi32, #tpu.memory_space<vmem>> -> memref<128xi32, #tpu.memory_space<vmem>>
    %dma_wait3A_154 = arith.constant 0 : i32
    %dma_wait3A_155 = arith.constant 0 : i32
    %dma_wait3A_156 = tpu.memref_slice %arg12[%dma_wait3A_154, %dma_wait3A_155] : memref<5128x128xf32, #tpu.memory_space<vmem_shared>> -> memref<5128x128xf32, #tpu.memory_space<vmem_shared>>
    tpu.wait_indirect_dma semaphore(%arg16 : memref<!tpu.dma_semaphore, #tpu.memory_space<semaphore_mem>>) src(%arg11 : memref<128x128xf32, #tpu.memory_space<vmem>>) dst(%dma_wait3A_156 : memref<5128x128xf32, #tpu.memory_space<vmem_shared>>)
    %barrier3A_157 = arith.constant 0 : index
    tpu.barrier barrier_id(%barrier3A_157)
    %mul3A_158 = arith.constant 320 : i32
    %mul3A_159 = arith.muli %arg1, %mul3A_158 : i32
    %mul3A_160 = arith.constant 320 : i32
    %mul3A_161 = arith.muli %arg1, %mul3A_160 : i32
    "tpu.region"() ({
      %run_scoped3A_162 = tpu.sem_alloc : memref<!tpu.dma_semaphore, #tpu.memory_space<semaphore_mem>>
      %dma_start3A_163 = arith.constant 0 : i32
      %dma_start3A_164 = tpu.memref_slice %arg6[%arg0, %mul3A_161, %dma_start3A_163] : memref<2x5120x128xf32, #tpu.memory_space<hbm>> -> memref<1x320x128xf32, #tpu.memory_space<hbm>>
      %dma_start3A_165 = tpu.memref_squeeze %dma_start3A_164 : memref<1x320x128xf32, #tpu.memory_space<hbm>> -> memref<320x128xf32, #tpu.memory_space<hbm>>
      %dma_start3A_166 = arith.constant 0 : i32
      %dma_start3A_167 = tpu.memref_slice %arg12[%mul3A_159, %dma_start3A_166] : memref<5128x128xf32, #tpu.memory_space<vmem_shared>> -> memref<320x128xf32, #tpu.memory_space<vmem_shared>>
      tpu.enqueue_dma source(%dma_start3A_167 : memref<320x128xf32, #tpu.memory_space<vmem_shared>>) target(%dma_start3A_165 : memref<320x128xf32, #tpu.memory_space<hbm>>) target_semaphore(%run_scoped3A_162 : memref<!tpu.dma_semaphore, #tpu.memory_space<semaphore_mem>>)
      %dma_wait3A_168 = arith.constant 0 : i32
      %dma_wait3A_169 = tpu.memref_slice %arg6[%arg0, %mul3A_161, %dma_wait3A_168] : memref<2x5120x128xf32, #tpu.memory_space<hbm>> -> memref<1x320x128xf32, #tpu.memory_space<hbm>>
      %dma_wait3A_170 = tpu.memref_squeeze %dma_wait3A_169 : memref<1x320x128xf32, #tpu.memory_space<hbm>> -> memref<320x128xf32, #tpu.memory_space<hbm>>
      %dma_wait3A_171 = arith.constant 0 : i32
      %dma_wait3A_172 = tpu.memref_slice %arg12[%mul3A_159, %dma_wait3A_171] : memref<5128x128xf32, #tpu.memory_space<vmem_shared>> -> memref<320x128xf32, #tpu.memory_space<vmem_shared>>
      tpu.wait_dma2 semaphore(%run_scoped3A_162 : memref<!tpu.dma_semaphore, #tpu.memory_space<semaphore_mem>>) src(%dma_wait3A_172 : memref<320x128xf32, #tpu.memory_space<vmem_shared>>) dst(%dma_wait3A_170 : memref<320x128xf32, #tpu.memory_space<hbm>>)
      tpu.yield
    }) : () -> ()
    return
  }
}

#map = affine_map<(d0, d1) -> (0, 0, 0)>
#map1 = affine_map<(d0, d1) -> (0, 0)>
module attributes {stable_mosaic.version = 14 : i64} {
  func.func @_sc_gather_uv(%arg0: i32, %arg1: i32, %arg2: memref<32x2x128xi32, #tpu.memory_space<hbm>>, %arg3: memref<10240x128xf32, #tpu.memory_space<hbm>>, %arg4: memref<8192x128xf32, #tpu.memory_space<hbm>>, %arg5: memref<2x128xi32, #tpu.memory_space<vmem>>, %arg6: memref<128x128xf32, #tpu.memory_space<vmem>>, %arg7: memref<!tpu.dma_semaphore, #tpu.memory_space<semaphore_mem>>) attributes {dimension_semantics = [#tpu.dimension_semantics<core_parallel>, #tpu.dimension_semantics<subcore_parallel>], iteration_bounds = array<i64: 2, 16>, scalar_prefetch = 0 : i64, scratch_operands = 3 : i64, tpu.core_type = #tpu.core_type<sc_vector_subcore>, window_params = [{transform_indices = #map}, {transform_indices = #map1}, {transform_indices = #map1}]} {
    %mul3A = arith.constant 16 : i32
    %mul3A_0 = arith.muli %arg0, %mul3A : i32
    %add3A = arith.addi %mul3A_0, %arg1 : i32
    "tpu.region"() ({
      %run_scoped3A = tpu.sem_alloc : memref<!tpu.dma_semaphore, #tpu.memory_space<semaphore_mem>>
      %dma_start3A_39 = arith.constant 0 : i32
      %dma_start3A_40 = arith.constant 0 : i32
      %dma_start3A_41 = tpu.memref_slice %arg2[%add3A, %dma_start3A_39, %dma_start3A_40] : memref<32x2x128xi32, #tpu.memory_space<hbm>> -> memref<1x2x128xi32, #tpu.memory_space<hbm>>
      %dma_start3A_42 = tpu.memref_squeeze %dma_start3A_41 : memref<1x2x128xi32, #tpu.memory_space<hbm>> -> memref<2x128xi32, #tpu.memory_space<hbm>>
      %dma_start3A_43 = arith.constant 0 : i32
      %dma_start3A_44 = arith.constant 0 : i32
      %dma_start3A_45 = tpu.memref_slice %arg2[%add3A, %dma_start3A_43, %dma_start3A_44] : memref<32x2x128xi32, #tpu.memory_space<hbm>> -> memref<1x2x128xi32, #tpu.memory_space<hbm>>
      %dma_start3A_46 = tpu.memref_squeeze %dma_start3A_45 : memref<1x2x128xi32, #tpu.memory_space<hbm>> -> memref<2x128xi32, #tpu.memory_space<hbm>>
      tpu.enqueue_dma source(%dma_start3A_46 : memref<2x128xi32, #tpu.memory_space<hbm>>) target(%arg5 : memref<2x128xi32, #tpu.memory_space<vmem>>) target_semaphore(%run_scoped3A : memref<!tpu.dma_semaphore, #tpu.memory_space<semaphore_mem>>)
      %dma_wait3A_47 = arith.constant 0 : i32
      %dma_wait3A_48 = arith.constant 0 : i32
      %dma_wait3A_49 = tpu.memref_slice %arg2[%add3A, %dma_wait3A_47, %dma_wait3A_48] : memref<32x2x128xi32, #tpu.memory_space<hbm>> -> memref<1x2x128xi32, #tpu.memory_space<hbm>>
      %dma_wait3A_50 = tpu.memref_squeeze %dma_wait3A_49 : memref<1x2x128xi32, #tpu.memory_space<hbm>> -> memref<2x128xi32, #tpu.memory_space<hbm>>
      %dma_wait3A_51 = arith.constant 0 : i32
      %dma_wait3A_52 = arith.constant 0 : i32
      %dma_wait3A_53 = tpu.memref_slice %arg2[%add3A, %dma_wait3A_51, %dma_wait3A_52] : memref<32x2x128xi32, #tpu.memory_space<hbm>> -> memref<1x2x128xi32, #tpu.memory_space<hbm>>
      %dma_wait3A_54 = tpu.memref_squeeze %dma_wait3A_53 : memref<1x2x128xi32, #tpu.memory_space<hbm>> -> memref<2x128xi32, #tpu.memory_space<hbm>>
      tpu.wait_dma2 semaphore(%run_scoped3A : memref<!tpu.dma_semaphore, #tpu.memory_space<semaphore_mem>>) src(%dma_wait3A_54 : memref<2x128xi32, #tpu.memory_space<hbm>>) dst(%arg5 : memref<2x128xi32, #tpu.memory_space<vmem>>)
      tpu.yield
    }) : () -> ()
    %dma_start3A = arith.constant 0 : i32
    %dma_start3A_1 = arith.constant 0 : i32
    %dma_start3A_2 = tpu.memref_slice %arg5[%dma_start3A, %dma_start3A_1] : memref<2x128xi32, #tpu.memory_space<vmem>> -> memref<1x128xi32, #tpu.memory_space<vmem>>
    %dma_start3A_3 = tpu.memref_squeeze %dma_start3A_2 : memref<1x128xi32, #tpu.memory_space<vmem>> -> memref<128xi32, #tpu.memory_space<vmem>>
    %dma_start3A_4 = arith.constant 0 : i32
    %dma_start3A_5 = arith.constant 0 : i32
    %dma_start3A_6 = tpu.memref_slice %arg3[%dma_start3A_4, %dma_start3A_5] : memref<10240x128xf32, #tpu.memory_space<hbm>> -> memref<10240x128xf32, #tpu.memory_space<hbm>>
    tpu.enqueue_indirect_dma source(%dma_start3A_6 : memref<10240x128xf32, #tpu.memory_space<hbm>>) target(%arg6 : memref<128x128xf32, #tpu.memory_space<vmem>>) offsets(%dma_start3A_3 : memref<128xi32, #tpu.memory_space<vmem>>) semaphore(%arg7 : memref<!tpu.dma_semaphore, #tpu.memory_space<semaphore_mem>>)
    %dma_wait3A = arith.constant 0 : i32
    %dma_wait3A_7 = arith.constant 0 : i32
    %dma_wait3A_8 = tpu.memref_slice %arg5[%dma_wait3A, %dma_wait3A_7] : memref<2x128xi32, #tpu.memory_space<vmem>> -> memref<1x128xi32, #tpu.memory_space<vmem>>
    %dma_wait3A_9 = tpu.memref_squeeze %dma_wait3A_8 : memref<1x128xi32, #tpu.memory_space<vmem>> -> memref<128xi32, #tpu.memory_space<vmem>>
    %dma_wait3A_10 = arith.constant 0 : i32
    %dma_wait3A_11 = arith.constant 0 : i32
    %dma_wait3A_12 = tpu.memref_slice %arg3[%dma_wait3A_10, %dma_wait3A_11] : memref<10240x128xf32, #tpu.memory_space<hbm>> -> memref<10240x128xf32, #tpu.memory_space<hbm>>
    tpu.wait_indirect_dma semaphore(%arg7 : memref<!tpu.dma_semaphore, #tpu.memory_space<semaphore_mem>>) src(%dma_wait3A_12 : memref<10240x128xf32, #tpu.memory_space<hbm>>) dst(%arg6 : memref<128x128xf32, #tpu.memory_space<vmem>>)
    %mul3A_13 = arith.constant 2 : i32
    %mul3A_14 = arith.muli %add3A, %mul3A_13 : i32
    %add3A_15 = arith.constant 0 : i32
    %add3A_16 = arith.addi %mul3A_14, %add3A_15 : i32
    %mul3A_17 = arith.constant 128 : i32
    %mul3A_18 = arith.muli %add3A_16, %mul3A_17 : i32
    "tpu.region"() ({
      %run_scoped3A = tpu.sem_alloc : memref<!tpu.dma_semaphore, #tpu.memory_space<semaphore_mem>>
      %dma_start3A_39 = arith.constant 0 : i32
      %dma_start3A_40 = tpu.memref_slice %arg4[%mul3A_18, %dma_start3A_39] : memref<8192x128xf32, #tpu.memory_space<hbm>> -> memref<128x128xf32, #tpu.memory_space<hbm>>
      %dma_start3A_41 = arith.constant 0 : i32
      %dma_start3A_42 = tpu.memref_slice %arg4[%mul3A_18, %dma_start3A_41] : memref<8192x128xf32, #tpu.memory_space<hbm>> -> memref<128x128xf32, #tpu.memory_space<hbm>>
      tpu.enqueue_dma source(%arg6 : memref<128x128xf32, #tpu.memory_space<vmem>>) target(%dma_start3A_42 : memref<128x128xf32, #tpu.memory_space<hbm>>) target_semaphore(%run_scoped3A : memref<!tpu.dma_semaphore, #tpu.memory_space<semaphore_mem>>)
      %dma_wait3A_43 = arith.constant 0 : i32
      %dma_wait3A_44 = tpu.memref_slice %arg4[%mul3A_18, %dma_wait3A_43] : memref<8192x128xf32, #tpu.memory_space<hbm>> -> memref<128x128xf32, #tpu.memory_space<hbm>>
      %dma_wait3A_45 = arith.constant 0 : i32
      %dma_wait3A_46 = tpu.memref_slice %arg4[%mul3A_18, %dma_wait3A_45] : memref<8192x128xf32, #tpu.memory_space<hbm>> -> memref<128x128xf32, #tpu.memory_space<hbm>>
      tpu.wait_dma2 semaphore(%run_scoped3A : memref<!tpu.dma_semaphore, #tpu.memory_space<semaphore_mem>>) src(%arg6 : memref<128x128xf32, #tpu.memory_space<vmem>>) dst(%dma_wait3A_46 : memref<128x128xf32, #tpu.memory_space<hbm>>)
      tpu.yield
    }) : () -> ()
    %dma_start3A_19 = arith.constant 1 : i32
    %dma_start3A_20 = arith.constant 0 : i32
    %dma_start3A_21 = tpu.memref_slice %arg5[%dma_start3A_19, %dma_start3A_20] : memref<2x128xi32, #tpu.memory_space<vmem>> -> memref<1x128xi32, #tpu.memory_space<vmem>>
    %dma_start3A_22 = tpu.memref_squeeze %dma_start3A_21 : memref<1x128xi32, #tpu.memory_space<vmem>> -> memref<128xi32, #tpu.memory_space<vmem>>
    %dma_start3A_23 = arith.constant 0 : i32
    %dma_start3A_24 = arith.constant 0 : i32
    %dma_start3A_25 = tpu.memref_slice %arg3[%dma_start3A_23, %dma_start3A_24] : memref<10240x128xf32, #tpu.memory_space<hbm>> -> memref<10240x128xf32, #tpu.memory_space<hbm>>
    tpu.enqueue_indirect_dma source(%dma_start3A_25 : memref<10240x128xf32, #tpu.memory_space<hbm>>) target(%arg6 : memref<128x128xf32, #tpu.memory_space<vmem>>) offsets(%dma_start3A_22 : memref<128xi32, #tpu.memory_space<vmem>>) semaphore(%arg7 : memref<!tpu.dma_semaphore, #tpu.memory_space<semaphore_mem>>)
    %dma_wait3A_26 = arith.constant 1 : i32
    %dma_wait3A_27 = arith.constant 0 : i32
    %dma_wait3A_28 = tpu.memref_slice %arg5[%dma_wait3A_26, %dma_wait3A_27] : memref<2x128xi32, #tpu.memory_space<vmem>> -> memref<1x128xi32, #tpu.memory_space<vmem>>
    %dma_wait3A_29 = tpu.memref_squeeze %dma_wait3A_28 : memref<1x128xi32, #tpu.memory_space<vmem>> -> memref<128xi32, #tpu.memory_space<vmem>>
    %dma_wait3A_30 = arith.constant 0 : i32
    %dma_wait3A_31 = arith.constant 0 : i32
    %dma_wait3A_32 = tpu.memref_slice %arg3[%dma_wait3A_30, %dma_wait3A_31] : memref<10240x128xf32, #tpu.memory_space<hbm>> -> memref<10240x128xf32, #tpu.memory_space<hbm>>
    tpu.wait_indirect_dma semaphore(%arg7 : memref<!tpu.dma_semaphore, #tpu.memory_space<semaphore_mem>>) src(%dma_wait3A_32 : memref<10240x128xf32, #tpu.memory_space<hbm>>) dst(%arg6 : memref<128x128xf32, #tpu.memory_space<vmem>>)
    %mul3A_33 = arith.constant 2 : i32
    %mul3A_34 = arith.muli %add3A, %mul3A_33 : i32
    %add3A_35 = arith.constant 1 : i32
    %add3A_36 = arith.addi %mul3A_34, %add3A_35 : i32
    %mul3A_37 = arith.constant 128 : i32
    %mul3A_38 = arith.muli %add3A_36, %mul3A_37 : i32
    "tpu.region"() ({
      %run_scoped3A = tpu.sem_alloc : memref<!tpu.dma_semaphore, #tpu.memory_space<semaphore_mem>>
      %dma_start3A_39 = arith.constant 0 : i32
      %dma_start3A_40 = tpu.memref_slice %arg4[%mul3A_38, %dma_start3A_39] : memref<8192x128xf32, #tpu.memory_space<hbm>> -> memref<128x128xf32, #tpu.memory_space<hbm>>
      %dma_start3A_41 = arith.constant 0 : i32
      %dma_start3A_42 = tpu.memref_slice %arg4[%mul3A_38, %dma_start3A_41] : memref<8192x128xf32, #tpu.memory_space<hbm>> -> memref<128x128xf32, #tpu.memory_space<hbm>>
      tpu.enqueue_dma source(%arg6 : memref<128x128xf32, #tpu.memory_space<vmem>>) target(%dma_start3A_42 : memref<128x128xf32, #tpu.memory_space<hbm>>) target_semaphore(%run_scoped3A : memref<!tpu.dma_semaphore, #tpu.memory_space<semaphore_mem>>)
      %dma_wait3A_43 = arith.constant 0 : i32
      %dma_wait3A_44 = tpu.memref_slice %arg4[%mul3A_38, %dma_wait3A_43] : memref<8192x128xf32, #tpu.memory_space<hbm>> -> memref<128x128xf32, #tpu.memory_space<hbm>>
      %dma_wait3A_45 = arith.constant 0 : i32
      %dma_wait3A_46 = tpu.memref_slice %arg4[%mul3A_38, %dma_wait3A_45] : memref<8192x128xf32, #tpu.memory_space<hbm>> -> memref<128x128xf32, #tpu.memory_space<hbm>>
      tpu.wait_dma2 semaphore(%run_scoped3A : memref<!tpu.dma_semaphore, #tpu.memory_space<semaphore_mem>>) src(%arg6 : memref<128x128xf32, #tpu.memory_space<vmem>>) dst(%dma_wait3A_46 : memref<128x128xf32, #tpu.memory_space<hbm>>)
      tpu.yield
    }) : () -> ()
    return
  }
}

#map = affine_map<(d0, d1) -> (0, 0, 0, 0)>
#map1 = affine_map<(d0, d1) -> (0, 0)>
#map2 = affine_map<(d0, d1) -> (0, 0, 0)>
module attributes {stable_mosaic.version = 14 : i64} {
  func.func @_sc_agg(%arg0: i32, %arg1: i32, %arg2: memref<2x32x80x128xi32, #tpu.memory_space<hbm>>, %arg3: memref<2x32x80x128xi32, #tpu.memory_space<hbm>>, %arg4: memref<2x32x1x16xi32, #tpu.memory_space<hbm>>, %arg5: memref<10240x128xf32, #tpu.memory_space<hbm>>, %arg6: memref<2x5120x128xf32, #tpu.memory_space<hbm>>, %arg7: memref<80x128xi32, #tpu.memory_space<vmem>>, %arg8: memref<80x128xi32, #tpu.memory_space<vmem>>, %arg9: memref<16xi32, #tpu.memory_space<vmem>>, %arg10: memref<128x128xf32, #tpu.memory_space<vmem>>, %arg11: memref<128x128xf32, #tpu.memory_space<vmem>>, %arg12: memref<5128x128xf32, #tpu.memory_space<vmem_shared>>, %arg13: memref<!tpu.dma_semaphore, #tpu.memory_space<semaphore_mem>>, %arg14: memref<!tpu.dma_semaphore, #tpu.memory_space<semaphore_mem>>, %arg15: memref<!tpu.dma_semaphore, #tpu.memory_space<semaphore_mem>>, %arg16: memref<!tpu.dma_semaphore, #tpu.memory_space<semaphore_mem>>) attributes {dimension_semantics = [#tpu.dimension_semantics<core_parallel>, #tpu.dimension_semantics<subcore_parallel>], iteration_bounds = array<i64: 2, 16>, scalar_prefetch = 0 : i64, scratch_operands = 10 : i64, tpu.core_type = #tpu.core_type<sc_vector_subcore>, window_params = [{transform_indices = #map}, {transform_indices = #map}, {transform_indices = #map}, {transform_indices = #map1}, {transform_indices = #map2}]} {
    %mul3A = arith.constant 5120 : i32
    %mul3A_0 = arith.muli %arg0, %mul3A : i32
    %mul3A_1 = arith.constant 320 : i32
    %mul3A_2 = arith.muli %arg1, %mul3A_1 : i32
    %add3A = arith.addi %mul3A_0, %mul3A_2 : i32
    %mul3A_3 = arith.constant 320 : i32
    %mul3A_4 = arith.muli %arg1, %mul3A_3 : i32
    "tpu.region"() ({
      %run_scoped3A_162 = tpu.sem_alloc : memref<!tpu.dma_semaphore, #tpu.memory_space<semaphore_mem>>
      %dma_start3A_163 = arith.constant 0 : i32
      %dma_start3A_164 = tpu.memref_slice %arg12[%mul3A_4, %dma_start3A_163] : memref<5128x128xf32, #tpu.memory_space<vmem_shared>> -> memref<320x128xf32, #tpu.memory_space<vmem_shared>>
      %dma_start3A_165 = arith.constant 0 : i32
      %dma_start3A_166 = tpu.memref_slice %arg5[%add3A, %dma_start3A_165] : memref<10240x128xf32, #tpu.memory_space<hbm>> -> memref<320x128xf32, #tpu.memory_space<hbm>>
      tpu.enqueue_dma source(%dma_start3A_166 : memref<320x128xf32, #tpu.memory_space<hbm>>) target(%dma_start3A_164 : memref<320x128xf32, #tpu.memory_space<vmem_shared>>) target_semaphore(%run_scoped3A_162 : memref<!tpu.dma_semaphore, #tpu.memory_space<semaphore_mem>>)
      %dma_wait3A_167 = arith.constant 0 : i32
      %dma_wait3A_168 = tpu.memref_slice %arg12[%mul3A_4, %dma_wait3A_167] : memref<5128x128xf32, #tpu.memory_space<vmem_shared>> -> memref<320x128xf32, #tpu.memory_space<vmem_shared>>
      %dma_wait3A_169 = arith.constant 0 : i32
      %dma_wait3A_170 = tpu.memref_slice %arg5[%add3A, %dma_wait3A_169] : memref<10240x128xf32, #tpu.memory_space<hbm>> -> memref<320x128xf32, #tpu.memory_space<hbm>>
      tpu.wait_dma2 semaphore(%run_scoped3A_162 : memref<!tpu.dma_semaphore, #tpu.memory_space<semaphore_mem>>) src(%dma_wait3A_170 : memref<320x128xf32, #tpu.memory_space<hbm>>) dst(%dma_wait3A_168 : memref<320x128xf32, #tpu.memory_space<vmem_shared>>)
      tpu.yield
    }) : () -> ()
    %barrier3A = arith.constant 0 : index
    tpu.barrier barrier_id(%barrier3A)
    %add3A_5 = arith.constant 0 : i32
    %add3A_6 = arith.addi %add3A_5, %arg1 : i32
    "tpu.region"() ({
      %run_scoped3A_162 = tpu.sem_alloc : memref<!tpu.dma_semaphore, #tpu.memory_space<semaphore_mem>>
      %dma_start3A_163 = arith.constant 0 : i32
      %dma_start3A_164 = arith.constant 0 : i32
      %dma_start3A_165 = tpu.memref_slice %arg2[%arg0, %add3A_6, %dma_start3A_163, %dma_start3A_164] : memref<2x32x80x128xi32, #tpu.memory_space<hbm>> -> memref<1x1x80x128xi32, #tpu.memory_space<hbm>>
      %dma_start3A_166 = tpu.memref_squeeze %dma_start3A_165 : memref<1x1x80x128xi32, #tpu.memory_space<hbm>> -> memref<80x128xi32, #tpu.memory_space<hbm>>
      %dma_start3A_167 = arith.constant 0 : i32
      %dma_start3A_168 = arith.constant 0 : i32
      %dma_start3A_169 = tpu.memref_slice %arg2[%arg0, %add3A_6, %dma_start3A_167, %dma_start3A_168] : memref<2x32x80x128xi32, #tpu.memory_space<hbm>> -> memref<1x1x80x128xi32, #tpu.memory_space<hbm>>
      %dma_start3A_170 = tpu.memref_squeeze %dma_start3A_169 : memref<1x1x80x128xi32, #tpu.memory_space<hbm>> -> memref<80x128xi32, #tpu.memory_space<hbm>>
      tpu.enqueue_dma source(%dma_start3A_170 : memref<80x128xi32, #tpu.memory_space<hbm>>) target(%arg7 : memref<80x128xi32, #tpu.memory_space<vmem>>) target_semaphore(%run_scoped3A_162 : memref<!tpu.dma_semaphore, #tpu.memory_space<semaphore_mem>>)
      %dma_wait3A_171 = arith.constant 0 : i32
      %dma_wait3A_172 = arith.constant 0 : i32
      %dma_wait3A_173 = tpu.memref_slice %arg2[%arg0, %add3A_6, %dma_wait3A_171, %dma_wait3A_172] : memref<2x32x80x128xi32, #tpu.memory_space<hbm>> -> memref<1x1x80x128xi32, #tpu.memory_space<hbm>>
      %dma_wait3A_174 = tpu.memref_squeeze %dma_wait3A_173 : memref<1x1x80x128xi32, #tpu.memory_space<hbm>> -> memref<80x128xi32, #tpu.memory_space<hbm>>
      %dma_wait3A_175 = arith.constant 0 : i32
      %dma_wait3A_176 = arith.constant 0 : i32
      %dma_wait3A_177 = tpu.memref_slice %arg2[%arg0, %add3A_6, %dma_wait3A_175, %dma_wait3A_176] : memref<2x32x80x128xi32, #tpu.memory_space<hbm>> -> memref<1x1x80x128xi32, #tpu.memory_space<hbm>>
      %dma_wait3A_178 = tpu.memref_squeeze %dma_wait3A_177 : memref<1x1x80x128xi32, #tpu.memory_space<hbm>> -> memref<80x128xi32, #tpu.memory_space<hbm>>
      tpu.wait_dma2 semaphore(%run_scoped3A_162 : memref<!tpu.dma_semaphore, #tpu.memory_space<semaphore_mem>>) src(%dma_wait3A_178 : memref<80x128xi32, #tpu.memory_space<hbm>>) dst(%arg7 : memref<80x128xi32, #tpu.memory_space<vmem>>)
      tpu.yield
    }) : () -> ()
    "tpu.region"() ({
      %run_scoped3A_162 = tpu.sem_alloc : memref<!tpu.dma_semaphore, #tpu.memory_space<semaphore_mem>>
      %dma_start3A_163 = arith.constant 0 : i32
      %dma_start3A_164 = arith.constant 0 : i32
      %dma_start3A_165 = tpu.memref_slice %arg3[%arg0, %add3A_6, %dma_start3A_163, %dma_start3A_164] : memref<2x32x80x128xi32, #tpu.memory_space<hbm>> -> memref<1x1x80x128xi32, #tpu.memory_space<hbm>>
      %dma_start3A_166 = tpu.memref_squeeze %dma_start3A_165 : memref<1x1x80x128xi32, #tpu.memory_space<hbm>> -> memref<80x128xi32, #tpu.memory_space<hbm>>
      %dma_start3A_167 = arith.constant 0 : i32
      %dma_start3A_168 = arith.constant 0 : i32
      %dma_start3A_169 = tpu.memref_slice %arg3[%arg0, %add3A_6, %dma_start3A_167, %dma_start3A_168] : memref<2x32x80x128xi32, #tpu.memory_space<hbm>> -> memref<1x1x80x128xi32, #tpu.memory_space<hbm>>
      %dma_start3A_170 = tpu.memref_squeeze %dma_start3A_169 : memref<1x1x80x128xi32, #tpu.memory_space<hbm>> -> memref<80x128xi32, #tpu.memory_space<hbm>>
      tpu.enqueue_dma source(%dma_start3A_170 : memref<80x128xi32, #tpu.memory_space<hbm>>) target(%arg8 : memref<80x128xi32, #tpu.memory_space<vmem>>) target_semaphore(%run_scoped3A_162 : memref<!tpu.dma_semaphore, #tpu.memory_space<semaphore_mem>>)
      %dma_wait3A_171 = arith.constant 0 : i32
      %dma_wait3A_172 = arith.constant 0 : i32
      %dma_wait3A_173 = tpu.memref_slice %arg3[%arg0, %add3A_6, %dma_wait3A_171, %dma_wait3A_172] : memref<2x32x80x128xi32, #tpu.memory_space<hbm>> -> memref<1x1x80x128xi32, #tpu.memory_space<hbm>>
      %dma_wait3A_174 = tpu.memref_squeeze %dma_wait3A_173 : memref<1x1x80x128xi32, #tpu.memory_space<hbm>> -> memref<80x128xi32, #tpu.memory_space<hbm>>
      %dma_wait3A_175 = arith.constant 0 : i32
      %dma_wait3A_176 = arith.constant 0 : i32
      %dma_wait3A_177 = tpu.memref_slice %arg3[%arg0, %add3A_6, %dma_wait3A_175, %dma_wait3A_176] : memref<2x32x80x128xi32, #tpu.memory_space<hbm>> -> memref<1x1x80x128xi32, #tpu.memory_space<hbm>>
      %dma_wait3A_178 = tpu.memref_squeeze %dma_wait3A_177 : memref<1x1x80x128xi32, #tpu.memory_space<hbm>> -> memref<80x128xi32, #tpu.memory_space<hbm>>
      tpu.wait_dma2 semaphore(%run_scoped3A_162 : memref<!tpu.dma_semaphore, #tpu.memory_space<semaphore_mem>>) src(%dma_wait3A_178 : memref<80x128xi32, #tpu.memory_space<hbm>>) dst(%arg8 : memref<80x128xi32, #tpu.memory_space<vmem>>)
      tpu.yield
    }) : () -> ()
    %run_scoped3A = arith.constant 0 : i32
    "tpu.region"() ({
      %run_scoped3A_162 = tpu.sem_alloc : memref<!tpu.dma_semaphore, #tpu.memory_space<semaphore_mem>>
      %dma_start3A_163 = arith.constant 0 : i32
      %dma_start3A_164 = tpu.memref_slice %arg4[%arg0, %add3A_6, %run_scoped3A, %dma_start3A_163] : memref<2x32x1x16xi32, #tpu.memory_space<hbm>> -> memref<1x1x1x16xi32, #tpu.memory_space<hbm>>
      %dma_start3A_165 = tpu.memref_squeeze %dma_start3A_164 : memref<1x1x1x16xi32, #tpu.memory_space<hbm>> -> memref<16xi32, #tpu.memory_space<hbm>>
      %dma_start3A_166 = arith.constant 0 : i32
      %dma_start3A_167 = tpu.memref_slice %arg4[%arg0, %add3A_6, %run_scoped3A, %dma_start3A_166] : memref<2x32x1x16xi32, #tpu.memory_space<hbm>> -> memref<1x1x1x16xi32, #tpu.memory_space<hbm>>
      %dma_start3A_168 = tpu.memref_squeeze %dma_start3A_167 : memref<1x1x1x16xi32, #tpu.memory_space<hbm>> -> memref<16xi32, #tpu.memory_space<hbm>>
      tpu.enqueue_dma source(%dma_start3A_168 : memref<16xi32, #tpu.memory_space<hbm>>) target(%arg9 : memref<16xi32, #tpu.memory_space<vmem>>) target_semaphore(%run_scoped3A_162 : memref<!tpu.dma_semaphore, #tpu.memory_space<semaphore_mem>>)
      %dma_wait3A_169 = arith.constant 0 : i32
      %dma_wait3A_170 = tpu.memref_slice %arg4[%arg0, %add3A_6, %run_scoped3A, %dma_wait3A_169] : memref<2x32x1x16xi32, #tpu.memory_space<hbm>> -> memref<1x1x1x16xi32, #tpu.memory_space<hbm>>
      %dma_wait3A_171 = tpu.memref_squeeze %dma_wait3A_170 : memref<1x1x1x16xi32, #tpu.memory_space<hbm>> -> memref<16xi32, #tpu.memory_space<hbm>>
      %dma_wait3A_172 = arith.constant 0 : i32
      %dma_wait3A_173 = tpu.memref_slice %arg4[%arg0, %add3A_6, %run_scoped3A, %dma_wait3A_172] : memref<2x32x1x16xi32, #tpu.memory_space<hbm>> -> memref<1x1x1x16xi32, #tpu.memory_space<hbm>>
      %dma_wait3A_174 = tpu.memref_squeeze %dma_wait3A_173 : memref<1x1x1x16xi32, #tpu.memory_space<hbm>> -> memref<16xi32, #tpu.memory_space<hbm>>
      tpu.wait_dma2 semaphore(%run_scoped3A_162 : memref<!tpu.dma_semaphore, #tpu.memory_space<semaphore_mem>>) src(%dma_wait3A_174 : memref<16xi32, #tpu.memory_space<hbm>>) dst(%arg9 : memref<16xi32, #tpu.memory_space<vmem>>)
      tpu.yield
    }) : () -> ()
    %get3A = arith.constant 0 : index
    %get3A_7 = tpu.vector_load %arg9[%get3A] {strides = array<i32>} : memref<16xi32, #tpu.memory_space<vmem>>, vector<16xi32>,
    %get3A_8 = vector.shape_cast %get3A_7 : vector<16xi32> to vector<16xi32>
    %slice3A = vector.extract_strided_slice %get3A_8 {offsets = [0], sizes = [1], strides = [1]} : vector<16xi32> to vector<1xi32>
    %squeeze3A = vector.extract %slice3A[0] : i32 from vector<1xi32>
    %dma_start3A = arith.constant 0 : i32
    %dma_start3A_9 = arith.constant 0 : i32
    %dma_start3A_10 = tpu.memref_slice %arg7[%dma_start3A, %dma_start3A_9] : memref<80x128xi32, #tpu.memory_space<vmem>> -> memref<1x128xi32, #tpu.memory_space<vmem>>
    %dma_start3A_11 = tpu.memref_squeeze %dma_start3A_10 : memref<1x128xi32, #tpu.memory_space<vmem>> -> memref<128xi32, #tpu.memory_space<vmem>>
    %dma_start3A_12 = arith.constant 0 : i32
    %dma_start3A_13 = arith.constant 0 : i32
    %dma_start3A_14 = tpu.memref_slice %arg5[%dma_start3A_12, %dma_start3A_13] : memref<10240x128xf32, #tpu.memory_space<hbm>> -> memref<10240x128xf32, #tpu.memory_space<hbm>>
    tpu.enqueue_indirect_dma source(%dma_start3A_14 : memref<10240x128xf32, #tpu.memory_space<hbm>>) target(%arg10 : memref<128x128xf32, #tpu.memory_space<vmem>>) offsets(%dma_start3A_11 : memref<128xi32, #tpu.memory_space<vmem>>) semaphore(%arg13 : memref<!tpu.dma_semaphore, #tpu.memory_space<semaphore_mem>>)
    %dma_start3A_15 = arith.constant 1 : i32
    %dma_start3A_16 = arith.constant 0 : i32
    %dma_start3A_17 = tpu.memref_slice %arg7[%dma_start3A_15, %dma_start3A_16] : memref<80x128xi32, #tpu.memory_space<vmem>> -> memref<1x128xi32, #tpu.memory_space<vmem>>
    %dma_start3A_18 = tpu.memref_squeeze %dma_start3A_17 : memref<1x128xi32, #tpu.memory_space<vmem>> -> memref<128xi32, #tpu.memory_space<vmem>>
    %dma_start3A_19 = arith.constant 0 : i32
    %dma_start3A_20 = arith.constant 0 : i32
    %dma_start3A_21 = tpu.memref_slice %arg5[%dma_start3A_19, %dma_start3A_20] : memref<10240x128xf32, #tpu.memory_space<hbm>> -> memref<10240x128xf32, #tpu.memory_space<hbm>>
    tpu.enqueue_indirect_dma source(%dma_start3A_21 : memref<10240x128xf32, #tpu.memory_space<hbm>>) target(%arg11 : memref<128x128xf32, #tpu.memory_space<vmem>>) offsets(%dma_start3A_18 : memref<128xi32, #tpu.memory_space<vmem>>) semaphore(%arg14 : memref<!tpu.dma_semaphore, #tpu.memory_space<semaphore_mem>>)
    %sub3A = arith.constant 1 : i32
    %sub3A_22 = arith.subi %squeeze3A, %sub3A : i32
    %while3A = arith.constant 0 : i32
    %while3A_23 = arith.constant 0 : i32
    %while3A_24 = arith.subi %sub3A_22, %while3A_23 : i32
    %while3A_25 = arith.addi %while3A_23, %while3A_24 : i32
    %while3A_26 = arith.constant 1 : i32
    %while3A_27 = arith.divsi %while3A_24, %while3A_26 : i32
    %while3A_28 = arith.muli %while3A_27, %while3A_26 : i32
    %while3A_29 = arith.addi %while3A_23, %while3A_28 : i32
    %while3A_30 = arith.constant 1 : i32
    scf.for %while3A_162 = %while3A_23 to %while3A_29 step %while3A_30  : i32 {
      %mul3A_163 = arith.constant 2 : i32
      %mul3A_164 = arith.muli %while3A_162, %mul3A_163 : i32
      %dma_wait3A_165 = arith.constant 0 : i32
      %dma_wait3A_166 = tpu.memref_slice %arg7[%mul3A_164, %dma_wait3A_165] : memref<80x128xi32, #tpu.memory_space<vmem>> -> memref<1x128xi32, #tpu.memory_space<vmem>>
      %dma_wait3A_167 = tpu.memref_squeeze %dma_wait3A_166 : memref<1x128xi32, #tpu.memory_space<vmem>> -> memref<128xi32, #tpu.memory_space<vmem>>
      %dma_wait3A_168 = arith.constant 0 : i32
      %dma_wait3A_169 = arith.constant 0 : i32
      %dma_wait3A_170 = tpu.memref_slice %arg5[%dma_wait3A_168, %dma_wait3A_169] : memref<10240x128xf32, #tpu.memory_space<hbm>> -> memref<10240x128xf32, #tpu.memory_space<hbm>>
      tpu.wait_indirect_dma semaphore(%arg13 : memref<!tpu.dma_semaphore, #tpu.memory_space<semaphore_mem>>) src(%dma_wait3A_170 : memref<10240x128xf32, #tpu.memory_space<hbm>>) dst(%arg10 : memref<128x128xf32, #tpu.memory_space<vmem>>)
      %dma_start3A_171 = arith.constant 0 : i32
      %dma_start3A_172 = tpu.memref_slice %arg8[%mul3A_164, %dma_start3A_171] : memref<80x128xi32, #tpu.memory_space<vmem>> -> memref<1x128xi32, #tpu.memory_space<vmem>>
      %dma_start3A_173 = tpu.memref_squeeze %dma_start3A_172 : memref<1x128xi32, #tpu.memory_space<vmem>> -> memref<128xi32, #tpu.memory_space<vmem>>
      %dma_start3A_174 = arith.constant 0 : i32
      %dma_start3A_175 = arith.constant 0 : i32
      %dma_start3A_176 = tpu.memref_slice %arg12[%dma_start3A_174, %dma_start3A_175] : memref<5128x128xf32, #tpu.memory_space<vmem_shared>> -> memref<5128x128xf32, #tpu.memory_space<vmem_shared>>
      tpu.enqueue_indirect_dma source(%arg10 : memref<128x128xf32, #tpu.memory_space<vmem>>) target(%dma_start3A_176 : memref<5128x128xf32, #tpu.memory_space<vmem_shared>>) offsets(%dma_start3A_173 : memref<128xi32, #tpu.memory_space<vmem>>) semaphore(%arg15 : memref<!tpu.dma_semaphore, #tpu.memory_space<semaphore_mem>>) {add = true}
      %add3A_177 = arith.constant 1 : i32
      %add3A_178 = arith.addi %mul3A_164, %add3A_177 : i32
      %dma_wait3A_179 = arith.constant 0 : i32
      %dma_wait3A_180 = tpu.memref_slice %arg7[%add3A_178, %dma_wait3A_179] : memref<80x128xi32, #tpu.memory_space<vmem>> -> memref<1x128xi32, #tpu.memory_space<vmem>>
      %dma_wait3A_181 = tpu.memref_squeeze %dma_wait3A_180 : memref<1x128xi32, #tpu.memory_space<vmem>> -> memref<128xi32, #tpu.memory_space<vmem>>
      %dma_wait3A_182 = arith.constant 0 : i32
      %dma_wait3A_183 = arith.constant 0 : i32
      %dma_wait3A_184 = tpu.memref_slice %arg5[%dma_wait3A_182, %dma_wait3A_183] : memref<10240x128xf32, #tpu.memory_space<hbm>> -> memref<10240x128xf32, #tpu.memory_space<hbm>>
      tpu.wait_indirect_dma semaphore(%arg14 : memref<!tpu.dma_semaphore, #tpu.memory_space<semaphore_mem>>) src(%dma_wait3A_184 : memref<10240x128xf32, #tpu.memory_space<hbm>>) dst(%arg11 : memref<128x128xf32, #tpu.memory_space<vmem>>)
      %add3A_185 = arith.constant 1 : i32
      %add3A_186 = arith.addi %mul3A_164, %add3A_185 : i32
      %dma_start3A_187 = arith.constant 0 : i32
      %dma_start3A_188 = tpu.memref_slice %arg8[%add3A_186, %dma_start3A_187] : memref<80x128xi32, #tpu.memory_space<vmem>> -> memref<1x128xi32, #tpu.memory_space<vmem>>
      %dma_start3A_189 = tpu.memref_squeeze %dma_start3A_188 : memref<1x128xi32, #tpu.memory_space<vmem>> -> memref<128xi32, #tpu.memory_space<vmem>>
      %dma_start3A_190 = arith.constant 0 : i32
      %dma_start3A_191 = arith.constant 0 : i32
      %dma_start3A_192 = tpu.memref_slice %arg12[%dma_start3A_190, %dma_start3A_191] : memref<5128x128xf32, #tpu.memory_space<vmem_shared>> -> memref<5128x128xf32, #tpu.memory_space<vmem_shared>>
      tpu.enqueue_indirect_dma source(%arg11 : memref<128x128xf32, #tpu.memory_space<vmem>>) target(%dma_start3A_192 : memref<5128x128xf32, #tpu.memory_space<vmem_shared>>) offsets(%dma_start3A_189 : memref<128xi32, #tpu.memory_space<vmem>>) semaphore(%arg16 : memref<!tpu.dma_semaphore, #tpu.memory_space<semaphore_mem>>) {add = true}
      %dma_wait3A_193 = arith.constant 0 : i32
      %dma_wait3A_194 = tpu.memref_slice %arg8[%mul3A_164, %dma_wait3A_193] : memref<80x128xi32, #tpu.memory_space<vmem>> -> memref<1x128xi32, #tpu.memory_space<vmem>>
      %dma_wait3A_195 = tpu.memref_squeeze %dma_wait3A_194 : memref<1x128xi32, #tpu.memory_space<vmem>> -> memref<128xi32, #tpu.memory_space<vmem>>
      %dma_wait3A_196 = arith.constant 0 : i32
      %dma_wait3A_197 = arith.constant 0 : i32
      %dma_wait3A_198 = tpu.memref_slice %arg12[%dma_wait3A_196, %dma_wait3A_197] : memref<5128x128xf32, #tpu.memory_space<vmem_shared>> -> memref<5128x128xf32, #tpu.memory_space<vmem_shared>>
      tpu.wait_indirect_dma semaphore(%arg15 : memref<!tpu.dma_semaphore, #tpu.memory_space<semaphore_mem>>) src(%arg10 : memref<128x128xf32, #tpu.memory_space<vmem>>) dst(%dma_wait3A_198 : memref<5128x128xf32, #tpu.memory_space<vmem_shared>>)
      %add3A_199 = arith.constant 2 : i32
      %add3A_200 = arith.addi %mul3A_164, %add3A_199 : i32
      %dma_start3A_201 = arith.constant 0 : i32
      %dma_start3A_202 = tpu.memref_slice %arg7[%add3A_200, %dma_start3A_201] : memref<80x128xi32, #tpu.memory_space<vmem>> -> memref<1x128xi32, #tpu.memory_space<vmem>>
      %dma_start3A_203 = tpu.memref_squeeze %dma_start3A_202 : memref<1x128xi32, #tpu.memory_space<vmem>> -> memref<128xi32, #tpu.memory_space<vmem>>
      %dma_start3A_204 = arith.constant 0 : i32
      %dma_start3A_205 = arith.constant 0 : i32
      %dma_start3A_206 = tpu.memref_slice %arg5[%dma_start3A_204, %dma_start3A_205] : memref<10240x128xf32, #tpu.memory_space<hbm>> -> memref<10240x128xf32, #tpu.memory_space<hbm>>
      tpu.enqueue_indirect_dma source(%dma_start3A_206 : memref<10240x128xf32, #tpu.memory_space<hbm>>) target(%arg10 : memref<128x128xf32, #tpu.memory_space<vmem>>) offsets(%dma_start3A_203 : memref<128xi32, #tpu.memory_space<vmem>>) semaphore(%arg13 : memref<!tpu.dma_semaphore, #tpu.memory_space<semaphore_mem>>)
      %add3A_207 = arith.constant 1 : i32
      %add3A_208 = arith.addi %mul3A_164, %add3A_207 : i32
      %dma_wait3A_209 = arith.constant 0 : i32
      %dma_wait3A_210 = tpu.memref_slice %arg8[%add3A_208, %dma_wait3A_209] : memref<80x128xi32, #tpu.memory_space<vmem>> -> memref<1x128xi32, #tpu.memory_space<vmem>>
      %dma_wait3A_211 = tpu.memref_squeeze %dma_wait3A_210 : memref<1x128xi32, #tpu.memory_space<vmem>> -> memref<128xi32, #tpu.memory_space<vmem>>
      %dma_wait3A_212 = arith.constant 0 : i32
      %dma_wait3A_213 = arith.constant 0 : i32
      %dma_wait3A_214 = tpu.memref_slice %arg12[%dma_wait3A_212, %dma_wait3A_213] : memref<5128x128xf32, #tpu.memory_space<vmem_shared>> -> memref<5128x128xf32, #tpu.memory_space<vmem_shared>>
      tpu.wait_indirect_dma semaphore(%arg16 : memref<!tpu.dma_semaphore, #tpu.memory_space<semaphore_mem>>) src(%arg11 : memref<128x128xf32, #tpu.memory_space<vmem>>) dst(%dma_wait3A_214 : memref<5128x128xf32, #tpu.memory_space<vmem_shared>>)
      %add3A_215 = arith.constant 3 : i32
      %add3A_216 = arith.addi %mul3A_164, %add3A_215 : i32
      %dma_start3A_217 = arith.constant 0 : i32
      %dma_start3A_218 = tpu.memref_slice %arg7[%add3A_216, %dma_start3A_217] : memref<80x128xi32, #tpu.memory_space<vmem>> -> memref<1x128xi32, #tpu.memory_space<vmem>>
      %dma_start3A_219 = tpu.memref_squeeze %dma_start3A_218 : memref<1x128xi32, #tpu.memory_space<vmem>> -> memref<128xi32, #tpu.memory_space<vmem>>
      %dma_start3A_220 = arith.constant 0 : i32
      %dma_start3A_221 = arith.constant 0 : i32
      %dma_start3A_222 = tpu.memref_slice %arg5[%dma_start3A_220, %dma_start3A_221] : memref<10240x128xf32, #tpu.memory_space<hbm>> -> memref<10240x128xf32, #tpu.memory_space<hbm>>
      tpu.enqueue_indirect_dma source(%dma_start3A_222 : memref<10240x128xf32, #tpu.memory_space<hbm>>) target(%arg11 : memref<128x128xf32, #tpu.memory_space<vmem>>) offsets(%dma_start3A_219 : memref<128xi32, #tpu.memory_space<vmem>>) semaphore(%arg14 : memref<!tpu.dma_semaphore, #tpu.memory_space<semaphore_mem>>)
    }
    %while3A_31 = arith.constant 1 : i32
    scf.for %while3A_162 = %while3A_29 to %while3A_25 step %while3A_31  : i32 {
      %mul3A_163 = arith.constant 2 : i32
      %mul3A_164 = arith.muli %while3A_162, %mul3A_163 : i32
      %dma_wait3A_165 = arith.constant 0 : i32
      %dma_wait3A_166 = tpu.memref_slice %arg7[%mul3A_164, %dma_wait3A_165] : memref<80x128xi32, #tpu.memory_space<vmem>> -> memref<1x128xi32, #tpu.memory_space<vmem>>
      %dma_wait3A_167 = tpu.memref_squeeze %dma_wait3A_166 : memref<1x128xi32, #tpu.memory_space<vmem>> -> memref<128xi32, #tpu.memory_space<vmem>>
      %dma_wait3A_168 = arith.constant 0 : i32
      %dma_wait3A_169 = arith.constant 0 : i32
      %dma_wait3A_170 = tpu.memref_slice %arg5[%dma_wait3A_168, %dma_wait3A_169] : memref<10240x128xf32, #tpu.memory_space<hbm>> -> memref<10240x128xf32, #tpu.memory_space<hbm>>
      tpu.wait_indirect_dma semaphore(%arg13 : memref<!tpu.dma_semaphore, #tpu.memory_space<semaphore_mem>>) src(%dma_wait3A_170 : memref<10240x128xf32, #tpu.memory_space<hbm>>) dst(%arg10 : memref<128x128xf32, #tpu.memory_space<vmem>>)
      %dma_start3A_171 = arith.constant 0 : i32
      %dma_start3A_172 = tpu.memref_slice %arg8[%mul3A_164, %dma_start3A_171] : memref<80x128xi32, #tpu.memory_space<vmem>> -> memref<1x128xi32, #tpu.memory_space<vmem>>
      %dma_start3A_173 = tpu.memref_squeeze %dma_start3A_172 : memref<1x128xi32, #tpu.memory_space<vmem>> -> memref<128xi32, #tpu.memory_space<vmem>>
      %dma_start3A_174 = arith.constant 0 : i32
      %dma_start3A_175 = arith.constant 0 : i32
      %dma_start3A_176 = tpu.memref_slice %arg12[%dma_start3A_174, %dma_start3A_175] : memref<5128x128xf32, #tpu.memory_space<vmem_shared>> -> memref<5128x128xf32, #tpu.memory_space<vmem_shared>>
      tpu.enqueue_indirect_dma source(%arg10 : memref<128x128xf32, #tpu.memory_space<vmem>>) target(%dma_start3A_176 : memref<5128x128xf32, #tpu.memory_space<vmem_shared>>) offsets(%dma_start3A_173 : memref<128xi32, #tpu.memory_space<vmem>>) semaphore(%arg15 : memref<!tpu.dma_semaphore, #tpu.memory_space<semaphore_mem>>) {add = true}
      %add3A_177 = arith.constant 1 : i32
      %add3A_178 = arith.addi %mul3A_164, %add3A_177 : i32
      %dma_wait3A_179 = arith.constant 0 : i32
      %dma_wait3A_180 = tpu.memref_slice %arg7[%add3A_178, %dma_wait3A_179] : memref<80x128xi32, #tpu.memory_space<vmem>> -> memref<1x128xi32, #tpu.memory_space<vmem>>
      %dma_wait3A_181 = tpu.memref_squeeze %dma_wait3A_180 : memref<1x128xi32, #tpu.memory_space<vmem>> -> memref<128xi32, #tpu.memory_space<vmem>>
      %dma_wait3A_182 = arith.constant 0 : i32
      %dma_wait3A_183 = arith.constant 0 : i32
      %dma_wait3A_184 = tpu.memref_slice %arg5[%dma_wait3A_182, %dma_wait3A_183] : memref<10240x128xf32, #tpu.memory_space<hbm>> -> memref<10240x128xf32, #tpu.memory_space<hbm>>
      tpu.wait_indirect_dma semaphore(%arg14 : memref<!tpu.dma_semaphore, #tpu.memory_space<semaphore_mem>>) src(%dma_wait3A_184 : memref<10240x128xf32, #tpu.memory_space<hbm>>) dst(%arg11 : memref<128x128xf32, #tpu.memory_space<vmem>>)
      %add3A_185 = arith.constant 1 : i32
      %add3A_186 = arith.addi %mul3A_164, %add3A_185 : i32
      %dma_start3A_187 = arith.constant 0 : i32
      %dma_start3A_188 = tpu.memref_slice %arg8[%add3A_186, %dma_start3A_187] : memref<80x128xi32, #tpu.memory_space<vmem>> -> memref<1x128xi32, #tpu.memory_space<vmem>>
      %dma_start3A_189 = tpu.memref_squeeze %dma_start3A_188 : memref<1x128xi32, #tpu.memory_space<vmem>> -> memref<128xi32, #tpu.memory_space<vmem>>
      %dma_start3A_190 = arith.constant 0 : i32
      %dma_start3A_191 = arith.constant 0 : i32
      %dma_start3A_192 = tpu.memref_slice %arg12[%dma_start3A_190, %dma_start3A_191] : memref<5128x128xf32, #tpu.memory_space<vmem_shared>> -> memref<5128x128xf32, #tpu.memory_space<vmem_shared>>
      tpu.enqueue_indirect_dma source(%arg11 : memref<128x128xf32, #tpu.memory_space<vmem>>) target(%dma_start3A_192 : memref<5128x128xf32, #tpu.memory_space<vmem_shared>>) offsets(%dma_start3A_189 : memref<128xi32, #tpu.memory_space<vmem>>) semaphore(%arg16 : memref<!tpu.dma_semaphore, #tpu.memory_space<semaphore_mem>>) {add = true}
      %dma_wait3A_193 = arith.constant 0 : i32
      %dma_wait3A_194 = tpu.memref_slice %arg8[%mul3A_164, %dma_wait3A_193] : memref<80x128xi32, #tpu.memory_space<vmem>> -> memref<1x128xi32, #tpu.memory_space<vmem>>
      %dma_wait3A_195 = tpu.memref_squeeze %dma_wait3A_194 : memref<1x128xi32, #tpu.memory_space<vmem>> -> memref<128xi32, #tpu.memory_space<vmem>>
      %dma_wait3A_196 = arith.constant 0 : i32
      %dma_wait3A_197 = arith.constant 0 : i32
      %dma_wait3A_198 = tpu.memref_slice %arg12[%dma_wait3A_196, %dma_wait3A_197] : memref<5128x128xf32, #tpu.memory_space<vmem_shared>> -> memref<5128x128xf32, #tpu.memory_space<vmem_shared>>
      tpu.wait_indirect_dma semaphore(%arg15 : memref<!tpu.dma_semaphore, #tpu.memory_space<semaphore_mem>>) src(%arg10 : memref<128x128xf32, #tpu.memory_space<vmem>>) dst(%dma_wait3A_198 : memref<5128x128xf32, #tpu.memory_space<vmem_shared>>)
      %add3A_199 = arith.constant 2 : i32
      %add3A_200 = arith.addi %mul3A_164, %add3A_199 : i32
      %dma_start3A_201 = arith.constant 0 : i32
      %dma_start3A_202 = tpu.memref_slice %arg7[%add3A_200, %dma_start3A_201] : memref<80x128xi32, #tpu.memory_space<vmem>> -> memref<1x128xi32, #tpu.memory_space<vmem>>
      %dma_start3A_203 = tpu.memref_squeeze %dma_start3A_202 : memref<1x128xi32, #tpu.memory_space<vmem>> -> memref<128xi32, #tpu.memory_space<vmem>>
      %dma_start3A_204 = arith.constant 0 : i32
      %dma_start3A_205 = arith.constant 0 : i32
      %dma_start3A_206 = tpu.memref_slice %arg5[%dma_start3A_204, %dma_start3A_205] : memref<10240x128xf32, #tpu.memory_space<hbm>> -> memref<10240x128xf32, #tpu.memory_space<hbm>>
      tpu.enqueue_indirect_dma source(%dma_start3A_206 : memref<10240x128xf32, #tpu.memory_space<hbm>>) target(%arg10 : memref<128x128xf32, #tpu.memory_space<vmem>>) offsets(%dma_start3A_203 : memref<128xi32, #tpu.memory_space<vmem>>) semaphore(%arg13 : memref<!tpu.dma_semaphore, #tpu.memory_space<semaphore_mem>>)
      %add3A_207 = arith.constant 1 : i32
      %add3A_208 = arith.addi %mul3A_164, %add3A_207 : i32
      %dma_wait3A_209 = arith.constant 0 : i32
      %dma_wait3A_210 = tpu.memref_slice %arg8[%add3A_208, %dma_wait3A_209] : memref<80x128xi32, #tpu.memory_space<vmem>> -> memref<1x128xi32, #tpu.memory_space<vmem>>
      %dma_wait3A_211 = tpu.memref_squeeze %dma_wait3A_210 : memref<1x128xi32, #tpu.memory_space<vmem>> -> memref<128xi32, #tpu.memory_space<vmem>>
      %dma_wait3A_212 = arith.constant 0 : i32
      %dma_wait3A_213 = arith.constant 0 : i32
      %dma_wait3A_214 = tpu.memref_slice %arg12[%dma_wait3A_212, %dma_wait3A_213] : memref<5128x128xf32, #tpu.memory_space<vmem_shared>> -> memref<5128x128xf32, #tpu.memory_space<vmem_shared>>
      tpu.wait_indirect_dma semaphore(%arg16 : memref<!tpu.dma_semaphore, #tpu.memory_space<semaphore_mem>>) src(%arg11 : memref<128x128xf32, #tpu.memory_space<vmem>>) dst(%dma_wait3A_214 : memref<5128x128xf32, #tpu.memory_space<vmem_shared>>)
      %add3A_215 = arith.constant 3 : i32
      %add3A_216 = arith.addi %mul3A_164, %add3A_215 : i32
      %dma_start3A_217 = arith.constant 0 : i32
      %dma_start3A_218 = tpu.memref_slice %arg7[%add3A_216, %dma_start3A_217] : memref<80x128xi32, #tpu.memory_space<vmem>> -> memref<1x128xi32, #tpu.memory_space<vmem>>
      %dma_start3A_219 = tpu.memref_squeeze %dma_start3A_218 : memref<1x128xi32, #tpu.memory_space<vmem>> -> memref<128xi32, #tpu.memory_space<vmem>>
      %dma_start3A_220 = arith.constant 0 : i32
      %dma_start3A_221 = arith.constant 0 : i32
      %dma_start3A_222 = tpu.memref_slice %arg5[%dma_start3A_220, %dma_start3A_221] : memref<10240x128xf32, #tpu.memory_space<hbm>> -> memref<10240x128xf32, #tpu.memory_space<hbm>>
      tpu.enqueue_indirect_dma source(%dma_start3A_222 : memref<10240x128xf32, #tpu.memory_space<hbm>>) target(%arg11 : memref<128x128xf32, #tpu.memory_space<vmem>>) offsets(%dma_start3A_219 : memref<128xi32, #tpu.memory_space<vmem>>) semaphore(%arg14 : memref<!tpu.dma_semaphore, #tpu.memory_space<semaphore_mem>>)
    }
    %sub3A_32 = arith.constant 1 : i32
    %sub3A_33 = arith.subi %squeeze3A, %sub3A_32 : i32
    %mul3A_34 = arith.constant 2 : i32
    %mul3A_35 = arith.muli %sub3A_33, %mul3A_34 : i32
    %dma_wait3A = arith.constant 0 : i32
    %dma_wait3A_36 = tpu.memref_slice %arg7[%mul3A_35, %dma_wait3A] : memref<80x128xi32, #tpu.memory_space<vmem>> -> memref<1x128xi32, #tpu.memory_space<vmem>>
    %dma_wait3A_37 = tpu.memref_squeeze %dma_wait3A_36 : memref<1x128xi32, #tpu.memory_space<vmem>> -> memref<128xi32, #tpu.memory_space<vmem>>
    %dma_wait3A_38 = arith.constant 0 : i32
    %dma_wait3A_39 = arith.constant 0 : i32
    %dma_wait3A_40 = tpu.memref_slice %arg5[%dma_wait3A_38, %dma_wait3A_39] : memref<10240x128xf32, #tpu.memory_space<hbm>> -> memref<10240x128xf32, #tpu.memory_space<hbm>>
    tpu.wait_indirect_dma semaphore(%arg13 : memref<!tpu.dma_semaphore, #tpu.memory_space<semaphore_mem>>) src(%dma_wait3A_40 : memref<10240x128xf32, #tpu.memory_space<hbm>>) dst(%arg10 : memref<128x128xf32, #tpu.memory_space<vmem>>)
    %dma_start3A_41 = arith.constant 0 : i32
    %dma_start3A_42 = tpu.memref_slice %arg8[%mul3A_35, %dma_start3A_41] : memref<80x128xi32, #tpu.memory_space<vmem>> -> memref<1x128xi32, #tpu.memory_space<vmem>>
    %dma_start3A_43 = tpu.memref_squeeze %dma_start3A_42 : memref<1x128xi32, #tpu.memory_space<vmem>> -> memref<128xi32, #tpu.memory_space<vmem>>
    %dma_start3A_44 = arith.constant 0 : i32
    %dma_start3A_45 = arith.constant 0 : i32
    %dma_start3A_46 = tpu.memref_slice %arg12[%dma_start3A_44, %dma_start3A_45] : memref<5128x128xf32, #tpu.memory_space<vmem_shared>> -> memref<5128x128xf32, #tpu.memory_space<vmem_shared>>
    tpu.enqueue_indirect_dma source(%arg10 : memref<128x128xf32, #tpu.memory_space<vmem>>) target(%dma_start3A_46 : memref<5128x128xf32, #tpu.memory_space<vmem_shared>>) offsets(%dma_start3A_43 : memref<128xi32, #tpu.memory_space<vmem>>) semaphore(%arg15 : memref<!tpu.dma_semaphore, #tpu.memory_space<semaphore_mem>>) {add = true}
    %add3A_47 = arith.constant 1 : i32
    %add3A_48 = arith.addi %mul3A_35, %add3A_47 : i32
    %dma_wait3A_49 = arith.constant 0 : i32
    %dma_wait3A_50 = tpu.memref_slice %arg7[%add3A_48, %dma_wait3A_49] : memref<80x128xi32, #tpu.memory_space<vmem>> -> memref<1x128xi32, #tpu.memory_space<vmem>>
    %dma_wait3A_51 = tpu.memref_squeeze %dma_wait3A_50 : memref<1x128xi32, #tpu.memory_space<vmem>> -> memref<128xi32, #tpu.memory_space<vmem>>
    %dma_wait3A_52 = arith.constant 0 : i32
    %dma_wait3A_53 = arith.constant 0 : i32
    %dma_wait3A_54 = tpu.memref_slice %arg5[%dma_wait3A_52, %dma_wait3A_53] : memref<10240x128xf32, #tpu.memory_space<hbm>> -> memref<10240x128xf32, #tpu.memory_space<hbm>>
    tpu.wait_indirect_dma semaphore(%arg14 : memref<!tpu.dma_semaphore, #tpu.memory_space<semaphore_mem>>) src(%dma_wait3A_54 : memref<10240x128xf32, #tpu.memory_space<hbm>>) dst(%arg11 : memref<128x128xf32, #tpu.memory_space<vmem>>)
    %add3A_55 = arith.constant 1 : i32
    %add3A_56 = arith.addi %mul3A_35, %add3A_55 : i32
    %dma_start3A_57 = arith.constant 0 : i32
    %dma_start3A_58 = tpu.memref_slice %arg8[%add3A_56, %dma_start3A_57] : memref<80x128xi32, #tpu.memory_space<vmem>> -> memref<1x128xi32, #tpu.memory_space<vmem>>
    %dma_start3A_59 = tpu.memref_squeeze %dma_start3A_58 : memref<1x128xi32, #tpu.memory_space<vmem>> -> memref<128xi32, #tpu.memory_space<vmem>>
    %dma_start3A_60 = arith.constant 0 : i32
    %dma_start3A_61 = arith.constant 0 : i32
    %dma_start3A_62 = tpu.memref_slice %arg12[%dma_start3A_60, %dma_start3A_61] : memref<5128x128xf32, #tpu.memory_space<vmem_shared>> -> memref<5128x128xf32, #tpu.memory_space<vmem_shared>>
    tpu.enqueue_indirect_dma source(%arg11 : memref<128x128xf32, #tpu.memory_space<vmem>>) target(%dma_start3A_62 : memref<5128x128xf32, #tpu.memory_space<vmem_shared>>) offsets(%dma_start3A_59 : memref<128xi32, #tpu.memory_space<vmem>>) semaphore(%arg16 : memref<!tpu.dma_semaphore, #tpu.memory_space<semaphore_mem>>) {add = true}
    %dma_wait3A_63 = arith.constant 0 : i32
    %dma_wait3A_64 = tpu.memref_slice %arg8[%mul3A_35, %dma_wait3A_63] : memref<80x128xi32, #tpu.memory_space<vmem>> -> memref<1x128xi32, #tpu.memory_space<vmem>>
    %dma_wait3A_65 = tpu.memref_squeeze %dma_wait3A_64 : memref<1x128xi32, #tpu.memory_space<vmem>> -> memref<128xi32, #tpu.memory_space<vmem>>
    %dma_wait3A_66 = arith.constant 0 : i32
    %dma_wait3A_67 = arith.constant 0 : i32
    %dma_wait3A_68 = tpu.memref_slice %arg12[%dma_wait3A_66, %dma_wait3A_67] : memref<5128x128xf32, #tpu.memory_space<vmem_shared>> -> memref<5128x128xf32, #tpu.memory_space<vmem_shared>>
    tpu.wait_indirect_dma semaphore(%arg15 : memref<!tpu.dma_semaphore, #tpu.memory_space<semaphore_mem>>) src(%arg10 : memref<128x128xf32, #tpu.memory_space<vmem>>) dst(%dma_wait3A_68 : memref<5128x128xf32, #tpu.memory_space<vmem_shared>>)
    %add3A_69 = arith.constant 1 : i32
    %add3A_70 = arith.addi %mul3A_35, %add3A_69 : i32
    %dma_wait3A_71 = arith.constant 0 : i32
    %dma_wait3A_72 = tpu.memref_slice %arg8[%add3A_70, %dma_wait3A_71] : memref<80x128xi32, #tpu.memory_space<vmem>> -> memref<1x128xi32, #tpu.memory_space<vmem>>
    %dma_wait3A_73 = tpu.memref_squeeze %dma_wait3A_72 : memref<1x128xi32, #tpu.memory_space<vmem>> -> memref<128xi32, #tpu.memory_space<vmem>>
    %dma_wait3A_74 = arith.constant 0 : i32
    %dma_wait3A_75 = arith.constant 0 : i32
    %dma_wait3A_76 = tpu.memref_slice %arg12[%dma_wait3A_74, %dma_wait3A_75] : memref<5128x128xf32, #tpu.memory_space<vmem_shared>> -> memref<5128x128xf32, #tpu.memory_space<vmem_shared>>
    tpu.wait_indirect_dma semaphore(%arg16 : memref<!tpu.dma_semaphore, #tpu.memory_space<semaphore_mem>>) src(%arg11 : memref<128x128xf32, #tpu.memory_space<vmem>>) dst(%dma_wait3A_76 : memref<5128x128xf32, #tpu.memory_space<vmem_shared>>)
    %add3A_77 = arith.constant 16 : i32
    %add3A_78 = arith.addi %add3A_77, %arg1 : i32
    "tpu.region"() ({
      %run_scoped3A_162 = tpu.sem_alloc : memref<!tpu.dma_semaphore, #tpu.memory_space<semaphore_mem>>
      %dma_start3A_163 = arith.constant 0 : i32
      %dma_start3A_164 = arith.constant 0 : i32
      %dma_start3A_165 = tpu.memref_slice %arg2[%arg0, %add3A_78, %dma_start3A_163, %dma_start3A_164] : memref<2x32x80x128xi32, #tpu.memory_space<hbm>> -> memref<1x1x80x128xi32, #tpu.memory_space<hbm>>
      %dma_start3A_166 = tpu.memref_squeeze %dma_start3A_165 : memref<1x1x80x128xi32, #tpu.memory_space<hbm>> -> memref<80x128xi32, #tpu.memory_space<hbm>>
      %dma_start3A_167 = arith.constant 0 : i32
      %dma_start3A_168 = arith.constant 0 : i32
      %dma_start3A_169 = tpu.memref_slice %arg2[%arg0, %add3A_78, %dma_start3A_167, %dma_start3A_168] : memref<2x32x80x128xi32, #tpu.memory_space<hbm>> -> memref<1x1x80x128xi32, #tpu.memory_space<hbm>>
      %dma_start3A_170 = tpu.memref_squeeze %dma_start3A_169 : memref<1x1x80x128xi32, #tpu.memory_space<hbm>> -> memref<80x128xi32, #tpu.memory_space<hbm>>
      tpu.enqueue_dma source(%dma_start3A_170 : memref<80x128xi32, #tpu.memory_space<hbm>>) target(%arg7 : memref<80x128xi32, #tpu.memory_space<vmem>>) target_semaphore(%run_scoped3A_162 : memref<!tpu.dma_semaphore, #tpu.memory_space<semaphore_mem>>)
      %dma_wait3A_171 = arith.constant 0 : i32
      %dma_wait3A_172 = arith.constant 0 : i32
      %dma_wait3A_173 = tpu.memref_slice %arg2[%arg0, %add3A_78, %dma_wait3A_171, %dma_wait3A_172] : memref<2x32x80x128xi32, #tpu.memory_space<hbm>> -> memref<1x1x80x128xi32, #tpu.memory_space<hbm>>
      %dma_wait3A_174 = tpu.memref_squeeze %dma_wait3A_173 : memref<1x1x80x128xi32, #tpu.memory_space<hbm>> -> memref<80x128xi32, #tpu.memory_space<hbm>>
      %dma_wait3A_175 = arith.constant 0 : i32
      %dma_wait3A_176 = arith.constant 0 : i32
      %dma_wait3A_177 = tpu.memref_slice %arg2[%arg0, %add3A_78, %dma_wait3A_175, %dma_wait3A_176] : memref<2x32x80x128xi32, #tpu.memory_space<hbm>> -> memref<1x1x80x128xi32, #tpu.memory_space<hbm>>
      %dma_wait3A_178 = tpu.memref_squeeze %dma_wait3A_177 : memref<1x1x80x128xi32, #tpu.memory_space<hbm>> -> memref<80x128xi32, #tpu.memory_space<hbm>>
      tpu.wait_dma2 semaphore(%run_scoped3A_162 : memref<!tpu.dma_semaphore, #tpu.memory_space<semaphore_mem>>) src(%dma_wait3A_178 : memref<80x128xi32, #tpu.memory_space<hbm>>) dst(%arg7 : memref<80x128xi32, #tpu.memory_space<vmem>>)
      tpu.yield
    }) : () -> ()
    "tpu.region"() ({
      %run_scoped3A_162 = tpu.sem_alloc : memref<!tpu.dma_semaphore, #tpu.memory_space<semaphore_mem>>
      %dma_start3A_163 = arith.constant 0 : i32
      %dma_start3A_164 = arith.constant 0 : i32
      %dma_start3A_165 = tpu.memref_slice %arg3[%arg0, %add3A_78, %dma_start3A_163, %dma_start3A_164] : memref<2x32x80x128xi32, #tpu.memory_space<hbm>> -> memref<1x1x80x128xi32, #tpu.memory_space<hbm>>
      %dma_start3A_166 = tpu.memref_squeeze %dma_start3A_165 : memref<1x1x80x128xi32, #tpu.memory_space<hbm>> -> memref<80x128xi32, #tpu.memory_space<hbm>>
      %dma_start3A_167 = arith.constant 0 : i32
      %dma_start3A_168 = arith.constant 0 : i32
      %dma_start3A_169 = tpu.memref_slice %arg3[%arg0, %add3A_78, %dma_start3A_167, %dma_start3A_168] : memref<2x32x80x128xi32, #tpu.memory_space<hbm>> -> memref<1x1x80x128xi32, #tpu.memory_space<hbm>>
      %dma_start3A_170 = tpu.memref_squeeze %dma_start3A_169 : memref<1x1x80x128xi32, #tpu.memory_space<hbm>> -> memref<80x128xi32, #tpu.memory_space<hbm>>
      tpu.enqueue_dma source(%dma_start3A_170 : memref<80x128xi32, #tpu.memory_space<hbm>>) target(%arg8 : memref<80x128xi32, #tpu.memory_space<vmem>>) target_semaphore(%run_scoped3A_162 : memref<!tpu.dma_semaphore, #tpu.memory_space<semaphore_mem>>)
      %dma_wait3A_171 = arith.constant 0 : i32
      %dma_wait3A_172 = arith.constant 0 : i32
      %dma_wait3A_173 = tpu.memref_slice %arg3[%arg0, %add3A_78, %dma_wait3A_171, %dma_wait3A_172] : memref<2x32x80x128xi32, #tpu.memory_space<hbm>> -> memref<1x1x80x128xi32, #tpu.memory_space<hbm>>
      %dma_wait3A_174 = tpu.memref_squeeze %dma_wait3A_173 : memref<1x1x80x128xi32, #tpu.memory_space<hbm>> -> memref<80x128xi32, #tpu.memory_space<hbm>>
      %dma_wait3A_175 = arith.constant 0 : i32
      %dma_wait3A_176 = arith.constant 0 : i32
      %dma_wait3A_177 = tpu.memref_slice %arg3[%arg0, %add3A_78, %dma_wait3A_175, %dma_wait3A_176] : memref<2x32x80x128xi32, #tpu.memory_space<hbm>> -> memref<1x1x80x128xi32, #tpu.memory_space<hbm>>
      %dma_wait3A_178 = tpu.memref_squeeze %dma_wait3A_177 : memref<1x1x80x128xi32, #tpu.memory_space<hbm>> -> memref<80x128xi32, #tpu.memory_space<hbm>>
      tpu.wait_dma2 semaphore(%run_scoped3A_162 : memref<!tpu.dma_semaphore, #tpu.memory_space<semaphore_mem>>) src(%dma_wait3A_178 : memref<80x128xi32, #tpu.memory_space<hbm>>) dst(%arg8 : memref<80x128xi32, #tpu.memory_space<vmem>>)
      tpu.yield
    }) : () -> ()
    %run_scoped3A_79 = arith.constant 0 : i32
    "tpu.region"() ({
      %run_scoped3A_162 = tpu.sem_alloc : memref<!tpu.dma_semaphore, #tpu.memory_space<semaphore_mem>>
      %dma_start3A_163 = arith.constant 0 : i32
      %dma_start3A_164 = tpu.memref_slice %arg4[%arg0, %add3A_78, %run_scoped3A_79, %dma_start3A_163] : memref<2x32x1x16xi32, #tpu.memory_space<hbm>> -> memref<1x1x1x16xi32, #tpu.memory_space<hbm>>
      %dma_start3A_165 = tpu.memref_squeeze %dma_start3A_164 : memref<1x1x1x16xi32, #tpu.memory_space<hbm>> -> memref<16xi32, #tpu.memory_space<hbm>>
      %dma_start3A_166 = arith.constant 0 : i32
      %dma_start3A_167 = tpu.memref_slice %arg4[%arg0, %add3A_78, %run_scoped3A_79, %dma_start3A_166] : memref<2x32x1x16xi32, #tpu.memory_space<hbm>> -> memref<1x1x1x16xi32, #tpu.memory_space<hbm>>
      %dma_start3A_168 = tpu.memref_squeeze %dma_start3A_167 : memref<1x1x1x16xi32, #tpu.memory_space<hbm>> -> memref<16xi32, #tpu.memory_space<hbm>>
      tpu.enqueue_dma source(%dma_start3A_168 : memref<16xi32, #tpu.memory_space<hbm>>) target(%arg9 : memref<16xi32, #tpu.memory_space<vmem>>) target_semaphore(%run_scoped3A_162 : memref<!tpu.dma_semaphore, #tpu.memory_space<semaphore_mem>>)
      %dma_wait3A_169 = arith.constant 0 : i32
      %dma_wait3A_170 = tpu.memref_slice %arg4[%arg0, %add3A_78, %run_scoped3A_79, %dma_wait3A_169] : memref<2x32x1x16xi32, #tpu.memory_space<hbm>> -> memref<1x1x1x16xi32, #tpu.memory_space<hbm>>
      %dma_wait3A_171 = tpu.memref_squeeze %dma_wait3A_170 : memref<1x1x1x16xi32, #tpu.memory_space<hbm>> -> memref<16xi32, #tpu.memory_space<hbm>>
      %dma_wait3A_172 = arith.constant 0 : i32
      %dma_wait3A_173 = tpu.memref_slice %arg4[%arg0, %add3A_78, %run_scoped3A_79, %dma_wait3A_172] : memref<2x32x1x16xi32, #tpu.memory_space<hbm>> -> memref<1x1x1x16xi32, #tpu.memory_space<hbm>>
      %dma_wait3A_174 = tpu.memref_squeeze %dma_wait3A_173 : memref<1x1x1x16xi32, #tpu.memory_space<hbm>> -> memref<16xi32, #tpu.memory_space<hbm>>
      tpu.wait_dma2 semaphore(%run_scoped3A_162 : memref<!tpu.dma_semaphore, #tpu.memory_space<semaphore_mem>>) src(%dma_wait3A_174 : memref<16xi32, #tpu.memory_space<hbm>>) dst(%arg9 : memref<16xi32, #tpu.memory_space<vmem>>)
      tpu.yield
    }) : () -> ()
    %get3A_80 = arith.constant 0 : index
    %get3A_81 = tpu.vector_load %arg9[%get3A_80] {strides = array<i32>} : memref<16xi32, #tpu.memory_space<vmem>>, vector<16xi32>,
    %get3A_82 = vector.shape_cast %get3A_81 : vector<16xi32> to vector<16xi32>
    %slice3A_83 = vector.extract_strided_slice %get3A_82 {offsets = [0], sizes = [1], strides = [1]} : vector<16xi32> to vector<1xi32>
    %squeeze3A_84 = vector.extract %slice3A_83[0] : i32 from vector<1xi32>
    %dma_start3A_85 = arith.constant 0 : i32
    %dma_start3A_86 = arith.constant 0 : i32
    %dma_start3A_87 = tpu.memref_slice %arg7[%dma_start3A_85, %dma_start3A_86] : memref<80x128xi32, #tpu.memory_space<vmem>> -> memref<1x128xi32, #tpu.memory_space<vmem>>
    %dma_start3A_88 = tpu.memref_squeeze %dma_start3A_87 : memref<1x128xi32, #tpu.memory_space<vmem>> -> memref<128xi32, #tpu.memory_space<vmem>>
    %dma_start3A_89 = arith.constant 0 : i32
    %dma_start3A_90 = arith.constant 0 : i32
    %dma_start3A_91 = tpu.memref_slice %arg5[%dma_start3A_89, %dma_start3A_90] : memref<10240x128xf32, #tpu.memory_space<hbm>> -> memref<10240x128xf32, #tpu.memory_space<hbm>>
    tpu.enqueue_indirect_dma source(%dma_start3A_91 : memref<10240x128xf32, #tpu.memory_space<hbm>>) target(%arg10 : memref<128x128xf32, #tpu.memory_space<vmem>>) offsets(%dma_start3A_88 : memref<128xi32, #tpu.memory_space<vmem>>) semaphore(%arg13 : memref<!tpu.dma_semaphore, #tpu.memory_space<semaphore_mem>>)
    %dma_start3A_92 = arith.constant 1 : i32
    %dma_start3A_93 = arith.constant 0 : i32
    %dma_start3A_94 = tpu.memref_slice %arg7[%dma_start3A_92, %dma_start3A_93] : memref<80x128xi32, #tpu.memory_space<vmem>> -> memref<1x128xi32, #tpu.memory_space<vmem>>
    %dma_start3A_95 = tpu.memref_squeeze %dma_start3A_94 : memref<1x128xi32, #tpu.memory_space<vmem>> -> memref<128xi32, #tpu.memory_space<vmem>>
    %dma_start3A_96 = arith.constant 0 : i32
    %dma_start3A_97 = arith.constant 0 : i32
    %dma_start3A_98 = tpu.memref_slice %arg5[%dma_start3A_96, %dma_start3A_97] : memref<10240x128xf32, #tpu.memory_space<hbm>> -> memref<10240x128xf32, #tpu.memory_space<hbm>>
    tpu.enqueue_indirect_dma source(%dma_start3A_98 : memref<10240x128xf32, #tpu.memory_space<hbm>>) target(%arg11 : memref<128x128xf32, #tpu.memory_space<vmem>>) offsets(%dma_start3A_95 : memref<128xi32, #tpu.memory_space<vmem>>) semaphore(%arg14 : memref<!tpu.dma_semaphore, #tpu.memory_space<semaphore_mem>>)
    %sub3A_99 = arith.constant 1 : i32
    %sub3A_100 = arith.subi %squeeze3A_84, %sub3A_99 : i32
    %while3A_101 = arith.constant 0 : i32
    %while3A_102 = arith.constant 0 : i32
    %while3A_103 = arith.subi %sub3A_100, %while3A_102 : i32
    %while3A_104 = arith.addi %while3A_102, %while3A_103 : i32
    %while3A_105 = arith.constant 1 : i32
    %while3A_106 = arith.divsi %while3A_103, %while3A_105 : i32
    %while3A_107 = arith.muli %while3A_106, %while3A_105 : i32
    %while3A_108 = arith.addi %while3A_102, %while3A_107 : i32
    %while3A_109 = arith.constant 1 : i32
    scf.for %while3A_162 = %while3A_102 to %while3A_108 step %while3A_109  : i32 {
      %mul3A_163 = arith.constant 2 : i32
      %mul3A_164 = arith.muli %while3A_162, %mul3A_163 : i32
      %dma_wait3A_165 = arith.constant 0 : i32
      %dma_wait3A_166 = tpu.memref_slice %arg7[%mul3A_164, %dma_wait3A_165] : memref<80x128xi32, #tpu.memory_space<vmem>> -> memref<1x128xi32, #tpu.memory_space<vmem>>
      %dma_wait3A_167 = tpu.memref_squeeze %dma_wait3A_166 : memref<1x128xi32, #tpu.memory_space<vmem>> -> memref<128xi32, #tpu.memory_space<vmem>>
      %dma_wait3A_168 = arith.constant 0 : i32
      %dma_wait3A_169 = arith.constant 0 : i32
      %dma_wait3A_170 = tpu.memref_slice %arg5[%dma_wait3A_168, %dma_wait3A_169] : memref<10240x128xf32, #tpu.memory_space<hbm>> -> memref<10240x128xf32, #tpu.memory_space<hbm>>
      tpu.wait_indirect_dma semaphore(%arg13 : memref<!tpu.dma_semaphore, #tpu.memory_space<semaphore_mem>>) src(%dma_wait3A_170 : memref<10240x128xf32, #tpu.memory_space<hbm>>) dst(%arg10 : memref<128x128xf32, #tpu.memory_space<vmem>>)
      %dma_start3A_171 = arith.constant 0 : i32
      %dma_start3A_172 = tpu.memref_slice %arg8[%mul3A_164, %dma_start3A_171] : memref<80x128xi32, #tpu.memory_space<vmem>> -> memref<1x128xi32, #tpu.memory_space<vmem>>
      %dma_start3A_173 = tpu.memref_squeeze %dma_start3A_172 : memref<1x128xi32, #tpu.memory_space<vmem>> -> memref<128xi32, #tpu.memory_space<vmem>>
      %dma_start3A_174 = arith.constant 0 : i32
      %dma_start3A_175 = arith.constant 0 : i32
      %dma_start3A_176 = tpu.memref_slice %arg12[%dma_start3A_174, %dma_start3A_175] : memref<5128x128xf32, #tpu.memory_space<vmem_shared>> -> memref<5128x128xf32, #tpu.memory_space<vmem_shared>>
      tpu.enqueue_indirect_dma source(%arg10 : memref<128x128xf32, #tpu.memory_space<vmem>>) target(%dma_start3A_176 : memref<5128x128xf32, #tpu.memory_space<vmem_shared>>) offsets(%dma_start3A_173 : memref<128xi32, #tpu.memory_space<vmem>>) semaphore(%arg15 : memref<!tpu.dma_semaphore, #tpu.memory_space<semaphore_mem>>) {add = true}
      %add3A_177 = arith.constant 1 : i32
      %add3A_178 = arith.addi %mul3A_164, %add3A_177 : i32
      %dma_wait3A_179 = arith.constant 0 : i32
      %dma_wait3A_180 = tpu.memref_slice %arg7[%add3A_178, %dma_wait3A_179] : memref<80x128xi32, #tpu.memory_space<vmem>> -> memref<1x128xi32, #tpu.memory_space<vmem>>
      %dma_wait3A_181 = tpu.memref_squeeze %dma_wait3A_180 : memref<1x128xi32, #tpu.memory_space<vmem>> -> memref<128xi32, #tpu.memory_space<vmem>>
      %dma_wait3A_182 = arith.constant 0 : i32
      %dma_wait3A_183 = arith.constant 0 : i32
      %dma_wait3A_184 = tpu.memref_slice %arg5[%dma_wait3A_182, %dma_wait3A_183] : memref<10240x128xf32, #tpu.memory_space<hbm>> -> memref<10240x128xf32, #tpu.memory_space<hbm>>
      tpu.wait_indirect_dma semaphore(%arg14 : memref<!tpu.dma_semaphore, #tpu.memory_space<semaphore_mem>>) src(%dma_wait3A_184 : memref<10240x128xf32, #tpu.memory_space<hbm>>) dst(%arg11 : memref<128x128xf32, #tpu.memory_space<vmem>>)
      %add3A_185 = arith.constant 1 : i32
      %add3A_186 = arith.addi %mul3A_164, %add3A_185 : i32
      %dma_start3A_187 = arith.constant 0 : i32
      %dma_start3A_188 = tpu.memref_slice %arg8[%add3A_186, %dma_start3A_187] : memref<80x128xi32, #tpu.memory_space<vmem>> -> memref<1x128xi32, #tpu.memory_space<vmem>>
      %dma_start3A_189 = tpu.memref_squeeze %dma_start3A_188 : memref<1x128xi32, #tpu.memory_space<vmem>> -> memref<128xi32, #tpu.memory_space<vmem>>
      %dma_start3A_190 = arith.constant 0 : i32
      %dma_start3A_191 = arith.constant 0 : i32
      %dma_start3A_192 = tpu.memref_slice %arg12[%dma_start3A_190, %dma_start3A_191] : memref<5128x128xf32, #tpu.memory_space<vmem_shared>> -> memref<5128x128xf32, #tpu.memory_space<vmem_shared>>
      tpu.enqueue_indirect_dma source(%arg11 : memref<128x128xf32, #tpu.memory_space<vmem>>) target(%dma_start3A_192 : memref<5128x128xf32, #tpu.memory_space<vmem_shared>>) offsets(%dma_start3A_189 : memref<128xi32, #tpu.memory_space<vmem>>) semaphore(%arg16 : memref<!tpu.dma_semaphore, #tpu.memory_space<semaphore_mem>>) {add = true}
      %dma_wait3A_193 = arith.constant 0 : i32
      %dma_wait3A_194 = tpu.memref_slice %arg8[%mul3A_164, %dma_wait3A_193] : memref<80x128xi32, #tpu.memory_space<vmem>> -> memref<1x128xi32, #tpu.memory_space<vmem>>
      %dma_wait3A_195 = tpu.memref_squeeze %dma_wait3A_194 : memref<1x128xi32, #tpu.memory_space<vmem>> -> memref<128xi32, #tpu.memory_space<vmem>>
      %dma_wait3A_196 = arith.constant 0 : i32
      %dma_wait3A_197 = arith.constant 0 : i32
      %dma_wait3A_198 = tpu.memref_slice %arg12[%dma_wait3A_196, %dma_wait3A_197] : memref<5128x128xf32, #tpu.memory_space<vmem_shared>> -> memref<5128x128xf32, #tpu.memory_space<vmem_shared>>
      tpu.wait_indirect_dma semaphore(%arg15 : memref<!tpu.dma_semaphore, #tpu.memory_space<semaphore_mem>>) src(%arg10 : memref<128x128xf32, #tpu.memory_space<vmem>>) dst(%dma_wait3A_198 : memref<5128x128xf32, #tpu.memory_space<vmem_shared>>)
      %add3A_199 = arith.constant 2 : i32
      %add3A_200 = arith.addi %mul3A_164, %add3A_199 : i32
      %dma_start3A_201 = arith.constant 0 : i32
      %dma_start3A_202 = tpu.memref_slice %arg7[%add3A_200, %dma_start3A_201] : memref<80x128xi32, #tpu.memory_space<vmem>> -> memref<1x128xi32, #tpu.memory_space<vmem>>
      %dma_start3A_203 = tpu.memref_squeeze %dma_start3A_202 : memref<1x128xi32, #tpu.memory_space<vmem>> -> memref<128xi32, #tpu.memory_space<vmem>>
      %dma_start3A_204 = arith.constant 0 : i32
      %dma_start3A_205 = arith.constant 0 : i32
      %dma_start3A_206 = tpu.memref_slice %arg5[%dma_start3A_204, %dma_start3A_205] : memref<10240x128xf32, #tpu.memory_space<hbm>> -> memref<10240x128xf32, #tpu.memory_space<hbm>>
      tpu.enqueue_indirect_dma source(%dma_start3A_206 : memref<10240x128xf32, #tpu.memory_space<hbm>>) target(%arg10 : memref<128x128xf32, #tpu.memory_space<vmem>>) offsets(%dma_start3A_203 : memref<128xi32, #tpu.memory_space<vmem>>) semaphore(%arg13 : memref<!tpu.dma_semaphore, #tpu.memory_space<semaphore_mem>>)
      %add3A_207 = arith.constant 1 : i32
      %add3A_208 = arith.addi %mul3A_164, %add3A_207 : i32
      %dma_wait3A_209 = arith.constant 0 : i32
      %dma_wait3A_210 = tpu.memref_slice %arg8[%add3A_208, %dma_wait3A_209] : memref<80x128xi32, #tpu.memory_space<vmem>> -> memref<1x128xi32, #tpu.memory_space<vmem>>
      %dma_wait3A_211 = tpu.memref_squeeze %dma_wait3A_210 : memref<1x128xi32, #tpu.memory_space<vmem>> -> memref<128xi32, #tpu.memory_space<vmem>>
      %dma_wait3A_212 = arith.constant 0 : i32
      %dma_wait3A_213 = arith.constant 0 : i32
      %dma_wait3A_214 = tpu.memref_slice %arg12[%dma_wait3A_212, %dma_wait3A_213] : memref<5128x128xf32, #tpu.memory_space<vmem_shared>> -> memref<5128x128xf32, #tpu.memory_space<vmem_shared>>
      tpu.wait_indirect_dma semaphore(%arg16 : memref<!tpu.dma_semaphore, #tpu.memory_space<semaphore_mem>>) src(%arg11 : memref<128x128xf32, #tpu.memory_space<vmem>>) dst(%dma_wait3A_214 : memref<5128x128xf32, #tpu.memory_space<vmem_shared>>)
      %add3A_215 = arith.constant 3 : i32
      %add3A_216 = arith.addi %mul3A_164, %add3A_215 : i32
      %dma_start3A_217 = arith.constant 0 : i32
      %dma_start3A_218 = tpu.memref_slice %arg7[%add3A_216, %dma_start3A_217] : memref<80x128xi32, #tpu.memory_space<vmem>> -> memref<1x128xi32, #tpu.memory_space<vmem>>
      %dma_start3A_219 = tpu.memref_squeeze %dma_start3A_218 : memref<1x128xi32, #tpu.memory_space<vmem>> -> memref<128xi32, #tpu.memory_space<vmem>>
      %dma_start3A_220 = arith.constant 0 : i32
      %dma_start3A_221 = arith.constant 0 : i32
      %dma_start3A_222 = tpu.memref_slice %arg5[%dma_start3A_220, %dma_start3A_221] : memref<10240x128xf32, #tpu.memory_space<hbm>> -> memref<10240x128xf32, #tpu.memory_space<hbm>>
      tpu.enqueue_indirect_dma source(%dma_start3A_222 : memref<10240x128xf32, #tpu.memory_space<hbm>>) target(%arg11 : memref<128x128xf32, #tpu.memory_space<vmem>>) offsets(%dma_start3A_219 : memref<128xi32, #tpu.memory_space<vmem>>) semaphore(%arg14 : memref<!tpu.dma_semaphore, #tpu.memory_space<semaphore_mem>>)
    }
    %while3A_110 = arith.constant 1 : i32
    scf.for %while3A_162 = %while3A_108 to %while3A_104 step %while3A_110  : i32 {
      %mul3A_163 = arith.constant 2 : i32
      %mul3A_164 = arith.muli %while3A_162, %mul3A_163 : i32
      %dma_wait3A_165 = arith.constant 0 : i32
      %dma_wait3A_166 = tpu.memref_slice %arg7[%mul3A_164, %dma_wait3A_165] : memref<80x128xi32, #tpu.memory_space<vmem>> -> memref<1x128xi32, #tpu.memory_space<vmem>>
      %dma_wait3A_167 = tpu.memref_squeeze %dma_wait3A_166 : memref<1x128xi32, #tpu.memory_space<vmem>> -> memref<128xi32, #tpu.memory_space<vmem>>
      %dma_wait3A_168 = arith.constant 0 : i32
      %dma_wait3A_169 = arith.constant 0 : i32
      %dma_wait3A_170 = tpu.memref_slice %arg5[%dma_wait3A_168, %dma_wait3A_169] : memref<10240x128xf32, #tpu.memory_space<hbm>> -> memref<10240x128xf32, #tpu.memory_space<hbm>>
      tpu.wait_indirect_dma semaphore(%arg13 : memref<!tpu.dma_semaphore, #tpu.memory_space<semaphore_mem>>) src(%dma_wait3A_170 : memref<10240x128xf32, #tpu.memory_space<hbm>>) dst(%arg10 : memref<128x128xf32, #tpu.memory_space<vmem>>)
      %dma_start3A_171 = arith.constant 0 : i32
      %dma_start3A_172 = tpu.memref_slice %arg8[%mul3A_164, %dma_start3A_171] : memref<80x128xi32, #tpu.memory_space<vmem>> -> memref<1x128xi32, #tpu.memory_space<vmem>>
      %dma_start3A_173 = tpu.memref_squeeze %dma_start3A_172 : memref<1x128xi32, #tpu.memory_space<vmem>> -> memref<128xi32, #tpu.memory_space<vmem>>
      %dma_start3A_174 = arith.constant 0 : i32
      %dma_start3A_175 = arith.constant 0 : i32
      %dma_start3A_176 = tpu.memref_slice %arg12[%dma_start3A_174, %dma_start3A_175] : memref<5128x128xf32, #tpu.memory_space<vmem_shared>> -> memref<5128x128xf32, #tpu.memory_space<vmem_shared>>
      tpu.enqueue_indirect_dma source(%arg10 : memref<128x128xf32, #tpu.memory_space<vmem>>) target(%dma_start3A_176 : memref<5128x128xf32, #tpu.memory_space<vmem_shared>>) offsets(%dma_start3A_173 : memref<128xi32, #tpu.memory_space<vmem>>) semaphore(%arg15 : memref<!tpu.dma_semaphore, #tpu.memory_space<semaphore_mem>>) {add = true}
      %add3A_177 = arith.constant 1 : i32
      %add3A_178 = arith.addi %mul3A_164, %add3A_177 : i32
      %dma_wait3A_179 = arith.constant 0 : i32
      %dma_wait3A_180 = tpu.memref_slice %arg7[%add3A_178, %dma_wait3A_179] : memref<80x128xi32, #tpu.memory_space<vmem>> -> memref<1x128xi32, #tpu.memory_space<vmem>>
      %dma_wait3A_181 = tpu.memref_squeeze %dma_wait3A_180 : memref<1x128xi32, #tpu.memory_space<vmem>> -> memref<128xi32, #tpu.memory_space<vmem>>
      %dma_wait3A_182 = arith.constant 0 : i32
      %dma_wait3A_183 = arith.constant 0 : i32
      %dma_wait3A_184 = tpu.memref_slice %arg5[%dma_wait3A_182, %dma_wait3A_183] : memref<10240x128xf32, #tpu.memory_space<hbm>> -> memref<10240x128xf32, #tpu.memory_space<hbm>>
      tpu.wait_indirect_dma semaphore(%arg14 : memref<!tpu.dma_semaphore, #tpu.memory_space<semaphore_mem>>) src(%dma_wait3A_184 : memref<10240x128xf32, #tpu.memory_space<hbm>>) dst(%arg11 : memref<128x128xf32, #tpu.memory_space<vmem>>)
      %add3A_185 = arith.constant 1 : i32
      %add3A_186 = arith.addi %mul3A_164, %add3A_185 : i32
      %dma_start3A_187 = arith.constant 0 : i32
      %dma_start3A_188 = tpu.memref_slice %arg8[%add3A_186, %dma_start3A_187] : memref<80x128xi32, #tpu.memory_space<vmem>> -> memref<1x128xi32, #tpu.memory_space<vmem>>
      %dma_start3A_189 = tpu.memref_squeeze %dma_start3A_188 : memref<1x128xi32, #tpu.memory_space<vmem>> -> memref<128xi32, #tpu.memory_space<vmem>>
      %dma_start3A_190 = arith.constant 0 : i32
      %dma_start3A_191 = arith.constant 0 : i32
      %dma_start3A_192 = tpu.memref_slice %arg12[%dma_start3A_190, %dma_start3A_191] : memref<5128x128xf32, #tpu.memory_space<vmem_shared>> -> memref<5128x128xf32, #tpu.memory_space<vmem_shared>>
      tpu.enqueue_indirect_dma source(%arg11 : memref<128x128xf32, #tpu.memory_space<vmem>>) target(%dma_start3A_192 : memref<5128x128xf32, #tpu.memory_space<vmem_shared>>) offsets(%dma_start3A_189 : memref<128xi32, #tpu.memory_space<vmem>>) semaphore(%arg16 : memref<!tpu.dma_semaphore, #tpu.memory_space<semaphore_mem>>) {add = true}
      %dma_wait3A_193 = arith.constant 0 : i32
      %dma_wait3A_194 = tpu.memref_slice %arg8[%mul3A_164, %dma_wait3A_193] : memref<80x128xi32, #tpu.memory_space<vmem>> -> memref<1x128xi32, #tpu.memory_space<vmem>>
      %dma_wait3A_195 = tpu.memref_squeeze %dma_wait3A_194 : memref<1x128xi32, #tpu.memory_space<vmem>> -> memref<128xi32, #tpu.memory_space<vmem>>
      %dma_wait3A_196 = arith.constant 0 : i32
      %dma_wait3A_197 = arith.constant 0 : i32
      %dma_wait3A_198 = tpu.memref_slice %arg12[%dma_wait3A_196, %dma_wait3A_197] : memref<5128x128xf32, #tpu.memory_space<vmem_shared>> -> memref<5128x128xf32, #tpu.memory_space<vmem_shared>>
      tpu.wait_indirect_dma semaphore(%arg15 : memref<!tpu.dma_semaphore, #tpu.memory_space<semaphore_mem>>) src(%arg10 : memref<128x128xf32, #tpu.memory_space<vmem>>) dst(%dma_wait3A_198 : memref<5128x128xf32, #tpu.memory_space<vmem_shared>>)
      %add3A_199 = arith.constant 2 : i32
      %add3A_200 = arith.addi %mul3A_164, %add3A_199 : i32
      %dma_start3A_201 = arith.constant 0 : i32
      %dma_start3A_202 = tpu.memref_slice %arg7[%add3A_200, %dma_start3A_201] : memref<80x128xi32, #tpu.memory_space<vmem>> -> memref<1x128xi32, #tpu.memory_space<vmem>>
      %dma_start3A_203 = tpu.memref_squeeze %dma_start3A_202 : memref<1x128xi32, #tpu.memory_space<vmem>> -> memref<128xi32, #tpu.memory_space<vmem>>
      %dma_start3A_204 = arith.constant 0 : i32
      %dma_start3A_205 = arith.constant 0 : i32
      %dma_start3A_206 = tpu.memref_slice %arg5[%dma_start3A_204, %dma_start3A_205] : memref<10240x128xf32, #tpu.memory_space<hbm>> -> memref<10240x128xf32, #tpu.memory_space<hbm>>
      tpu.enqueue_indirect_dma source(%dma_start3A_206 : memref<10240x128xf32, #tpu.memory_space<hbm>>) target(%arg10 : memref<128x128xf32, #tpu.memory_space<vmem>>) offsets(%dma_start3A_203 : memref<128xi32, #tpu.memory_space<vmem>>) semaphore(%arg13 : memref<!tpu.dma_semaphore, #tpu.memory_space<semaphore_mem>>)
      %add3A_207 = arith.constant 1 : i32
      %add3A_208 = arith.addi %mul3A_164, %add3A_207 : i32
      %dma_wait3A_209 = arith.constant 0 : i32
      %dma_wait3A_210 = tpu.memref_slice %arg8[%add3A_208, %dma_wait3A_209] : memref<80x128xi32, #tpu.memory_space<vmem>> -> memref<1x128xi32, #tpu.memory_space<vmem>>
      %dma_wait3A_211 = tpu.memref_squeeze %dma_wait3A_210 : memref<1x128xi32, #tpu.memory_space<vmem>> -> memref<128xi32, #tpu.memory_space<vmem>>
      %dma_wait3A_212 = arith.constant 0 : i32
      %dma_wait3A_213 = arith.constant 0 : i32
      %dma_wait3A_214 = tpu.memref_slice %arg12[%dma_wait3A_212, %dma_wait3A_213] : memref<5128x128xf32, #tpu.memory_space<vmem_shared>> -> memref<5128x128xf32, #tpu.memory_space<vmem_shared>>
      tpu.wait_indirect_dma semaphore(%arg16 : memref<!tpu.dma_semaphore, #tpu.memory_space<semaphore_mem>>) src(%arg11 : memref<128x128xf32, #tpu.memory_space<vmem>>) dst(%dma_wait3A_214 : memref<5128x128xf32, #tpu.memory_space<vmem_shared>>)
      %add3A_215 = arith.constant 3 : i32
      %add3A_216 = arith.addi %mul3A_164, %add3A_215 : i32
      %dma_start3A_217 = arith.constant 0 : i32
      %dma_start3A_218 = tpu.memref_slice %arg7[%add3A_216, %dma_start3A_217] : memref<80x128xi32, #tpu.memory_space<vmem>> -> memref<1x128xi32, #tpu.memory_space<vmem>>
      %dma_start3A_219 = tpu.memref_squeeze %dma_start3A_218 : memref<1x128xi32, #tpu.memory_space<vmem>> -> memref<128xi32, #tpu.memory_space<vmem>>
      %dma_start3A_220 = arith.constant 0 : i32
      %dma_start3A_221 = arith.constant 0 : i32
      %dma_start3A_222 = tpu.memref_slice %arg5[%dma_start3A_220, %dma_start3A_221] : memref<10240x128xf32, #tpu.memory_space<hbm>> -> memref<10240x128xf32, #tpu.memory_space<hbm>>
      tpu.enqueue_indirect_dma source(%dma_start3A_222 : memref<10240x128xf32, #tpu.memory_space<hbm>>) target(%arg11 : memref<128x128xf32, #tpu.memory_space<vmem>>) offsets(%dma_start3A_219 : memref<128xi32, #tpu.memory_space<vmem>>) semaphore(%arg14 : memref<!tpu.dma_semaphore, #tpu.memory_space<semaphore_mem>>)
    }
    %sub3A_111 = arith.constant 1 : i32
    %sub3A_112 = arith.subi %squeeze3A_84, %sub3A_111 : i32
    %mul3A_113 = arith.constant 2 : i32
    %mul3A_114 = arith.muli %sub3A_112, %mul3A_113 : i32
    %dma_wait3A_115 = arith.constant 0 : i32
    %dma_wait3A_116 = tpu.memref_slice %arg7[%mul3A_114, %dma_wait3A_115] : memref<80x128xi32, #tpu.memory_space<vmem>> -> memref<1x128xi32, #tpu.memory_space<vmem>>
    %dma_wait3A_117 = tpu.memref_squeeze %dma_wait3A_116 : memref<1x128xi32, #tpu.memory_space<vmem>> -> memref<128xi32, #tpu.memory_space<vmem>>
    %dma_wait3A_118 = arith.constant 0 : i32
    %dma_wait3A_119 = arith.constant 0 : i32
    %dma_wait3A_120 = tpu.memref_slice %arg5[%dma_wait3A_118, %dma_wait3A_119] : memref<10240x128xf32, #tpu.memory_space<hbm>> -> memref<10240x128xf32, #tpu.memory_space<hbm>>
    tpu.wait_indirect_dma semaphore(%arg13 : memref<!tpu.dma_semaphore, #tpu.memory_space<semaphore_mem>>) src(%dma_wait3A_120 : memref<10240x128xf32, #tpu.memory_space<hbm>>) dst(%arg10 : memref<128x128xf32, #tpu.memory_space<vmem>>)
    %dma_start3A_121 = arith.constant 0 : i32
    %dma_start3A_122 = tpu.memref_slice %arg8[%mul3A_114, %dma_start3A_121] : memref<80x128xi32, #tpu.memory_space<vmem>> -> memref<1x128xi32, #tpu.memory_space<vmem>>
    %dma_start3A_123 = tpu.memref_squeeze %dma_start3A_122 : memref<1x128xi32, #tpu.memory_space<vmem>> -> memref<128xi32, #tpu.memory_space<vmem>>
    %dma_start3A_124 = arith.constant 0 : i32
    %dma_start3A_125 = arith.constant 0 : i32
    %dma_start3A_126 = tpu.memref_slice %arg12[%dma_start3A_124, %dma_start3A_125] : memref<5128x128xf32, #tpu.memory_space<vmem_shared>> -> memref<5128x128xf32, #tpu.memory_space<vmem_shared>>
    tpu.enqueue_indirect_dma source(%arg10 : memref<128x128xf32, #tpu.memory_space<vmem>>) target(%dma_start3A_126 : memref<5128x128xf32, #tpu.memory_space<vmem_shared>>) offsets(%dma_start3A_123 : memref<128xi32, #tpu.memory_space<vmem>>) semaphore(%arg15 : memref<!tpu.dma_semaphore, #tpu.memory_space<semaphore_mem>>) {add = true}
    %add3A_127 = arith.constant 1 : i32
    %add3A_128 = arith.addi %mul3A_114, %add3A_127 : i32
    %dma_wait3A_129 = arith.constant 0 : i32
    %dma_wait3A_130 = tpu.memref_slice %arg7[%add3A_128, %dma_wait3A_129] : memref<80x128xi32, #tpu.memory_space<vmem>> -> memref<1x128xi32, #tpu.memory_space<vmem>>
    %dma_wait3A_131 = tpu.memref_squeeze %dma_wait3A_130 : memref<1x128xi32, #tpu.memory_space<vmem>> -> memref<128xi32, #tpu.memory_space<vmem>>
    %dma_wait3A_132 = arith.constant 0 : i32
    %dma_wait3A_133 = arith.constant 0 : i32
    %dma_wait3A_134 = tpu.memref_slice %arg5[%dma_wait3A_132, %dma_wait3A_133] : memref<10240x128xf32, #tpu.memory_space<hbm>> -> memref<10240x128xf32, #tpu.memory_space<hbm>>
    tpu.wait_indirect_dma semaphore(%arg14 : memref<!tpu.dma_semaphore, #tpu.memory_space<semaphore_mem>>) src(%dma_wait3A_134 : memref<10240x128xf32, #tpu.memory_space<hbm>>) dst(%arg11 : memref<128x128xf32, #tpu.memory_space<vmem>>)
    %add3A_135 = arith.constant 1 : i32
    %add3A_136 = arith.addi %mul3A_114, %add3A_135 : i32
    %dma_start3A_137 = arith.constant 0 : i32
    %dma_start3A_138 = tpu.memref_slice %arg8[%add3A_136, %dma_start3A_137] : memref<80x128xi32, #tpu.memory_space<vmem>> -> memref<1x128xi32, #tpu.memory_space<vmem>>
    %dma_start3A_139 = tpu.memref_squeeze %dma_start3A_138 : memref<1x128xi32, #tpu.memory_space<vmem>> -> memref<128xi32, #tpu.memory_space<vmem>>
    %dma_start3A_140 = arith.constant 0 : i32
    %dma_start3A_141 = arith.constant 0 : i32
    %dma_start3A_142 = tpu.memref_slice %arg12[%dma_start3A_140, %dma_start3A_141] : memref<5128x128xf32, #tpu.memory_space<vmem_shared>> -> memref<5128x128xf32, #tpu.memory_space<vmem_shared>>
    tpu.enqueue_indirect_dma source(%arg11 : memref<128x128xf32, #tpu.memory_space<vmem>>) target(%dma_start3A_142 : memref<5128x128xf32, #tpu.memory_space<vmem_shared>>) offsets(%dma_start3A_139 : memref<128xi32, #tpu.memory_space<vmem>>) semaphore(%arg16 : memref<!tpu.dma_semaphore, #tpu.memory_space<semaphore_mem>>) {add = true}
    %dma_wait3A_143 = arith.constant 0 : i32
    %dma_wait3A_144 = tpu.memref_slice %arg8[%mul3A_114, %dma_wait3A_143] : memref<80x128xi32, #tpu.memory_space<vmem>> -> memref<1x128xi32, #tpu.memory_space<vmem>>
    %dma_wait3A_145 = tpu.memref_squeeze %dma_wait3A_144 : memref<1x128xi32, #tpu.memory_space<vmem>> -> memref<128xi32, #tpu.memory_space<vmem>>
    %dma_wait3A_146 = arith.constant 0 : i32
    %dma_wait3A_147 = arith.constant 0 : i32
    %dma_wait3A_148 = tpu.memref_slice %arg12[%dma_wait3A_146, %dma_wait3A_147] : memref<5128x128xf32, #tpu.memory_space<vmem_shared>> -> memref<5128x128xf32, #tpu.memory_space<vmem_shared>>
    tpu.wait_indirect_dma semaphore(%arg15 : memref<!tpu.dma_semaphore, #tpu.memory_space<semaphore_mem>>) src(%arg10 : memref<128x128xf32, #tpu.memory_space<vmem>>) dst(%dma_wait3A_148 : memref<5128x128xf32, #tpu.memory_space<vmem_shared>>)
    %add3A_149 = arith.constant 1 : i32
    %add3A_150 = arith.addi %mul3A_114, %add3A_149 : i32
    %dma_wait3A_151 = arith.constant 0 : i32
    %dma_wait3A_152 = tpu.memref_slice %arg8[%add3A_150, %dma_wait3A_151] : memref<80x128xi32, #tpu.memory_space<vmem>> -> memref<1x128xi32, #tpu.memory_space<vmem>>
    %dma_wait3A_153 = tpu.memref_squeeze %dma_wait3A_152 : memref<1x128xi32, #tpu.memory_space<vmem>> -> memref<128xi32, #tpu.memory_space<vmem>>
    %dma_wait3A_154 = arith.constant 0 : i32
    %dma_wait3A_155 = arith.constant 0 : i32
    %dma_wait3A_156 = tpu.memref_slice %arg12[%dma_wait3A_154, %dma_wait3A_155] : memref<5128x128xf32, #tpu.memory_space<vmem_shared>> -> memref<5128x128xf32, #tpu.memory_space<vmem_shared>>
    tpu.wait_indirect_dma semaphore(%arg16 : memref<!tpu.dma_semaphore, #tpu.memory_space<semaphore_mem>>) src(%arg11 : memref<128x128xf32, #tpu.memory_space<vmem>>) dst(%dma_wait3A_156 : memref<5128x128xf32, #tpu.memory_space<vmem_shared>>)
    %barrier3A_157 = arith.constant 0 : index
    tpu.barrier barrier_id(%barrier3A_157)
    %mul3A_158 = arith.constant 320 : i32
    %mul3A_159 = arith.muli %arg1, %mul3A_158 : i32
    %mul3A_160 = arith.constant 320 : i32
    %mul3A_161 = arith.muli %arg1, %mul3A_160 : i32
    "tpu.region"() ({
      %run_scoped3A_162 = tpu.sem_alloc : memref<!tpu.dma_semaphore, #tpu.memory_space<semaphore_mem>>
      %dma_start3A_163 = arith.constant 0 : i32
      %dma_start3A_164 = tpu.memref_slice %arg6[%arg0, %mul3A_161, %dma_start3A_163] : memref<2x5120x128xf32, #tpu.memory_space<hbm>> -> memref<1x320x128xf32, #tpu.memory_space<hbm>>
      %dma_start3A_165 = tpu.memref_squeeze %dma_start3A_164 : memref<1x320x128xf32, #tpu.memory_space<hbm>> -> memref<320x128xf32, #tpu.memory_space<hbm>>
      %dma_start3A_166 = arith.constant 0 : i32
      %dma_start3A_167 = tpu.memref_slice %arg12[%mul3A_159, %dma_start3A_166] : memref<5128x128xf32, #tpu.memory_space<vmem_shared>> -> memref<320x128xf32, #tpu.memory_space<vmem_shared>>
      tpu.enqueue_dma source(%dma_start3A_167 : memref<320x128xf32, #tpu.memory_space<vmem_shared>>) target(%dma_start3A_165 : memref<320x128xf32, #tpu.memory_space<hbm>>) target_semaphore(%run_scoped3A_162 : memref<!tpu.dma_semaphore, #tpu.memory_space<semaphore_mem>>)
      %dma_wait3A_168 = arith.constant 0 : i32
      %dma_wait3A_169 = tpu.memref_slice %arg6[%arg0, %mul3A_161, %dma_wait3A_168] : memref<2x5120x128xf32, #tpu.memory_space<hbm>> -> memref<1x320x128xf32, #tpu.memory_space<hbm>>
      %dma_wait3A_170 = tpu.memref_squeeze %dma_wait3A_169 : memref<1x320x128xf32, #tpu.memory_space<hbm>> -> memref<320x128xf32, #tpu.memory_space<hbm>>
      %dma_wait3A_171 = arith.constant 0 : i32
      %dma_wait3A_172 = tpu.memref_slice %arg12[%mul3A_159, %dma_wait3A_171] : memref<5128x128xf32, #tpu.memory_space<vmem_shared>> -> memref<320x128xf32, #tpu.memory_space<vmem_shared>>
      tpu.wait_dma2 semaphore(%run_scoped3A_162 : memref<!tpu.dma_semaphore, #tpu.memory_space<semaphore_mem>>) src(%dma_wait3A_172 : memref<320x128xf32, #tpu.memory_space<vmem_shared>>) dst(%dma_wait3A_170 : memref<320x128xf32, #tpu.memory_space<hbm>>)
      tpu.yield
    }) : () -> ()
    return
  }
}

module attributes {stable_mosaic.version = 14 : i64} {
  func.func @_tc1_body(%arg0: i32, %arg1: memref<512x32xf32, #tpu.memory_space<vmem>>, %arg2: memref<512x128xf32, #tpu.memory_space<vmem>>, %arg3: memref<512x1xf32, #tpu.memory_space<vmem>>, %arg4: memref<512x128xf32, #tpu.memory_space<vmem>>) attributes {dimension_semantics = [#tpu.dimension_semantics<arbitrary>], iteration_bounds = array<i64: 20>, scalar_prefetch = 0 : i64, scratch_operands = 0 : i64, tpu.core_type = #tpu.core_type<tc>, window_params = [{transform_indices = @transform_0, window_bounds = array<i64: 512, 32>}, {transform_indices = @transform_1, window_bounds = array<i64: 512, 128>}, {transform_indices = @transform_2, window_bounds = array<i64: 512, 1>}, {transform_indices = @transform_3, window_bounds = array<i64: 512, 128>}]} {
    %get3A = arith.constant 0 : index
    %get3A_0 = arith.constant 0 : index
    %get3A_1 = vector.load %arg1[%get3A, %get3A_0] : memref<512x32xf32, #tpu.memory_space<vmem>>, vector<512x32xf32>
    %reduce_sum3A = arith.constant dense<0.000000e+00> : vector<512xf32>
    %reduce_sum3A_2 = vector.multi_reduction <add>, %get3A_1, %reduce_sum3A [1] : vector<512x32xf32> to vector<512xf32>
    %broadcast_in_dim3A = vector.shape_cast %reduce_sum3A_2 : vector<512xf32> to vector<512x1xf32>
    %add3A = arith.constant 1.000000e+00 : f32
    %add3A_3 = vector.broadcast %add3A : f32 to vector<512x1xf32>
    %add3A_4 = arith.addf %broadcast_in_dim3A, %add3A_3 : vector<512x1xf32>
    %rsqrt3A = math.rsqrt %add3A_4 : vector<512x1xf32>
    %swap3A = arith.constant 0 : index
    %swap3A_5 = arith.constant 0 : index
    %swap3A_6 = vector.load %arg3[%swap3A, %swap3A_5] : memref<512x1xf32, #tpu.memory_space<vmem>>, vector<512x1xf32>
    tpu.vector_store %arg3[%swap3A, %swap3A_5], %rsqrt3A {strides = array<i32>} : memref<512x1xf32, #tpu.memory_space<vmem>>, vector<512x1xf32>,
    %get3A_7 = arith.constant 0 : index
    %get3A_8 = arith.constant 0 : index
    %get3A_9 = vector.load %arg2[%get3A_7, %get3A_8] : memref<512x128xf32, #tpu.memory_space<vmem>>, vector<512x128xf32>
    %mul3A = vector.broadcast %rsqrt3A : vector<512x1xf32> to vector<512x128xf32>
    %mul3A_10 = arith.mulf %get3A_9, %mul3A : vector<512x128xf32>
    %swap3A_11 = arith.constant 0 : index
    %swap3A_12 = arith.constant 0 : index
    %swap3A_13 = vector.load %arg4[%swap3A_11, %swap3A_12] : memref<512x128xf32, #tpu.memory_space<vmem>>, vector<512x128xf32>
    tpu.vector_store %arg4[%swap3A_11, %swap3A_12], %mul3A_10 {strides = array<i32>} : memref<512x128xf32, #tpu.memory_space<vmem>>, vector<512x128xf32>,
    return
  }
  func.func @transform_0(%arg0: i32) -> (i32, i32) {
    %c0_i32 = arith.constant 0 : i32
    %c0_i32_0 = arith.constant 0 : i32
    return %arg0, %c0_i32 : i32, i32
  }
  func.func @transform_1(%arg0: i32) -> (i32, i32) {
    %c0_i32 = arith.constant 0 : i32
    %c0_i32_0 = arith.constant 0 : i32
    return %arg0, %c0_i32 : i32, i32
  }
  func.func @transform_2(%arg0: i32) -> (i32, i32) {
    %c0_i32 = arith.constant 0 : i32
    %c0_i32_0 = arith.constant 0 : i32
    return %arg0, %c0_i32 : i32, i32
  }
  func.func @transform_3(%arg0: i32) -> (i32, i32) {
    %c0_i32 = arith.constant 0 : i32
    %c0_i32_0 = arith.constant 0 : i32
    return %arg0, %c0_i32 : i32, i32
  }
}

module attributes {stable_mosaic.version = 14 : i64} {
  func.func @_tc3_body(%arg0: i32, %arg1: memref<512x128xf32, #tpu.memory_space<vmem>>, %arg2: memref<512x1xf32, #tpu.memory_space<vmem>>, %arg3: memref<64xf32, #tpu.memory_space<vmem>>, %arg4: memref<64xf32, #tpu.memory_space<vmem>>, %arg5: memref<512x128xf32, #tpu.memory_space<vmem>>) attributes {dimension_semantics = [#tpu.dimension_semantics<arbitrary>], iteration_bounds = array<i64: 20>, scalar_prefetch = 0 : i64, scratch_operands = 0 : i64, tpu.core_type = #tpu.core_type<tc>, window_params = [{transform_indices = @transform_0, window_bounds = array<i64: 512, 128>}, {transform_indices = @transform_1, window_bounds = array<i64: 512, 1>}, {pipeline_mode = #tpu.pipeline_mode<synchronous>, transform_indices = @transform_2, window_bounds = array<i64: 64>}, {pipeline_mode = #tpu.pipeline_mode<synchronous>, transform_indices = @transform_3, window_bounds = array<i64: 64>}, {transform_indices = @transform_4, window_bounds = array<i64: 512, 128>}]} {
    %get3A = arith.constant 0 : index
    %get3A_0 = arith.constant 0 : index
    %get3A_1 = vector.load %arg1[%get3A, %get3A_0] : memref<512x128xf32, #tpu.memory_space<vmem>>, vector<512x128xf32>
    %get3A_2 = arith.constant 0 : index
    %get3A_3 = arith.constant 0 : index
    %get3A_4 = vector.load %arg2[%get3A_2, %get3A_3] : memref<512x1xf32, #tpu.memory_space<vmem>>, vector<512x1xf32>
    %mul3A = vector.broadcast %get3A_4 : vector<512x1xf32> to vector<512x128xf32>
    %mul3A_5 = arith.mulf %get3A_1, %mul3A : vector<512x128xf32>
    %slice3A = vector.extract_strided_slice %mul3A_5 {offsets = [0, 0], sizes = [512, 64], strides = [1, 1]} : vector<512x128xf32> to vector<512x64xf32>
    %get3A_6 = arith.constant 0 : index
    %get3A_7 = vector.load %arg3[%get3A_6] : memref<64xf32, #tpu.memory_space<vmem>>, vector<64xf32>
    %broadcast_in_dim3A = vector.shape_cast %get3A_7 : vector<64xf32> to vector<1x64xf32>
    %add3A = vector.broadcast %broadcast_in_dim3A : vector<1x64xf32> to vector<512x64xf32>
    %add3A_8 = arith.addf %slice3A, %add3A : vector<512x64xf32>
    %reduce_max3A = arith.constant dense<0xFF800000> : vector<512xf32>
    %reduce_max3A_9 = vector.multi_reduction <maximumf>, %add3A_8, %reduce_max3A [1] : vector<512x64xf32> to vector<512xf32>
    %broadcast_in_dim3A_10 = vector.shape_cast %reduce_max3A_9 : vector<512xf32> to vector<512x1xf32>
    %sub3A = vector.broadcast %broadcast_in_dim3A_10 : vector<512x1xf32> to vector<512x64xf32>
    %sub3A_11 = arith.subf %add3A_8, %sub3A : vector<512x64xf32>
    %exp3A = math.exp %sub3A_11 : vector<512x64xf32>
    %reduce_sum3A = arith.constant dense<0.000000e+00> : vector<512xf32>
    %reduce_sum3A_12 = vector.multi_reduction <add>, %exp3A, %reduce_sum3A [1] : vector<512x64xf32> to vector<512xf32>
    %broadcast_in_dim3A_13 = vector.shape_cast %reduce_sum3A_12 : vector<512xf32> to vector<512x1xf32>
    %div3A = vector.broadcast %broadcast_in_dim3A_13 : vector<512x1xf32> to vector<512x64xf32>
    %div3A_14 = arith.divf %exp3A, %div3A : vector<512x64xf32>
    %slice3A_15 = vector.extract_strided_slice %mul3A_5 {offsets = [0, 64], sizes = [512, 64], strides = [1, 1]} : vector<512x128xf32> to vector<512x64xf32>
    %get3A_16 = arith.constant 0 : index
    %get3A_17 = vector.load %arg4[%get3A_16] : memref<64xf32, #tpu.memory_space<vmem>>, vector<64xf32>
    %broadcast_in_dim3A_18 = vector.shape_cast %get3A_17 : vector<64xf32> to vector<1x64xf32>
    %add3A_19 = vector.broadcast %broadcast_in_dim3A_18 : vector<1x64xf32> to vector<512x64xf32>
    %add3A_20 = arith.addf %slice3A_15, %add3A_19 : vector<512x64xf32>
    %logistic3A = arith.negf %add3A_20 : vector<512x64xf32>
    %logistic3A_21 = math.exp %logistic3A : vector<512x64xf32>
    %logistic3A_22 = arith.constant 1.000000e+00 : f32
    %logistic3A_23 = vector.broadcast %logistic3A_22 : f32 to vector<512x64xf32>
    %logistic3A_24 = arith.addf %logistic3A_23, %logistic3A_21 : vector<512x64xf32>
    %logistic3A_25 = arith.divf %logistic3A_23, %logistic3A_24 : vector<512x64xf32>
    %concatenate3A = tpu.concatenate %div3A_14, %logistic3A_25 in 1 : vector<512x64xf32>, vector<512x64xf32> -> vector<512x128xf32>
    %swap3A = arith.constant 0 : index
    %swap3A_26 = arith.constant 0 : index
    %swap3A_27 = vector.load %arg5[%swap3A, %swap3A_26] : memref<512x128xf32, #tpu.memory_space<vmem>>, vector<512x128xf32>
    tpu.vector_store %arg5[%swap3A, %swap3A_26], %concatenate3A {strides = array<i32>} : memref<512x128xf32, #tpu.memory_space<vmem>>, vector<512x128xf32>,
    return
  }
  func.func @transform_0(%arg0: i32) -> (i32, i32) {
    %c0_i32 = arith.constant 0 : i32
    %c0_i32_0 = arith.constant 0 : i32
    return %arg0, %c0_i32 : i32, i32
  }
  func.func @transform_1(%arg0: i32) -> (i32, i32) {
    %c0_i32 = arith.constant 0 : i32
    %c0_i32_0 = arith.constant 0 : i32
    return %arg0, %c0_i32 : i32, i32
  }
  func.func @transform_2(%arg0: i32) -> i32 {
    %c0_i32 = arith.constant 0 : i32
    %c0_i32_0 = arith.constant 0 : i32
    return %c0_i32 : i32
  }
  func.func @transform_3(%arg0: i32) -> i32 {
    %c0_i32 = arith.constant 0 : i32
    %c0_i32_0 = arith.constant 0 : i32
    return %c0_i32 : i32
  }
  func.func @transform_4(%arg0: i32) -> (i32, i32) {
    %c0_i32 = arith.constant 0 : i32
    %c0_i32_0 = arith.constant 0 : i32
    return %arg0, %c0_i32 : i32, i32
  }
}

module attributes {stable_mosaic.version = 14 : i64} {
  func.func @_tc2_body(%arg0: i32, %arg1: memref<512x128xf32, #tpu.memory_space<vmem>>, %arg2: memref<512x1xf32, #tpu.memory_space<vmem>>, %arg3: memref<128x1024xf32, #tpu.memory_space<vmem>>, %arg4: memref<1024xf32, #tpu.memory_space<vmem>>, %arg5: memref<128x1024xf32, #tpu.memory_space<vmem>>, %arg6: memref<1024xf32, #tpu.memory_space<vmem>>, %arg7: memref<1024x64xf32, #tpu.memory_space<vmem>>, %arg8: memref<1024x64xf32, #tpu.memory_space<vmem>>, %arg9: memref<512x128xf32, #tpu.memory_space<vmem>>) attributes {dimension_semantics = [#tpu.dimension_semantics<arbitrary>], iteration_bounds = array<i64: 20>, scalar_prefetch = 0 : i64, scratch_operands = 0 : i64, tpu.core_type = #tpu.core_type<tc>, window_params = [{transform_indices = @transform_0, window_bounds = array<i64: 512, 128>}, {transform_indices = @transform_1, window_bounds = array<i64: 512, 1>}, {pipeline_mode = #tpu.pipeline_mode<synchronous>, transform_indices = @transform_2, window_bounds = array<i64: 128, 1024>}, {pipeline_mode = #tpu.pipeline_mode<synchronous>, transform_indices = @transform_3, window_bounds = array<i64: 1024>}, {pipeline_mode = #tpu.pipeline_mode<synchronous>, transform_indices = @transform_4, window_bounds = array<i64: 128, 1024>}, {pipeline_mode = #tpu.pipeline_mode<synchronous>, transform_indices = @transform_5, window_bounds = array<i64: 1024>}, {pipeline_mode = #tpu.pipeline_mode<synchronous>, transform_indices = @transform_6, window_bounds = array<i64: 1024, 64>}, {pipeline_mode = #tpu.pipeline_mode<synchronous>, transform_indices = @transform_7, window_bounds = array<i64: 1024, 64>}, {transform_indices = @transform_8, window_bounds = array<i64: 512, 128>}]} {
    %get3A = arith.constant 0 : index
    %get3A_0 = arith.constant 0 : index
    %get3A_1 = vector.load %arg1[%get3A, %get3A_0] : memref<512x128xf32, #tpu.memory_space<vmem>>, vector<512x128xf32>
    %get3A_2 = arith.constant 0 : index
    %get3A_3 = arith.constant 0 : index
    %get3A_4 = vector.load %arg2[%get3A_2, %get3A_3] : memref<512x1xf32, #tpu.memory_space<vmem>>, vector<512x1xf32>
    %mul3A = vector.broadcast %get3A_4 : vector<512x1xf32> to vector<512x128xf32>
    %mul3A_5 = arith.mulf %get3A_1, %mul3A : vector<512x128xf32>
    %get3A_6 = arith.constant 0 : index
    %get3A_7 = arith.constant 0 : index
    %get3A_8 = vector.load %arg3[%get3A_6, %get3A_7] : memref<128x1024xf32, #tpu.memory_space<vmem>>, vector<128x1024xf32>
    %dot_general3A = arith.constant dense<0.000000e+00> : vector<512x1024xf32>
    %dot_general3A_9 = tpu.matmul %mul3A_5, %get3A_8, %dot_general3A {dimension_numbers = #tpu.dot_dimension_numbers<[1], [0], [0], [1], [0, 0, 1, 1], [], []>, transpose_lhs_hint = false} : vector<512x128xf32>, vector<128x1024xf32>, vector<512x1024xf32> -> vector<512x1024xf32>
    %get3A_10 = arith.constant 0 : index
    %get3A_11 = vector.load %arg4[%get3A_10] : memref<1024xf32, #tpu.memory_space<vmem>>, vector<1024xf32>
    %broadcast_in_dim3A = vector.shape_cast %get3A_11 : vector<1024xf32> to vector<1x1024xf32>
    %add3A = vector.broadcast %broadcast_in_dim3A : vector<1x1024xf32> to vector<512x1024xf32>
    %add3A_12 = arith.addf %dot_general3A_9, %add3A : vector<512x1024xf32>
    %max3A = arith.constant 0.000000e+00 : f32
    %max3A_13 = vector.broadcast %max3A : f32 to vector<512x1024xf32>
    %max3A_14 = arith.maximumf %add3A_12, %max3A_13 : vector<512x1024xf32>
    %get3A_15 = arith.constant 0 : index
    %get3A_16 = arith.constant 0 : index
    %get3A_17 = vector.load %arg5[%get3A_15, %get3A_16] : memref<128x1024xf32, #tpu.memory_space<vmem>>, vector<128x1024xf32>
    %dot_general3A_18 = arith.constant dense<0.000000e+00> : vector<512x1024xf32>
    %dot_general3A_19 = tpu.matmul %mul3A_5, %get3A_17, %dot_general3A_18 {dimension_numbers = #tpu.dot_dimension_numbers<[1], [0], [0], [1], [0, 0, 1, 1], [], []>, transpose_lhs_hint = false} : vector<512x128xf32>, vector<128x1024xf32>, vector<512x1024xf32> -> vector<512x1024xf32>
    %get3A_20 = arith.constant 0 : index
    %get3A_21 = vector.load %arg6[%get3A_20] : memref<1024xf32, #tpu.memory_space<vmem>>, vector<1024xf32>
    %broadcast_in_dim3A_22 = vector.shape_cast %get3A_21 : vector<1024xf32> to vector<1x1024xf32>
    %add3A_23 = vector.broadcast %broadcast_in_dim3A_22 : vector<1x1024xf32> to vector<512x1024xf32>
    %add3A_24 = arith.addf %dot_general3A_19, %add3A_23 : vector<512x1024xf32>
    %max3A_25 = arith.constant 0.000000e+00 : f32
    %max3A_26 = vector.broadcast %max3A_25 : f32 to vector<512x1024xf32>
    %max3A_27 = arith.maximumf %add3A_24, %max3A_26 : vector<512x1024xf32>
    %get3A_28 = arith.constant 0 : index
    %get3A_29 = arith.constant 0 : index
    %get3A_30 = vector.load %arg7[%get3A_28, %get3A_29] : memref<1024x64xf32, #tpu.memory_space<vmem>>, vector<1024x64xf32>
    %dot_general3A_31 = arith.constant dense<0.000000e+00> : vector<512x64xf32>
    %dot_general3A_32 = tpu.matmul %max3A_14, %get3A_30, %dot_general3A_31 {dimension_numbers = #tpu.dot_dimension_numbers<[1], [0], [0], [1], [0, 0, 1, 1], [], []>, transpose_lhs_hint = false} : vector<512x1024xf32>, vector<1024x64xf32>, vector<512x64xf32> -> vector<512x64xf32>
    %get3A_33 = arith.constant 0 : index
    %get3A_34 = arith.constant 0 : index
    %get3A_35 = vector.load %arg8[%get3A_33, %get3A_34] : memref<1024x64xf32, #tpu.memory_space<vmem>>, vector<1024x64xf32>
    %dot_general3A_36 = arith.constant dense<0.000000e+00> : vector<512x64xf32>
    %dot_general3A_37 = tpu.matmul %max3A_27, %get3A_35, %dot_general3A_36 {dimension_numbers = #tpu.dot_dimension_numbers<[1], [0], [0], [1], [0, 0, 1, 1], [], []>, transpose_lhs_hint = false} : vector<512x1024xf32>, vector<1024x64xf32>, vector<512x64xf32> -> vector<512x64xf32>
    %concatenate3A = tpu.concatenate %dot_general3A_32, %dot_general3A_37 in 1 : vector<512x64xf32>, vector<512x64xf32> -> vector<512x128xf32>
    %get3A_38 = arith.constant 0 : index
    %get3A_39 = arith.constant 0 : index
    %get3A_40 = vector.load %arg2[%get3A_38, %get3A_39] : memref<512x1xf32, #tpu.memory_space<vmem>>, vector<512x1xf32>
    %mul3A_41 = vector.broadcast %get3A_40 : vector<512x1xf32> to vector<512x128xf32>
    %mul3A_42 = arith.mulf %concatenate3A, %mul3A_41 : vector<512x128xf32>
    %swap3A = arith.constant 0 : index
    %swap3A_43 = arith.constant 0 : index
    %swap3A_44 = vector.load %arg9[%swap3A, %swap3A_43] : memref<512x128xf32, #tpu.memory_space<vmem>>, vector<512x128xf32>
    tpu.vector_store %arg9[%swap3A, %swap3A_43], %mul3A_42 {strides = array<i32>} : memref<512x128xf32, #tpu.memory_space<vmem>>, vector<512x128xf32>,
    return
  }
  func.func @transform_0(%arg0: i32) -> (i32, i32) {
    %c0_i32 = arith.constant 0 : i32
    %c0_i32_0 = arith.constant 0 : i32
    return %arg0, %c0_i32 : i32, i32
  }
  func.func @transform_1(%arg0: i32) -> (i32, i32) {
    %c0_i32 = arith.constant 0 : i32
    %c0_i32_0 = arith.constant 0 : i32
    return %arg0, %c0_i32 : i32, i32
  }
  func.func @transform_2(%arg0: i32) -> (i32, i32) {
    %c0_i32 = arith.constant 0 : i32
    %c0_i32_0 = arith.constant 0 : i32
    %c0_i32_1 = arith.constant 0 : i32
    return %c0_i32, %c0_i32_0 : i32, i32
  }
  func.func @transform_3(%arg0: i32) -> i32 {
    %c0_i32 = arith.constant 0 : i32
    %c0_i32_0 = arith.constant 0 : i32
    return %c0_i32 : i32
  }
  func.func @transform_4(%arg0: i32) -> (i32, i32) {
    %c0_i32 = arith.constant 0 : i32
    %c0_i32_0 = arith.constant 0 : i32
    %c0_i32_1 = arith.constant 0 : i32
    return %c0_i32, %c0_i32_0 : i32, i32
  }
  func.func @transform_5(%arg0: i32) -> i32 {
    %c0_i32 = arith.constant 0 : i32
    %c0_i32_0 = arith.constant 0 : i32
    return %c0_i32 : i32
  }
  func.func @transform_6(%arg0: i32) -> (i32, i32) {
    %c0_i32 = arith.constant 0 : i32
    %c0_i32_0 = arith.constant 0 : i32
    %c0_i32_1 = arith.constant 0 : i32
    return %c0_i32, %c0_i32_0 : i32, i32
  }
  func.func @transform_7(%arg0: i32) -> (i32, i32) {
    %c0_i32 = arith.constant 0 : i32
    %c0_i32_0 = arith.constant 0 : i32
    %c0_i32_1 = arith.constant 0 : i32
    return %c0_i32, %c0_i32_0 : i32, i32
  }
  func.func @transform_8(%arg0: i32) -> (i32, i32) {
    %c0_i32 = arith.constant 0 : i32
    %c0_i32_0 = arith.constant 0 : i32
    return %arg0, %c0_i32 : i32, i32
  }
}

module attributes {stable_mosaic.version = 14 : i64} {
  func.func @_tc4_body(%arg0: i32, %arg1: memref<512x128xf32, #tpu.memory_space<vmem>>, %arg2: memref<512x128xf32, #tpu.memory_space<vmem>>, %arg3: memref<512x128xf32, #tpu.memory_space<vmem>>, %arg4: memref<512x128xf32, #tpu.memory_space<vmem>>, %arg5: memref<128x1024xf32, #tpu.memory_space<vmem>>, %arg6: memref<128x1024xf32, #tpu.memory_space<vmem>>, %arg7: memref<1024xf32, #tpu.memory_space<vmem>>, %arg8: memref<1024x256xf32, #tpu.memory_space<vmem>>, %arg9: memref<256xf32, #tpu.memory_space<vmem>>, %arg10: memref<256x64xf32, #tpu.memory_space<vmem>>, %arg11: memref<64xf32, #tpu.memory_space<vmem>>, %arg12: memref<64xf32, #tpu.memory_space<vmem>>, %arg13: memref<512x64xf32, #tpu.memory_space<vmem>>, %arg14: memref<512x64xf32, #tpu.memory_space<vmem>>, %arg15: memref<64xf32, #tpu.memory_space<vmem>>) attributes {dimension_semantics = [#tpu.dimension_semantics<arbitrary>], iteration_bounds = array<i64: 8>, scalar_prefetch = 0 : i64, scratch_operands = 0 : i64, tpu.core_type = #tpu.core_type<tc>, window_params = [{transform_indices = @transform_0, window_bounds = array<i64: 512, 128>}, {transform_indices = @transform_1, window_bounds = array<i64: 512, 128>}, {transform_indices = @transform_2, window_bounds = array<i64: 512, 128>}, {transform_indices = @transform_3, window_bounds = array<i64: 512, 128>}, {pipeline_mode = #tpu.pipeline_mode<synchronous>, transform_indices = @transform_4, window_bounds = array<i64: 128, 1024>}, {pipeline_mode = #tpu.pipeline_mode<synchronous>, transform_indices = @transform_5, window_bounds = array<i64: 128, 1024>}, {pipeline_mode = #tpu.pipeline_mode<synchronous>, transform_indices = @transform_6, window_bounds = array<i64: 1024>}, {pipeline_mode = #tpu.pipeline_mode<synchronous>, transform_indices = @transform_7, window_bounds = array<i64: 1024, 256>}, {pipeline_mode = #tpu.pipeline_mode<synchronous>, transform_indices = @transform_8, window_bounds = array<i64: 256>}, {pipeline_mode = #tpu.pipeline_mode<synchronous>, transform_indices = @transform_9, window_bounds = array<i64: 256, 64>}, {pipeline_mode = #tpu.pipeline_mode<synchronous>, transform_indices = @transform_10, window_bounds = array<i64: 64>}, {pipeline_mode = #tpu.pipeline_mode<synchronous>, transform_indices = @transform_11, window_bounds = array<i64: 64>}, {transform_indices = @transform_12, window_bounds = array<i64: 512, 64>}, {transform_indices = @transform_13, window_bounds = array<i64: 512, 64>}, {pipeline_mode = #tpu.pipeline_mode<synchronous>, transform_indices = @transform_14, window_bounds = array<i64: 64>}]} {
    %get3A = arith.constant 0 : index
    %get3A_0 = arith.constant 0 : index
    %get3A_1 = vector.load %arg1[%get3A, %get3A_0] : memref<512x128xf32, #tpu.memory_space<vmem>>, vector<512x128xf32>
    %get3A_2 = arith.constant 0 : index
    %get3A_3 = arith.constant 0 : index
    %get3A_4 = vector.load %arg5[%get3A_2, %get3A_3] : memref<128x1024xf32, #tpu.memory_space<vmem>>, vector<128x1024xf32>
    %dot_general3A = arith.constant dense<0.000000e+00> : vector<512x1024xf32>
    %dot_general3A_5 = tpu.matmul %get3A_1, %get3A_4, %dot_general3A {dimension_numbers = #tpu.dot_dimension_numbers<[1], [0], [0], [1], [0, 0, 1, 1], [], []>, transpose_lhs_hint = false} : vector<512x128xf32>, vector<128x1024xf32>, vector<512x1024xf32> -> vector<512x1024xf32>
    %get3A_6 = arith.constant 0 : index
    %get3A_7 = arith.constant 0 : index
    %get3A_8 = vector.load %arg2[%get3A_6, %get3A_7] : memref<512x128xf32, #tpu.memory_space<vmem>>, vector<512x128xf32>
    %get3A_9 = arith.constant 0 : index
    %get3A_10 = arith.constant 0 : index
    %get3A_11 = vector.load %arg6[%get3A_9, %get3A_10] : memref<128x1024xf32, #tpu.memory_space<vmem>>, vector<128x1024xf32>
    %dot_general3A_12 = arith.constant dense<0.000000e+00> : vector<512x1024xf32>
    %dot_general3A_13 = tpu.matmul %get3A_8, %get3A_11, %dot_general3A_12 {dimension_numbers = #tpu.dot_dimension_numbers<[1], [0], [0], [1], [0, 0, 1, 1], [], []>, transpose_lhs_hint = false} : vector<512x128xf32>, vector<128x1024xf32>, vector<512x1024xf32> -> vector<512x1024xf32>
    %add3A = arith.addf %dot_general3A_5, %dot_general3A_13 : vector<512x1024xf32>
    %get3A_14 = arith.constant 0 : index
    %get3A_15 = vector.load %arg7[%get3A_14] : memref<1024xf32, #tpu.memory_space<vmem>>, vector<1024xf32>
    %broadcast_in_dim3A = vector.shape_cast %get3A_15 : vector<1024xf32> to vector<1x1024xf32>
    %add3A_16 = vector.broadcast %broadcast_in_dim3A : vector<1x1024xf32> to vector<512x1024xf32>
    %add3A_17 = arith.addf %add3A, %add3A_16 : vector<512x1024xf32>
    %max3A = arith.constant 0.000000e+00 : f32
    %max3A_18 = vector.broadcast %max3A : f32 to vector<512x1024xf32>
    %max3A_19 = arith.maximumf %add3A_17, %max3A_18 : vector<512x1024xf32>
    %get3A_20 = arith.constant 0 : index
    %get3A_21 = arith.constant 0 : index
    %get3A_22 = vector.load %arg8[%get3A_20, %get3A_21] : memref<1024x256xf32, #tpu.memory_space<vmem>>, vector<1024x256xf32>
    %dot_general3A_23 = arith.constant dense<0.000000e+00> : vector<512x256xf32>
    %dot_general3A_24 = tpu.matmul %max3A_19, %get3A_22, %dot_general3A_23 {dimension_numbers = #tpu.dot_dimension_numbers<[1], [0], [0], [1], [0, 0, 1, 1], [], []>, transpose_lhs_hint = false} : vector<512x1024xf32>, vector<1024x256xf32>, vector<512x256xf32> -> vector<512x256xf32>
    %get3A_25 = arith.constant 0 : index
    %get3A_26 = vector.load %arg9[%get3A_25] : memref<256xf32, #tpu.memory_space<vmem>>, vector<256xf32>
    %broadcast_in_dim3A_27 = vector.shape_cast %get3A_26 : vector<256xf32> to vector<1x256xf32>
    %add3A_28 = vector.broadcast %broadcast_in_dim3A_27 : vector<1x256xf32> to vector<512x256xf32>
    %add3A_29 = arith.addf %dot_general3A_24, %add3A_28 : vector<512x256xf32>
    %max3A_30 = arith.constant 0.000000e+00 : f32
    %max3A_31 = vector.broadcast %max3A_30 : f32 to vector<512x256xf32>
    %max3A_32 = arith.maximumf %add3A_29, %max3A_31 : vector<512x256xf32>
    %get3A_33 = arith.constant 0 : index
    %get3A_34 = arith.constant 0 : index
    %get3A_35 = vector.load %arg10[%get3A_33, %get3A_34] : memref<256x64xf32, #tpu.memory_space<vmem>>, vector<256x64xf32>
    %dot_general3A_36 = arith.constant dense<0.000000e+00> : vector<512x64xf32>
    %dot_general3A_37 = tpu.matmul %max3A_32, %get3A_35, %dot_general3A_36 {dimension_numbers = #tpu.dot_dimension_numbers<[1], [0], [0], [1], [0, 0, 1, 1], [], []>, transpose_lhs_hint = false} : vector<512x256xf32>, vector<256x64xf32>, vector<512x64xf32> -> vector<512x64xf32>
    %get3A_38 = arith.constant 0 : index
    %get3A_39 = vector.load %arg11[%get3A_38] : memref<64xf32, #tpu.memory_space<vmem>>, vector<64xf32>
    %broadcast_in_dim3A_40 = vector.shape_cast %get3A_39 : vector<64xf32> to vector<1x64xf32>
    %add3A_41 = vector.broadcast %broadcast_in_dim3A_40 : vector<1x64xf32> to vector<512x64xf32>
    %add3A_42 = arith.addf %dot_general3A_37, %add3A_41 : vector<512x64xf32>
    %reduce_max3A = arith.constant dense<0xFF800000> : vector<512xf32>
    %reduce_max3A_43 = vector.multi_reduction <maximumf>, %add3A_42, %reduce_max3A [1] : vector<512x64xf32> to vector<512xf32>
    %broadcast_in_dim3A_44 = vector.shape_cast %reduce_max3A_43 : vector<512xf32> to vector<512x1xf32>
    %sub3A = vector.broadcast %broadcast_in_dim3A_44 : vector<512x1xf32> to vector<512x64xf32>
    %sub3A_45 = arith.subf %add3A_42, %sub3A : vector<512x64xf32>
    %exp3A = math.exp %sub3A_45 : vector<512x64xf32>
    %reduce_sum3A = arith.constant dense<0.000000e+00> : vector<512xf32>
    %reduce_sum3A_46 = vector.multi_reduction <add>, %exp3A, %reduce_sum3A [1] : vector<512x64xf32> to vector<512xf32>
    %broadcast_in_dim3A_47 = vector.shape_cast %reduce_sum3A_46 : vector<512xf32> to vector<512x1xf32>
    %div3A = vector.broadcast %broadcast_in_dim3A_47 : vector<512x1xf32> to vector<512x64xf32>
    %div3A_48 = arith.divf %exp3A, %div3A : vector<512x64xf32>
    %add3A_49 = arith.constant 1.000000e-10 : f32
    %add3A_50 = vector.broadcast %add3A_49 : f32 to vector<512x64xf32>
    %add3A_51 = arith.addf %div3A_48, %add3A_50 : vector<512x64xf32>
    %swap3A = arith.constant 0 : index
    %swap3A_52 = arith.constant 0 : index
    %swap3A_53 = vector.load %arg13[%swap3A, %swap3A_52] : memref<512x64xf32, #tpu.memory_space<vmem>>, vector<512x64xf32>
    tpu.vector_store %arg13[%swap3A, %swap3A_52], %add3A_51 {strides = array<i32>} : memref<512x64xf32, #tpu.memory_space<vmem>>, vector<512x64xf32>,
    %get3A_54 = arith.constant 0 : index
    %get3A_55 = vector.load %arg12[%get3A_54] : memref<64xf32, #tpu.memory_space<vmem>>, vector<64xf32>
    %tanh3A = math.tanh %get3A_55 : vector<64xf32>
    %abs3A = math.absf %tanh3A : vector<64xf32>
    %get3A_56 = arith.constant 0 : index
    %get3A_57 = arith.constant 0 : index
    %get3A_58 = vector.load %arg3[%get3A_56, %get3A_57] : memref<512x128xf32, #tpu.memory_space<vmem>>, vector<512x64xf32>
    %broadcast_in_dim3A_59 = vector.shape_cast %abs3A : vector<64xf32> to vector<1x64xf32>
    %mul3A = vector.broadcast %broadcast_in_dim3A_59 : vector<1x64xf32> to vector<512x64xf32>
    %mul3A_60 = arith.mulf %mul3A, %get3A_58 : vector<512x64xf32>
    %get3A_61 = arith.constant 0 : index
    %get3A_62 = arith.constant 0 : index
    %get3A_63 = vector.load %arg4[%get3A_61, %get3A_62] : memref<512x128xf32, #tpu.memory_space<vmem>>, vector<512x64xf32>
    %mul3A_64 = arith.mulf %mul3A_60, %get3A_63 : vector<512x64xf32>
    %sub3A_65 = arith.constant 1.000000e+00 : f32
    %sub3A_66 = vector.broadcast %sub3A_65 : f32 to vector<64xf32>
    %sub3A_67 = arith.subf %sub3A_66, %abs3A : vector<64xf32>
    %get3A_68 = arith.constant 0 : index
    %get3A_69 = arith.constant 64 : index
    %get3A_70 = vector.load %arg3[%get3A_68, %get3A_69] : memref<512x128xf32, #tpu.memory_space<vmem>>, vector<512x64xf32>
    %broadcast_in_dim3A_71 = vector.shape_cast %sub3A_67 : vector<64xf32> to vector<1x64xf32>
    %mul3A_72 = vector.broadcast %broadcast_in_dim3A_71 : vector<1x64xf32> to vector<512x64xf32>
    %mul3A_73 = arith.mulf %mul3A_72, %get3A_70 : vector<512x64xf32>
    %get3A_74 = arith.constant 0 : index
    %get3A_75 = arith.constant 64 : index
    %get3A_76 = vector.load %arg4[%get3A_74, %get3A_75] : memref<512x128xf32, #tpu.memory_space<vmem>>, vector<512x64xf32>
    %mul3A_77 = arith.mulf %mul3A_73, %get3A_76 : vector<512x64xf32>
    %add3A_78 = arith.addf %mul3A_64, %mul3A_77 : vector<512x64xf32>
    %add3A_79 = arith.constant 1.000000e-10 : f32
    %add3A_80 = vector.broadcast %add3A_79 : f32 to vector<512x64xf32>
    %add3A_81 = arith.addf %add3A_78, %add3A_80 : vector<512x64xf32>
    %swap3A_82 = arith.constant 0 : index
    %swap3A_83 = arith.constant 0 : index
    %swap3A_84 = vector.load %arg14[%swap3A_82, %swap3A_83] : memref<512x64xf32, #tpu.memory_space<vmem>>, vector<512x64xf32>
    tpu.vector_store %arg14[%swap3A_82, %swap3A_83], %add3A_81 {strides = array<i32>} : memref<512x64xf32, #tpu.memory_space<vmem>>, vector<512x64xf32>,
    %swap3A_85 = arith.constant 0 : index
    %swap3A_86 = vector.load %arg15[%swap3A_85] : memref<64xf32, #tpu.memory_space<vmem>>, vector<64xf32>
    tpu.vector_store %arg15[%swap3A_85], %tanh3A {strides = array<i32>} : memref<64xf32, #tpu.memory_space<vmem>>, vector<64xf32>,
    return
  }
  func.func @transform_0(%arg0: i32) -> (i32, i32) {
    %c0_i32 = arith.constant 0 : i32
    %c0_i32_0 = arith.constant 0 : i32
    return %arg0, %c0_i32 : i32, i32
  }
  func.func @transform_1(%arg0: i32) -> (i32, i32) {
    %c0_i32 = arith.constant 0 : i32
    %c0_i32_0 = arith.constant 0 : i32
    return %arg0, %c0_i32 : i32, i32
  }
  func.func @transform_2(%arg0: i32) -> (i32, i32) {
    %c0_i32 = arith.constant 0 : i32
    %c0_i32_0 = arith.constant 0 : i32
    return %arg0, %c0_i32 : i32, i32
  }
  func.func @transform_3(%arg0: i32) -> (i32, i32) {
    %c0_i32 = arith.constant 0 : i32
    %c0_i32_0 = arith.constant 0 : i32
    return %arg0, %c0_i32 : i32, i32
  }
  func.func @transform_4(%arg0: i32) -> (i32, i32) {
    %c0_i32 = arith.constant 0 : i32
    %c0_i32_0 = arith.constant 0 : i32
    %c0_i32_1 = arith.constant 0 : i32
    return %c0_i32, %c0_i32_0 : i32, i32
  }
  func.func @transform_5(%arg0: i32) -> (i32, i32) {
    %c0_i32 = arith.constant 0 : i32
    %c0_i32_0 = arith.constant 0 : i32
    %c0_i32_1 = arith.constant 0 : i32
    return %c0_i32, %c0_i32_0 : i32, i32
  }
  func.func @transform_6(%arg0: i32) -> i32 {
    %c0_i32 = arith.constant 0 : i32
    %c0_i32_0 = arith.constant 0 : i32
    return %c0_i32 : i32
  }
  func.func @transform_7(%arg0: i32) -> (i32, i32) {
    %c0_i32 = arith.constant 0 : i32
    %c0_i32_0 = arith.constant 0 : i32
    %c0_i32_1 = arith.constant 0 : i32
    return %c0_i32, %c0_i32_0 : i32, i32
  }
  func.func @transform_8(%arg0: i32) -> i32 {
    %c0_i32 = arith.constant 0 : i32
    %c0_i32_0 = arith.constant 0 : i32
    return %c0_i32 : i32
  }
  func.func @transform_9(%arg0: i32) -> (i32, i32) {
    %c0_i32 = arith.constant 0 : i32
    %c0_i32_0 = arith.constant 0 : i32
    %c0_i32_1 = arith.constant 0 : i32
    return %c0_i32, %c0_i32_0 : i32, i32
  }
  func.func @transform_10(%arg0: i32) -> i32 {
    %c0_i32 = arith.constant 0 : i32
    %c0_i32_0 = arith.constant 0 : i32
    return %c0_i32 : i32
  }
  func.func @transform_11(%arg0: i32) -> i32 {
    %c0_i32 = arith.constant 0 : i32
    %c0_i32_0 = arith.constant 0 : i32
    return %c0_i32 : i32
  }
  func.func @transform_12(%arg0: i32) -> (i32, i32) {
    %c0_i32 = arith.constant 0 : i32
    %c0_i32_0 = arith.constant 0 : i32
    return %arg0, %c0_i32 : i32, i32
  }
  func.func @transform_13(%arg0: i32) -> (i32, i32) {
    %c0_i32 = arith.constant 0 : i32
    %c0_i32_0 = arith.constant 0 : i32
    return %arg0, %c0_i32 : i32, i32
  }
  func.func @transform_14(%arg0: i32) -> i32 {
    %c0_i32 = arith.constant 0 : i32
    %c0_i32_0 = arith.constant 0 : i32
    return %c0_i32 : i32
  }
}

</mosaic_0001>

<sc_bundles>
// kernel: kernel.10.cloned.1.call-start
scs
__scs_entry_jumppad:
0x0: {  	(pc) =	sbr.rel $0x88, $3  }
0x1: {  	(tag) =	ssettag $0x0;
	lr =	simm.s32 $0x1  }
0x2: {  	[smem:$0x3F8D] =	sst lr;
	_ =	strace $0xD0000000  }
0x3: {  	_ = 	snop  }
0x4: {  	_ = 	snop  }
0x5: {  	_ = 	snop  }
0x6: {  	_ = 	snop  }
0x7: {  	_ = 	snop  }
__scs_overlays_trampoline_lowered:
0x8: {  	[smem:$0x3F9C] =	sst s0  }
0x9: {  	[smem:$0x3F9D] =	sst s1  }
0xa: {  	[smem:$0x3F9E] =	sst s2  }
0xb: {  	[smem:$0x3F9F] =	sst s3  }
0xc: {  	[smem:$0x3FA0] =	sst s4  }
0xd: {  	[smem:$0x3FA1] =	sst s5  }
0xe: {  	[smem:$0x3FA2] =	sst s6  }
0xf: {  	[smem:$0x3FA3] =	sst s7  }
0x10: {  	[smem:$0x3FA4] =	sst s8  }
0x11: {  	[smem:$0x3FA5] =	sst s9;
	s0 =	simm.s32 @!p0 $0x0  }
0x12: {  	s1 =	sld [smem:$0x3F8B];
	s0 =	simm.s32 @p0 $0x1  }
0x13: {  	[smem:$0x3FA6] =	sst s0;
	s0 =	simm.s32 @!p1 $0x0  }
0x14: {  	s2 =	sld [smem:$0x3F8A];
	s0 =	simm.s32 @p1 $0x1  }
0x15: {  	[smem:$0x3FA7] =	sst s0;
	s0 =	simm.s32 @!p2 $0x0  }
0x16: {  	s3 =	sld [smem:$0x3FDB];
	s0 =	simm.s32 @p2 $0x1  }
0x17: {  	s4 =	simm.s32 $0x1BF5;
	[smem:$0x3FA9] =	sst s0  }
0x18: {  	s0 =	sld [smem:$0x3F8C];
	_ =	swait.ge [sflag:s4], $0x0  }
0x19: {  	s7 =	sld [smem:$0x3F8D]  }
0x1a: {  	s8 =	sadd.s32 $0xFFFFE003, lr  }
0x1b: {  	s9 =	sadd.s32 $0xFFFFFEF7, lr;
	s5 =	simm.s32 $0xFFFFFFFF;
	p2 =	slt.u32 s8, $0xFFFFF086  }
0x1c: {  	p1 =	slt.u32 s9, $0xF7A;
	s5 =	simm.s32 @!p2 $0x0  }
0x1d: {  	s5 =	simm.s32 @p1 $0x1;
	p0 =	seq.s32 s7, s2  }
0x1e: {  	s7 =	smul.u32 @!p0 $0xF7A, s2;
	p2 =	seq.s32 @!p0 s5, $0x0  }
0x1f: {  	s9 =	smul.u32 $0xF7A, s1;
	s8 =	simm.s32 @!p0 $0x1BF5;
	p2 =	por !p2, p0  }
0x20: {  	[sflag:s8] =	ssyncset.s32 @!p0 $0xFFFFF086;
	s6 =	sadd.s32 @!p0 s3, s7;
	s7 =	simm.s32 @!p0 $0x108  }
0x21: {  	s3 =	sadd.s32 s3, s9;
	s6 =	sadd.s32 @!p0 $0x88, s6;
	s7 =	simm.s32 @p2 $0x1082  }
0x22: {  	[simem:s7], [sflag:s8] =	dma.local @!p0 [hbm:s6], $0xF7A  }
0x23: {  	s9 =	sor.u32 $0xD0000000, s2;
	s6 =	simm.s32 $0x108;
	_ =	swait.ge @!p0 [sflag:s8], $0x0  }
0x24: {  	s3 =	sadd.s32 $0x88, s3;
	s6 =	simm.s32 @!p1 $0x1082;
	[sflag:s4] =	ssyncset.s32 $0xFFFFF086  }
0x25: {  	[simem:s6], [sflag:s4] =	dma.local [hbm:s3], $0xF7A  }
0x26: {  	[smem:$0x3F8D] =	sst s1;
	(tag) =	ssettag s2;
	_ =	strace s9  }
0x27: {  	s1 =	sld [smem:$0x3F9D]  }
0x28: {  	s2 =	sld [smem:$0x3F9E]  }
0x29: {  	s4 =	sld [smem:$0x3FA0]  }
0x2a: {  	p0 =	seq.s32 s5, $0x0;
	s5 =	sld [smem:$0x3FA1]  }
0x2b: {  	s6 =	sld [smem:$0x3FA2]  }
0x2c: {  	s7 =	sld [smem:$0x3FA3]  }
0x2d: {  	s3 =	simm.s32 $0x108;
	s8 =	sld [smem:$0x3FA4]  }
0x2e: {  	s3 =	simm.s32 @!p0 $0x1082;
	s9 =	sld [smem:$0x3FA5]  }
0x2f: {  	lr =	sadd.s32 s0, s3;
	s0 =	sld [smem:$0x3F9C]  }
0x30: {  	s3 =	sld [smem:$0x3F9F]  }
0x31: {  	[smem:$0x3FA8] =	sst s10  }
0x32: {  	s10 =	sld [smem:$0x3FA6];
	_ =	sdelay $0x3  }
0x33: {  	p0 =	seq.s32 s10, $0x1;
	s10 =	sld [smem:$0x3FA8];
	_ =	sdelay $0x3  }
0x34: {  	[smem:$0x3FA8] =	sst s10  }
0x35: {  	s10 =	sld [smem:$0x3FA7];
	_ =	sdelay $0x3  }
0x36: {  	p1 =	seq.s32 s10, $0x1;
	s10 =	sld [smem:$0x3FA8];
	_ =	sdelay $0x3  }
0x37: {  	[smem:$0x3FA8] =	sst s10  }
0x38: {  	s10 =	sld [smem:$0x3FA9]  }
0x39: {  	_ = 	snop;
	(pc) =	sbr.ind lr, $3  }
0x3a: {  	_ = 	snop  }
0x3b: {  	_ = 	snop  }
0x3c: {  	p2 =	seq.s32 s10, $0x1;
	s10 =	sld [smem:$0x3FA8]  }
0x3d: {  	_ =	shalt  }
0x3e: {  	_ =	shalt  }
0x3f: {  	_ =	shalt  }
0x40: {  	_ =	shalt  }
0x41: {  	_ =	shalt  }
0x42: {  	_ =	shalt  }
0x43: {  	_ =	shalt  }
0x44: {  	_ =	shalt  }
0x45: {  	_ =	shalt  }
0x46: {  	_ =	shalt  }
0x47: {  	_ =	shalt  }
0x48: {  	_ =	shalt  }
0x49: {  	_ =	shalt  }
0x4a: {  	_ =	shalt  }
0x4b: {  	_ =	shalt  }
0x4c: {  	_ =	shalt  }
0x4d: {  	_ =	shalt  }
0x4e: {  	_ =	shalt  }
0x4f: {  	_ =	shalt  }
0x50: {  	_ =	shalt  }
0x51: {  	_ =	shalt  }
0x52: {  	_ =	shalt  }
0x53: {  	_ =	shalt  }
0x54: {  	_ =	shalt  }
0x55: {  	_ =	shalt  }
0x56: {  	_ =	shalt  }
0x57: {  	_ =	shalt  }
0x58: {  	_ =	shalt  }
0x59: {  	_ =	shalt  }
0x5a: {  	_ =	shalt  }
0x5b: {  	_ =	shalt  }
0x5c: {  	_ =	shalt  }
0x5d: {  	_ =	shalt  }
0x5e: {  	_ =	shalt  }
0x5f: {  	_ =	shalt  }
0x60: {  	_ =	shalt  }
0x61: {  	_ =	shalt  }
0x62: {  	_ =	shalt  }
0x63: {  	_ =	shalt  }
0x64: {  	_ =	shalt  }
0x65: {  	_ =	shalt  }
0x66: {  	_ =	shalt  }
0x67: {  	_ =	shalt  }
0x68: {  	_ =	shalt  }
0x69: {  	_ =	shalt  }
0x6a: {  	_ =	shalt  }
0x6b: {  	_ =	shalt  }
0x6c: {  	_ =	shalt  }
0x6d: {  	_ =	shalt  }
0x6e: {  	_ =	shalt  }
0x6f: {  	_ =	shalt  }
0x70: {  	_ =	shalt  }
0x71: {  	_ =	shalt  }
0x72: {  	_ =	shalt  }
0x73: {  	_ =	shalt  }
0x74: {  	_ =	shalt  }
0x75: {  	_ =	shalt  }
0x76: {  	_ =	shalt  }
0x77: {  	_ =	shalt  }
0x78: {  	_ =	shalt  }
0x79: {  	_ =	shalt  }
0x7a: {  	_ =	shalt  }
0x7b: {  	_ =	shalt  }
0x7c: {  	_ =	shalt  }
0x7d: {  	_ =	shalt  }
0x7e: {  	_ =	shalt  }
0x7f: {  	_ =	shalt  }
0x80: {  	_ =	shalt  }
0x81: {  	_ =	shalt  }
0x82: {  	_ =	shalt  }
0x83: {  	_ =	shalt  }
0x84: {  	_ =	shalt  }
0x85: {  	_ =	shalt  }
0x86: {  	_ =	shalt  }
0x87: {  	_ =	shalt  }
.Lfunc_end0:
.L_simem_size_0:
called_computation_lowered:
.L_overlay_start_0:
0x88: {  	s2 =	sld [smem:$0x3FD9]  }
0x89: {  	s3 =	sld [smem:$0x3FFE];
	_ =	sdelay $0x1  }
0x8a: {  	s1 =	srdreg.scid  }
0x8b: {  	s0 =	sand.u32 $0x1, s1  }
0x8c: {  	s14 =	sshll.u32 s0, $0xA;
	s2 =	sadd.s32 s3, s2  }
0x8d: {  	s2 =	sadd.s32 s2, s14  }
0x8e: {  	[smem:$0x3FB4] =	sst s2  }
0x8f: {  	_ = 	snop  }
0x90: {  	s2 =	sld [smem:$0x3FD0];
	_ =	sdelay $0x2  }
0x91: {  	s4 =	simm.s32 $0xA;
	s5 =	simm.s32 $0x10;
	s15 =	sld [smem:$0x3FC5]  }
0x92: {  	[smem:s5], [sflag:s4] =	dma.local [hbm:s2], $0x1  }
0x93: {  	_ =	swait.eq [sflag:s4], $0x1  }
0x94: {  	[sflag:s4] =	ssyncset.done $0x0  }
0x95: {  	s16 =	sld [smem:$0x10];
	[sflag:s4] =	ssyncadd.s32 $0xFFFFFFFF  }
0x96: {  	s17 =	sld [smem:$0x11];
	(tm) =	ssettm $0x1  }
0x97: {  	s18 =	sld [smem:$0x3FFB];
	_ =	sdelay $0x3  }
0x98: {  	_ =	strace s18  }
0x99: {  	s5 =	sld [smem:$0x3FFC];
	_ =	sdelay $0x3  }
0x9a: {  	_ =	strace s5  }
0x9b: {  	s5 =	sld [smem:$0x3FFD];
	_ =	sdelay $0x3  }
0x9c: {  	_ =	strace s5  }
0x9d: {  	_ =	strace $0x8FFFFFFF  }
0x9e: {  	s19 =	sld [smem:$0x3FDB];
	_ =	sdelay $0x1  }
0x9f: {  	s6 =	simm.s32 $_scs_section_size  }
0xa0: {  	s7 =	simm.s32 $_size__tile_overlayer_lowered;
	s8 =	simm.s32 $_tile_overlayer_lowered  }
0xa1: {  	s22 =	simm.s32 $0x1BFF;
	s21 =	sshll.u32 s8, $0x1;
	s5 =	sadd.s32 s6, s19  }
0xa2: {  	s9 =	simm.s32 $0x0;
	s20 =	sshll.u32 s7, $0x1;
	s7 =	sadd.s32 s21, s5  }
0xa3: {  	[timem:s9], [sflag:s22] =	dma.local [hbm:s7], s20  }
0xa4: {  	_ =	swait.ge [sflag:s22], s20  }
0xa5: {  	s6 =	ssub.s32 $0x0, s20;
	[sflag:s22] =	ssyncset.done $0x0  }
0xa6: {  	[sflag:s22] =	ssyncadd.s32 s6;
	_ =	sdelay $0x1  }
0xa7: {  	s23 =	simm.s32 $0x1B8B  }
0xa8: {  	_ =	swait.ge [sflag:s23], $0x1  }
0xa9: {  	[sflag:s23] =	ssyncset.done $0x0  }
0xaa: {  	s25 =	simm.s32 $0x1B8E;
	s24 =	sld [smem:$0x3FFE];
	[sflag:s23] =	ssyncadd.s32 $0xFFFFFFFF  }
0xab: {  	s26 =	simm.s32 $execute0_lowered;
	[smem:$0x3FD2] =	sst s25  }
0xac: {  	s7 =	sshll.u32 s26, $0x1;
	_ =	strace $0x80000046;
	[dreg:$0x1] =	wrdreg $0xFFFFFFFF  }
0xad: {  	s28 =	simm.s32 $_size_execute0_lowered;
	s5 =	sadd.s32 s5, s7;
	[dreg:$0x0] =	wrdreg $0x0  }
0xae: {  	s7 =	sshll.u32 s28, $0x1;
	[dreg:$0x2] =	wrdreg s5  }
0xaf: {  	[dreg:$0x3] =	wrdreg s7  }
0xb0: {  	[dreg:$0x4] =	wrdreg $0xC0  }
0xb1: {  	_ =	task [dreg:s9], $0x5FFFF  }
0xb2: {  	[dreg:$0x1] =	wrdreg $0xFFFFFFFF  }
0xb3: {  	[dreg:$0x0] =	wrdreg $0x60  }
0xb4: {  	[dreg:$0x2] =	wrdreg s24  }
0xb5: {  	[dreg:$0x3] =	wrdreg s15  }
0xb6: {  	[dreg:$0x4] =	wrdreg s17  }
0xb7: {  	[dreg:$0x5] =	wrdreg s16  }
0xb8: {  	[dreg:$0x6] =	wrdreg $0x9  }
0xb9: {  	_ =	task.clear_ibuf [dreg:s9], $0x7FFFF;
	_ =	strace $0x90000046  }
0xba: {  	s29 =	simm.s32 $0x9;
	_ =	strace $0x80000048  }
0xbb: {  	_ =	swait.ge [sflag:s29], $0x1  }
0xbc: {  	[sflag:s29] =	ssyncadd.s32 $0xFFFFFFFF  }
0xbd: {  	_ =	strace $0x90000048  }
0xbe: {  	_ =	sfence  }
0xbf: {  	s30 =	sld [smem:$0x0];
	_ =	sdelay $0x2  }
0xc0: {  	s31 =	sshll.u32 s1, $0xD;
	s1 =	sshrl.u32 s1, $0x2  }
0xc1: {  	s3 =	sand.u32 $0x4000, s31;
	s1 =	sadd.s32 s1, s30  }
0xc2: {  	s0 =	sor.u32 s3, s0;
	s1 =	sshll.u32 s1, $0x11  }
0xc3: {  	s0 =	sor.u32 s1, s0  }
0xc4: {  	s0 =	sadd.s32 $0x8F2B, s0  }
0xc5: {  	[sflag:s0] =	ssyncadd.remote.s32 $0x1  }
0xc6: {  	_ =	sfence.sel $0xFFFF  }
0xc7: {  	[dreg:$0x0] =	wrdreg $0xFFFFFFFF;
	(pc) =	sbr.abs _section_cstart, $3  }
0xc8: {  	[dreg:$0x1] =	wrdreg $0xFFFFFFFF  }
0xc9: {  	_ =	task.clear_ibuf [dreg:s9], $0x2FFFF;
	_ =	strace $0x9FFFFFFF  }
0xca: {  	(tm) =	ssettm $0x7FFFFFFF  }
0xcb: {  	_ =	shalt  }
tec
execute0_lowered:
.L_overlay_start_1:
0x0: {  	(tag) =	ssettag $0x1  }
0x1: {  	s0 =	rddreg [dreg:$0x0]  }
0x2: {  	s2 =	srdreg.scid;
	s1 =	rddreg [dreg:$0x1]  }
0x3: {  	s5 =	stileid.u32;
	s4 =	rddreg [dreg:$0x3];
	s20 =	simm.s32 $0x5000  }
0x4: {  	s21 =	simm.s32 $0x2;
	s28 =	simm.s32 $0x14300;
	s29 =	simm.s32 $0x80  }
0x5: {  	s30 =	simm.s32 $0x14400;
	s31 =	simm.s32 $0x1;
	s2 =	sand.u32 $0x1, s2  }
0x6: {  	s22 =	simm.s32 $0x0;
	s15 =	sadd.s32 $0x23800, s0;
	s3 =	sshll.u32 s2, $0x4  }
0x7: {  	s16 =	sadd.s32 $0x37800, s0;
	s2 =	ssub.s32 $0x2, s2;
	s3 =	sor.u32 s5, s3  }
0x8: {  	s5 =	simm.s32 $0x0;
	s25 =	sshrl.u32 s2, $0x1;
	s6 =	smul.u32 $0x500, s3  }
0x9: {  	[smem:$0x7FF] =	sst s5;
	s7 =	smul.u32 $0x2800, s3;
	s23 =	sshll.u32 s3, $0x5  }
0xa: {  	s24 =	sshll.u32 s3, $0xC;
	s3 =	sshll.u32 s3, $0x4;
	s2 =	ssub.s32 s2, s25  }
0xb: {  	_ =	strace $0x80000047;
	s9 =	sadd.s32 s23, s0;
	s18 =	sadd.s32 s24, s0  }
0xc: {  	s19 =	smax.u32 s2, $0x1;
	s2 =	simm.s32 $0x14280;
	s8 =	sadd.s32 s6, s0  }
0xd: {  	s14 =	sshrl.u32 s7, $0x3;
	s6 =	sadd.s32 $0x4E00, s0;
	s9 =	sadd.s32 $0x19400, s9  }
0xe: {  	s17 =	sadd.s32 $0x4BC00, s18;
	s18 =	sadd.s32 $0x4C400, s18;
	s10 =	sadd.s32 s14, s0  }
0xf: {  	s0 =	sadd.s32 s3, s0;
	s7 =	sadd.s32 $0xF400, s8;
	s8 =	sadd.s32 $0x5400, s8  }
0x10: {  	s13 =	sadd.s32 s15, s14;
	s26 =	sadd.s32 $0xA000, s14;
	s14 =	sadd.s32 s16, s14  }
0x11: {  	s10 =	sadd.s32 $0x19800, s10;
	s11 =	sadd.s32 $0x4B800, s0;
	s12 =	sadd.s32 $0x4BA00, s0  }
0x12: {  	v0 =	vimm.f32 $1.000000000e+00;
	s15 =	sadd.s32 s15, s26;
	s16 =	sadd.s32 s16, s26;
	s0 =	simm.s32 $0x11A80  }
.LBB2_1:
0x13: {  	s3 =	rddreg [dreg:$0x2]  }
0x14: {  	[tilespmem:s20], [sflag:$0x2] =	stream.linear.gather [hbm4b:s3+s5], $0x2880, $0x38;
	[tilespmem:$0x18400] =	vst v63  }
0x15: {  	_ =	swait.ge [sflag:s21], $0x2880  }
0x16: {  	[sflag:s21] =	ssyncset.done $0x0  }
0x17: {  	[sflag:s21] =	ssyncadd.s32 $0xFFFFD780  }
0x18: {  	[tilespmem:s5], [sflag:$0x2] =	stream.linear.gather [hbm4b:s7+s5], $0x2800, $0x38;
	[tilespmem:$0x18400] =	vst v63  }
0x19: {  	_ =	swait.ge [sflag:s21], $0x2800  }
0x1a: {  	[sflag:s21] =	ssyncset.done $0x0  }
0x1b: {  	s26 =	simm.s32 $0x2800;
	[sflag:s21] =	ssyncadd.s32 $0xFFFFD800  }
0x1c: {  	[tilespmem:s26], [sflag:$0x2] =	stream.linear.gather [hbm4b:s8+s5], $0x2800, $0x38;
	[tilespmem:$0x18400] =	vst v63  }
0x1d: {  	_ =	swait.ge [sflag:s21], $0x2800  }
0x1e: {  	[sflag:s21] =	ssyncset.done $0x0  }
0x1f: {  	s23 =	simm.s32 $0x7880;
	[sflag:s21] =	ssyncadd.s32 $0xFFFFD800  }
0x20: {  	[tilespmem:s23], [sflag:$0x2] =	stream.linear.gather [hbm4b:s4+s5], $0x2880, $0x38;
	[tilespmem:$0x18400] =	vst v63  }
0x21: {  	_ =	swait.ge [sflag:s21], $0x2880  }
0x22: {  	[sflag:s21] =	ssyncset.done $0x0  }
0x23: {  	s24 =	simm.s32 $0xA100;
	[sflag:s21] =	ssyncadd.s32 $0xFFFFD780  }
0x24: {  	[tilespmem:s24], [sflag:$0x2] =	stream.linear.gather [hbm4b:s6+s5], $0x2880, $0x38;
	[tilespmem:$0x18400] =	vst v63  }
0x25: {  	_ =	swait.ge [sflag:s21], $0x2880  }
0x26: {  	[sflag:s21] =	ssyncset.done $0x0  }
0x27: {  	s25 =	simm.s32 $0xC980;
	[sflag:s21] =	ssyncadd.s32 $0xFFFFD780  }
0x28: {  	[tilespmem:s25], [sflag:$0x2] =	stream.linear.gather [hbm4b:s4+s5], $0x2880, $0x38;
	[tilespmem:$0x18400] =	vst v63  }
0x29: {  	_ =	swait.ge [sflag:s21], $0x2880  }
0x2a: {  	[sflag:s21] =	ssyncset.done $0x0  }
0x2b: {  	s26 =	simm.s32 $0xF200;
	[sflag:s21] =	ssyncadd.s32 $0xFFFFD780  }
0x2c: {  	[tilespmem:s26], [sflag:$0x2] =	stream.linear.gather [hbm4b:s6+s5], $0x2880, $0x38;
	[tilespmem:$0x18400] =	vst v63  }
0x2d: {  	_ =	swait.ge [sflag:s21], $0x2880  }
0x2e: {  	[sflag:s21] =	ssyncset.done $0x0  }
0x2f: {  	[sflag:s21] =	ssyncadd.s32 $0xFFFFD780  }
0x30: {  	[tilespmem:s28], [sflag:$0x2] =	stream.linear.gather [hbm4b:s9+s5], $0x100, $0x38;
	[tilespmem:$0x18400] =	vst v63  }
0x31: {  	_ =	swait.ge [sflag:s21], $0x100  }
0x32: {  	[sflag:s21] =	ssyncset.done $0x0  }
0x33: {  	s23 =	simm.s32 $0x0;
	[sflag:s21] =	ssyncadd.s32 $0xFFFFFF00  }
0x34: {  	[tilespmem:s30], [sflag:$0x1] =	stream.indirect.gather [hbm4b:s1+s29], $0x80, s28, s29, $0xb8;
	[tilespmem:$0x18400] =	vst v63  }
0x35: {  	v1 =	vld [tilespmem:s23+$0x0];
	_ =	sdelay $0x3  }
0x36: {  	v2 =	vld [tilespmem:s23+$0x2800];
	_ =	sdelay $0x3  }
0x37: {  	vm0 =	vlt.s32 v1, $0x1400;
	v3 =	vadd.s32 $0xFFFFEC00, v1;
	[tilespmem:v1+s20+$0x0] =	vst.idx.add.f32.msk $0xffff, v0  }
0x38: {  	v4 =	vmpcnt.ones.xlane vm0;
	vm1 =	vlt.u32 v3, $0x1400;
	[tilespmem:s5+$0x7880] =	vst.msk vm0, v2  }
0x39: {  	[tilespmem:s5+$0xA100] =	vst.msk vm0, v1;
	v1 =	vmpcnt.ones.xlane vm1  }
0x3a: {  	(v2sf) =	vpush v4, $0x0  }
0x3b: {  	(v2sf) =	vpush v1, $0x0;
	_ =	sdelay $0x3  }
0x3c: {  	[tilespmem:s5+$0xC980] =	vst.msk vm1, v2  }
0x3d: {  	s26 =	simm.s32 $0x10;
	[tilespmem:s5+$0xF200] =	vst.msk vm1, v3  }
0x3e: {  	s24 =	simm.s32 $0x0;
	s25 =	simm.s32 $0x80;
	s23 =	simm.s32 $0x0;
	v1 =	vld [tilespmem:s26+$0x2800]  }
.LBB2_2:
0x3f: {  	p0 =	sne.s32 s25, $0x9FC0;
	v2 =	vld [tilespmem:s26+$0x0];
	_ =	sdelay $0x4  }
0x40: {  	vm0 =	vlt.s32 v2, $0x1400;
	v3 =	vadd.s32 $0xFFFFEC00, v2  }
0x41: {  	v4 =	vmpcnt.ones.xlane vm0;
	vm1 =	vlt.u32 v3, $0x1400  }
0x42: {  	v5 =	vmpcnt.ones.xlane vm1;
	s26 =	spop (v2sf)  }
0x43: {  	[tilespmem:v2+s20+$0x0] =	vst.idx.add.f32.msk $0xffff, v0;
	(v2sf) =	vpush v4, $0x0;
	s24 =	sadd.s32 s24, s26;
	s26 =	spop (v2sf)  }
0x44: {  	[tilespmem:s24+$0x7880] =	vst.msk vm0, v1;
	(v2sf) =	vpush v5, $0x0;
	s23 =	sadd.s32 s23, s26  }
0x45: {  	[tilespmem:s24+$0xA100] =	vst.msk vm0, v2  }
.Ltmp0:
0x46: {  	[tilespmem:s23+$0xC980] =	vst.msk vm1, v1;
	(pc) =	sbr.rel @p0 .LBB2_2-.Ltmp0, $3  }
0x47: {  	s26 =	sshra.s32 s25, $0x2;
	[tilespmem:s23+$0xF200] =	vst.msk vm1, v3  }
0x48: {  	v1 =	vld [tilespmem:s26+$0x2800];
	_ =	sdelay $0x1  }
0x49: {  	s25 =	sadd.s32 $0x40, s25  }
0x4a: {  	v2 =	vld [tilespmem:s26+$0x0];
	_ =	sdelay $0x4  }
0x4b: {  	vm0 =	vlt.s32 v2, $0x1400  }
0x4c: {  	v3 =	vmpcnt.ones.xlane vm0;
	_ =	sdelay $0x1  }
0x4d: {  	(v2sf) =	vpush v3, $0x0  }
0x4e: {  	v3 =	vadd.s32 $0xFFFFEC00, v2  }
0x4f: {  	vm1 =	vlt.u32 v3, $0x1400  }
0x50: {  	v4 =	vmpcnt.ones.xlane vm1;
	_ =	sdelay $0x1  }
0x51: {  	(v2sf) =	vpush v4, $0x0;
	_ =	sdelay $0x2  }
0x52: {  	s25 =	spop (v2sf)  }
0x53: {  	[tilespmem:v2+s20+$0x0] =	vst.idx.add.f32.msk $0xffff, v0;
	s24 =	sadd.s32 s24, s25  }
0x54: {  	s26 =	spop (v2sf);
	[tilespmem:s24+$0x7880] =	vst.msk vm0, v1  }
0x55: {  	s23 =	sadd.s32 s23, s26;
	[tilespmem:s24+$0xA100] =	vst.msk vm0, v2  }
0x56: {  	[tilespmem:s23+$0xC980] =	vst.msk vm1, v1  }
0x57: {  	s25 =	simm.s32 $0x0;
	[tilespmem:s23+$0xF200] =	vst.msk vm1, v3  }
0x58: {  	[hbm4b:s10+s25] =	stream.linear.scatter [tilespmem:s20], [sflag:$0x2], $0x2800, $0x38;
	[tilespmem:$0x18400] =	vst v63  }
0x59: {  	s3 =	spop (v2sf)  }
0x5a: {  	s24 =	sadd.s32 s24, s3  }
0x5b: {  	s24 =	sadd.s32 $0xFF, s24  }
0x5c: {  	s26 =	sand.u32 $0xFF, s24  }
0x5d: {  	s3 =	sshra.s32 s24, $0x1F;
	p0 =	slt.s32 s24, $0x1;
	p1 =	sne.s32 s26, $0x0  }
0x5e: {  	s3 =	sshrl.u32 s3, $0x18;
	s26 =	spop (v2sf);
	p0 =	por !p0, !p1  }
0x5f: {  	s3 =	sadd.s32 s3, s24;
	s24 =	simm.s32 $0x1;
	s23 =	sadd.s32 s23, s26  }
0x60: {  	_ =	swait.ge [sflag:s21], $0x2800;
	p0 =	por !p0, !p0;
	s3 =	sshra.s32 s3, $0x8  }
0x61: {  	s23 =	sadd.s32 $0xFF, s23;
	[sflag:s21] =	ssyncset.done $0x0;
	s24 =	simm.s32 @!p0 $0x0  }
0x62: {  	s26 =	sand.u32 $0xFF, s23;
	p6 =	slt.s32 s23, $0x1;
	s3 =	ssub.s32 s3, s24  }
0x63: {  	p5 =	sne.s32 s26, $0x0;
	s26 =	sshra.s32 s23, $0x1F;
	p0 =	sgt.s32 s3, $0x1  }
0x64: {  	s24 =	sshrl.u32 s26, $0x18;
	s3 =	simm.s32 @!p0 $0x1;
	p0 =	por !p6, !p5  }
0x65: {  	s23 =	sadd.s32 s24, s23;
	s24 =	simm.s32 $0x1;
	p0 =	por !p0, !p0  }
0x66: {  	[sflag:s21] =	ssyncadd.s32 $0xFFFFD800;
	v1 =	vmov s3;
	s23 =	sshra.s32 s23, $0x8;
	s24 =	simm.s32 @!p0 $0x0  }
0x67: {  	[tilespmem:$0x14280] =	vst v1;
	s3 =	ssub.s32 s23, s24  }
0x68: {  	[hbm4b:s11+s25] =	stream.linear.scatter [tilespmem:s2], [sflag:$0x2], $0x80, $0x38;
	[tilespmem:$0x18400] =	vst v63  }
0x69: {  	p0 =	sgt.s32 s3, $0x1;
	_ =	swait.ge [sflag:s21], $0x80  }
0x6a: {  	s3 =	simm.s32 @!p0 $0x1;
	[sflag:s21] =	ssyncset.done $0x0  }
0x6b: {  	[sflag:s21] =	ssyncadd.s32 $0xFFFFFF80;
	v1 =	vmov s3  }
0x6c: {  	[tilespmem:$0x14280] =	vst v1  }
0x6d: {  	[hbm4b:s12+s25] =	stream.linear.scatter [tilespmem:s2], [sflag:$0x2], $0x80, $0x38;
	[tilespmem:$0x18400] =	vst v63  }
0x6e: {  	_ =	swait.ge [sflag:s21], $0x80  }
0x6f: {  	[sflag:s21] =	ssyncset.done $0x0  }
0x70: {  	s26 =	simm.s32 $0x0;
	[sflag:s21] =	ssyncadd.s32 $0xFFFFFF80  }
0x71: {  	v1 =	vld [tilespmem:s26+$0x7880]  }
0x72: {  	s24 =	sand.u32 $0xFE00, s25  }
0x73: {  	s3 =	sshrl.u32 s24, $0x2;
	s25 =	sand.u32 $0x70, s25  }
0x74: {  	s23 =	simm.s32 $0x10;
	s24 =	simm.s32 $0x40;
	s25 =	sor.u32 s25, s3  }
.LBB2_4:
0x75: {  	s3 =	sshra.s32 s24, $0x2  }
0x76: {  	p0 =	sne.s32 s23, $0x27F0;
	[tilespmem:s25+$0x11A80] =	vst v1;
	s25 =	smov.u32 s23;
	s23 =	sadd.s32 $0x10, s23  }
.Ltmp1:
0x77: {  	v1 =	vld [tilespmem:s3+$0x7880];
	(pc) =	sbr.rel @p0 .LBB2_4-.Ltmp1, $4  }
0x78: {  	_ = 	snop  }
0x79: {  	s3 =	sand.u32 $0xFE00, s24  }
0x7a: {  	s25 =	sand.u32 $0x70, s25;
	s3 =	sshrl.u32 s3, $0x2  }
0x7b: {  	s24 =	sadd.s32 $0x40, s24;
	s25 =	sor.u32 s25, s3  }
0x7c: {  	[tilespmem:s25+$0x11A80] =	vst v1;
	s3 =	simm.s32 $0x0  }
0x7d: {  	[hbm4b:s13+s3] =	stream.linear.scatter [tilespmem:s0], [sflag:$0x2], $0x2800, $0x38;
	[tilespmem:$0x18400] =	vst v63  }
0x7e: {  	_ =	swait.ge [sflag:s21], $0x2800  }
0x7f: {  	[sflag:s21] =	ssyncset.done $0x0  }
0x80: {  	s24 =	simm.s32 $0x0;
	[sflag:s21] =	ssyncadd.s32 $0xFFFFD800  }
0x81: {  	v1 =	vld [tilespmem:s24+$0xA100]  }
0x82: {  	s23 =	sand.u32 $0xFE00, s3  }
0x83: {  	s3 =	sand.u32 $0x70, s3;
	s26 =	sshrl.u32 s23, $0x2  }
0x84: {  	s23 =	simm.s32 $0x10;
	s25 =	sor.u32 s3, s26;
	s24 =	simm.s32 $0x40  }
.LBB2_6:
0x85: {  	s3 =	sshra.s32 s24, $0x2  }
0x86: {  	p0 =	sne.s32 s23, $0x27F0;
	[tilespmem:s25+$0x11A80] =	vst v1;
	s25 =	smov.u32 s23;
	s23 =	sadd.s32 $0x10, s23  }
.Ltmp2:
0x87: {  	v1 =	vld [tilespmem:s3+$0xA100];
	(pc) =	sbr.rel @p0 .LBB2_6-.Ltmp2, $4  }
0x88: {  	_ = 	snop  }
0x89: {  	s3 =	sand.u32 $0xFE00, s24  }
0x8a: {  	s25 =	sand.u32 $0x70, s25;
	s3 =	sshrl.u32 s3, $0x2  }
0x8b: {  	s24 =	sadd.s32 $0x40, s24;
	s25 =	sor.u32 s25, s3  }
0x8c: {  	[tilespmem:s25+$0x11A80] =	vst v1;
	s3 =	simm.s32 $0x0  }
0x8d: {  	[hbm4b:s14+s3] =	stream.linear.scatter [tilespmem:s0], [sflag:$0x2], $0x2800, $0x38;
	[tilespmem:$0x18400] =	vst v63  }
0x8e: {  	_ =	swait.ge [sflag:s21], $0x2800  }
0x8f: {  	[sflag:s21] =	ssyncset.done $0x0  }
0x90: {  	s24 =	simm.s32 $0x0;
	[sflag:s21] =	ssyncadd.s32 $0xFFFFD800  }
0x91: {  	v1 =	vld [tilespmem:s24+$0xC980]  }
0x92: {  	s23 =	sand.u32 $0xFE00, s3  }
0x93: {  	s3 =	sand.u32 $0x70, s3;
	s26 =	sshrl.u32 s23, $0x2  }
0x94: {  	s23 =	simm.s32 $0x10;
	s25 =	sor.u32 s3, s26;
	s24 =	simm.s32 $0x40  }
.LBB2_8:
0x95: {  	s3 =	sshra.s32 s24, $0x2  }
0x96: {  	p0 =	sne.s32 s23, $0x27F0;
	[tilespmem:s25+$0x11A80] =	vst v1;
	s25 =	smov.u32 s23;
	s23 =	sadd.s32 $0x10, s23  }
.Ltmp3:
0x97: {  	v1 =	vld [tilespmem:s3+$0xC980];
	(pc) =	sbr.rel @p0 .LBB2_8-.Ltmp3, $4  }
0x98: {  	_ = 	snop  }
0x99: {  	s3 =	sand.u32 $0xFE00, s24  }
0x9a: {  	s25 =	sand.u32 $0x70, s25;
	s3 =	sshrl.u32 s3, $0x2  }
0x9b: {  	s24 =	sadd.s32 $0x40, s24;
	s25 =	sor.u32 s25, s3  }
0x9c: {  	[tilespmem:s25+$0x11A80] =	vst v1;
	s3 =	simm.s32 $0x0  }
0x9d: {  	[hbm4b:s15+s3] =	stream.linear.scatter [tilespmem:s0], [sflag:$0x2], $0x2800, $0x38;
	[tilespmem:$0x18400] =	vst v63  }
0x9e: {  	_ =	swait.ge [sflag:s21], $0x2800  }
0x9f: {  	[sflag:s21] =	ssyncset.done $0x0  }
0xa0: {  	s24 =	simm.s32 $0x0;
	[sflag:s21] =	ssyncadd.s32 $0xFFFFD800  }
0xa1: {  	v1 =	vld [tilespmem:s24+$0xF200]  }
0xa2: {  	s23 =	sand.u32 $0xFE00, s3  }
0xa3: {  	s3 =	sand.u32 $0x70, s3;
	s26 =	sshrl.u32 s23, $0x2  }
0xa4: {  	s23 =	simm.s32 $0x10;
	s25 =	sor.u32 s3, s26;
	s24 =	simm.s32 $0x40  }
.LBB2_10:
0xa5: {  	s3 =	sshra.s32 s24, $0x2  }
0xa6: {  	p0 =	sne.s32 s23, $0x27F0;
	[tilespmem:s25+$0x11A80] =	vst v1;
	s25 =	smov.u32 s23;
	s23 =	sadd.s32 $0x10, s23  }
.Ltmp4:
0xa7: {  	v1 =	vld [tilespmem:s3+$0xF200];
	(pc) =	sbr.rel @p0 .LBB2_10-.Ltmp4, $4  }
0xa8: {  	_ = 	snop  }
0xa9: {  	s3 =	sand.u32 $0xFE00, s24  }
0xaa: {  	s25 =	sand.u32 $0x70, s25;
	s3 =	sshrl.u32 s3, $0x2  }
0xab: {  	s24 =	sadd.s32 $0x40, s24;
	s25 =	sor.u32 s25, s3  }
0xac: {  	[tilespmem:s25+$0x11A80] =	vst v1  }
0xad: {  	[hbm4b:s16+s5] =	stream.linear.scatter [tilespmem:s0], [sflag:$0x2], $0x2800, $0x38;
	[tilespmem:$0x18400] =	vst v63  }
0xae: {  	_ =	swait.ge [sflag:s21], $0x2800  }
0xaf: {  	[sflag:s21] =	ssyncset.done $0x0  }
0xb0: {  	[sflag:s21] =	ssyncadd.s32 $0xFFFFD800  }
0xb1: {  	_ =	swait.ge [sflag:s31], $0x4000  }
0xb2: {  	[sflag:s31] =	ssyncset.done $0x0  }
0xb3: {  	[sflag:s31] =	ssyncadd.s32 $0xFFFFC000  }
0xb4: {  	[hbm4b:s17+s5] =	stream.linear.scatter [tilespmem:s30], [sflag:$0x2], $0x4000, $0x38;
	[tilespmem:$0x18400] =	vst v63  }
0xb5: {  	_ =	swait.ge [sflag:s21], $0x4000  }
0xb6: {  	[sflag:s21] =	ssyncset.done $0x0  }
0xb7: {  	s3 =	simm.s32 $0x14380;
	[sflag:s21] =	ssyncadd.s32 $0xFFFFC000  }
0xb8: {  	[tilespmem:s30], [sflag:$0x1] =	stream.indirect.gather [hbm4b:s1+s29], $0x80, s3, s29, $0xb8;
	[tilespmem:$0x18400] =	vst v63  }
0xb9: {  	s22 =	sadd.s32 $0x1, s22;
	_ =	swait.ge [sflag:s31], $0x4000  }
0xba: {  	p0 =	sne.s32 s22, s19;
	[sflag:s31] =	ssyncset.done $0x0  }
.Ltmp5:
0xbb: {  	[sflag:s31] =	ssyncadd.s32 $0xFFFFC000;
	(pc) =	sbr.rel @p0 .LBB2_1-.Ltmp5, $4  }
0xbc: {  	[hbm4b:s18+s5] =	stream.linear.scatter [tilespmem:s30], [sflag:$0x2], $0x4000, $0x38;
	[tilespmem:$0x18400] =	vst v63  }
0xbd: {  	_ =	swait.ge [sflag:s21], $0x4000  }
0xbe: {  	[sflag:s21] =	ssyncset.done $0x0  }
0xbf: {  	[sflag:s21] =	ssyncadd.s32 $0xFFFFC000  }
0xc0: {  	_ =	sfence.sel $0x180000  }
0xc1: {  	[bflag:$0x0] =	sbarrier.arrive $0xFFFF  }
0xc2: {  	_ =	strace $0x90000047  }
0xc3: {  	s0 =	stileid.u32;
	[bflag:$0x2] =	sbarrier.arrive $0xFFFF  }
0xc4: {  	p0 =	sne.s32 s0, $0x0;
	s0 =	rddreg [dreg:$0x4]  }
0xc5: {  	s0 =	sadd.s32 @!p0 $0x100000, s0  }
0xc6: {  	[sflag:s0] =	ssyncadd.tile.s32 @!p0 $0x1;
	_ =	shalt  }
.Lfunc_end2:
_tile_overlayer_lowered:
.L_overlay_start_2:
0xc7: {  	(tag) =	ssettag $0x2  }
0xc8: {  	s0 =	rddreg [dreg:$0x0];
	s2 =	stileid.u32  }
0xc9: {  	s1 =	rddreg [dreg:$0x1];
	p0 =	sne.s32 s2, $0x0  }
0xca: {  	s3 =	rddreg [dreg:$0x2];
	[bflag:$0x3] =	sbarrier.arrive $0xFFFF;
	s2 =	simm.s32 @!p0 $0x1C02  }
0xcb: {  	[timem:s3], [sflag:s2] =	dma.local @!p0 [hbm:s0], s1  }
0xcc: {  	s0 =	simm.s32 @!p0 $0x2  }
0xcd: {  	_ =	swait.ge @!p0 [sflag:s0], s1  }
0xce: {  	s1 =	ssub.s32 @!p0 $0x0, s1;
	[sflag:s0] =	ssyncset.done @!p0 $0x0  }
0xcf: {  	[sflag:s0] =	ssyncadd.s32 @!p0 s1  }
0xd0: {  	[bflag:$0x3] =	sbarrier.arrive $0xFFFF  }
0xd1: {  	_ =	shalt  }

// kernel: kernel.13.cloned.1.call-start
scs
__scs_entry_jumppad:
0x0: {  	(pc) =	sbr.rel $0x88, $3  }
0x1: {  	(tag) =	ssettag $0x0;
	lr =	simm.s32 $0x1  }
0x2: {  	[smem:$0x3F8D] =	sst lr;
	_ =	strace $0xD0000000  }
0x3: {  	_ = 	snop  }
0x4: {  	_ = 	snop  }
0x5: {  	_ = 	snop  }
0x6: {  	_ = 	snop  }
0x7: {  	_ = 	snop  }
__scs_overlays_trampoline_lowered:
0x8: {  	[smem:$0x3F9C] =	sst s0  }
0x9: {  	[smem:$0x3F9D] =	sst s1  }
0xa: {  	[smem:$0x3F9E] =	sst s2  }
0xb: {  	[smem:$0x3F9F] =	sst s3  }
0xc: {  	[smem:$0x3FA0] =	sst s4  }
0xd: {  	[smem:$0x3FA1] =	sst s5  }
0xe: {  	[smem:$0x3FA2] =	sst s6  }
0xf: {  	[smem:$0x3FA3] =	sst s7  }
0x10: {  	[smem:$0x3FA4] =	sst s8  }
0x11: {  	[smem:$0x3FA5] =	sst s9;
	s0 =	simm.s32 @!p0 $0x0  }
0x12: {  	s1 =	sld [smem:$0x3F8B];
	s0 =	simm.s32 @p0 $0x1  }
0x13: {  	[smem:$0x3FA6] =	sst s0;
	s0 =	simm.s32 @!p1 $0x0  }
0x14: {  	s2 =	sld [smem:$0x3F8A];
	s0 =	simm.s32 @p1 $0x1  }
0x15: {  	[smem:$0x3FA7] =	sst s0;
	s0 =	simm.s32 @!p2 $0x0  }
0x16: {  	s3 =	sld [smem:$0x3FDB];
	s0 =	simm.s32 @p2 $0x1  }
0x17: {  	s4 =	simm.s32 $0x1BF5;
	[smem:$0x3FA9] =	sst s0  }
0x18: {  	s0 =	sld [smem:$0x3F8C];
	_ =	swait.ge [sflag:s4], $0x0  }
0x19: {  	s7 =	sld [smem:$0x3F8D]  }
0x1a: {  	s8 =	sadd.s32 $0xFFFFE003, lr  }
0x1b: {  	s9 =	sadd.s32 $0xFFFFFEF7, lr;
	s5 =	simm.s32 $0xFFFFFFFF;
	p2 =	slt.u32 s8, $0xFFFFF086  }
0x1c: {  	p1 =	slt.u32 s9, $0xF7A;
	s5 =	simm.s32 @!p2 $0x0  }
0x1d: {  	s5 =	simm.s32 @p1 $0x1;
	p0 =	seq.s32 s7, s2  }
0x1e: {  	s7 =	smul.u32 @!p0 $0xF7A, s2;
	p2 =	seq.s32 @!p0 s5, $0x0  }
0x1f: {  	s9 =	smul.u32 $0xF7A, s1;
	s8 =	simm.s32 @!p0 $0x1BF5;
	p2 =	por !p2, p0  }
0x20: {  	[sflag:s8] =	ssyncset.s32 @!p0 $0xFFFFF086;
	s6 =	sadd.s32 @!p0 s3, s7;
	s7 =	simm.s32 @!p0 $0x108  }
0x21: {  	s3 =	sadd.s32 s3, s9;
	s6 =	sadd.s32 @!p0 $0x88, s6;
	s7 =	simm.s32 @p2 $0x1082  }
0x22: {  	[simem:s7], [sflag:s8] =	dma.local @!p0 [hbm:s6], $0xF7A  }
0x23: {  	s9 =	sor.u32 $0xD0000000, s2;
	s6 =	simm.s32 $0x108;
	_ =	swait.ge @!p0 [sflag:s8], $0x0  }
0x24: {  	s3 =	sadd.s32 $0x88, s3;
	s6 =	simm.s32 @!p1 $0x1082;
	[sflag:s4] =	ssyncset.s32 $0xFFFFF086  }
0x25: {  	[simem:s6], [sflag:s4] =	dma.local [hbm:s3], $0xF7A  }
0x26: {  	[smem:$0x3F8D] =	sst s1;
	(tag) =	ssettag s2;
	_ =	strace s9  }
0x27: {  	s1 =	sld [smem:$0x3F9D]  }
0x28: {  	s2 =	sld [smem:$0x3F9E]  }
0x29: {  	s4 =	sld [smem:$0x3FA0]  }
0x2a: {  	p0 =	seq.s32 s5, $0x0;
	s5 =	sld [smem:$0x3FA1]  }
0x2b: {  	s6 =	sld [smem:$0x3FA2]  }
0x2c: {  	s7 =	sld [smem:$0x3FA3]  }
0x2d: {  	s3 =	simm.s32 $0x108;
	s8 =	sld [smem:$0x3FA4]  }
0x2e: {  	s3 =	simm.s32 @!p0 $0x1082;
	s9 =	sld [smem:$0x3FA5]  }
0x2f: {  	lr =	sadd.s32 s0, s3;
	s0 =	sld [smem:$0x3F9C]  }
0x30: {  	s3 =	sld [smem:$0x3F9F]  }
0x31: {  	[smem:$0x3FA8] =	sst s10  }
0x32: {  	s10 =	sld [smem:$0x3FA6];
	_ =	sdelay $0x3  }
0x33: {  	p0 =	seq.s32 s10, $0x1;
	s10 =	sld [smem:$0x3FA8];
	_ =	sdelay $0x3  }
0x34: {  	[smem:$0x3FA8] =	sst s10  }
0x35: {  	s10 =	sld [smem:$0x3FA7];
	_ =	sdelay $0x3  }
0x36: {  	p1 =	seq.s32 s10, $0x1;
	s10 =	sld [smem:$0x3FA8];
	_ =	sdelay $0x3  }
0x37: {  	[smem:$0x3FA8] =	sst s10  }
0x38: {  	s10 =	sld [smem:$0x3FA9]  }
0x39: {  	_ = 	snop;
	(pc) =	sbr.ind lr, $3  }
0x3a: {  	_ = 	snop  }
0x3b: {  	_ = 	snop  }
0x3c: {  	p2 =	seq.s32 s10, $0x1;
	s10 =	sld [smem:$0x3FA8]  }
0x3d: {  	_ =	shalt  }
0x3e: {  	_ =	shalt  }
0x3f: {  	_ =	shalt  }
0x40: {  	_ =	shalt  }
0x41: {  	_ =	shalt  }
0x42: {  	_ =	shalt  }
0x43: {  	_ =	shalt  }
0x44: {  	_ =	shalt  }
0x45: {  	_ =	shalt  }
0x46: {  	_ =	shalt  }
0x47: {  	_ =	shalt  }
0x48: {  	_ =	shalt  }
0x49: {  	_ =	shalt  }
0x4a: {  	_ =	shalt  }
0x4b: {  	_ =	shalt  }
0x4c: {  	_ =	shalt  }
0x4d: {  	_ =	shalt  }
0x4e: {  	_ =	shalt  }
0x4f: {  	_ =	shalt  }
0x50: {  	_ =	shalt  }
0x51: {  	_ =	shalt  }
0x52: {  	_ =	shalt  }
0x53: {  	_ =	shalt  }
0x54: {  	_ =	shalt  }
0x55: {  	_ =	shalt  }
0x56: {  	_ =	shalt  }
0x57: {  	_ =	shalt  }
0x58: {  	_ =	shalt  }
0x59: {  	_ =	shalt  }
0x5a: {  	_ =	shalt  }
0x5b: {  	_ =	shalt  }
0x5c: {  	_ =	shalt  }
0x5d: {  	_ =	shalt  }
0x5e: {  	_ =	shalt  }
0x5f: {  	_ =	shalt  }
0x60: {  	_ =	shalt  }
0x61: {  	_ =	shalt  }
0x62: {  	_ =	shalt  }
0x63: {  	_ =	shalt  }
0x64: {  	_ =	shalt  }
0x65: {  	_ =	shalt  }
0x66: {  	_ =	shalt  }
0x67: {  	_ =	shalt  }
0x68: {  	_ =	shalt  }
0x69: {  	_ =	shalt  }
0x6a: {  	_ =	shalt  }
0x6b: {  	_ =	shalt  }
0x6c: {  	_ =	shalt  }
0x6d: {  	_ =	shalt  }
0x6e: {  	_ =	shalt  }
0x6f: {  	_ =	shalt  }
0x70: {  	_ =	shalt  }
0x71: {  	_ =	shalt  }
0x72: {  	_ =	shalt  }
0x73: {  	_ =	shalt  }
0x74: {  	_ =	shalt  }
0x75: {  	_ =	shalt  }
0x76: {  	_ =	shalt  }
0x77: {  	_ =	shalt  }
0x78: {  	_ =	shalt  }
0x79: {  	_ =	shalt  }
0x7a: {  	_ =	shalt  }
0x7b: {  	_ =	shalt  }
0x7c: {  	_ =	shalt  }
0x7d: {  	_ =	shalt  }
0x7e: {  	_ =	shalt  }
0x7f: {  	_ =	shalt  }
0x80: {  	_ =	shalt  }
0x81: {  	_ =	shalt  }
0x82: {  	_ =	shalt  }
0x83: {  	_ =	shalt  }
0x84: {  	_ =	shalt  }
0x85: {  	_ =	shalt  }
0x86: {  	_ =	shalt  }
0x87: {  	_ =	shalt  }
.Lfunc_end0:
.L_simem_size_0:
called_computation.1_lowered:
.L_overlay_start_0:
0x88: {  	s2 =	sld [smem:$0x3FD9]  }
0x89: {  	s3 =	sld [smem:$0x3FFE];
	_ =	sdelay $0x1  }
0x8a: {  	s1 =	srdreg.scid  }
0x8b: {  	s0 =	sand.u32 $0x1, s1  }
0x8c: {  	s16 =	sshll.u32 s0, $0xA;
	s2 =	sadd.s32 s3, s2  }
0x8d: {  	s2 =	sadd.s32 s2, s16  }
0x8e: {  	[smem:$0x3FB4] =	sst s2  }
0x8f: {  	_ = 	snop  }
0x90: {  	(tm) =	ssettm $0x1  }
0x91: {  	s17 =	sld [smem:$0x3FFB];
	_ =	sdelay $0x3  }
0x92: {  	_ =	strace s17  }
0x93: {  	s2 =	sld [smem:$0x3FFC];
	_ =	sdelay $0x3  }
0x94: {  	_ =	strace s2  }
0x95: {  	s2 =	sld [smem:$0x3FFD];
	_ =	sdelay $0x3  }
0x96: {  	_ =	strace s2  }
0x97: {  	_ =	strace $0x8FFFFFFF  }
0x98: {  	s18 =	sld [smem:$0x3FDB];
	_ =	sdelay $0x1  }
0x99: {  	s19 =	simm.s32 $_scs_section_size  }
0x9a: {  	s4 =	simm.s32 $_size__tile_overlayer_lowered;
	s5 =	simm.s32 $_tile_overlayer_lowered  }
0x9b: {  	s22 =	simm.s32 $0x1BFF;
	s21 =	sshll.u32 s5, $0x1;
	s2 =	sadd.s32 s19, s18  }
0x9c: {  	s6 =	simm.s32 $0x0;
	s20 =	sshll.u32 s4, $0x1;
	s4 =	sadd.s32 s21, s2  }
0x9d: {  	[timem:s6], [sflag:s22] =	dma.local [hbm:s4], s20  }
0x9e: {  	_ =	swait.ge [sflag:s22], s20  }
0x9f: {  	s3 =	ssub.s32 $0x0, s20;
	[sflag:s22] =	ssyncset.done $0x0  }
0xa0: {  	[sflag:s22] =	ssyncadd.s32 s3;
	_ =	sdelay $0x1  }
0xa1: {  	s23 =	simm.s32 $0x1B8B  }
0xa2: {  	_ =	swait.ge [sflag:s23], $0x1  }
0xa3: {  	[sflag:s23] =	ssyncset.done $0x0  }
0xa4: {  	s25 =	simm.s32 $0x1B8E;
	s24 =	sld [smem:$0x3FFE];
	[sflag:s23] =	ssyncadd.s32 $0xFFFFFFFF  }
0xa5: {  	s26 =	simm.s32 $execute0_lowered;
	[smem:$0x3FD2] =	sst s25  }
0xa6: {  	s4 =	sshll.u32 s26, $0x1;
	_ =	strace $0x80000049;
	[dreg:$0x1] =	wrdreg $0xFFFFFFFF  }
0xa7: {  	s28 =	simm.s32 $_size_execute0_lowered;
	s2 =	sadd.s32 s2, s4;
	[dreg:$0x0] =	wrdreg $0x0  }
0xa8: {  	s4 =	sshll.u32 s28, $0x1;
	[dreg:$0x2] =	wrdreg s2  }
0xa9: {  	[dreg:$0x3] =	wrdreg s4  }
0xaa: {  	[dreg:$0x4] =	wrdreg $0xC0  }
0xab: {  	_ =	task [dreg:s6], $0x5FFFF  }
0xac: {  	[dreg:$0x1] =	wrdreg $0xFFFFFFFF  }
0xad: {  	[dreg:$0x0] =	wrdreg $0x60  }
0xae: {  	[dreg:$0x2] =	wrdreg s24  }
0xaf: {  	[dreg:$0x3] =	wrdreg $0xD0800  }
0xb0: {  	[dreg:$0x4] =	wrdreg $0x9  }
0xb1: {  	_ =	task.clear_ibuf [dreg:s6], $0x5FFFF;
	_ =	strace $0x90000049  }
0xb2: {  	s29 =	simm.s32 $0x9;
	_ =	strace $0x8000004B  }
0xb3: {  	_ =	swait.ge [sflag:s29], $0x1  }
0xb4: {  	[sflag:s29] =	ssyncadd.s32 $0xFFFFFFFF  }
0xb5: {  	_ =	strace $0x9000004B  }
0xb6: {  	_ =	sfence  }
0xb7: {  	s30 =	sld [smem:$0x0];
	_ =	sdelay $0x2  }
0xb8: {  	s31 =	sshll.u32 s1, $0xD;
	s1 =	sshrl.u32 s1, $0x2  }
0xb9: {  	s3 =	sand.u32 $0x4000, s31;
	s1 =	sadd.s32 s1, s30  }
0xba: {  	s0 =	sor.u32 s3, s0;
	s1 =	sshll.u32 s1, $0x11  }
0xbb: {  	s0 =	sor.u32 s1, s0  }
0xbc: {  	s0 =	sadd.s32 $0x8F2B, s0  }
0xbd: {  	[sflag:s0] =	ssyncadd.remote.s32 $0x1  }
0xbe: {  	_ =	sfence.sel $0xFFFF  }
0xbf: {  	[dreg:$0x0] =	wrdreg $0xFFFFFFFF;
	(pc) =	sbr.abs _section_cstart, $3  }
0xc0: {  	[dreg:$0x1] =	wrdreg $0xFFFFFFFF  }
0xc1: {  	_ =	task.clear_ibuf [dreg:s6], $0x2FFFF;
	_ =	strace $0x9FFFFFFF  }
0xc2: {  	(tm) =	ssettm $0x7FFFFFFF  }
0xc3: {  	_ =	shalt  }
tec
execute0_lowered:
.L_overlay_start_1:
0x0: {  	(tag) =	ssettag $0x1  }
0x1: {  	s0 =	rddreg [dreg:$0x0]  }
0x2: {  	s1 =	rddreg [dreg:$0x1]  }
0x3: {  	s3 =	simm.s32 $0x0;
	s2 =	srdreg.scid;
	s22 =	stileid.u32  }
0x4: {  	s19 =	simm.s32 $0x80;
	s20 =	simm.s32 $0x5080;
	s5 =	smul.u32 $0xA000, s22  }
0x5: {  	s21 =	simm.s32 $0x9080;
	[smem:$0x7FF] =	sst s3;
	s6 =	smul.u32 $0x28000, s22  }
0x6: {  	s7 =	sand.u32 $0x1, s2;
	s10 =	sadd.s32 $0x23800, s0;
	s9 =	smul.u32 $0x1400, s22  }
0x7: {  	s11 =	sadd.s32 $0x37800, s0;
	s12 =	sadd.s32 $0x4B800, s0;
	s15 =	smul.u32 $0x2800, s22  }
0x8: {  	s25 =	sshll.u32 s22, $0x6;
	s28 =	sor.u32 $0x10, s22;
	s4 =	smul.u32 $0xA0000, s7  }
0x9: {  	s17 =	sshll.u32 s22, $0x7;
	s22 =	simm.s32 $0x1;
	s8 =	smul.u32 $0x14000, s7  }
0xa: {  	_ =	strace $0x8000004A;
	s23 =	ssub.s32 $0x2, s7;
	s13 =	smul.u32 $0x50000, s7  }
0xb: {  	s29 =	sshll.u32 s7, $0xC;
	s18 =	smul.u32 $0x2800, s28;
	s30 =	sshll.u32 s28, $0x7  }
0xc: {  	s14 =	sshrl.u32 s23, $0x1;
	s6 =	sshrl.u32 s6, $0x2;
	s17 =	sor.u32 s17, s29  }
0xd: {  	s5 =	sadd.s32 s5, s4;
	s4 =	sadd.s32 $0x6BC00, s0;
	s14 =	ssub.s32 s23, s14  }
0xe: {  	s16 =	sadd.s32 s6, s1;
	s24 =	sadd.s32 s9, s8;
	s26 =	sadd.s32 s15, s13  }
0xf: {  	s6 =	sor.u32 $0x1C05, s25;
	s17 =	sshrl.u32 s17, $0x3;
	s13 =	sadd.s32 s13, s18  }
0x10: {  	s15 =	sor.u32 s29, s30;
	s18 =	simm.s32 $0x5000;
	s23 =	simm.s32 $0x2  }
0x11: {  	s25 =	simm.s32 $0x4;
	s5 =	sshrl.u32 s5, $0x3;
	s8 =	sshrl.u32 s26, $0x3  }
0x12: {  	s9 =	sadd.s32 s12, s17;
	s13 =	sshrl.u32 s13, $0x3;
	s31 =	sshrl.u32 s15, $0x3  }
.Ltmp0:
0x13: {  	s14 =	smax.u32 s14, $0x1;
	s15 =	sshrl.u32 s16, $0x3;
	(pc) =	sbr.rel .LBB2_1-.Ltmp0, $4  }
0x14: {  	s16 =	simm.s32 $0x5;
	s17 =	simm.s32 $0x2800;
	s26 =	simm.s32 $0x0  }
0x15: {  	s0 =	sadd.s32 s5, s0;
	s5 =	sadd.s32 s4, s24;
	s7 =	sadd.s32 s10, s8  }
0x16: {  	s8 =	sadd.s32 s11, s8;
	s10 =	sadd.s32 s10, s13;
	s11 =	sadd.s32 s11, s13  }
0x17: {  	s12 =	sadd.s32 s12, s31;
	s24 =	simm.s32 $0x3;
	s13 =	sadd.s32 $0x93C00, s0  }
.LBB2_8:
0x18: {  	[tilespmem:s21], [sflag:$0x2] =	stream.indirect.gather [hbm4b:s4+s19], $0x80, s30, s19, $0xb8;
	[tilespmem:$0x170C0] =	vst v63  }
.LBB2_9:
0x19: {  	_ =	swait.ge [sflag:s22], $0x4000;
	s0 =	sshll.u32 s28, $0xA  }
0x1a: {  	[sflag:s22] =	ssyncset.done $0x0;
	s0 =	sshra.s32 s0, $0x2  }
0x1b: {  	[sflag:s22] =	ssyncadd.s32 $0xFFFFC000;
	s2 =	sadd.s32 $0x2800, s0  }
0x1c: {  	[spmem:s1] =	stream.indirect.scatter.add.f32 [tilespmem:s20], [sflag:$0x3], $0x80, s2, s19, $0xb8;
	[tilespmem:$0x170C0] =	vst v63  }
0x1d: {  	_ =	swait.ge [sflag:s23], $0x4000  }
0x1e: {  	[sflag:s23] =	ssyncset.done $0x0  }
0x1f: {  	s0 =	sadd.s32 $0x2880, s0;
	[sflag:s23] =	ssyncadd.s32 $0xFFFFC000  }
0x20: {  	[spmem:s1] =	stream.indirect.scatter.add.f32 [tilespmem:s21], [sflag:$0x4], $0x80, s0, s19, $0xb8;
	[tilespmem:$0x170C0] =	vst v63  }
0x21: {  	_ =	swait.ge [sflag:s24], $0x4000  }
0x22: {  	[sflag:s24] =	ssyncset.done $0x0  }
0x23: {  	[sflag:s24] =	ssyncadd.s32 $0xFFFFC000  }
0x24: {  	_ =	swait.ge [sflag:s25], $0x4000  }
0x25: {  	s26 =	sadd.s32 $0x1, s26;
	[sflag:s25] =	ssyncset.done $0x0  }
0x26: {  	p0 =	sne.s32 s26, s14;
	[sflag:s25] =	ssyncadd.s32 $0xFFFFC000  }
.Ltmp1:
0x27: {  	[bflag:$0x0] =	sbarrier.arrive $0xFFFF;
	(pc) =	sbr.rel @!p0 .LBB2_10-.Ltmp1, $4  }
0x28: {  	[hbm:s13], [sflag:s6] =	dma.local [spmem:s15], $0x1400  }
0x29: {  	_ =	swait.ge [sflag:s16], $0x1400  }
0x2a: {  	[sflag:s16] =	ssyncset.done $0x0  }
0x2b: {  	[sflag:s16] =	ssyncadd.s32 $0xFFFFEC00  }
.LBB2_1:
0x2c: {  	[spmem:s15], [sflag:s6] =	dma.local [hbm:s5], $0x1400  }
0x2d: {  	_ =	swait.ge [sflag:s16], $0x1400  }
0x2e: {  	[sflag:s16] =	ssyncset.done $0x0  }
0x2f: {  	[sflag:s16] =	ssyncadd.s32 $0xFFFFEC00  }
0x30: {  	[bflag:$0x0] =	sbarrier.arrive $0xFFFF  }
0x31: {  	[tilespmem:s3], [sflag:$0x5] =	stream.linear.gather [hbm4b:s7+s3], $0x2800, $0x38;
	[tilespmem:$0x170C0] =	vst v63  }
0x32: {  	_ =	swait.ge [sflag:s16], $0x2800  }
0x33: {  	[sflag:s16] =	ssyncset.done $0x0  }
0x34: {  	[sflag:s16] =	ssyncadd.s32 $0xFFFFD800  }
0x35: {  	[tilespmem:s17], [sflag:$0x5] =	stream.linear.gather [hbm4b:s8+s3], $0x2800, $0x38;
	[tilespmem:$0x170C0] =	vst v63  }
0x36: {  	_ =	swait.ge [sflag:s16], $0x2800  }
0x37: {  	[sflag:s16] =	ssyncset.done $0x0  }
0x38: {  	[sflag:s16] =	ssyncadd.s32 $0xFFFFD800  }
0x39: {  	[tilespmem:s18], [sflag:$0x5] =	stream.linear.gather [hbm4b:s9+s3], $0x80, $0x38;
	[tilespmem:$0x170C0] =	vst v63  }
0x3a: {  	_ =	swait.ge [sflag:s16], $0x80  }
0x3b: {  	[sflag:s16] =	ssyncset.done $0x0  }
0x3c: {  	[sflag:s16] =	ssyncadd.s32 $0xFFFFFF80  }
0x3d: {  	v0 =	vld [tilespmem:$0x5000];
	_ =	sdelay $0x4  }
0x3e: {  	(v2sf) =	vpush v0, $0x0;
	_ =	sdelay $0xe  }
0x3f: {  	s0 =	spop (v2sf)  }
0x40: {  	s28 =	sadd.s32 $0xFFFFFFFF, s0  }
0x41: {  	p0 =	slt.s32 s28, $0x1  }
.Ltmp2:
0x42: {  	_ = 	snop;
	(pc) =	sbr.rel @p0 .LBB2_5-.Ltmp2, $4  }
0x43: {  	_ = 	snop  }
0x44: {  	[tilespmem:s20], [sflag:$0x1] =	stream.indirect.gather [hbm4b:s4+s19], $0x80, s3, s19, $0xb8;
	[tilespmem:$0x170C0] =	vst v63  }
0x45: {  	_ = 	snop  }
0x46: {  	[tilespmem:s21], [sflag:$0x2] =	stream.indirect.gather [hbm4b:s4+s19], $0x80, s19, s19, $0xb8;
	[tilespmem:$0x170C0] =	vst v63  }
0x47: {  	_ =	swait.ge [sflag:s22], $0x4000  }
0x48: {  	[sflag:s22] =	ssyncset.done $0x0  }
0x49: {  	s0 =	simm.s32 $0x2800;
	[sflag:s22] =	ssyncadd.s32 $0xFFFFC000  }
0x4a: {  	[spmem:s1] =	stream.indirect.scatter.add.f32 [tilespmem:s20], [sflag:$0x3], $0x80, s0, s19, $0xb8;
	[tilespmem:$0x170C0] =	vst v63  }
0x4b: {  	_ =	swait.ge [sflag:s23], $0x4000  }
0x4c: {  	[sflag:s23] =	ssyncset.done $0x0  }
0x4d: {  	s2 =	simm.s32 $0x2880;
	[sflag:s23] =	ssyncadd.s32 $0xFFFFC000  }
0x4e: {  	[spmem:s1] =	stream.indirect.scatter.add.f32 [tilespmem:s21], [sflag:$0x4], $0x80, s2, s19, $0xb8;
	[tilespmem:$0x170C0] =	vst v63  }
0x4f: {  	_ =	swait.ge [sflag:s24], $0x4000  }
0x50: {  	p0 =	sne.s32 s28, $0x1;
	[sflag:s24] =	ssyncset.done $0x0  }
.Ltmp3:
0x51: {  	s2 =	simm.s32 $0x100;
	[sflag:s24] =	ssyncadd.s32 $0xFFFFC000;
	(pc) =	sbr.rel @!p0 .LBB2_4-.Ltmp3, $4  }
0x52: {  	[tilespmem:s20], [sflag:$0x1] =	stream.indirect.gather [hbm4b:s4+s19], $0x80, s2, s19, $0xb8;
	[tilespmem:$0x170C0] =	vst v63  }
0x53: {  	_ =	swait.ge [sflag:s25], $0x4000  }
0x54: {  	s30 =	simm.s32 $0x180;
	s29 =	sadd.s32 $0xFFFFFFFF, s28;
	[sflag:s25] =	ssyncset.done $0x0  }
0x55: {  	s31 =	simm.s32 $0x280;
	s0 =	simm.s32 $0x2980;
	[sflag:s25] =	ssyncadd.s32 $0xFFFFC000  }
.LBB2_3:
0x56: {  	[tilespmem:s21], [sflag:$0x2] =	stream.indirect.gather [hbm4b:s4+s19], $0x80, s30, s19, $0xb8;
	[tilespmem:$0x170C0] =	vst v63  }
0x57: {  	p0 =	sne.s32 s29, $0x1;
	s29 =	sadd.s32 $0xFFFFFFFF, s29;
	_ =	swait.ge [sflag:s22], $0x4000  }
0x58: {  	s30 =	smov.u32 s31;
	[sflag:s22] =	ssyncset.done $0x0  }
0x59: {  	s2 =	sadd.s32 $0xFFFFFF80, s0;
	[sflag:s22] =	ssyncadd.s32 $0xFFFFC000  }
0x5a: {  	[spmem:s1] =	stream.indirect.scatter.add.f32 [tilespmem:s20], [sflag:$0x3], $0x80, s2, s19, $0xb8;
	[tilespmem:$0x170C0] =	vst v63  }
0x5b: {  	_ =	swait.ge [sflag:s23], $0x4000  }
0x5c: {  	[sflag:s23] =	ssyncset.done $0x0  }
0x5d: {  	[sflag:s23] =	ssyncadd.s32 $0xFFFFC000  }
0x5e: {  	[spmem:s1] =	stream.indirect.scatter.add.f32 [tilespmem:s21], [sflag:$0x4], $0x80, s0, s19, $0xb8;
	[tilespmem:$0x170C0] =	vst v63  }
0x5f: {  	_ =	swait.ge [sflag:s24], $0x4000  }
0x60: {  	[sflag:s24] =	ssyncset.done $0x0  }
.Ltmp4:
0x61: {  	s2 =	sadd.s32 $0xFFFFFF80, s31;
	[sflag:s24] =	ssyncadd.s32 $0xFFFFC000;
	(pc) =	sbr.rel @p0 .LBB2_3-.Ltmp4, $4  }
0x62: {  	[tilespmem:s20], [sflag:$0x1] =	stream.indirect.gather [hbm4b:s4+s19], $0x80, s2, s19, $0xb8;
	[tilespmem:$0x170C0] =	vst v63  }
0x63: {  	_ =	swait.ge [sflag:s25], $0x4000  }
0x64: {  	[sflag:s25] =	ssyncset.done $0x0  }
0x65: {  	s31 =	sadd.s32 $0x100, s31;
	s0 =	sadd.s32 $0x100, s0;
	[sflag:s25] =	ssyncadd.s32 $0xFFFFC000  }
.LBB2_4:
0x66: {  	[tilespmem:s21], [sflag:$0x2] =	stream.indirect.gather [hbm4b:s4+s19], $0x80, s30, s19, $0xb8;
	[tilespmem:$0x170C0] =	vst v63  }
.LBB2_5:
0x67: {  	_ =	swait.ge [sflag:s22], $0x4000;
	s0 =	sshll.u32 s28, $0xA  }
0x68: {  	[sflag:s22] =	ssyncset.done $0x0;
	s0 =	sshra.s32 s0, $0x2  }
0x69: {  	[sflag:s22] =	ssyncadd.s32 $0xFFFFC000;
	s2 =	sadd.s32 $0x2800, s0  }
0x6a: {  	[spmem:s1] =	stream.indirect.scatter.add.f32 [tilespmem:s20], [sflag:$0x3], $0x80, s2, s19, $0xb8;
	[tilespmem:$0x170C0] =	vst v63  }
0x6b: {  	_ =	swait.ge [sflag:s23], $0x4000  }
0x6c: {  	[sflag:s23] =	ssyncset.done $0x0  }
0x6d: {  	s0 =	sadd.s32 $0x2880, s0;
	[sflag:s23] =	ssyncadd.s32 $0xFFFFC000  }
0x6e: {  	[spmem:s1] =	stream.indirect.scatter.add.f32 [tilespmem:s21], [sflag:$0x4], $0x80, s0, s19, $0xb8;
	[tilespmem:$0x170C0] =	vst v63  }
0x6f: {  	_ =	swait.ge [sflag:s24], $0x4000  }
0x70: {  	[sflag:s24] =	ssyncset.done $0x0  }
0x71: {  	[sflag:s24] =	ssyncadd.s32 $0xFFFFC000  }
0x72: {  	_ =	swait.ge [sflag:s25], $0x4000  }
0x73: {  	[sflag:s25] =	ssyncset.done $0x0  }
0x74: {  	[sflag:s25] =	ssyncadd.s32 $0xFFFFC000  }
0x75: {  	[tilespmem:s3], [sflag:$0x5] =	stream.linear.gather [hbm4b:s10+s3], $0x2800, $0x38;
	[tilespmem:$0x170C0] =	vst v63  }
0x76: {  	_ =	swait.ge [sflag:s16], $0x2800  }
0x77: {  	[sflag:s16] =	ssyncset.done $0x0  }
0x78: {  	[sflag:s16] =	ssyncadd.s32 $0xFFFFD800  }
0x79: {  	[tilespmem:s17], [sflag:$0x5] =	stream.linear.gather [hbm4b:s11+s3], $0x2800, $0x38;
	[tilespmem:$0x170C0] =	vst v63  }
0x7a: {  	_ =	swait.ge [sflag:s16], $0x2800  }
0x7b: {  	[sflag:s16] =	ssyncset.done $0x0  }
0x7c: {  	[sflag:s16] =	ssyncadd.s32 $0xFFFFD800  }
0x7d: {  	[tilespmem:s18], [sflag:$0x5] =	stream.linear.gather [hbm4b:s12+s3], $0x80, $0x38;
	[tilespmem:$0x170C0] =	vst v63  }
0x7e: {  	_ =	swait.ge [sflag:s16], $0x80  }
0x7f: {  	[sflag:s16] =	ssyncset.done $0x0  }
0x80: {  	[sflag:s16] =	ssyncadd.s32 $0xFFFFFF80  }
0x81: {  	v0 =	vld [tilespmem:$0x5000];
	_ =	sdelay $0x4  }
0x82: {  	(v2sf) =	vpush v0, $0x0;
	_ =	sdelay $0xe  }
0x83: {  	s31 =	spop (v2sf)  }
0x84: {  	s28 =	sadd.s32 $0xFFFFFFFF, s31  }
0x85: {  	p0 =	slt.s32 s28, $0x1  }
.Ltmp5:
0x86: {  	_ = 	snop;
	(pc) =	sbr.rel @p0 .LBB2_9-.Ltmp5, $4  }
0x87: {  	_ = 	snop  }
0x88: {  	[tilespmem:s20], [sflag:$0x1] =	stream.indirect.gather [hbm4b:s4+s19], $0x80, s3, s19, $0xb8;
	[tilespmem:$0x170C0] =	vst v63  }
0x89: {  	_ = 	snop  }
0x8a: {  	[tilespmem:s21], [sflag:$0x2] =	stream.indirect.gather [hbm4b:s4+s19], $0x80, s19, s19, $0xb8;
	[tilespmem:$0x170C0] =	vst v63  }
0x8b: {  	_ =	swait.ge [sflag:s22], $0x4000  }
0x8c: {  	[sflag:s22] =	ssyncset.done $0x0  }
0x8d: {  	s0 =	simm.s32 $0x2800;
	[sflag:s22] =	ssyncadd.s32 $0xFFFFC000  }
0x8e: {  	[spmem:s1] =	stream.indirect.scatter.add.f32 [tilespmem:s20], [sflag:$0x3], $0x80, s0, s19, $0xb8;
	[tilespmem:$0x170C0] =	vst v63  }
0x8f: {  	_ =	swait.ge [sflag:s23], $0x4000  }
0x90: {  	[sflag:s23] =	ssyncset.done $0x0  }
0x91: {  	s2 =	simm.s32 $0x2880;
	[sflag:s23] =	ssyncadd.s32 $0xFFFFC000  }
0x92: {  	[spmem:s1] =	stream.indirect.scatter.add.f32 [tilespmem:s21], [sflag:$0x4], $0x80, s2, s19, $0xb8;
	[tilespmem:$0x170C0] =	vst v63  }
0x93: {  	_ =	swait.ge [sflag:s24], $0x4000  }
0x94: {  	p0 =	sne.s32 s28, $0x1;
	[sflag:s24] =	ssyncset.done $0x0  }
.Ltmp6:
0x95: {  	s2 =	simm.s32 $0x100;
	[sflag:s24] =	ssyncadd.s32 $0xFFFFC000;
	(pc) =	sbr.rel @!p0 .LBB2_8-.Ltmp6, $4  }
0x96: {  	[tilespmem:s20], [sflag:$0x1] =	stream.indirect.gather [hbm4b:s4+s19], $0x80, s2, s19, $0xb8;
	[tilespmem:$0x170C0] =	vst v63  }
0x97: {  	_ =	swait.ge [sflag:s25], $0x4000  }
0x98: {  	s30 =	simm.s32 $0x180;
	s29 =	sadd.s32 $0xFFFFFFFF, s28;
	[sflag:s25] =	ssyncset.done $0x0  }
0x99: {  	s31 =	simm.s32 $0x280;
	s0 =	simm.s32 $0x2980;
	[sflag:s25] =	ssyncadd.s32 $0xFFFFC000  }
.LBB2_7:
0x9a: {  	[tilespmem:s21], [sflag:$0x2] =	stream.indirect.gather [hbm4b:s4+s19], $0x80, s30, s19, $0xb8;
	[tilespmem:$0x170C0] =	vst v63  }
0x9b: {  	p0 =	sne.s32 s29, $0x1;
	s29 =	sadd.s32 $0xFFFFFFFF, s29;
	_ =	swait.ge [sflag:s22], $0x4000  }
0x9c: {  	s30 =	smov.u32 s31;
	[sflag:s22] =	ssyncset.done $0x0  }
0x9d: {  	s2 =	sadd.s32 $0xFFFFFF80, s0;
	[sflag:s22] =	ssyncadd.s32 $0xFFFFC000  }
0x9e: {  	[spmem:s1] =	stream.indirect.scatter.add.f32 [tilespmem:s20], [sflag:$0x3], $0x80, s2, s19, $0xb8;
	[tilespmem:$0x170C0] =	vst v63  }
0x9f: {  	_ =	swait.ge [sflag:s23], $0x4000  }
0xa0: {  	[sflag:s23] =	ssyncset.done $0x0  }
0xa1: {  	[sflag:s23] =	ssyncadd.s32 $0xFFFFC000  }
0xa2: {  	[spmem:s1] =	stream.indirect.scatter.add.f32 [tilespmem:s21], [sflag:$0x4], $0x80, s0, s19, $0xb8;
	[tilespmem:$0x170C0] =	vst v63  }
0xa3: {  	_ =	swait.ge [sflag:s24], $0x4000  }
0xa4: {  	[sflag:s24] =	ssyncset.done $0x0  }
.Ltmp7:
0xa5: {  	s2 =	sadd.s32 $0xFFFFFF80, s31;
	[sflag:s24] =	ssyncadd.s32 $0xFFFFC000;
	(pc) =	sbr.rel @p0 .LBB2_7-.Ltmp7, $4  }
0xa6: {  	[tilespmem:s20], [sflag:$0x1] =	stream.indirect.gather [hbm4b:s4+s19], $0x80, s2, s19, $0xb8;
	[tilespmem:$0x170C0] =	vst v63  }
0xa7: {  	_ =	swait.ge [sflag:s25], $0x4000  }
0xa8: {  	[sflag:s25] =	ssyncset.done $0x0  }
0xa9: {  	s31 =	sadd.s32 $0x100, s31;
	s0 =	sadd.s32 $0x100, s0;
	[sflag:s25] =	ssyncadd.s32 $0xFFFFC000  }
.Ltmp8:
0xaa: {  	_ = 	snop;
	(pc) =	sbr.rel .LBB2_8-.Ltmp8, $1  }
0xab: {  	_ =	sdelay $0x3  }
.LBB2_10:
0xac: {  	_ =	sfence.sel $0x180000  }
0xad: {  	[bflag:$0x0] =	sbarrier.arrive $0xFFFF  }
0xae: {  	_ =	strace $0x9000004A  }
0xaf: {  	s0 =	stileid.u32;
	[bflag:$0x2] =	sbarrier.arrive $0xFFFF  }
0xb0: {  	p0 =	sne.s32 s0, $0x0;
	s0 =	rddreg [dreg:$0x2]  }
0xb1: {  	s0 =	sadd.s32 @!p0 $0x100000, s0  }
0xb2: {  	[sflag:s0] =	ssyncadd.tile.s32 @!p0 $0x1;
	_ =	shalt  }
.Lfunc_end2:
_tile_overlayer_lowered:
.L_overlay_start_2:
0xb3: {  	(tag) =	ssettag $0x2  }
0xb4: {  	s0 =	rddreg [dreg:$0x0];
	s2 =	stileid.u32  }
0xb5: {  	s1 =	rddreg [dreg:$0x1];
	p0 =	sne.s32 s2, $0x0  }
0xb6: {  	s3 =	rddreg [dreg:$0x2];
	[bflag:$0x3] =	sbarrier.arrive $0xFFFF;
	s2 =	simm.s32 @!p0 $0x1C05  }
0xb7: {  	[timem:s3], [sflag:s2] =	dma.local @!p0 [hbm:s0], s1  }
0xb8: {  	s0 =	simm.s32 @!p0 $0x5  }
0xb9: {  	_ =	swait.ge @!p0 [sflag:s0], s1  }
0xba: {  	s1 =	ssub.s32 @!p0 $0x0, s1;
	[sflag:s0] =	ssyncset.done @!p0 $0x0  }
0xbb: {  	[sflag:s0] =	ssyncadd.s32 @!p0 s1  }
0xbc: {  	[bflag:$0x3] =	sbarrier.arrive $0xFFFF  }
0xbd: {  	_ =	shalt  }

// kernel: kernel.16.cloned.1.call-start
scs
__scs_entry_jumppad:
0x0: {  	(pc) =	sbr.rel $0x88, $3  }
0x1: {  	(tag) =	ssettag $0x0;
	lr =	simm.s32 $0x1  }
0x2: {  	[smem:$0x3F8D] =	sst lr;
	_ =	strace $0xD0000000  }
0x3: {  	_ = 	snop  }
0x4: {  	_ = 	snop  }
0x5: {  	_ = 	snop  }
0x6: {  	_ = 	snop  }
0x7: {  	_ = 	snop  }
__scs_overlays_trampoline_lowered:
0x8: {  	[smem:$0x3F9C] =	sst s0  }
0x9: {  	[smem:$0x3F9D] =	sst s1  }
0xa: {  	[smem:$0x3F9E] =	sst s2  }
0xb: {  	[smem:$0x3F9F] =	sst s3  }
0xc: {  	[smem:$0x3FA0] =	sst s4  }
0xd: {  	[smem:$0x3FA1] =	sst s5  }
0xe: {  	[smem:$0x3FA2] =	sst s6  }
0xf: {  	[smem:$0x3FA3] =	sst s7  }
0x10: {  	[smem:$0x3FA4] =	sst s8  }
0x11: {  	[smem:$0x3FA5] =	sst s9;
	s0 =	simm.s32 @!p0 $0x0  }
0x12: {  	s1 =	sld [smem:$0x3F8B];
	s0 =	simm.s32 @p0 $0x1  }
0x13: {  	[smem:$0x3FA6] =	sst s0;
	s0 =	simm.s32 @!p1 $0x0  }
0x14: {  	s2 =	sld [smem:$0x3F8A];
	s0 =	simm.s32 @p1 $0x1  }
0x15: {  	[smem:$0x3FA7] =	sst s0;
	s0 =	simm.s32 @!p2 $0x0  }
0x16: {  	s3 =	sld [smem:$0x3FDB];
	s0 =	simm.s32 @p2 $0x1  }
0x17: {  	s4 =	simm.s32 $0x1BF5;
	[smem:$0x3FA9] =	sst s0  }
0x18: {  	s0 =	sld [smem:$0x3F8C];
	_ =	swait.ge [sflag:s4], $0x0  }
0x19: {  	s7 =	sld [smem:$0x3F8D]  }
0x1a: {  	s8 =	sadd.s32 $0xFFFFE003, lr  }
0x1b: {  	s9 =	sadd.s32 $0xFFFFFEF7, lr;
	s5 =	simm.s32 $0xFFFFFFFF;
	p2 =	slt.u32 s8, $0xFFFFF086  }
0x1c: {  	p1 =	slt.u32 s9, $0xF7A;
	s5 =	simm.s32 @!p2 $0x0  }
0x1d: {  	s5 =	simm.s32 @p1 $0x1;
	p0 =	seq.s32 s7, s2  }
0x1e: {  	s7 =	smul.u32 @!p0 $0xF7A, s2;
	p2 =	seq.s32 @!p0 s5, $0x0  }
0x1f: {  	s9 =	smul.u32 $0xF7A, s1;
	s8 =	simm.s32 @!p0 $0x1BF5;
	p2 =	por !p2, p0  }
0x20: {  	[sflag:s8] =	ssyncset.s32 @!p0 $0xFFFFF086;
	s6 =	sadd.s32 @!p0 s3, s7;
	s7 =	simm.s32 @!p0 $0x108  }
0x21: {  	s3 =	sadd.s32 s3, s9;
	s6 =	sadd.s32 @!p0 $0x88, s6;
	s7 =	simm.s32 @p2 $0x1082  }
0x22: {  	[simem:s7], [sflag:s8] =	dma.local @!p0 [hbm:s6], $0xF7A  }
0x23: {  	s9 =	sor.u32 $0xD0000000, s2;
	s6 =	simm.s32 $0x108;
	_ =	swait.ge @!p0 [sflag:s8], $0x0  }
0x24: {  	s3 =	sadd.s32 $0x88, s3;
	s6 =	simm.s32 @!p1 $0x1082;
	[sflag:s4] =	ssyncset.s32 $0xFFFFF086  }
0x25: {  	[simem:s6], [sflag:s4] =	dma.local [hbm:s3], $0xF7A  }
0x26: {  	[smem:$0x3F8D] =	sst s1;
	(tag) =	ssettag s2;
	_ =	strace s9  }
0x27: {  	s1 =	sld [smem:$0x3F9D]  }
0x28: {  	s2 =	sld [smem:$0x3F9E]  }
0x29: {  	s4 =	sld [smem:$0x3FA0]  }
0x2a: {  	p0 =	seq.s32 s5, $0x0;
	s5 =	sld [smem:$0x3FA1]  }
0x2b: {  	s6 =	sld [smem:$0x3FA2]  }
0x2c: {  	s7 =	sld [smem:$0x3FA3]  }
0x2d: {  	s3 =	simm.s32 $0x108;
	s8 =	sld [smem:$0x3FA4]  }
0x2e: {  	s3 =	simm.s32 @!p0 $0x1082;
	s9 =	sld [smem:$0x3FA5]  }
0x2f: {  	lr =	sadd.s32 s0, s3;
	s0 =	sld [smem:$0x3F9C]  }
0x30: {  	s3 =	sld [smem:$0x3F9F]  }
0x31: {  	[smem:$0x3FA8] =	sst s10  }
0x32: {  	s10 =	sld [smem:$0x3FA6];
	_ =	sdelay $0x3  }
0x33: {  	p0 =	seq.s32 s10, $0x1;
	s10 =	sld [smem:$0x3FA8];
	_ =	sdelay $0x3  }
0x34: {  	[smem:$0x3FA8] =	sst s10  }
0x35: {  	s10 =	sld [smem:$0x3FA7];
	_ =	sdelay $0x3  }
0x36: {  	p1 =	seq.s32 s10, $0x1;
	s10 =	sld [smem:$0x3FA8];
	_ =	sdelay $0x3  }
0x37: {  	[smem:$0x3FA8] =	sst s10  }
0x38: {  	s10 =	sld [smem:$0x3FA9]  }
0x39: {  	_ = 	snop;
	(pc) =	sbr.ind lr, $3  }
0x3a: {  	_ = 	snop  }
0x3b: {  	_ = 	snop  }
0x3c: {  	p2 =	seq.s32 s10, $0x1;
	s10 =	sld [smem:$0x3FA8]  }
0x3d: {  	_ =	shalt  }
0x3e: {  	_ =	shalt  }
0x3f: {  	_ =	shalt  }
0x40: {  	_ =	shalt  }
0x41: {  	_ =	shalt  }
0x42: {  	_ =	shalt  }
0x43: {  	_ =	shalt  }
0x44: {  	_ =	shalt  }
0x45: {  	_ =	shalt  }
0x46: {  	_ =	shalt  }
0x47: {  	_ =	shalt  }
0x48: {  	_ =	shalt  }
0x49: {  	_ =	shalt  }
0x4a: {  	_ =	shalt  }
0x4b: {  	_ =	shalt  }
0x4c: {  	_ =	shalt  }
0x4d: {  	_ =	shalt  }
0x4e: {  	_ =	shalt  }
0x4f: {  	_ =	shalt  }
0x50: {  	_ =	shalt  }
0x51: {  	_ =	shalt  }
0x52: {  	_ =	shalt  }
0x53: {  	_ =	shalt  }
0x54: {  	_ =	shalt  }
0x55: {  	_ =	shalt  }
0x56: {  	_ =	shalt  }
0x57: {  	_ =	shalt  }
0x58: {  	_ =	shalt  }
0x59: {  	_ =	shalt  }
0x5a: {  	_ =	shalt  }
0x5b: {  	_ =	shalt  }
0x5c: {  	_ =	shalt  }
0x5d: {  	_ =	shalt  }
0x5e: {  	_ =	shalt  }
0x5f: {  	_ =	shalt  }
0x60: {  	_ =	shalt  }
0x61: {  	_ =	shalt  }
0x62: {  	_ =	shalt  }
0x63: {  	_ =	shalt  }
0x64: {  	_ =	shalt  }
0x65: {  	_ =	shalt  }
0x66: {  	_ =	shalt  }
0x67: {  	_ =	shalt  }
0x68: {  	_ =	shalt  }
0x69: {  	_ =	shalt  }
0x6a: {  	_ =	shalt  }
0x6b: {  	_ =	shalt  }
0x6c: {  	_ =	shalt  }
0x6d: {  	_ =	shalt  }
0x6e: {  	_ =	shalt  }
0x6f: {  	_ =	shalt  }
0x70: {  	_ =	shalt  }
0x71: {  	_ =	shalt  }
0x72: {  	_ =	shalt  }
0x73: {  	_ =	shalt  }
0x74: {  	_ =	shalt  }
0x75: {  	_ =	shalt  }
0x76: {  	_ =	shalt  }
0x77: {  	_ =	shalt  }
0x78: {  	_ =	shalt  }
0x79: {  	_ =	shalt  }
0x7a: {  	_ =	shalt  }
0x7b: {  	_ =	shalt  }
0x7c: {  	_ =	shalt  }
0x7d: {  	_ =	shalt  }
0x7e: {  	_ =	shalt  }
0x7f: {  	_ =	shalt  }
0x80: {  	_ =	shalt  }
0x81: {  	_ =	shalt  }
0x82: {  	_ =	shalt  }
0x83: {  	_ =	shalt  }
0x84: {  	_ =	shalt  }
0x85: {  	_ =	shalt  }
0x86: {  	_ =	shalt  }
0x87: {  	_ =	shalt  }
.Lfunc_end0:
.L_simem_size_0:
called_computation.2_lowered:
.L_overlay_start_0:
0x88: {  	s2 =	sld [smem:$0x3FD9]  }
0x89: {  	s3 =	sld [smem:$0x3FFE];
	_ =	sdelay $0x1  }
0x8a: {  	s1 =	srdreg.scid  }
0x8b: {  	s0 =	sand.u32 $0x1, s1  }
0x8c: {  	s16 =	sshll.u32 s0, $0xA;
	s2 =	sadd.s32 s3, s2  }
0x8d: {  	s2 =	sadd.s32 s2, s16  }
0x8e: {  	[smem:$0x3FB4] =	sst s2  }
0x8f: {  	_ = 	snop  }
0x90: {  	(tm) =	ssettm $0x1  }
0x91: {  	s17 =	sld [smem:$0x3FFB];
	_ =	sdelay $0x3  }
0x92: {  	_ =	strace s17  }
0x93: {  	s2 =	sld [smem:$0x3FFC];
	_ =	sdelay $0x3  }
0x94: {  	_ =	strace s2  }
0x95: {  	s2 =	sld [smem:$0x3FFD];
	_ =	sdelay $0x3  }
0x96: {  	_ =	strace s2  }
0x97: {  	_ =	strace $0x8FFFFFFF  }
0x98: {  	s18 =	sld [smem:$0x3FDB];
	_ =	sdelay $0x1  }
0x99: {  	s19 =	simm.s32 $_scs_section_size  }
0x9a: {  	s4 =	simm.s32 $_size__tile_overlayer_lowered;
	s5 =	simm.s32 $_tile_overlayer_lowered  }
0x9b: {  	s22 =	simm.s32 $0x1BFF;
	s21 =	sshll.u32 s5, $0x1;
	s2 =	sadd.s32 s19, s18  }
0x9c: {  	s6 =	simm.s32 $0x0;
	s20 =	sshll.u32 s4, $0x1;
	s4 =	sadd.s32 s21, s2  }
0x9d: {  	[timem:s6], [sflag:s22] =	dma.local [hbm:s4], s20  }
0x9e: {  	_ =	swait.ge [sflag:s22], s20  }
0x9f: {  	s3 =	ssub.s32 $0x0, s20;
	[sflag:s22] =	ssyncset.done $0x0  }
0xa0: {  	[sflag:s22] =	ssyncadd.s32 s3;
	_ =	sdelay $0x1  }
0xa1: {  	s23 =	simm.s32 $0x1B8B  }
0xa2: {  	_ =	swait.ge [sflag:s23], $0x1  }
0xa3: {  	[sflag:s23] =	ssyncset.done $0x0  }
0xa4: {  	s25 =	simm.s32 $0x1B8E;
	s24 =	sld [smem:$0x3FFE];
	[sflag:s23] =	ssyncadd.s32 $0xFFFFFFFF  }
0xa5: {  	s26 =	simm.s32 $execute0_lowered;
	[smem:$0x3FD2] =	sst s25  }
0xa6: {  	s4 =	sshll.u32 s26, $0x1;
	_ =	strace $0x8000004C;
	[dreg:$0x1] =	wrdreg $0xFFFFFFFF  }
0xa7: {  	s28 =	simm.s32 $_size_execute0_lowered;
	s2 =	sadd.s32 s2, s4;
	[dreg:$0x0] =	wrdreg $0x0  }
0xa8: {  	s4 =	sshll.u32 s28, $0x1;
	[dreg:$0x2] =	wrdreg s2  }
0xa9: {  	[dreg:$0x3] =	wrdreg s4  }
0xaa: {  	[dreg:$0x4] =	wrdreg $0xC0  }
0xab: {  	_ =	task [dreg:s6], $0x5FFFF  }
0xac: {  	[dreg:$0x1] =	wrdreg $0xFFFFFFFF  }
0xad: {  	[dreg:$0x0] =	wrdreg $0x60  }
0xae: {  	[dreg:$0x2] =	wrdreg s24  }
0xaf: {  	[dreg:$0x3] =	wrdreg $0xD0800  }
0xb0: {  	[dreg:$0x4] =	wrdreg $0x9  }
0xb1: {  	_ =	task.clear_ibuf [dreg:s6], $0x5FFFF;
	_ =	strace $0x9000004C  }
0xb2: {  	s29 =	simm.s32 $0x9;
	_ =	strace $0x8000004E  }
0xb3: {  	_ =	swait.ge [sflag:s29], $0x1  }
0xb4: {  	[sflag:s29] =	ssyncadd.s32 $0xFFFFFFFF  }
0xb5: {  	_ =	strace $0x9000004E  }
0xb6: {  	_ =	sfence  }
0xb7: {  	s30 =	sld [smem:$0x0];
	_ =	sdelay $0x2  }
0xb8: {  	s31 =	sshll.u32 s1, $0xD;
	s1 =	sshrl.u32 s1, $0x2  }
0xb9: {  	s3 =	sand.u32 $0x4000, s31;
	s1 =	sadd.s32 s1, s30  }
0xba: {  	s0 =	sor.u32 s3, s0;
	s1 =	sshll.u32 s1, $0x11  }
0xbb: {  	s0 =	sor.u32 s1, s0  }
0xbc: {  	s0 =	sadd.s32 $0x8F2B, s0  }
0xbd: {  	[sflag:s0] =	ssyncadd.remote.s32 $0x1  }
0xbe: {  	_ =	sfence.sel $0xFFFF  }
0xbf: {  	[dreg:$0x0] =	wrdreg $0xFFFFFFFF;
	(pc) =	sbr.abs _section_cstart, $3  }
0xc0: {  	[dreg:$0x1] =	wrdreg $0xFFFFFFFF  }
0xc1: {  	_ =	task.clear_ibuf [dreg:s6], $0x2FFFF;
	_ =	strace $0x9FFFFFFF  }
0xc2: {  	(tm) =	ssettm $0x7FFFFFFF  }
0xc3: {  	_ =	shalt  }
tec
execute0_lowered:
.L_overlay_start_1:
0x0: {  	(tag) =	ssettag $0x1  }
0x1: {  	s0 =	rddreg [dreg:$0x0]  }
0x2: {  	s1 =	rddreg [dreg:$0x1]  }
0x3: {  	s3 =	simm.s32 $0x0;
	s2 =	srdreg.scid;
	s22 =	stileid.u32  }
0x4: {  	s19 =	simm.s32 $0x80;
	s20 =	simm.s32 $0x5080;
	s5 =	smul.u32 $0xA000, s22  }
0x5: {  	s21 =	simm.s32 $0x9080;
	[smem:$0x7FF] =	sst s3;
	s6 =	smul.u32 $0x28000, s22  }
0x6: {  	s7 =	sand.u32 $0x1, s2;
	s10 =	sadd.s32 $0x23800, s0;
	s9 =	smul.u32 $0x1400, s22  }
0x7: {  	s11 =	sadd.s32 $0x37800, s0;
	s12 =	sadd.s32 $0x4B800, s0;
	s15 =	smul.u32 $0x2800, s22  }
0x8: {  	s25 =	sshll.u32 s22, $0x6;
	s28 =	sor.u32 $0x10, s22;
	s4 =	smul.u32 $0xA0000, s7  }
0x9: {  	s17 =	sshll.u32 s22, $0x7;
	s22 =	simm.s32 $0x1;
	s8 =	smul.u32 $0x14000, s7  }
0xa: {  	_ =	strace $0x8000004D;
	s23 =	ssub.s32 $0x2, s7;
	s13 =	smul.u32 $0x50000, s7  }
0xb: {  	s29 =	sshll.u32 s7, $0xC;
	s18 =	smul.u32 $0x2800, s28;
	s30 =	sshll.u32 s28, $0x7  }
0xc: {  	s14 =	sshrl.u32 s23, $0x1;
	s6 =	sshrl.u32 s6, $0x2;
	s17 =	sor.u32 s17, s29  }
0xd: {  	s5 =	sadd.s32 s5, s4;
	s4 =	sadd.s32 $0x6BC00, s0;
	s14 =	ssub.s32 s23, s14  }
0xe: {  	s16 =	sadd.s32 s6, s1;
	s24 =	sadd.s32 s9, s8;
	s26 =	sadd.s32 s15, s13  }
0xf: {  	s6 =	sor.u32 $0x1C05, s25;
	s17 =	sshrl.u32 s17, $0x3;
	s13 =	sadd.s32 s13, s18  }
0x10: {  	s15 =	sor.u32 s29, s30;
	s18 =	simm.s32 $0x5000;
	s23 =	simm.s32 $0x2  }
0x11: {  	s25 =	simm.s32 $0x4;
	s5 =	sshrl.u32 s5, $0x3;
	s8 =	sshrl.u32 s26, $0x3  }
0x12: {  	s9 =	sadd.s32 s12, s17;
	s13 =	sshrl.u32 s13, $0x3;
	s31 =	sshrl.u32 s15, $0x3  }
.Ltmp0:
0x13: {  	s14 =	smax.u32 s14, $0x1;
	s15 =	sshrl.u32 s16, $0x3;
	(pc) =	sbr.rel .LBB2_1-.Ltmp0, $4  }
0x14: {  	s16 =	simm.s32 $0x5;
	s17 =	simm.s32 $0x2800;
	s26 =	simm.s32 $0x0  }
0x15: {  	s0 =	sadd.s32 s5, s0;
	s5 =	sadd.s32 s4, s24;
	s7 =	sadd.s32 s10, s8  }
0x16: {  	s8 =	sadd.s32 s11, s8;
	s10 =	sadd.s32 s10, s13;
	s11 =	sadd.s32 s11, s13  }
0x17: {  	s12 =	sadd.s32 s12, s31;
	s24 =	simm.s32 $0x3;
	s13 =	sadd.s32 $0x93C00, s0  }
.LBB2_8:
0x18: {  	[tilespmem:s21], [sflag:$0x2] =	stream.indirect.gather [hbm4b:s4+s19], $0x80, s30, s19, $0xb8;
	[tilespmem:$0x170C0] =	vst v63  }
.LBB2_9:
0x19: {  	_ =	swait.ge [sflag:s22], $0x4000;
	s0 =	sshll.u32 s28, $0xA  }
0x1a: {  	[sflag:s22] =	ssyncset.done $0x0;
	s0 =	sshra.s32 s0, $0x2  }
0x1b: {  	[sflag:s22] =	ssyncadd.s32 $0xFFFFC000;
	s2 =	sadd.s32 $0x2800, s0  }
0x1c: {  	[spmem:s1] =	stream.indirect.scatter.add.f32 [tilespmem:s20], [sflag:$0x3], $0x80, s2, s19, $0xb8;
	[tilespmem:$0x170C0] =	vst v63  }
0x1d: {  	_ =	swait.ge [sflag:s23], $0x4000  }
0x1e: {  	[sflag:s23] =	ssyncset.done $0x0  }
0x1f: {  	s0 =	sadd.s32 $0x2880, s0;
	[sflag:s23] =	ssyncadd.s32 $0xFFFFC000  }
0x20: {  	[spmem:s1] =	stream.indirect.scatter.add.f32 [tilespmem:s21], [sflag:$0x4], $0x80, s0, s19, $0xb8;
	[tilespmem:$0x170C0] =	vst v63  }
0x21: {  	_ =	swait.ge [sflag:s24], $0x4000  }
0x22: {  	[sflag:s24] =	ssyncset.done $0x0  }
0x23: {  	[sflag:s24] =	ssyncadd.s32 $0xFFFFC000  }
0x24: {  	_ =	swait.ge [sflag:s25], $0x4000  }
0x25: {  	s26 =	sadd.s32 $0x1, s26;
	[sflag:s25] =	ssyncset.done $0x0  }
0x26: {  	p0 =	sne.s32 s26, s14;
	[sflag:s25] =	ssyncadd.s32 $0xFFFFC000  }
.Ltmp1:
0x27: {  	[bflag:$0x0] =	sbarrier.arrive $0xFFFF;
	(pc) =	sbr.rel @!p0 .LBB2_10-.Ltmp1, $4  }
0x28: {  	[hbm:s13], [sflag:s6] =	dma.local [spmem:s15], $0x1400  }
0x29: {  	_ =	swait.ge [sflag:s16], $0x1400  }
0x2a: {  	[sflag:s16] =	ssyncset.done $0x0  }
0x2b: {  	[sflag:s16] =	ssyncadd.s32 $0xFFFFEC00  }
.LBB2_1:
0x2c: {  	[spmem:s15], [sflag:s6] =	dma.local [hbm:s5], $0x1400  }
0x2d: {  	_ =	swait.ge [sflag:s16], $0x1400  }
0x2e: {  	[sflag:s16] =	ssyncset.done $0x0  }
0x2f: {  	[sflag:s16] =	ssyncadd.s32 $0xFFFFEC00  }
0x30: {  	[bflag:$0x0] =	sbarrier.arrive $0xFFFF  }
0x31: {  	[tilespmem:s3], [sflag:$0x5] =	stream.linear.gather [hbm4b:s7+s3], $0x2800, $0x38;
	[tilespmem:$0x170C0] =	vst v63  }
0x32: {  	_ =	swait.ge [sflag:s16], $0x2800  }
0x33: {  	[sflag:s16] =	ssyncset.done $0x0  }
0x34: {  	[sflag:s16] =	ssyncadd.s32 $0xFFFFD800  }
0x35: {  	[tilespmem:s17], [sflag:$0x5] =	stream.linear.gather [hbm4b:s8+s3], $0x2800, $0x38;
	[tilespmem:$0x170C0] =	vst v63  }
0x36: {  	_ =	swait.ge [sflag:s16], $0x2800  }
0x37: {  	[sflag:s16] =	ssyncset.done $0x0  }
0x38: {  	[sflag:s16] =	ssyncadd.s32 $0xFFFFD800  }
0x39: {  	[tilespmem:s18], [sflag:$0x5] =	stream.linear.gather [hbm4b:s9+s3], $0x80, $0x38;
	[tilespmem:$0x170C0] =	vst v63  }
0x3a: {  	_ =	swait.ge [sflag:s16], $0x80  }
0x3b: {  	[sflag:s16] =	ssyncset.done $0x0  }
0x3c: {  	[sflag:s16] =	ssyncadd.s32 $0xFFFFFF80  }
0x3d: {  	v0 =	vld [tilespmem:$0x5000];
	_ =	sdelay $0x4  }
0x3e: {  	(v2sf) =	vpush v0, $0x0;
	_ =	sdelay $0xe  }
0x3f: {  	s0 =	spop (v2sf)  }
0x40: {  	s28 =	sadd.s32 $0xFFFFFFFF, s0  }
0x41: {  	p0 =	slt.s32 s28, $0x1  }
.Ltmp2:
0x42: {  	_ = 	snop;
	(pc) =	sbr.rel @p0 .LBB2_5-.Ltmp2, $4  }
0x43: {  	_ = 	snop  }
0x44: {  	[tilespmem:s20], [sflag:$0x1] =	stream.indirect.gather [hbm4b:s4+s19], $0x80, s3, s19, $0xb8;
	[tilespmem:$0x170C0] =	vst v63  }
0x45: {  	_ = 	snop  }
0x46: {  	[tilespmem:s21], [sflag:$0x2] =	stream.indirect.gather [hbm4b:s4+s19], $0x80, s19, s19, $0xb8;
	[tilespmem:$0x170C0] =	vst v63  }
0x47: {  	_ =	swait.ge [sflag:s22], $0x4000  }
0x48: {  	[sflag:s22] =	ssyncset.done $0x0  }
0x49: {  	s0 =	simm.s32 $0x2800;
	[sflag:s22] =	ssyncadd.s32 $0xFFFFC000  }
0x4a: {  	[spmem:s1] =	stream.indirect.scatter.add.f32 [tilespmem:s20], [sflag:$0x3], $0x80, s0, s19, $0xb8;
	[tilespmem:$0x170C0] =	vst v63  }
0x4b: {  	_ =	swait.ge [sflag:s23], $0x4000  }
0x4c: {  	[sflag:s23] =	ssyncset.done $0x0  }
0x4d: {  	s2 =	simm.s32 $0x2880;
	[sflag:s23] =	ssyncadd.s32 $0xFFFFC000  }
0x4e: {  	[spmem:s1] =	stream.indirect.scatter.add.f32 [tilespmem:s21], [sflag:$0x4], $0x80, s2, s19, $0xb8;
	[tilespmem:$0x170C0] =	vst v63  }
0x4f: {  	_ =	swait.ge [sflag:s24], $0x4000  }
0x50: {  	p0 =	sne.s32 s28, $0x1;
	[sflag:s24] =	ssyncset.done $0x0  }
.Ltmp3:
0x51: {  	s2 =	simm.s32 $0x100;
	[sflag:s24] =	ssyncadd.s32 $0xFFFFC000;
	(pc) =	sbr.rel @!p0 .LBB2_4-.Ltmp3, $4  }
0x52: {  	[tilespmem:s20], [sflag:$0x1] =	stream.indirect.gather [hbm4b:s4+s19], $0x80, s2, s19, $0xb8;
	[tilespmem:$0x170C0] =	vst v63  }
0x53: {  	_ =	swait.ge [sflag:s25], $0x4000  }
0x54: {  	s30 =	simm.s32 $0x180;
	s29 =	sadd.s32 $0xFFFFFFFF, s28;
	[sflag:s25] =	ssyncset.done $0x0  }
0x55: {  	s31 =	simm.s32 $0x280;
	s0 =	simm.s32 $0x2980;
	[sflag:s25] =	ssyncadd.s32 $0xFFFFC000  }
.LBB2_3:
0x56: {  	[tilespmem:s21], [sflag:$0x2] =	stream.indirect.gather [hbm4b:s4+s19], $0x80, s30, s19, $0xb8;
	[tilespmem:$0x170C0] =	vst v63  }
0x57: {  	p0 =	sne.s32 s29, $0x1;
	s29 =	sadd.s32 $0xFFFFFFFF, s29;
	_ =	swait.ge [sflag:s22], $0x4000  }
0x58: {  	s30 =	smov.u32 s31;
	[sflag:s22] =	ssyncset.done $0x0  }
0x59: {  	s2 =	sadd.s32 $0xFFFFFF80, s0;
	[sflag:s22] =	ssyncadd.s32 $0xFFFFC000  }
0x5a: {  	[spmem:s1] =	stream.indirect.scatter.add.f32 [tilespmem:s20], [sflag:$0x3], $0x80, s2, s19, $0xb8;
	[tilespmem:$0x170C0] =	vst v63  }
0x5b: {  	_ =	swait.ge [sflag:s23], $0x4000  }
0x5c: {  	[sflag:s23] =	ssyncset.done $0x0  }
0x5d: {  	[sflag:s23] =	ssyncadd.s32 $0xFFFFC000  }
0x5e: {  	[spmem:s1] =	stream.indirect.scatter.add.f32 [tilespmem:s21], [sflag:$0x4], $0x80, s0, s19, $0xb8;
	[tilespmem:$0x170C0] =	vst v63  }
0x5f: {  	_ =	swait.ge [sflag:s24], $0x4000  }
0x60: {  	[sflag:s24] =	ssyncset.done $0x0  }
.Ltmp4:
0x61: {  	s2 =	sadd.s32 $0xFFFFFF80, s31;
	[sflag:s24] =	ssyncadd.s32 $0xFFFFC000;
	(pc) =	sbr.rel @p0 .LBB2_3-.Ltmp4, $4  }
0x62: {  	[tilespmem:s20], [sflag:$0x1] =	stream.indirect.gather [hbm4b:s4+s19], $0x80, s2, s19, $0xb8;
	[tilespmem:$0x170C0] =	vst v63  }
0x63: {  	_ =	swait.ge [sflag:s25], $0x4000  }
0x64: {  	[sflag:s25] =	ssyncset.done $0x0  }
0x65: {  	s31 =	sadd.s32 $0x100, s31;
	s0 =	sadd.s32 $0x100, s0;
	[sflag:s25] =	ssyncadd.s32 $0xFFFFC000  }
.LBB2_4:
0x66: {  	[tilespmem:s21], [sflag:$0x2] =	stream.indirect.gather [hbm4b:s4+s19], $0x80, s30, s19, $0xb8;
	[tilespmem:$0x170C0] =	vst v63  }
.LBB2_5:
0x67: {  	_ =	swait.ge [sflag:s22], $0x4000;
	s0 =	sshll.u32 s28, $0xA  }
0x68: {  	[sflag:s22] =	ssyncset.done $0x0;
	s0 =	sshra.s32 s0, $0x2  }
0x69: {  	[sflag:s22] =	ssyncadd.s32 $0xFFFFC000;
	s2 =	sadd.s32 $0x2800, s0  }
0x6a: {  	[spmem:s1] =	stream.indirect.scatter.add.f32 [tilespmem:s20], [sflag:$0x3], $0x80, s2, s19, $0xb8;
	[tilespmem:$0x170C0] =	vst v63  }
0x6b: {  	_ =	swait.ge [sflag:s23], $0x4000  }
0x6c: {  	[sflag:s23] =	ssyncset.done $0x0  }
0x6d: {  	s0 =	sadd.s32 $0x2880, s0;
	[sflag:s23] =	ssyncadd.s32 $0xFFFFC000  }
0x6e: {  	[spmem:s1] =	stream.indirect.scatter.add.f32 [tilespmem:s21], [sflag:$0x4], $0x80, s0, s19, $0xb8;
	[tilespmem:$0x170C0] =	vst v63  }
0x6f: {  	_ =	swait.ge [sflag:s24], $0x4000  }
0x70: {  	[sflag:s24] =	ssyncset.done $0x0  }
0x71: {  	[sflag:s24] =	ssyncadd.s32 $0xFFFFC000  }
0x72: {  	_ =	swait.ge [sflag:s25], $0x4000  }
0x73: {  	[sflag:s25] =	ssyncset.done $0x0  }
0x74: {  	[sflag:s25] =	ssyncadd.s32 $0xFFFFC000  }
0x75: {  	[tilespmem:s3], [sflag:$0x5] =	stream.linear.gather [hbm4b:s10+s3], $0x2800, $0x38;
	[tilespmem:$0x170C0] =	vst v63  }
0x76: {  	_ =	swait.ge [sflag:s16], $0x2800  }
0x77: {  	[sflag:s16] =	ssyncset.done $0x0  }
0x78: {  	[sflag:s16] =	ssyncadd.s32 $0xFFFFD800  }
0x79: {  	[tilespmem:s17], [sflag:$0x5] =	stream.linear.gather [hbm4b:s11+s3], $0x2800, $0x38;
	[tilespmem:$0x170C0] =	vst v63  }
0x7a: {  	_ =	swait.ge [sflag:s16], $0x2800  }
0x7b: {  	[sflag:s16] =	ssyncset.done $0x0  }
0x7c: {  	[sflag:s16] =	ssyncadd.s32 $0xFFFFD800  }
0x7d: {  	[tilespmem:s18], [sflag:$0x5] =	stream.linear.gather [hbm4b:s12+s3], $0x80, $0x38;
	[tilespmem:$0x170C0] =	vst v63  }
0x7e: {  	_ =	swait.ge [sflag:s16], $0x80  }
0x7f: {  	[sflag:s16] =	ssyncset.done $0x0  }
0x80: {  	[sflag:s16] =	ssyncadd.s32 $0xFFFFFF80  }
0x81: {  	v0 =	vld [tilespmem:$0x5000];
	_ =	sdelay $0x4  }
0x82: {  	(v2sf) =	vpush v0, $0x0;
	_ =	sdelay $0xe  }
0x83: {  	s31 =	spop (v2sf)  }
0x84: {  	s28 =	sadd.s32 $0xFFFFFFFF, s31  }
0x85: {  	p0 =	slt.s32 s28, $0x1  }
.Ltmp5:
0x86: {  	_ = 	snop;
	(pc) =	sbr.rel @p0 .LBB2_9-.Ltmp5, $4  }
0x87: {  	_ = 	snop  }
0x88: {  	[tilespmem:s20], [sflag:$0x1] =	stream.indirect.gather [hbm4b:s4+s19], $0x80, s3, s19, $0xb8;
	[tilespmem:$0x170C0] =	vst v63  }
0x89: {  	_ = 	snop  }
0x8a: {  	[tilespmem:s21], [sflag:$0x2] =	stream.indirect.gather [hbm4b:s4+s19], $0x80, s19, s19, $0xb8;
	[tilespmem:$0x170C0] =	vst v63  }
0x8b: {  	_ =	swait.ge [sflag:s22], $0x4000  }
0x8c: {  	[sflag:s22] =	ssyncset.done $0x0  }
0x8d: {  	s0 =	simm.s32 $0x2800;
	[sflag:s22] =	ssyncadd.s32 $0xFFFFC000  }
0x8e: {  	[spmem:s1] =	stream.indirect.scatter.add.f32 [tilespmem:s20], [sflag:$0x3], $0x80, s0, s19, $0xb8;
	[tilespmem:$0x170C0] =	vst v63  }
0x8f: {  	_ =	swait.ge [sflag:s23], $0x4000  }
0x90: {  	[sflag:s23] =	ssyncset.done $0x0  }
0x91: {  	s2 =	simm.s32 $0x2880;
	[sflag:s23] =	ssyncadd.s32 $0xFFFFC000  }
0x92: {  	[spmem:s1] =	stream.indirect.scatter.add.f32 [tilespmem:s21], [sflag:$0x4], $0x80, s2, s19, $0xb8;
	[tilespmem:$0x170C0] =	vst v63  }
0x93: {  	_ =	swait.ge [sflag:s24], $0x4000  }
0x94: {  	p0 =	sne.s32 s28, $0x1;
	[sflag:s24] =	ssyncset.done $0x0  }
.Ltmp6:
0x95: {  	s2 =	simm.s32 $0x100;
	[sflag:s24] =	ssyncadd.s32 $0xFFFFC000;
	(pc) =	sbr.rel @!p0 .LBB2_8-.Ltmp6, $4  }
0x96: {  	[tilespmem:s20], [sflag:$0x1] =	stream.indirect.gather [hbm4b:s4+s19], $0x80, s2, s19, $0xb8;
	[tilespmem:$0x170C0] =	vst v63  }
0x97: {  	_ =	swait.ge [sflag:s25], $0x4000  }
0x98: {  	s30 =	simm.s32 $0x180;
	s29 =	sadd.s32 $0xFFFFFFFF, s28;
	[sflag:s25] =	ssyncset.done $0x0  }
0x99: {  	s31 =	simm.s32 $0x280;
	s0 =	simm.s32 $0x2980;
	[sflag:s25] =	ssyncadd.s32 $0xFFFFC000  }
.LBB2_7:
0x9a: {  	[tilespmem:s21], [sflag:$0x2] =	stream.indirect.gather [hbm4b:s4+s19], $0x80, s30, s19, $0xb8;
	[tilespmem:$0x170C0] =	vst v63  }
0x9b: {  	p0 =	sne.s32 s29, $0x1;
	s29 =	sadd.s32 $0xFFFFFFFF, s29;
	_ =	swait.ge [sflag:s22], $0x4000  }
0x9c: {  	s30 =	smov.u32 s31;
	[sflag:s22] =	ssyncset.done $0x0  }
0x9d: {  	s2 =	sadd.s32 $0xFFFFFF80, s0;
	[sflag:s22] =	ssyncadd.s32 $0xFFFFC000  }
0x9e: {  	[spmem:s1] =	stream.indirect.scatter.add.f32 [tilespmem:s20], [sflag:$0x3], $0x80, s2, s19, $0xb8;
	[tilespmem:$0x170C0] =	vst v63  }
0x9f: {  	_ =	swait.ge [sflag:s23], $0x4000  }
0xa0: {  	[sflag:s23] =	ssyncset.done $0x0  }
0xa1: {  	[sflag:s23] =	ssyncadd.s32 $0xFFFFC000  }
0xa2: {  	[spmem:s1] =	stream.indirect.scatter.add.f32 [tilespmem:s21], [sflag:$0x4], $0x80, s0, s19, $0xb8;
	[tilespmem:$0x170C0] =	vst v63  }
0xa3: {  	_ =	swait.ge [sflag:s24], $0x4000  }
0xa4: {  	[sflag:s24] =	ssyncset.done $0x0  }
.Ltmp7:
0xa5: {  	s2 =	sadd.s32 $0xFFFFFF80, s31;
	[sflag:s24] =	ssyncadd.s32 $0xFFFFC000;
	(pc) =	sbr.rel @p0 .LBB2_7-.Ltmp7, $4  }
0xa6: {  	[tilespmem:s20], [sflag:$0x1] =	stream.indirect.gather [hbm4b:s4+s19], $0x80, s2, s19, $0xb8;
	[tilespmem:$0x170C0] =	vst v63  }
0xa7: {  	_ =	swait.ge [sflag:s25], $0x4000  }
0xa8: {  	[sflag:s25] =	ssyncset.done $0x0  }
0xa9: {  	s31 =	sadd.s32 $0x100, s31;
	s0 =	sadd.s32 $0x100, s0;
	[sflag:s25] =	ssyncadd.s32 $0xFFFFC000  }
.Ltmp8:
0xaa: {  	_ = 	snop;
	(pc) =	sbr.rel .LBB2_8-.Ltmp8, $1  }
0xab: {  	_ =	sdelay $0x3  }
.LBB2_10:
0xac: {  	_ =	sfence.sel $0x180000  }
0xad: {  	[bflag:$0x0] =	sbarrier.arrive $0xFFFF  }
0xae: {  	_ =	strace $0x9000004D  }
0xaf: {  	s0 =	stileid.u32;
	[bflag:$0x2] =	sbarrier.arrive $0xFFFF  }
0xb0: {  	p0 =	sne.s32 s0, $0x0;
	s0 =	rddreg [dreg:$0x2]  }
0xb1: {  	s0 =	sadd.s32 @!p0 $0x100000, s0  }
0xb2: {  	[sflag:s0] =	ssyncadd.tile.s32 @!p0 $0x1;
	_ =	shalt  }
.Lfunc_end2:
_tile_overlayer_lowered:
.L_overlay_start_2:
0xb3: {  	(tag) =	ssettag $0x2  }
0xb4: {  	s0 =	rddreg [dreg:$0x0];
	s2 =	stileid.u32  }
0xb5: {  	s1 =	rddreg [dreg:$0x1];
	p0 =	sne.s32 s2, $0x0  }
0xb6: {  	s3 =	rddreg [dreg:$0x2];
	[bflag:$0x3] =	sbarrier.arrive $0xFFFF;
	s2 =	simm.s32 @!p0 $0x1C05  }
0xb7: {  	[timem:s3], [sflag:s2] =	dma.local @!p0 [hbm:s0], s1  }
0xb8: {  	s0 =	simm.s32 @!p0 $0x5  }
0xb9: {  	_ =	swait.ge @!p0 [sflag:s0], s1  }
0xba: {  	s1 =	ssub.s32 @!p0 $0x0, s1;
	[sflag:s0] =	ssyncset.done @!p0 $0x0  }
0xbb: {  	[sflag:s0] =	ssyncadd.s32 @!p0 s1  }
0xbc: {  	[bflag:$0x3] =	sbarrier.arrive $0xFFFF  }
0xbd: {  	_ =	shalt  }

// kernel: kernel.19.cloned.1.call-start
scs
__scs_entry_jumppad:
0x0: {  	(pc) =	sbr.rel $0x88, $3  }
0x1: {  	(tag) =	ssettag $0x0;
	lr =	simm.s32 $0x1  }
0x2: {  	[smem:$0x3F8D] =	sst lr;
	_ =	strace $0xD0000000  }
0x3: {  	_ = 	snop  }
0x4: {  	_ = 	snop  }
0x5: {  	_ = 	snop  }
0x6: {  	_ = 	snop  }
0x7: {  	_ = 	snop  }
__scs_overlays_trampoline_lowered:
0x8: {  	[smem:$0x3F9C] =	sst s0  }
0x9: {  	[smem:$0x3F9D] =	sst s1  }
0xa: {  	[smem:$0x3F9E] =	sst s2  }
0xb: {  	[smem:$0x3F9F] =	sst s3  }
0xc: {  	[smem:$0x3FA0] =	sst s4  }
0xd: {  	[smem:$0x3FA1] =	sst s5  }
0xe: {  	[smem:$0x3FA2] =	sst s6  }
0xf: {  	[smem:$0x3FA3] =	sst s7  }
0x10: {  	[smem:$0x3FA4] =	sst s8  }
0x11: {  	[smem:$0x3FA5] =	sst s9;
	s0 =	simm.s32 @!p0 $0x0  }
0x12: {  	s1 =	sld [smem:$0x3F8B];
	s0 =	simm.s32 @p0 $0x1  }
0x13: {  	[smem:$0x3FA6] =	sst s0;
	s0 =	simm.s32 @!p1 $0x0  }
0x14: {  	s2 =	sld [smem:$0x3F8A];
	s0 =	simm.s32 @p1 $0x1  }
0x15: {  	[smem:$0x3FA7] =	sst s0;
	s0 =	simm.s32 @!p2 $0x0  }
0x16: {  	s3 =	sld [smem:$0x3FDB];
	s0 =	simm.s32 @p2 $0x1  }
0x17: {  	s4 =	simm.s32 $0x1BF5;
	[smem:$0x3FA9] =	sst s0  }
0x18: {  	s0 =	sld [smem:$0x3F8C];
	_ =	swait.ge [sflag:s4], $0x0  }
0x19: {  	s7 =	sld [smem:$0x3F8D]  }
0x1a: {  	s8 =	sadd.s32 $0xFFFFE003, lr  }
0x1b: {  	s9 =	sadd.s32 $0xFFFFFEF7, lr;
	s5 =	simm.s32 $0xFFFFFFFF;
	p2 =	slt.u32 s8, $0xFFFFF086  }
0x1c: {  	p1 =	slt.u32 s9, $0xF7A;
	s5 =	simm.s32 @!p2 $0x0  }
0x1d: {  	s5 =	simm.s32 @p1 $0x1;
	p0 =	seq.s32 s7, s2  }
0x1e: {  	s7 =	smul.u32 @!p0 $0xF7A, s2;
	p2 =	seq.s32 @!p0 s5, $0x0  }
0x1f: {  	s9 =	smul.u32 $0xF7A, s1;
	s8 =	simm.s32 @!p0 $0x1BF5;
	p2 =	por !p2, p0  }
0x20: {  	[sflag:s8] =	ssyncset.s32 @!p0 $0xFFFFF086;
	s6 =	sadd.s32 @!p0 s3, s7;
	s7 =	simm.s32 @!p0 $0x108  }
0x21: {  	s3 =	sadd.s32 s3, s9;
	s6 =	sadd.s32 @!p0 $0x88, s6;
	s7 =	simm.s32 @p2 $0x1082  }
0x22: {  	[simem:s7], [sflag:s8] =	dma.local @!p0 [hbm:s6], $0xF7A  }
0x23: {  	s9 =	sor.u32 $0xD0000000, s2;
	s6 =	simm.s32 $0x108;
	_ =	swait.ge @!p0 [sflag:s8], $0x0  }
0x24: {  	s3 =	sadd.s32 $0x88, s3;
	s6 =	simm.s32 @!p1 $0x1082;
	[sflag:s4] =	ssyncset.s32 $0xFFFFF086  }
0x25: {  	[simem:s6], [sflag:s4] =	dma.local [hbm:s3], $0xF7A  }
0x26: {  	[smem:$0x3F8D] =	sst s1;
	(tag) =	ssettag s2;
	_ =	strace s9  }
0x27: {  	s1 =	sld [smem:$0x3F9D]  }
0x28: {  	s2 =	sld [smem:$0x3F9E]  }
0x29: {  	s4 =	sld [smem:$0x3FA0]  }
0x2a: {  	p0 =	seq.s32 s5, $0x0;
	s5 =	sld [smem:$0x3FA1]  }
0x2b: {  	s6 =	sld [smem:$0x3FA2]  }
0x2c: {  	s7 =	sld [smem:$0x3FA3]  }
0x2d: {  	s3 =	simm.s32 $0x108;
	s8 =	sld [smem:$0x3FA4]  }
0x2e: {  	s3 =	simm.s32 @!p0 $0x1082;
	s9 =	sld [smem:$0x3FA5]  }
0x2f: {  	lr =	sadd.s32 s0, s3;
	s0 =	sld [smem:$0x3F9C]  }
0x30: {  	s3 =	sld [smem:$0x3F9F]  }
0x31: {  	[smem:$0x3FA8] =	sst s10  }
0x32: {  	s10 =	sld [smem:$0x3FA6];
	_ =	sdelay $0x3  }
0x33: {  	p0 =	seq.s32 s10, $0x1;
	s10 =	sld [smem:$0x3FA8];
	_ =	sdelay $0x3  }
0x34: {  	[smem:$0x3FA8] =	sst s10  }
0x35: {  	s10 =	sld [smem:$0x3FA7];
	_ =	sdelay $0x3  }
0x36: {  	p1 =	seq.s32 s10, $0x1;
	s10 =	sld [smem:$0x3FA8];
	_ =	sdelay $0x3  }
0x37: {  	[smem:$0x3FA8] =	sst s10  }
0x38: {  	s10 =	sld [smem:$0x3FA9]  }
0x39: {  	_ = 	snop;
	(pc) =	sbr.ind lr, $3  }
0x3a: {  	_ = 	snop  }
0x3b: {  	_ = 	snop  }
0x3c: {  	p2 =	seq.s32 s10, $0x1;
	s10 =	sld [smem:$0x3FA8]  }
0x3d: {  	_ =	shalt  }
0x3e: {  	_ =	shalt  }
0x3f: {  	_ =	shalt  }
0x40: {  	_ =	shalt  }
0x41: {  	_ =	shalt  }
0x42: {  	_ =	shalt  }
0x43: {  	_ =	shalt  }
0x44: {  	_ =	shalt  }
0x45: {  	_ =	shalt  }
0x46: {  	_ =	shalt  }
0x47: {  	_ =	shalt  }
0x48: {  	_ =	shalt  }
0x49: {  	_ =	shalt  }
0x4a: {  	_ =	shalt  }
0x4b: {  	_ =	shalt  }
0x4c: {  	_ =	shalt  }
0x4d: {  	_ =	shalt  }
0x4e: {  	_ =	shalt  }
0x4f: {  	_ =	shalt  }
0x50: {  	_ =	shalt  }
0x51: {  	_ =	shalt  }
0x52: {  	_ =	shalt  }
0x53: {  	_ =	shalt  }
0x54: {  	_ =	shalt  }
0x55: {  	_ =	shalt  }
0x56: {  	_ =	shalt  }
0x57: {  	_ =	shalt  }
0x58: {  	_ =	shalt  }
0x59: {  	_ =	shalt  }
0x5a: {  	_ =	shalt  }
0x5b: {  	_ =	shalt  }
0x5c: {  	_ =	shalt  }
0x5d: {  	_ =	shalt  }
0x5e: {  	_ =	shalt  }
0x5f: {  	_ =	shalt  }
0x60: {  	_ =	shalt  }
0x61: {  	_ =	shalt  }
0x62: {  	_ =	shalt  }
0x63: {  	_ =	shalt  }
0x64: {  	_ =	shalt  }
0x65: {  	_ =	shalt  }
0x66: {  	_ =	shalt  }
0x67: {  	_ =	shalt  }
0x68: {  	_ =	shalt  }
0x69: {  	_ =	shalt  }
0x6a: {  	_ =	shalt  }
0x6b: {  	_ =	shalt  }
0x6c: {  	_ =	shalt  }
0x6d: {  	_ =	shalt  }
0x6e: {  	_ =	shalt  }
0x6f: {  	_ =	shalt  }
0x70: {  	_ =	shalt  }
0x71: {  	_ =	shalt  }
0x72: {  	_ =	shalt  }
0x73: {  	_ =	shalt  }
0x74: {  	_ =	shalt  }
0x75: {  	_ =	shalt  }
0x76: {  	_ =	shalt  }
0x77: {  	_ =	shalt  }
0x78: {  	_ =	shalt  }
0x79: {  	_ =	shalt  }
0x7a: {  	_ =	shalt  }
0x7b: {  	_ =	shalt  }
0x7c: {  	_ =	shalt  }
0x7d: {  	_ =	shalt  }
0x7e: {  	_ =	shalt  }
0x7f: {  	_ =	shalt  }
0x80: {  	_ =	shalt  }
0x81: {  	_ =	shalt  }
0x82: {  	_ =	shalt  }
0x83: {  	_ =	shalt  }
0x84: {  	_ =	shalt  }
0x85: {  	_ =	shalt  }
0x86: {  	_ =	shalt  }
0x87: {  	_ =	shalt  }
.Lfunc_end0:
.L_simem_size_0:
called_computation.3_lowered:
.L_overlay_start_0:
0x88: {  	s2 =	sld [smem:$0x3FD9]  }
0x89: {  	s3 =	sld [smem:$0x3FFE];
	_ =	sdelay $0x1  }
0x8a: {  	s1 =	srdreg.scid  }
0x8b: {  	s0 =	sand.u32 $0x1, s1  }
0x8c: {  	s16 =	sshll.u32 s0, $0xA;
	s2 =	sadd.s32 s3, s2  }
0x8d: {  	s2 =	sadd.s32 s2, s16  }
0x8e: {  	[smem:$0x3FB4] =	sst s2  }
0x8f: {  	_ = 	snop  }
0x90: {  	(tm) =	ssettm $0x1  }
0x91: {  	s17 =	sld [smem:$0x3FFB];
	_ =	sdelay $0x3  }
0x92: {  	_ =	strace s17  }
0x93: {  	s2 =	sld [smem:$0x3FFC];
	_ =	sdelay $0x3  }
0x94: {  	_ =	strace s2  }
0x95: {  	s2 =	sld [smem:$0x3FFD];
	_ =	sdelay $0x3  }
0x96: {  	_ =	strace s2  }
0x97: {  	_ =	strace $0x8FFFFFFF  }
0x98: {  	s18 =	sld [smem:$0x3FDB];
	_ =	sdelay $0x1  }
0x99: {  	s19 =	simm.s32 $_scs_section_size  }
0x9a: {  	s4 =	simm.s32 $_size__tile_overlayer_lowered;
	s5 =	simm.s32 $_tile_overlayer_lowered  }
0x9b: {  	s22 =	simm.s32 $0x1BFF;
	s21 =	sshll.u32 s5, $0x1;
	s2 =	sadd.s32 s19, s18  }
0x9c: {  	s6 =	simm.s32 $0x0;
	s20 =	sshll.u32 s4, $0x1;
	s4 =	sadd.s32 s21, s2  }
0x9d: {  	[timem:s6], [sflag:s22] =	dma.local [hbm:s4], s20  }
0x9e: {  	_ =	swait.ge [sflag:s22], s20  }
0x9f: {  	s3 =	ssub.s32 $0x0, s20;
	[sflag:s22] =	ssyncset.done $0x0  }
0xa0: {  	[sflag:s22] =	ssyncadd.s32 s3;
	_ =	sdelay $0x1  }
0xa1: {  	s23 =	simm.s32 $0x1B8B  }
0xa2: {  	_ =	swait.ge [sflag:s23], $0x1  }
0xa3: {  	[sflag:s23] =	ssyncset.done $0x0  }
0xa4: {  	s25 =	simm.s32 $0x1B8E;
	s24 =	sld [smem:$0x3FFE];
	[sflag:s23] =	ssyncadd.s32 $0xFFFFFFFF  }
0xa5: {  	s26 =	simm.s32 $execute0_lowered;
	[smem:$0x3FD2] =	sst s25  }
0xa6: {  	s4 =	sshll.u32 s26, $0x1;
	_ =	strace $0x8000004F;
	[dreg:$0x1] =	wrdreg $0xFFFFFFFF  }
0xa7: {  	s28 =	simm.s32 $_size_execute0_lowered;
	s2 =	sadd.s32 s2, s4;
	[dreg:$0x0] =	wrdreg $0x0  }
0xa8: {  	s4 =	sshll.u32 s28, $0x1;
	[dreg:$0x2] =	wrdreg s2  }
0xa9: {  	[dreg:$0x3] =	wrdreg s4  }
0xaa: {  	[dreg:$0x4] =	wrdreg $0xC0  }
0xab: {  	_ =	task [dreg:s6], $0x5FFFF  }
0xac: {  	[dreg:$0x1] =	wrdreg $0xFFFFFFFF  }
0xad: {  	[dreg:$0x0] =	wrdreg $0x60  }
0xae: {  	[dreg:$0x2] =	wrdreg s24  }
0xaf: {  	[dreg:$0x3] =	wrdreg $0x9  }
0xb0: {  	_ =	task.clear_ibuf [dreg:s6], $0x4FFFF;
	_ =	strace $0x9000004F  }
0xb1: {  	s29 =	simm.s32 $0x9;
	_ =	strace $0x80000051  }
0xb2: {  	_ =	swait.ge [sflag:s29], $0x1  }
0xb3: {  	[sflag:s29] =	ssyncadd.s32 $0xFFFFFFFF  }
0xb4: {  	_ =	strace $0x90000051  }
0xb5: {  	_ =	sfence  }
0xb6: {  	s30 =	sld [smem:$0x0];
	_ =	sdelay $0x2  }
0xb7: {  	s31 =	sshll.u32 s1, $0xD;
	s1 =	sshrl.u32 s1, $0x2  }
0xb8: {  	s3 =	sand.u32 $0x4000, s31;
	s1 =	sadd.s32 s1, s30  }
0xb9: {  	s0 =	sor.u32 s3, s0;
	s1 =	sshll.u32 s1, $0x11  }
0xba: {  	s0 =	sor.u32 s1, s0  }
0xbb: {  	s0 =	sadd.s32 $0x8F2B, s0  }
0xbc: {  	[sflag:s0] =	ssyncadd.remote.s32 $0x1  }
0xbd: {  	_ =	sfence.sel $0xFFFF  }
0xbe: {  	[dreg:$0x0] =	wrdreg $0xFFFFFFFF;
	(pc) =	sbr.abs _section_cstart, $3  }
0xbf: {  	[dreg:$0x1] =	wrdreg $0xFFFFFFFF  }
0xc0: {  	_ =	task.clear_ibuf [dreg:s6], $0x2FFFF;
	_ =	strace $0x9FFFFFFF  }
0xc1: {  	(tm) =	ssettm $0x7FFFFFFF  }
tec
execute0_lowered:
.L_overlay_start_1:
0x0: {  	(tag) =	ssettag $0x1  }
0x1: {  	s0 =	srdreg.scid  }
0x2: {  	s10 =	sand.u32 $0x1, s0  }
0x3: {  	s0 =	stileid.u32;
	s1 =	sshll.u32 s10, $0x4  }
0x4: {  	s9 =	rddreg [dreg:$0x0];
	s2 =	simm.s32 $0x0;
	s11 =	sor.u32 s0, s1  }
0x5: {  	[smem:$0x7FF] =	sst s2;
	s3 =	sshll.u32 s11, $0x5  }
0x6: {  	s1 =	rddreg [dreg:$0x1];
	s3 =	sadd.s32 s3, s9  }
0x7: {  	_ =	strace $0x80000050;
	s4 =	sadd.s32 $0x19400, s3;
	s3 =	simm.s32 $0x2  }
0x8: {  	[tilespmem:s2], [sflag:$0x2] =	stream.linear.gather [hbm4b:s4+s2], $0x100, $0x38;
	[tilespmem:$0x4100] =	vst v63  }
0x9: {  	_ =	swait.ge [sflag:s3], $0x100  }
0xa: {  	s6 =	simm.s32 $0x80;
	s7 =	simm.s32 $0x100;
	[sflag:s3] =	ssyncset.done $0x0  }
0xb: {  	s8 =	simm.s32 $0x1;
	s5 =	sadd.s32 $0x19800, s9;
	[sflag:s3] =	ssyncadd.s32 $0xFFFFFF00  }
0xc: {  	[tilespmem:s7], [sflag:$0x1] =	stream.indirect.gather [hbm4b:s5+s6], $0x80, s2, s6, $0xb8;
	[tilespmem:$0x4100] =	vst v63  }
0xd: {  	s11 =	sshll.u32 s11, $0xC;
	_ =	swait.ge [sflag:s8], $0x4000  }
0xe: {  	s11 =	sadd.s32 s11, s9;
	[sflag:s8] =	ssyncset.done $0x0  }
0xf: {  	s10 =	ssub.s32 $0x2, s10;
	s9 =	sadd.s32 $0x6BC00, s11;
	[sflag:s8] =	ssyncadd.s32 $0xFFFFC000  }
0x10: {  	[hbm4b:s9+s2] =	stream.linear.scatter [tilespmem:s7], [sflag:$0x2], $0x4000, $0x38;
	[tilespmem:$0x4100] =	vst v63  }
0x11: {  	s12 =	sshrl.u32 s10, $0x1;
	_ =	swait.ge [sflag:s3], $0x4000  }
0x12: {  	s12 =	ssub.s32 s10, s12;
	[sflag:s3] =	ssyncset.done $0x0  }
0x13: {  	s31 =	smax.u32 s12, $0x1;
	[sflag:s3] =	ssyncadd.s32 $0xFFFFC000  }
0x14: {  	[tilespmem:s7], [sflag:$0x1] =	stream.indirect.gather [hbm4b:s5+s6], $0x80, s6, s6, $0xb8;
	[tilespmem:$0x4100] =	vst v63  }
0x15: {  	p0 =	sne.s32 s31, $0x1;
	_ =	swait.ge [sflag:s8], $0x4000  }
.Ltmp0:
0x16: {  	[sflag:s8] =	ssyncset.done $0x0;
	(pc) =	sbr.rel @!p0 .LBB2_2-.Ltmp0, $4  }
0x17: {  	s10 =	sadd.s32 $0x6C400, s11;
	[sflag:s8] =	ssyncadd.s32 $0xFFFFC000  }
0x18: {  	[hbm4b:s10+s2] =	stream.linear.scatter [tilespmem:s7], [sflag:$0x2], $0x4000, $0x38;
	[tilespmem:$0x4100] =	vst v63  }
0x19: {  	_ =	swait.ge [sflag:s3], $0x4000  }
0x1a: {  	s11 =	sadd.s32 $0xFFFFFFFF, s31;
	[sflag:s3] =	ssyncset.done $0x0  }
.LBB2_1:
0x1b: {  	p0 =	sne.s32 s11, $0x1;
	s11 =	sadd.s32 $0xFFFFFFFF, s11;
	[sflag:s3] =	ssyncadd.s32 $0xFFFFC000  }
0x1c: {  	[tilespmem:s2], [sflag:$0x2] =	stream.linear.gather [hbm4b:s4+s2], $0x100, $0x38;
	[tilespmem:$0x4100] =	vst v63  }
0x1d: {  	_ =	swait.ge [sflag:s3], $0x100  }
0x1e: {  	[sflag:s3] =	ssyncset.done $0x0  }
0x1f: {  	[sflag:s3] =	ssyncadd.s32 $0xFFFFFF00  }
0x20: {  	[tilespmem:s7], [sflag:$0x1] =	stream.indirect.gather [hbm4b:s5+s6], $0x80, s2, s6, $0xb8;
	[tilespmem:$0x4100] =	vst v63  }
0x21: {  	_ =	swait.ge [sflag:s8], $0x4000  }
0x22: {  	[sflag:s8] =	ssyncset.done $0x0  }
0x23: {  	[sflag:s8] =	ssyncadd.s32 $0xFFFFC000  }
0x24: {  	[hbm4b:s9+s2] =	stream.linear.scatter [tilespmem:s7], [sflag:$0x2], $0x4000, $0x38;
	[tilespmem:$0x4100] =	vst v63  }
0x25: {  	_ =	swait.ge [sflag:s3], $0x4000  }
0x26: {  	[sflag:s3] =	ssyncset.done $0x0  }
0x27: {  	[sflag:s3] =	ssyncadd.s32 $0xFFFFC000  }
0x28: {  	[tilespmem:s7], [sflag:$0x1] =	stream.indirect.gather [hbm4b:s5+s6], $0x80, s6, s6, $0xb8;
	[tilespmem:$0x4100] =	vst v63  }
0x29: {  	_ =	swait.ge [sflag:s8], $0x4000  }
.Ltmp1:
0x2a: {  	[sflag:s8] =	ssyncset.done $0x0;
	(pc) =	sbr.rel @p0 .LBB2_1-.Ltmp1, $4  }
0x2b: {  	[sflag:s8] =	ssyncadd.s32 $0xFFFFC000  }
0x2c: {  	[hbm4b:s10+s2] =	stream.linear.scatter [tilespmem:s7], [sflag:$0x2], $0x4000, $0x38;
	[tilespmem:$0x4100] =	vst v63  }
0x2d: {  	_ =	swait.ge [sflag:s3], $0x4000  }
0x2e: {  	[sflag:s3] =	ssyncset.done $0x0  }
.LBB2_2:
0x2f: {  	[sflag:s3] =	ssyncadd.s32 $0xFFFFC000  }
0x30: {  	_ =	sfence.sel $0x180000  }
0x31: {  	[bflag:$0x0] =	sbarrier.arrive $0xFFFF  }
0x32: {  	p0 =	sne.s32 s0, $0x0;
	_ =	strace $0x90000050  }
0x33: {  	s0 =	sadd.s32 @!p0 $0x100000, s1;
	[bflag:$0x2] =	sbarrier.arrive $0xFFFF  }
0x34: {  	[sflag:s0] =	ssyncadd.tile.s32 @!p0 $0x1;
	_ =	shalt  }
.Lfunc_end2:
_tile_overlayer_lowered:
.L_overlay_start_2:
0x35: {  	(tag) =	ssettag $0x2  }
0x36: {  	s0 =	rddreg [dreg:$0x0];
	s2 =	stileid.u32  }
0x37: {  	s1 =	rddreg [dreg:$0x1];
	p0 =	sne.s32 s2, $0x0  }
0x38: {  	s3 =	rddreg [dreg:$0x2];
	[bflag:$0x3] =	sbarrier.arrive $0xFFFF;
	s2 =	simm.s32 @!p0 $0x1C02  }
0x39: {  	[timem:s3], [sflag:s2] =	dma.local @!p0 [hbm:s0], s1  }
0x3a: {  	s0 =	simm.s32 @!p0 $0x2  }
0x3b: {  	_ =	swait.ge @!p0 [sflag:s0], s1  }
0x3c: {  	s1 =	ssub.s32 @!p0 $0x0, s1;
	[sflag:s0] =	ssyncset.done @!p0 $0x0  }
0x3d: {  	[sflag:s0] =	ssyncadd.s32 @!p0 s1  }
0x3e: {  	[bflag:$0x3] =	sbarrier.arrive $0xFFFF  }
0x3f: {  	_ =	shalt  }

</sc_bundles>
